<compile_context>
chip_gen: v7x
topology: tpu7x:2x2x1
jax: 0.10.2.dev20260603
libtpu: 0.0.44.dev20260713+nightly
codegen_flags: <defaults>
</compile_context>

<pallas_src>
import functools

import jax
import jax.numpy as jnp
from jax import lax
from jax.experimental import pallas as pl
from jax.experimental.pallas import tpu as pltpu
from jax.experimental.pallas import tpu_sc as plsc

_NUM_BATCHES = 16
_RES = 128
_N = 1048576
_DECAY = 0.95
_GRID_ELEMS = _NUM_BATCHES * _RES * _RES * _RES

_NC = 2
_NS = 16
_NW = _NC * _NS
_PPW = _N // _NW
_W = 2048
_NWIN = _PPW // _W
_VPW = _W // 16
_NQ = 4
_WQ = _W // _NQ
_VPQ = _WQ // 16


def _decay_body(g_ref, o_ref):
  o_ref[...] = g_ref[...] * _DECAY


def _decay(grid2d):
  m, n = grid2d.shape
  blk = 16384
  return pl.pallas_call(
      _decay_body,
      out_shape=jax.ShapeDtypeStruct(grid2d.shape, grid2d.dtype),
      grid=(m // blk,),
      in_specs=[pl.BlockSpec((blk, n), lambda i: (i, 0))],
      out_specs=pl.BlockSpec((blk, n), lambda i: (i, 0)),
  )(grid2d)


def _rmw_body(grid_ref, x_hbm, y_hbm, z_hbm, bidx_hbm, val_hbm, ins_hbm,
              x_v, y_v, z_v, bidx_v, val_v, idx_v, cur_v, ins_v, gsem, ssem):
  c = lax.axis_index("c")
  s = lax.axis_index("s")
  w = s * _NC + c
  base = w * _PPW

  pltpu.sync_copy(ins_hbm, ins_v)
  ins_vec = ins_v[...]
  lanes = lax.iota(jnp.int32, 16)

  @pl.loop(0, _NWIN)
  def _window(win):
    off = base + win * _W
    with jax.named_scope("lin_in"):
      pltpu.sync_copy(x_hbm.at[pl.ds(off, _W)], x_v)
      pltpu.sync_copy(y_hbm.at[pl.ds(off, _W)], y_v)
      pltpu.sync_copy(z_hbm.at[pl.ds(off, _W)], z_v)
      pltpu.sync_copy(bidx_hbm.at[pl.ds(off, _W)], bidx_v)
      pltpu.sync_copy(val_hbm.at[pl.ds(off, _W)], val_v)

    with jax.named_scope("quant"):
      for qq in range(_NQ):
        @pl.loop(0, _VPQ, unroll=8)
        def _quantize(i, qq=qq):
          sl = pl.ds(i * 16, 16)
          qsl = pl.ds(qq * _WQ + i * 16, 16)
          def q(p):
            f = (p * 0.5 + 0.5) * 128.0
            return jnp.clip(f.astype(jnp.int32), 0, _RES - 1)
          vox = (q(x_v[qsl]) << 14) + (q(y_v[qsl]) << 7) + q(z_v[qsl])
          g = jnp.take_along_axis(ins_vec, bidx_v[qsl], axis=0)
          idx_v[qq][sl] = (g << 21) + vox

    with jax.named_scope("rmw"):
      for qq in range(_NQ):
        pltpu.async_copy(grid_ref.at[idx_v[qq]], cur_v[qq], gsem[qq])
      for qq in range(_NQ):
        pltpu.make_async_copy(grid_ref.at[idx_v[qq]], cur_v[qq],
                              gsem[qq]).wait()

        @pl.loop(0, _VPQ, unroll=8)
        def _vmax(i, qq=qq):
          sl = pl.ds(i * 16, 16)
          qsl = pl.ds(qq * _WQ + i * 16, 16)
          cur_v[qq][sl] = jnp.maximum(cur_v[qq][sl], val_v[qsl])

        pltpu.async_copy(cur_v[qq], grid_ref.at[idx_v[qq]], ssem[qq])
      for qq in range(_NQ):
        pltpu.make_async_copy(cur_v[qq], grid_ref.at[idx_v[qq]],
                              ssem[qq]).wait()


_rmw = pl.kernel(
    _rmw_body,
    out_type=(),
    mesh=plsc.VectorSubcoreMesh(core_axis_name="c", subcore_axis_name="s"),
    compiler_params=pltpu.CompilerParams(needs_layout_passes=False),
    scratch_types=[
        pltpu.VMEM((_W,), jnp.float32),
        pltpu.VMEM((_W,), jnp.float32),
        pltpu.VMEM((_W,), jnp.float32),
        pltpu.VMEM((_W,), jnp.int32),
        pltpu.VMEM((_W,), jnp.float32),
        tuple(pltpu.VMEM((_WQ,), jnp.int32) for _ in range(_NQ)),
        tuple(pltpu.VMEM((_WQ,), jnp.float32) for _ in range(_NQ)),
        pltpu.VMEM((16,), jnp.int32),
        tuple(pltpu.SemaphoreType.DMA for _ in range(_NQ)),
        tuple(pltpu.SemaphoreType.DMA for _ in range(_NQ)),
    ],
)


def kernel(pts, bidx, val, ins_inds_per_batch, occ_val_grid):
  decayed = _decay(occ_val_grid.reshape(_GRID_ELEMS // _RES, _RES))
  ins16 = jnp.concatenate(
      [ins_inds_per_batch, jnp.zeros((8,), jnp.int32)]).astype(jnp.int32)
  gref = jax.new_ref(decayed.reshape(_GRID_ELEMS))
  _rmw(gref, pts[:, 0], pts[:, 1], pts[:, 2], bidx, val, ins16)
  return gref[...].reshape(_NUM_BATCHES, _RES, _RES, _RES)

# --- scband reference (transcript-rebuilt; emitter-appended) ---
"""Pipeline reference for scband-occ-grid-accel-batched-ema-21242908246558 (READ-ONLY COPY).

The authoritative reference and input builder live on the scoring server;
editing this copy changes nothing except your own understanding.
"""

import jax, jax.numpy as jnp
import numpy as np

NUM_BATCHES = 16
RES = 128
CUR_BS = 8
N_PTS = 1048576
EMA_DECAY = 0.95


def setup_inputs(seed: int = 0) -> dict:
    key = jax.random.key(seed)
    k1, k2, k3, k4, k5 = jax.random.split(key, 5)
    # sample points in normalized space [-1, 1]^3 (the module's expected range)
    pts = jax.random.uniform(k1, (N_PTS, 3), dtype=jnp.float32, minval=-1.0, maxval=1.0)
    # per-point index into the *current* batch [0, CUR_BS)
    bidx = jax.random.randint(k2, (N_PTS,), 0, CUR_BS, dtype=jnp.int32)
    # density/occupancy values collected from the field (non-negative)
    val = jax.random.uniform(k3, (N_PTS,), dtype=jnp.float32)
    # mapping from current-batch index -> global instance index [0, NUM_BATCHES)
    ins_inds_per_batch = jax.random.randint(k4, (CUR_BS,), 0, NUM_BATCHES, dtype=jnp.int32)
    # persistent EMA occupancy value grid state: [num_batches, R, R, R]
    occ_val_grid = jax.random.uniform(k5, (NUM_BATCHES, RES, RES, RES), dtype=jnp.float32)
    return {
        'pts': pts,
        'bidx': bidx,
        'val': val,
        'ins_inds_per_batch': ins_inds_per_batch,
        'occ_val_grid': occ_val_grid,
    }


def reference(pts, bidx, val, ins_inds_per_batch, occ_val_grid):
    """Faithful jax translation of OccGridAccelBatched_Ema.cur_batch__collect_samples
    followed by the OccGridEmaBatched EMA scatter-max update of the value grid.

    pts are normalized to [-1, 1]; they are voxelized exactly as in
    cur_batch__query_occupancy: gidx = ((pts/2 + 0.5) * resolution).long().clamp(0, res-1).
    Collected values are routed to the *global* instance slot via
    global_bidx = ins_inds_per_batch[bidx], then scatter-max'd into the EMA-decayed
    occupancy value grid (standard occ-grid EMA step).
    """
    # voxelize normalized coords (same math as cur_batch__query_occupancy)
    gidx = ((pts / 2.0 + 0.5) * float(RES)).astype(jnp.int32)
    gidx = jnp.clip(gidx, 0, RES - 1)
    # route current-batch indices to global instance indices
    global_bidx = jnp.take(ins_inds_per_batch, bidx, axis=0)
    # EMA decay of the persistent grid, then scatter-max of collected samples
    decayed = occ_val_grid * EMA_DECAY
    new_grid = decayed.at[global_bidx, gidx[:, 0], gidx[:, 1], gidx[:, 2]].max(val)
    return new_grid

if __name__ == "__main__":
    import jax
    _d = setup_inputs()
    print(jax.jit(kernel)(*tuple(_d.values())))

</pallas_src>

<mosaic_0001>
#map = affine_map<(d0, d1) -> (0)>
module attributes {stable_mosaic.version = 14 : i64} {
  func.func @new_body(%arg0: i32, %arg1: i32, %arg2: memref<33554432xf32, #tpu.memory_space<hbm>>, %arg3: memref<1048576xf32, #tpu.memory_space<hbm>>, %arg4: memref<1048576xf32, #tpu.memory_space<hbm>>, %arg5: memref<1048576xf32, #tpu.memory_space<hbm>>, %arg6: memref<1048576xi32, #tpu.memory_space<hbm>>, %arg7: memref<1048576xf32, #tpu.memory_space<hbm>>, %arg8: memref<16xi32, #tpu.memory_space<hbm>>, %arg9: memref<33554432xf32, #tpu.memory_space<hbm>>, %arg10: memref<2048xf32, #tpu.memory_space<vmem>>, %arg11: memref<2048xf32, #tpu.memory_space<vmem>>, %arg12: memref<2048xf32, #tpu.memory_space<vmem>>, %arg13: memref<2048xi32, #tpu.memory_space<vmem>>, %arg14: memref<2048xf32, #tpu.memory_space<vmem>>, %arg15: memref<512xi32, #tpu.memory_space<vmem>>, %arg16: memref<512xi32, #tpu.memory_space<vmem>>, %arg17: memref<512xi32, #tpu.memory_space<vmem>>, %arg18: memref<512xi32, #tpu.memory_space<vmem>>, %arg19: memref<512xf32, #tpu.memory_space<vmem>>, %arg20: memref<512xf32, #tpu.memory_space<vmem>>, %arg21: memref<512xf32, #tpu.memory_space<vmem>>, %arg22: memref<512xf32, #tpu.memory_space<vmem>>, %arg23: memref<16xi32, #tpu.memory_space<vmem>>, %arg24: memref<!tpu.dma_semaphore, #tpu.memory_space<semaphore_mem>>, %arg25: memref<!tpu.dma_semaphore, #tpu.memory_space<semaphore_mem>>, %arg26: memref<!tpu.dma_semaphore, #tpu.memory_space<semaphore_mem>>, %arg27: memref<!tpu.dma_semaphore, #tpu.memory_space<semaphore_mem>>, %arg28: memref<!tpu.dma_semaphore, #tpu.memory_space<semaphore_mem>>, %arg29: memref<!tpu.dma_semaphore, #tpu.memory_space<semaphore_mem>>, %arg30: memref<!tpu.dma_semaphore, #tpu.memory_space<semaphore_mem>>, %arg31: memref<!tpu.dma_semaphore, #tpu.memory_space<semaphore_mem>>) attributes {dimension_semantics = [#tpu.dimension_semantics<core_parallel>, #tpu.dimension_semantics<subcore_parallel>], iteration_bounds = array<i64: 2, 16>, scalar_prefetch = 0 : i64, scratch_operands = 22 : i64, tpu.core_type = #tpu.core_type<sc_vector_subcore>, window_params = [{transform_indices = #map}, {transform_indices = #map}, {transform_indices = #map}, {transform_indices = #map}, {transform_indices = #map}, {transform_indices = #map}, {transform_indices = #map}, {transform_indices = #map}]} {
    %mul3A = arith.constant 2 : i32
    %mul3A_0 = arith.muli %arg1, %mul3A : i32
    %add3A = arith.addi %mul3A_0, %arg0 : i32
    %mul3A_1 = arith.constant 32768 : i32
    %mul3A_2 = arith.muli %add3A, %mul3A_1 : i32
    "tpu.region"() ({
      %run_scoped3A = tpu.sem_alloc : memref<!tpu.dma_semaphore, #tpu.memory_space<semaphore_mem>>
      tpu.enqueue_dma source(%arg8 : memref<16xi32, #tpu.memory_space<hbm>>) target(%arg23 : memref<16xi32, #tpu.memory_space<vmem>>) target_semaphore(%run_scoped3A : memref<!tpu.dma_semaphore, #tpu.memory_space<semaphore_mem>>)
      tpu.wait_dma2 semaphore(%run_scoped3A : memref<!tpu.dma_semaphore, #tpu.memory_space<semaphore_mem>>) src(%arg8 : memref<16xi32, #tpu.memory_space<hbm>>) dst(%arg23 : memref<16xi32, #tpu.memory_space<vmem>>)
      tpu.yield
    }) : () -> ()
    %get3A = arith.constant 0 : index
    %get3A_3 = tpu.vector_load %arg23[%get3A] {strides = array<i32>} : memref<16xi32, #tpu.memory_space<vmem>>, vector<16xi32>,
    %iota3A = tpu.iota {dimensions = array<i32: 0>} : vector<16xi32>
    %scan3A = arith.constant 0 : i32
    %scan3A_4 = arith.constant 16 : i32
    %scan3A_5 = arith.addi %scan3A, %scan3A_4 : i32
    %scan3A_6 = arith.constant 1 : i32
    scf.for %scan3A_8 = %scan3A to %scan3A_5 step %scan3A_6  : i32 {
      %mul3A_9 = arith.constant 1 : i32
      %mul3A_10 = arith.muli %scan3A_8, %mul3A_9 : i32
      %add3A_11 = arith.constant 0 : i32
      %add3A_12 = arith.addi %add3A_11, %mul3A_10 : i32
      %mul3A_13 = arith.constant 2048 : i32
      %mul3A_14 = arith.muli %add3A_12, %mul3A_13 : i32
      %add3A_15 = arith.addi %mul3A_2, %mul3A_14 : i32
      "tpu.trace_start"() <{level = 10 : i32, message = "lin_in"}> : () -> ()
      "tpu.region"() ({
        %run_scoped3A = tpu.sem_alloc : memref<!tpu.dma_semaphore, #tpu.memory_space<semaphore_mem>>
        %dma_start3A_86 = tpu.memref_slice %arg3[%add3A_15] : memref<1048576xf32, #tpu.memory_space<hbm>> -> memref<2048xf32, #tpu.memory_space<hbm>>
        %dma_start3A_87 = tpu.memref_slice %arg3[%add3A_15] : memref<1048576xf32, #tpu.memory_space<hbm>> -> memref<2048xf32, #tpu.memory_space<hbm>>
        tpu.enqueue_dma source(%dma_start3A_87 : memref<2048xf32, #tpu.memory_space<hbm>>) target(%arg10 : memref<2048xf32, #tpu.memory_space<vmem>>) target_semaphore(%run_scoped3A : memref<!tpu.dma_semaphore, #tpu.memory_space<semaphore_mem>>)
        %dma_wait3A_88 = tpu.memref_slice %arg3[%add3A_15] : memref<1048576xf32, #tpu.memory_space<hbm>> -> memref<2048xf32, #tpu.memory_space<hbm>>
        %dma_wait3A_89 = tpu.memref_slice %arg3[%add3A_15] : memref<1048576xf32, #tpu.memory_space<hbm>> -> memref<2048xf32, #tpu.memory_space<hbm>>
        tpu.wait_dma2 semaphore(%run_scoped3A : memref<!tpu.dma_semaphore, #tpu.memory_space<semaphore_mem>>) src(%dma_wait3A_89 : memref<2048xf32, #tpu.memory_space<hbm>>) dst(%arg10 : memref<2048xf32, #tpu.memory_space<vmem>>)
        tpu.yield
      }) : () -> ()
      "tpu.region"() ({
        %run_scoped3A = tpu.sem_alloc : memref<!tpu.dma_semaphore, #tpu.memory_space<semaphore_mem>>
        %dma_start3A_86 = tpu.memref_slice %arg4[%add3A_15] : memref<1048576xf32, #tpu.memory_space<hbm>> -> memref<2048xf32, #tpu.memory_space<hbm>>
        %dma_start3A_87 = tpu.memref_slice %arg4[%add3A_15] : memref<1048576xf32, #tpu.memory_space<hbm>> -> memref<2048xf32, #tpu.memory_space<hbm>>
        tpu.enqueue_dma source(%dma_start3A_87 : memref<2048xf32, #tpu.memory_space<hbm>>) target(%arg11 : memref<2048xf32, #tpu.memory_space<vmem>>) target_semaphore(%run_scoped3A : memref<!tpu.dma_semaphore, #tpu.memory_space<semaphore_mem>>)
        %dma_wait3A_88 = tpu.memref_slice %arg4[%add3A_15] : memref<1048576xf32, #tpu.memory_space<hbm>> -> memref<2048xf32, #tpu.memory_space<hbm>>
        %dma_wait3A_89 = tpu.memref_slice %arg4[%add3A_15] : memref<1048576xf32, #tpu.memory_space<hbm>> -> memref<2048xf32, #tpu.memory_space<hbm>>
        tpu.wait_dma2 semaphore(%run_scoped3A : memref<!tpu.dma_semaphore, #tpu.memory_space<semaphore_mem>>) src(%dma_wait3A_89 : memref<2048xf32, #tpu.memory_space<hbm>>) dst(%arg11 : memref<2048xf32, #tpu.memory_space<vmem>>)
        tpu.yield
      }) : () -> ()
      "tpu.region"() ({
        %run_scoped3A = tpu.sem_alloc : memref<!tpu.dma_semaphore, #tpu.memory_space<semaphore_mem>>
        %dma_start3A_86 = tpu.memref_slice %arg5[%add3A_15] : memref<1048576xf32, #tpu.memory_space<hbm>> -> memref<2048xf32, #tpu.memory_space<hbm>>
        %dma_start3A_87 = tpu.memref_slice %arg5[%add3A_15] : memref<1048576xf32, #tpu.memory_space<hbm>> -> memref<2048xf32, #tpu.memory_space<hbm>>
        tpu.enqueue_dma source(%dma_start3A_87 : memref<2048xf32, #tpu.memory_space<hbm>>) target(%arg12 : memref<2048xf32, #tpu.memory_space<vmem>>) target_semaphore(%run_scoped3A : memref<!tpu.dma_semaphore, #tpu.memory_space<semaphore_mem>>)
        %dma_wait3A_88 = tpu.memref_slice %arg5[%add3A_15] : memref<1048576xf32, #tpu.memory_space<hbm>> -> memref<2048xf32, #tpu.memory_space<hbm>>
        %dma_wait3A_89 = tpu.memref_slice %arg5[%add3A_15] : memref<1048576xf32, #tpu.memory_space<hbm>> -> memref<2048xf32, #tpu.memory_space<hbm>>
        tpu.wait_dma2 semaphore(%run_scoped3A : memref<!tpu.dma_semaphore, #tpu.memory_space<semaphore_mem>>) src(%dma_wait3A_89 : memref<2048xf32, #tpu.memory_space<hbm>>) dst(%arg12 : memref<2048xf32, #tpu.memory_space<vmem>>)
        tpu.yield
      }) : () -> ()
      "tpu.region"() ({
        %run_scoped3A = tpu.sem_alloc : memref<!tpu.dma_semaphore, #tpu.memory_space<semaphore_mem>>
        %dma_start3A_86 = tpu.memref_slice %arg6[%add3A_15] : memref<1048576xi32, #tpu.memory_space<hbm>> -> memref<2048xi32, #tpu.memory_space<hbm>>
        %dma_start3A_87 = tpu.memref_slice %arg6[%add3A_15] : memref<1048576xi32, #tpu.memory_space<hbm>> -> memref<2048xi32, #tpu.memory_space<hbm>>
        tpu.enqueue_dma source(%dma_start3A_87 : memref<2048xi32, #tpu.memory_space<hbm>>) target(%arg13 : memref<2048xi32, #tpu.memory_space<vmem>>) target_semaphore(%run_scoped3A : memref<!tpu.dma_semaphore, #tpu.memory_space<semaphore_mem>>)
        %dma_wait3A_88 = tpu.memref_slice %arg6[%add3A_15] : memref<1048576xi32, #tpu.memory_space<hbm>> -> memref<2048xi32, #tpu.memory_space<hbm>>
        %dma_wait3A_89 = tpu.memref_slice %arg6[%add3A_15] : memref<1048576xi32, #tpu.memory_space<hbm>> -> memref<2048xi32, #tpu.memory_space<hbm>>
        tpu.wait_dma2 semaphore(%run_scoped3A : memref<!tpu.dma_semaphore, #tpu.memory_space<semaphore_mem>>) src(%dma_wait3A_89 : memref<2048xi32, #tpu.memory_space<hbm>>) dst(%arg13 : memref<2048xi32, #tpu.memory_space<vmem>>)
        tpu.yield
      }) : () -> ()
      "tpu.region"() ({
        %run_scoped3A = tpu.sem_alloc : memref<!tpu.dma_semaphore, #tpu.memory_space<semaphore_mem>>
        %dma_start3A_86 = tpu.memref_slice %arg7[%add3A_15] : memref<1048576xf32, #tpu.memory_space<hbm>> -> memref<2048xf32, #tpu.memory_space<hbm>>
        %dma_start3A_87 = tpu.memref_slice %arg7[%add3A_15] : memref<1048576xf32, #tpu.memory_space<hbm>> -> memref<2048xf32, #tpu.memory_space<hbm>>
        tpu.enqueue_dma source(%dma_start3A_87 : memref<2048xf32, #tpu.memory_space<hbm>>) target(%arg14 : memref<2048xf32, #tpu.memory_space<vmem>>) target_semaphore(%run_scoped3A : memref<!tpu.dma_semaphore, #tpu.memory_space<semaphore_mem>>)
        %dma_wait3A_88 = tpu.memref_slice %arg7[%add3A_15] : memref<1048576xf32, #tpu.memory_space<hbm>> -> memref<2048xf32, #tpu.memory_space<hbm>>
        %dma_wait3A_89 = tpu.memref_slice %arg7[%add3A_15] : memref<1048576xf32, #tpu.memory_space<hbm>> -> memref<2048xf32, #tpu.memory_space<hbm>>
        tpu.wait_dma2 semaphore(%run_scoped3A : memref<!tpu.dma_semaphore, #tpu.memory_space<semaphore_mem>>) src(%dma_wait3A_89 : memref<2048xf32, #tpu.memory_space<hbm>>) dst(%arg14 : memref<2048xf32, #tpu.memory_space<vmem>>)
        tpu.yield
      }) : () -> ()
      "tpu.trace_stop"() : () -> ()
      "tpu.trace_start"() <{level = 10 : i32, message = "quant"}> : () -> ()
      %scan3A_16 = arith.constant 0 : i32
      %scan3A_17 = arith.constant 32 : i32
      %scan3A_18 = arith.addi %scan3A_16, %scan3A_17 : i32
      %scan3A_19 = arith.constant 8 : i32
      scf.for %scan3A_86 = %scan3A_16 to %scan3A_18 step %scan3A_19  : i32 {
        %mul3A_87 = arith.constant 1 : i32
        %mul3A_88 = arith.muli %scan3A_86, %mul3A_87 : i32
        %add3A_89 = arith.constant 0 : i32
        %add3A_90 = arith.addi %add3A_89, %mul3A_88 : i32
        %mul3A_91 = arith.constant 16 : i32
        %mul3A_92 = arith.muli %add3A_90, %mul3A_91 : i32
        %mul3A_93 = arith.constant 16 : i32
        %mul3A_94 = arith.muli %add3A_90, %mul3A_93 : i32
        %add3A_95 = arith.constant 0 : i32
        %add3A_96 = arith.addi %add3A_95, %mul3A_94 : i32
        %get3A_97 = arith.index_cast %add3A_96 : i32 to index
        %get3A_98 = tpu.vector_load %arg10[%get3A_97] {strides = array<i32>} : memref<2048xf32, #tpu.memory_space<vmem>>, vector<16xf32>,
        %mul3A_99 = arith.constant 5.000000e-01 : f32
        %mul3A_100 = vector.broadcast %mul3A_99 : f32 to vector<16xf32>
        %mul3A_101 = arith.mulf %get3A_98, %mul3A_100 : vector<16xf32>
        %add3A_102 = arith.constant 5.000000e-01 : f32
        %add3A_103 = vector.broadcast %add3A_102 : f32 to vector<16xf32>
        %add3A_104 = arith.addf %mul3A_101, %add3A_103 : vector<16xf32>
        %mul3A_105 = arith.constant 1.280000e+02 : f32
        %mul3A_106 = vector.broadcast %mul3A_105 : f32 to vector<16xf32>
        %mul3A_107 = arith.mulf %add3A_104, %mul3A_106 : vector<16xf32>
        %convert_element_type3A = arith.fptosi %mul3A_107 : vector<16xf32> to vector<16xi32>
        %jit3A = arith.constant 0 : i32
        %jit3A_108 = arith.constant 127 : i32
        %max3A = vector.broadcast %jit3A : i32 to vector<16xi32>
        %max3A_109 = arith.maxsi %max3A, %convert_element_type3A : vector<16xi32>
        %min3A = vector.broadcast %jit3A_108 : i32 to vector<16xi32>
        %min3A_110 = arith.minsi %min3A, %max3A_109 : vector<16xi32>
        %shift_left3A = arith.constant 14 : i32
        %shift_left3A_111 = vector.broadcast %shift_left3A : i32 to vector<16xi32>
        %shift_left3A_112 = arith.shli %min3A_110, %shift_left3A_111 : vector<16xi32>
        %get3A_113 = arith.index_cast %add3A_96 : i32 to index
        %get3A_114 = tpu.vector_load %arg11[%get3A_113] {strides = array<i32>} : memref<2048xf32, #tpu.memory_space<vmem>>, vector<16xf32>,
        %mul3A_115 = arith.constant 5.000000e-01 : f32
        %mul3A_116 = vector.broadcast %mul3A_115 : f32 to vector<16xf32>
        %mul3A_117 = arith.mulf %get3A_114, %mul3A_116 : vector<16xf32>
        %add3A_118 = arith.constant 5.000000e-01 : f32
        %add3A_119 = vector.broadcast %add3A_118 : f32 to vector<16xf32>
        %add3A_120 = arith.addf %mul3A_117, %add3A_119 : vector<16xf32>
        %mul3A_121 = arith.constant 1.280000e+02 : f32
        %mul3A_122 = vector.broadcast %mul3A_121 : f32 to vector<16xf32>
        %mul3A_123 = arith.mulf %add3A_120, %mul3A_122 : vector<16xf32>
        %convert_element_type3A_124 = arith.fptosi %mul3A_123 : vector<16xf32> to vector<16xi32>
        %jit3A_125 = arith.constant 0 : i32
        %jit3A_126 = arith.constant 127 : i32
        %max3A_127 = vector.broadcast %jit3A_125 : i32 to vector<16xi32>
        %max3A_128 = arith.maxsi %max3A_127, %convert_element_type3A_124 : vector<16xi32>
        %min3A_129 = vector.broadcast %jit3A_126 : i32 to vector<16xi32>
        %min3A_130 = arith.minsi %min3A_129, %max3A_128 : vector<16xi32>
        %shift_left3A_131 = arith.constant 7 : i32
        %shift_left3A_132 = vector.broadcast %shift_left3A_131 : i32 to vector<16xi32>
        %shift_left3A_133 = arith.shli %min3A_130, %shift_left3A_132 : vector<16xi32>
        %add3A_134 = arith.addi %shift_left3A_112, %shift_left3A_133 : vector<16xi32>
        %get3A_135 = arith.index_cast %add3A_96 : i32 to index
        %get3A_136 = tpu.vector_load %arg12[%get3A_135] {strides = array<i32>} : memref<2048xf32, #tpu.memory_space<vmem>>, vector<16xf32>,
        %mul3A_137 = arith.constant 5.000000e-01 : f32
        %mul3A_138 = vector.broadcast %mul3A_137 : f32 to vector<16xf32>
        %mul3A_139 = arith.mulf %get3A_136, %mul3A_138 : vector<16xf32>
        %add3A_140 = arith.constant 5.000000e-01 : f32
        %add3A_141 = vector.broadcast %add3A_140 : f32 to vector<16xf32>
        %add3A_142 = arith.addf %mul3A_139, %add3A_141 : vector<16xf32>
        %mul3A_143 = arith.constant 1.280000e+02 : f32
        %mul3A_144 = vector.broadcast %mul3A_143 : f32 to vector<16xf32>
        %mul3A_145 = arith.mulf %add3A_142, %mul3A_144 : vector<16xf32>
        %convert_element_type3A_146 = arith.fptosi %mul3A_145 : vector<16xf32> to vector<16xi32>
        %jit3A_147 = arith.constant 0 : i32
        %jit3A_148 = arith.constant 127 : i32
        %max3A_149 = vector.broadcast %jit3A_147 : i32 to vector<16xi32>
        %max3A_150 = arith.maxsi %max3A_149, %convert_element_type3A_146 : vector<16xi32>
        %min3A_151 = vector.broadcast %jit3A_148 : i32 to vector<16xi32>
        %min3A_152 = arith.minsi %min3A_151, %max3A_150 : vector<16xi32>
        %add3A_153 = arith.addi %add3A_134, %min3A_152 : vector<16xi32>
        %get3A_154 = arith.index_cast %add3A_96 : i32 to index
        %get3A_155 = tpu.vector_load %arg13[%get3A_154] {strides = array<i32>} : memref<2048xi32, #tpu.memory_space<vmem>>, vector<16xi32>,
        %lt3A = arith.constant 0 : i32
        %lt3A_156 = vector.broadcast %lt3A : i32 to vector<16xi32>
        %lt3A_157 = arith.cmpi slt, %get3A_155, %lt3A_156 : vector<16xi32>
        %add3A_158 = arith.constant 16 : i32
        %add3A_159 = vector.broadcast %add3A_158 : i32 to vector<16xi32>
        %add3A_160 = arith.addi %get3A_155, %add3A_159 : vector<16xi32>
        %select_n3A = arith.select %lt3A_157, %add3A_160, %get3A_155 : vector<16xi1>, vector<16xi32>
        %reshape3A = vector.shape_cast %select_n3A : vector<16xi32> to vector<16x1xi32>
        %gather3A = vector.shape_cast %reshape3A : vector<16x1xi32> to vector<16xi32>
        %gather3A_161 = tpu.dynamic_gather %get3A_3[%gather3A] in [0] : vector<16xi32>, vector<16xi32> -> vector<16xi32>
        %shift_left3A_162 = arith.constant 21 : i32
        %shift_left3A_163 = vector.broadcast %shift_left3A_162 : i32 to vector<16xi32>
        %shift_left3A_164 = arith.shli %gather3A_161, %shift_left3A_163 : vector<16xi32>
        %add3A_165 = arith.addi %shift_left3A_164, %add3A_153 : vector<16xi32>
        %swap3A = arith.index_cast %mul3A_92 : i32 to index
        %swap3A_166 = tpu.vector_load %arg15[%swap3A] {strides = array<i32>} : memref<512xi32, #tpu.memory_space<vmem>>, vector<16xi32>,
        tpu.vector_store %arg15[%swap3A], %add3A_165 {strides = array<i32>} : memref<512xi32, #tpu.memory_space<vmem>>, vector<16xi32>,
        %scan3A_167 = arith.constant 1 : i32
        %scan3A_168 = arith.addi %scan3A_86, %scan3A_167 : i32
        %mul3A_169 = arith.constant 1 : i32
        %mul3A_170 = arith.muli %scan3A_168, %mul3A_169 : i32
        %add3A_171 = arith.constant 0 : i32
        %add3A_172 = arith.addi %add3A_171, %mul3A_170 : i32
        %mul3A_173 = arith.constant 16 : i32
        %mul3A_174 = arith.muli %add3A_172, %mul3A_173 : i32
        %mul3A_175 = arith.constant 16 : i32
        %mul3A_176 = arith.muli %add3A_172, %mul3A_175 : i32
        %add3A_177 = arith.constant 0 : i32
        %add3A_178 = arith.addi %add3A_177, %mul3A_176 : i32
        %get3A_179 = arith.index_cast %add3A_178 : i32 to index
        %get3A_180 = tpu.vector_load %arg10[%get3A_179] {strides = array<i32>} : memref<2048xf32, #tpu.memory_space<vmem>>, vector<16xf32>,
        %mul3A_181 = arith.constant 5.000000e-01 : f32
        %mul3A_182 = vector.broadcast %mul3A_181 : f32 to vector<16xf32>
        %mul3A_183 = arith.mulf %get3A_180, %mul3A_182 : vector<16xf32>
        %add3A_184 = arith.constant 5.000000e-01 : f32
        %add3A_185 = vector.broadcast %add3A_184 : f32 to vector<16xf32>
        %add3A_186 = arith.addf %mul3A_183, %add3A_185 : vector<16xf32>
        %mul3A_187 = arith.constant 1.280000e+02 : f32
        %mul3A_188 = vector.broadcast %mul3A_187 : f32 to vector<16xf32>
        %mul3A_189 = arith.mulf %add3A_186, %mul3A_188 : vector<16xf32>
        %convert_element_type3A_190 = arith.fptosi %mul3A_189 : vector<16xf32> to vector<16xi32>
        %jit3A_191 = arith.constant 0 : i32
        %jit3A_192 = arith.constant 127 : i32
        %max3A_193 = vector.broadcast %jit3A_191 : i32 to vector<16xi32>
        %max3A_194 = arith.maxsi %max3A_193, %convert_element_type3A_190 : vector<16xi32>
        %min3A_195 = vector.broadcast %jit3A_192 : i32 to vector<16xi32>
        %min3A_196 = arith.minsi %min3A_195, %max3A_194 : vector<16xi32>
        %shift_left3A_197 = arith.constant 14 : i32
        %shift_left3A_198 = vector.broadcast %shift_left3A_197 : i32 to vector<16xi32>
        %shift_left3A_199 = arith.shli %min3A_196, %shift_left3A_198 : vector<16xi32>
        %get3A_200 = arith.index_cast %add3A_178 : i32 to index
        %get3A_201 = tpu.vector_load %arg11[%get3A_200] {strides = array<i32>} : memref<2048xf32, #tpu.memory_space<vmem>>, vector<16xf32>,
        %mul3A_202 = arith.constant 5.000000e-01 : f32
        %mul3A_203 = vector.broadcast %mul3A_202 : f32 to vector<16xf32>
        %mul3A_204 = arith.mulf %get3A_201, %mul3A_203 : vector<16xf32>
        %add3A_205 = arith.constant 5.000000e-01 : f32
        %add3A_206 = vector.broadcast %add3A_205 : f32 to vector<16xf32>
        %add3A_207 = arith.addf %mul3A_204, %add3A_206 : vector<16xf32>
        %mul3A_208 = arith.constant 1.280000e+02 : f32
        %mul3A_209 = vector.broadcast %mul3A_208 : f32 to vector<16xf32>
        %mul3A_210 = arith.mulf %add3A_207, %mul3A_209 : vector<16xf32>
        %convert_element_type3A_211 = arith.fptosi %mul3A_210 : vector<16xf32> to vector<16xi32>
        %jit3A_212 = arith.constant 0 : i32
        %jit3A_213 = arith.constant 127 : i32
        %max3A_214 = vector.broadcast %jit3A_212 : i32 to vector<16xi32>
        %max3A_215 = arith.maxsi %max3A_214, %convert_element_type3A_211 : vector<16xi32>
        %min3A_216 = vector.broadcast %jit3A_213 : i32 to vector<16xi32>
        %min3A_217 = arith.minsi %min3A_216, %max3A_215 : vector<16xi32>
        %shift_left3A_218 = arith.constant 7 : i32
        %shift_left3A_219 = vector.broadcast %shift_left3A_218 : i32 to vector<16xi32>
        %shift_left3A_220 = arith.shli %min3A_217, %shift_left3A_219 : vector<16xi32>
        %add3A_221 = arith.addi %shift_left3A_199, %shift_left3A_220 : vector<16xi32>
        %get3A_222 = arith.index_cast %add3A_178 : i32 to index
        %get3A_223 = tpu.vector_load %arg12[%get3A_222] {strides = array<i32>} : memref<2048xf32, #tpu.memory_space<vmem>>, vector<16xf32>,
        %mul3A_224 = arith.constant 5.000000e-01 : f32
        %mul3A_225 = vector.broadcast %mul3A_224 : f32 to vector<16xf32>
        %mul3A_226 = arith.mulf %get3A_223, %mul3A_225 : vector<16xf32>
        %add3A_227 = arith.constant 5.000000e-01 : f32
        %add3A_228 = vector.broadcast %add3A_227 : f32 to vector<16xf32>
        %add3A_229 = arith.addf %mul3A_226, %add3A_228 : vector<16xf32>
        %mul3A_230 = arith.constant 1.280000e+02 : f32
        %mul3A_231 = vector.broadcast %mul3A_230 : f32 to vector<16xf32>
        %mul3A_232 = arith.mulf %add3A_229, %mul3A_231 : vector<16xf32>
        %convert_element_type3A_233 = arith.fptosi %mul3A_232 : vector<16xf32> to vector<16xi32>
        %jit3A_234 = arith.constant 0 : i32
        %jit3A_235 = arith.constant 127 : i32
        %max3A_236 = vector.broadcast %jit3A_234 : i32 to vector<16xi32>
        %max3A_237 = arith.maxsi %max3A_236, %convert_element_type3A_233 : vector<16xi32>
        %min3A_238 = vector.broadcast %jit3A_235 : i32 to vector<16xi32>
        %min3A_239 = arith.minsi %min3A_238, %max3A_237 : vector<16xi32>
        %add3A_240 = arith.addi %add3A_221, %min3A_239 : vector<16xi32>
        %get3A_241 = arith.index_cast %add3A_178 : i32 to index
        %get3A_242 = tpu.vector_load %arg13[%get3A_241] {strides = array<i32>} : memref<2048xi32, #tpu.memory_space<vmem>>, vector<16xi32>,
        %lt3A_243 = arith.constant 0 : i32
        %lt3A_244 = vector.broadcast %lt3A_243 : i32 to vector<16xi32>
        %lt3A_245 = arith.cmpi slt, %get3A_242, %lt3A_244 : vector<16xi32>
        %add3A_246 = arith.constant 16 : i32
        %add3A_247 = vector.broadcast %add3A_246 : i32 to vector<16xi32>
        %add3A_248 = arith.addi %get3A_242, %add3A_247 : vector<16xi32>
        %select_n3A_249 = arith.select %lt3A_245, %add3A_248, %get3A_242 : vector<16xi1>, vector<16xi32>
        %reshape3A_250 = vector.shape_cast %select_n3A_249 : vector<16xi32> to vector<16x1xi32>
        %gather3A_251 = vector.shape_cast %reshape3A_250 : vector<16x1xi32> to vector<16xi32>
        %gather3A_252 = tpu.dynamic_gather %get3A_3[%gather3A_251] in [0] : vector<16xi32>, vector<16xi32> -> vector<16xi32>
        %shift_left3A_253 = arith.constant 21 : i32
        %shift_left3A_254 = vector.broadcast %shift_left3A_253 : i32 to vector<16xi32>
        %shift_left3A_255 = arith.shli %gather3A_252, %shift_left3A_254 : vector<16xi32>
        %add3A_256 = arith.addi %shift_left3A_255, %add3A_240 : vector<16xi32>
        %swap3A_257 = arith.index_cast %mul3A_174 : i32 to index
        %swap3A_258 = tpu.vector_load %arg15[%swap3A_257] {strides = array<i32>} : memref<512xi32, #tpu.memory_space<vmem>>, vector<16xi32>,
        tpu.vector_store %arg15[%swap3A_257], %add3A_256 {strides = array<i32>} : memref<512xi32, #tpu.memory_space<vmem>>, vector<16xi32>,
        %scan3A_259 = arith.constant 2 : i32
        %scan3A_260 = arith.addi %scan3A_86, %scan3A_259 : i32
        %mul3A_261 = arith.constant 1 : i32
        %mul3A_262 = arith.muli %scan3A_260, %mul3A_261 : i32
        %add3A_263 = arith.constant 0 : i32
        %add3A_264 = arith.addi %add3A_263, %mul3A_262 : i32
        %mul3A_265 = arith.constant 16 : i32
        %mul3A_266 = arith.muli %add3A_264, %mul3A_265 : i32
        %mul3A_267 = arith.constant 16 : i32
        %mul3A_268 = arith.muli %add3A_264, %mul3A_267 : i32
        %add3A_269 = arith.constant 0 : i32
        %add3A_270 = arith.addi %add3A_269, %mul3A_268 : i32
        %get3A_271 = arith.index_cast %add3A_270 : i32 to index
        %get3A_272 = tpu.vector_load %arg10[%get3A_271] {strides = array<i32>} : memref<2048xf32, #tpu.memory_space<vmem>>, vector<16xf32>,
        %mul3A_273 = arith.constant 5.000000e-01 : f32
        %mul3A_274 = vector.broadcast %mul3A_273 : f32 to vector<16xf32>
        %mul3A_275 = arith.mulf %get3A_272, %mul3A_274 : vector<16xf32>
        %add3A_276 = arith.constant 5.000000e-01 : f32
        %add3A_277 = vector.broadcast %add3A_276 : f32 to vector<16xf32>
        %add3A_278 = arith.addf %mul3A_275, %add3A_277 : vector<16xf32>
        %mul3A_279 = arith.constant 1.280000e+02 : f32
        %mul3A_280 = vector.broadcast %mul3A_279 : f32 to vector<16xf32>
        %mul3A_281 = arith.mulf %add3A_278, %mul3A_280 : vector<16xf32>
        %convert_element_type3A_282 = arith.fptosi %mul3A_281 : vector<16xf32> to vector<16xi32>
        %jit3A_283 = arith.constant 0 : i32
        %jit3A_284 = arith.constant 127 : i32
        %max3A_285 = vector.broadcast %jit3A_283 : i32 to vector<16xi32>
        %max3A_286 = arith.maxsi %max3A_285, %convert_element_type3A_282 : vector<16xi32>
        %min3A_287 = vector.broadcast %jit3A_284 : i32 to vector<16xi32>
        %min3A_288 = arith.minsi %min3A_287, %max3A_286 : vector<16xi32>
        %shift_left3A_289 = arith.constant 14 : i32
        %shift_left3A_290 = vector.broadcast %shift_left3A_289 : i32 to vector<16xi32>
        %shift_left3A_291 = arith.shli %min3A_288, %shift_left3A_290 : vector<16xi32>
        %get3A_292 = arith.index_cast %add3A_270 : i32 to index
        %get3A_293 = tpu.vector_load %arg11[%get3A_292] {strides = array<i32>} : memref<2048xf32, #tpu.memory_space<vmem>>, vector<16xf32>,
        %mul3A_294 = arith.constant 5.000000e-01 : f32
        %mul3A_295 = vector.broadcast %mul3A_294 : f32 to vector<16xf32>
        %mul3A_296 = arith.mulf %get3A_293, %mul3A_295 : vector<16xf32>
        %add3A_297 = arith.constant 5.000000e-01 : f32
        %add3A_298 = vector.broadcast %add3A_297 : f32 to vector<16xf32>
        %add3A_299 = arith.addf %mul3A_296, %add3A_298 : vector<16xf32>
        %mul3A_300 = arith.constant 1.280000e+02 : f32
        %mul3A_301 = vector.broadcast %mul3A_300 : f32 to vector<16xf32>
        %mul3A_302 = arith.mulf %add3A_299, %mul3A_301 : vector<16xf32>
        %convert_element_type3A_303 = arith.fptosi %mul3A_302 : vector<16xf32> to vector<16xi32>
        %jit3A_304 = arith.constant 0 : i32
        %jit3A_305 = arith.constant 127 : i32
        %max3A_306 = vector.broadcast %jit3A_304 : i32 to vector<16xi32>
        %max3A_307 = arith.maxsi %max3A_306, %convert_element_type3A_303 : vector<16xi32>
        %min3A_308 = vector.broadcast %jit3A_305 : i32 to vector<16xi32>
        %min3A_309 = arith.minsi %min3A_308, %max3A_307 : vector<16xi32>
        %shift_left3A_310 = arith.constant 7 : i32
        %shift_left3A_311 = vector.broadcast %shift_left3A_310 : i32 to vector<16xi32>
        %shift_left3A_312 = arith.shli %min3A_309, %shift_left3A_311 : vector<16xi32>
        %add3A_313 = arith.addi %shift_left3A_291, %shift_left3A_312 : vector<16xi32>
        %get3A_314 = arith.index_cast %add3A_270 : i32 to index
        %get3A_315 = tpu.vector_load %arg12[%get3A_314] {strides = array<i32>} : memref<2048xf32, #tpu.memory_space<vmem>>, vector<16xf32>,
        %mul3A_316 = arith.constant 5.000000e-01 : f32
        %mul3A_317 = vector.broadcast %mul3A_316 : f32 to vector<16xf32>
        %mul3A_318 = arith.mulf %get3A_315, %mul3A_317 : vector<16xf32>
        %add3A_319 = arith.constant 5.000000e-01 : f32
        %add3A_320 = vector.broadcast %add3A_319 : f32 to vector<16xf32>
        %add3A_321 = arith.addf %mul3A_318, %add3A_320 : vector<16xf32>
        %mul3A_322 = arith.constant 1.280000e+02 : f32
        %mul3A_323 = vector.broadcast %mul3A_322 : f32 to vector<16xf32>
        %mul3A_324 = arith.mulf %add3A_321, %mul3A_323 : vector<16xf32>
        %convert_element_type3A_325 = arith.fptosi %mul3A_324 : vector<16xf32> to vector<16xi32>
        %jit3A_326 = arith.constant 0 : i32
        %jit3A_327 = arith.constant 127 : i32
        %max3A_328 = vector.broadcast %jit3A_326 : i32 to vector<16xi32>
        %max3A_329 = arith.maxsi %max3A_328, %convert_element_type3A_325 : vector<16xi32>
        %min3A_330 = vector.broadcast %jit3A_327 : i32 to vector<16xi32>
        %min3A_331 = arith.minsi %min3A_330, %max3A_329 : vector<16xi32>
        %add3A_332 = arith.addi %add3A_313, %min3A_331 : vector<16xi32>
        %get3A_333 = arith.index_cast %add3A_270 : i32 to index
        %get3A_334 = tpu.vector_load %arg13[%get3A_333] {strides = array<i32>} : memref<2048xi32, #tpu.memory_space<vmem>>, vector<16xi32>,
        %lt3A_335 = arith.constant 0 : i32
        %lt3A_336 = vector.broadcast %lt3A_335 : i32 to vector<16xi32>
        %lt3A_337 = arith.cmpi slt, %get3A_334, %lt3A_336 : vector<16xi32>
        %add3A_338 = arith.constant 16 : i32
        %add3A_339 = vector.broadcast %add3A_338 : i32 to vector<16xi32>
        %add3A_340 = arith.addi %get3A_334, %add3A_339 : vector<16xi32>
        %select_n3A_341 = arith.select %lt3A_337, %add3A_340, %get3A_334 : vector<16xi1>, vector<16xi32>
        %reshape3A_342 = vector.shape_cast %select_n3A_341 : vector<16xi32> to vector<16x1xi32>
        %gather3A_343 = vector.shape_cast %reshape3A_342 : vector<16x1xi32> to vector<16xi32>
        %gather3A_344 = tpu.dynamic_gather %get3A_3[%gather3A_343] in [0] : vector<16xi32>, vector<16xi32> -> vector<16xi32>
        %shift_left3A_345 = arith.constant 21 : i32
        %shift_left3A_346 = vector.broadcast %shift_left3A_345 : i32 to vector<16xi32>
        %shift_left3A_347 = arith.shli %gather3A_344, %shift_left3A_346 : vector<16xi32>
        %add3A_348 = arith.addi %shift_left3A_347, %add3A_332 : vector<16xi32>
        %swap3A_349 = arith.index_cast %mul3A_266 : i32 to index
        %swap3A_350 = tpu.vector_load %arg15[%swap3A_349] {strides = array<i32>} : memref<512xi32, #tpu.memory_space<vmem>>, vector<16xi32>,
        tpu.vector_store %arg15[%swap3A_349], %add3A_348 {strides = array<i32>} : memref<512xi32, #tpu.memory_space<vmem>>, vector<16xi32>,
        %scan3A_351 = arith.constant 3 : i32
        %scan3A_352 = arith.addi %scan3A_86, %scan3A_351 : i32
        %mul3A_353 = arith.constant 1 : i32
        %mul3A_354 = arith.muli %scan3A_352, %mul3A_353 : i32
        %add3A_355 = arith.constant 0 : i32
        %add3A_356 = arith.addi %add3A_355, %mul3A_354 : i32
        %mul3A_357 = arith.constant 16 : i32
        %mul3A_358 = arith.muli %add3A_356, %mul3A_357 : i32
        %mul3A_359 = arith.constant 16 : i32
        %mul3A_360 = arith.muli %add3A_356, %mul3A_359 : i32
        %add3A_361 = arith.constant 0 : i32
        %add3A_362 = arith.addi %add3A_361, %mul3A_360 : i32
        %get3A_363 = arith.index_cast %add3A_362 : i32 to index
        %get3A_364 = tpu.vector_load %arg10[%get3A_363] {strides = array<i32>} : memref<2048xf32, #tpu.memory_space<vmem>>, vector<16xf32>,
        %mul3A_365 = arith.constant 5.000000e-01 : f32
        %mul3A_366 = vector.broadcast %mul3A_365 : f32 to vector<16xf32>
        %mul3A_367 = arith.mulf %get3A_364, %mul3A_366 : vector<16xf32>
        %add3A_368 = arith.constant 5.000000e-01 : f32
        %add3A_369 = vector.broadcast %add3A_368 : f32 to vector<16xf32>
        %add3A_370 = arith.addf %mul3A_367, %add3A_369 : vector<16xf32>
        %mul3A_371 = arith.constant 1.280000e+02 : f32
        %mul3A_372 = vector.broadcast %mul3A_371 : f32 to vector<16xf32>
        %mul3A_373 = arith.mulf %add3A_370, %mul3A_372 : vector<16xf32>
        %convert_element_type3A_374 = arith.fptosi %mul3A_373 : vector<16xf32> to vector<16xi32>
        %jit3A_375 = arith.constant 0 : i32
        %jit3A_376 = arith.constant 127 : i32
        %max3A_377 = vector.broadcast %jit3A_375 : i32 to vector<16xi32>
        %max3A_378 = arith.maxsi %max3A_377, %convert_element_type3A_374 : vector<16xi32>
        %min3A_379 = vector.broadcast %jit3A_376 : i32 to vector<16xi32>
        %min3A_380 = arith.minsi %min3A_379, %max3A_378 : vector<16xi32>
        %shift_left3A_381 = arith.constant 14 : i32
        %shift_left3A_382 = vector.broadcast %shift_left3A_381 : i32 to vector<16xi32>
        %shift_left3A_383 = arith.shli %min3A_380, %shift_left3A_382 : vector<16xi32>
        %get3A_384 = arith.index_cast %add3A_362 : i32 to index
        %get3A_385 = tpu.vector_load %arg11[%get3A_384] {strides = array<i32>} : memref<2048xf32, #tpu.memory_space<vmem>>, vector<16xf32>,
        %mul3A_386 = arith.constant 5.000000e-01 : f32
        %mul3A_387 = vector.broadcast %mul3A_386 : f32 to vector<16xf32>
        %mul3A_388 = arith.mulf %get3A_385, %mul3A_387 : vector<16xf32>
        %add3A_389 = arith.constant 5.000000e-01 : f32
        %add3A_390 = vector.broadcast %add3A_389 : f32 to vector<16xf32>
        %add3A_391 = arith.addf %mul3A_388, %add3A_390 : vector<16xf32>
        %mul3A_392 = arith.constant 1.280000e+02 : f32
        %mul3A_393 = vector.broadcast %mul3A_392 : f32 to vector<16xf32>
        %mul3A_394 = arith.mulf %add3A_391, %mul3A_393 : vector<16xf32>
        %convert_element_type3A_395 = arith.fptosi %mul3A_394 : vector<16xf32> to vector<16xi32>
        %jit3A_396 = arith.constant 0 : i32
        %jit3A_397 = arith.constant 127 : i32
        %max3A_398 = vector.broadcast %jit3A_396 : i32 to vector<16xi32>
        %max3A_399 = arith.maxsi %max3A_398, %convert_element_type3A_395 : vector<16xi32>
        %min3A_400 = vector.broadcast %jit3A_397 : i32 to vector<16xi32>
        %min3A_401 = arith.minsi %min3A_400, %max3A_399 : vector<16xi32>
        %shift_left3A_402 = arith.constant 7 : i32
        %shift_left3A_403 = vector.broadcast %shift_left3A_402 : i32 to vector<16xi32>
        %shift_left3A_404 = arith.shli %min3A_401, %shift_left3A_403 : vector<16xi32>
        %add3A_405 = arith.addi %shift_left3A_383, %shift_left3A_404 : vector<16xi32>
        %get3A_406 = arith.index_cast %add3A_362 : i32 to index
        %get3A_407 = tpu.vector_load %arg12[%get3A_406] {strides = array<i32>} : memref<2048xf32, #tpu.memory_space<vmem>>, vector<16xf32>,
        %mul3A_408 = arith.constant 5.000000e-01 : f32
        %mul3A_409 = vector.broadcast %mul3A_408 : f32 to vector<16xf32>
        %mul3A_410 = arith.mulf %get3A_407, %mul3A_409 : vector<16xf32>
        %add3A_411 = arith.constant 5.000000e-01 : f32
        %add3A_412 = vector.broadcast %add3A_411 : f32 to vector<16xf32>
        %add3A_413 = arith.addf %mul3A_410, %add3A_412 : vector<16xf32>
        %mul3A_414 = arith.constant 1.280000e+02 : f32
        %mul3A_415 = vector.broadcast %mul3A_414 : f32 to vector<16xf32>
        %mul3A_416 = arith.mulf %add3A_413, %mul3A_415 : vector<16xf32>
        %convert_element_type3A_417 = arith.fptosi %mul3A_416 : vector<16xf32> to vector<16xi32>
        %jit3A_418 = arith.constant 0 : i32
        %jit3A_419 = arith.constant 127 : i32
        %max3A_420 = vector.broadcast %jit3A_418 : i32 to vector<16xi32>
        %max3A_421 = arith.maxsi %max3A_420, %convert_element_type3A_417 : vector<16xi32>
        %min3A_422 = vector.broadcast %jit3A_419 : i32 to vector<16xi32>
        %min3A_423 = arith.minsi %min3A_422, %max3A_421 : vector<16xi32>
        %add3A_424 = arith.addi %add3A_405, %min3A_423 : vector<16xi32>
        %get3A_425 = arith.index_cast %add3A_362 : i32 to index
        %get3A_426 = tpu.vector_load %arg13[%get3A_425] {strides = array<i32>} : memref<2048xi32, #tpu.memory_space<vmem>>, vector<16xi32>,
        %lt3A_427 = arith.constant 0 : i32
        %lt3A_428 = vector.broadcast %lt3A_427 : i32 to vector<16xi32>
        %lt3A_429 = arith.cmpi slt, %get3A_426, %lt3A_428 : vector<16xi32>
        %add3A_430 = arith.constant 16 : i32
        %add3A_431 = vector.broadcast %add3A_430 : i32 to vector<16xi32>
        %add3A_432 = arith.addi %get3A_426, %add3A_431 : vector<16xi32>
        %select_n3A_433 = arith.select %lt3A_429, %add3A_432, %get3A_426 : vector<16xi1>, vector<16xi32>
        %reshape3A_434 = vector.shape_cast %select_n3A_433 : vector<16xi32> to vector<16x1xi32>
        %gather3A_435 = vector.shape_cast %reshape3A_434 : vector<16x1xi32> to vector<16xi32>
        %gather3A_436 = tpu.dynamic_gather %get3A_3[%gather3A_435] in [0] : vector<16xi32>, vector<16xi32> -> vector<16xi32>
        %shift_left3A_437 = arith.constant 21 : i32
        %shift_left3A_438 = vector.broadcast %shift_left3A_437 : i32 to vector<16xi32>
        %shift_left3A_439 = arith.shli %gather3A_436, %shift_left3A_438 : vector<16xi32>
        %add3A_440 = arith.addi %shift_left3A_439, %add3A_424 : vector<16xi32>
        %swap3A_441 = arith.index_cast %mul3A_358 : i32 to index
        %swap3A_442 = tpu.vector_load %arg15[%swap3A_441] {strides = array<i32>} : memref<512xi32, #tpu.memory_space<vmem>>, vector<16xi32>,
        tpu.vector_store %arg15[%swap3A_441], %add3A_440 {strides = array<i32>} : memref<512xi32, #tpu.memory_space<vmem>>, vector<16xi32>,
        %scan3A_443 = arith.constant 4 : i32
        %scan3A_444 = arith.addi %scan3A_86, %scan3A_443 : i32
        %mul3A_445 = arith.constant 1 : i32
        %mul3A_446 = arith.muli %scan3A_444, %mul3A_445 : i32
        %add3A_447 = arith.constant 0 : i32
        %add3A_448 = arith.addi %add3A_447, %mul3A_446 : i32
        %mul3A_449 = arith.constant 16 : i32
        %mul3A_450 = arith.muli %add3A_448, %mul3A_449 : i32
        %mul3A_451 = arith.constant 16 : i32
        %mul3A_452 = arith.muli %add3A_448, %mul3A_451 : i32
        %add3A_453 = arith.constant 0 : i32
        %add3A_454 = arith.addi %add3A_453, %mul3A_452 : i32
        %get3A_455 = arith.index_cast %add3A_454 : i32 to index
        %get3A_456 = tpu.vector_load %arg10[%get3A_455] {strides = array<i32>} : memref<2048xf32, #tpu.memory_space<vmem>>, vector<16xf32>,
        %mul3A_457 = arith.constant 5.000000e-01 : f32
        %mul3A_458 = vector.broadcast %mul3A_457 : f32 to vector<16xf32>
        %mul3A_459 = arith.mulf %get3A_456, %mul3A_458 : vector<16xf32>
        %add3A_460 = arith.constant 5.000000e-01 : f32
        %add3A_461 = vector.broadcast %add3A_460 : f32 to vector<16xf32>
        %add3A_462 = arith.addf %mul3A_459, %add3A_461 : vector<16xf32>
        %mul3A_463 = arith.constant 1.280000e+02 : f32
        %mul3A_464 = vector.broadcast %mul3A_463 : f32 to vector<16xf32>
        %mul3A_465 = arith.mulf %add3A_462, %mul3A_464 : vector<16xf32>
        %convert_element_type3A_466 = arith.fptosi %mul3A_465 : vector<16xf32> to vector<16xi32>
        %jit3A_467 = arith.constant 0 : i32
        %jit3A_468 = arith.constant 127 : i32
        %max3A_469 = vector.broadcast %jit3A_467 : i32 to vector<16xi32>
        %max3A_470 = arith.maxsi %max3A_469, %convert_element_type3A_466 : vector<16xi32>
        %min3A_471 = vector.broadcast %jit3A_468 : i32 to vector<16xi32>
        %min3A_472 = arith.minsi %min3A_471, %max3A_470 : vector<16xi32>
        %shift_left3A_473 = arith.constant 14 : i32
        %shift_left3A_474 = vector.broadcast %shift_left3A_473 : i32 to vector<16xi32>
        %shift_left3A_475 = arith.shli %min3A_472, %shift_left3A_474 : vector<16xi32>
        %get3A_476 = arith.index_cast %add3A_454 : i32 to index
        %get3A_477 = tpu.vector_load %arg11[%get3A_476] {strides = array<i32>} : memref<2048xf32, #tpu.memory_space<vmem>>, vector<16xf32>,
        %mul3A_478 = arith.constant 5.000000e-01 : f32
        %mul3A_479 = vector.broadcast %mul3A_478 : f32 to vector<16xf32>
        %mul3A_480 = arith.mulf %get3A_477, %mul3A_479 : vector<16xf32>
        %add3A_481 = arith.constant 5.000000e-01 : f32
        %add3A_482 = vector.broadcast %add3A_481 : f32 to vector<16xf32>
        %add3A_483 = arith.addf %mul3A_480, %add3A_482 : vector<16xf32>
        %mul3A_484 = arith.constant 1.280000e+02 : f32
        %mul3A_485 = vector.broadcast %mul3A_484 : f32 to vector<16xf32>
        %mul3A_486 = arith.mulf %add3A_483, %mul3A_485 : vector<16xf32>
        %convert_element_type3A_487 = arith.fptosi %mul3A_486 : vector<16xf32> to vector<16xi32>
        %jit3A_488 = arith.constant 0 : i32
        %jit3A_489 = arith.constant 127 : i32
        %max3A_490 = vector.broadcast %jit3A_488 : i32 to vector<16xi32>
        %max3A_491 = arith.maxsi %max3A_490, %convert_element_type3A_487 : vector<16xi32>
        %min3A_492 = vector.broadcast %jit3A_489 : i32 to vector<16xi32>
        %min3A_493 = arith.minsi %min3A_492, %max3A_491 : vector<16xi32>
        %shift_left3A_494 = arith.constant 7 : i32
        %shift_left3A_495 = vector.broadcast %shift_left3A_494 : i32 to vector<16xi32>
        %shift_left3A_496 = arith.shli %min3A_493, %shift_left3A_495 : vector<16xi32>
        %add3A_497 = arith.addi %shift_left3A_475, %shift_left3A_496 : vector<16xi32>
        %get3A_498 = arith.index_cast %add3A_454 : i32 to index
        %get3A_499 = tpu.vector_load %arg12[%get3A_498] {strides = array<i32>} : memref<2048xf32, #tpu.memory_space<vmem>>, vector<16xf32>,
        %mul3A_500 = arith.constant 5.000000e-01 : f32
        %mul3A_501 = vector.broadcast %mul3A_500 : f32 to vector<16xf32>
        %mul3A_502 = arith.mulf %get3A_499, %mul3A_501 : vector<16xf32>
        %add3A_503 = arith.constant 5.000000e-01 : f32
        %add3A_504 = vector.broadcast %add3A_503 : f32 to vector<16xf32>
        %add3A_505 = arith.addf %mul3A_502, %add3A_504 : vector<16xf32>
        %mul3A_506 = arith.constant 1.280000e+02 : f32
        %mul3A_507 = vector.broadcast %mul3A_506 : f32 to vector<16xf32>
        %mul3A_508 = arith.mulf %add3A_505, %mul3A_507 : vector<16xf32>
        %convert_element_type3A_509 = arith.fptosi %mul3A_508 : vector<16xf32> to vector<16xi32>
        %jit3A_510 = arith.constant 0 : i32
        %jit3A_511 = arith.constant 127 : i32
        %max3A_512 = vector.broadcast %jit3A_510 : i32 to vector<16xi32>
        %max3A_513 = arith.maxsi %max3A_512, %convert_element_type3A_509 : vector<16xi32>
        %min3A_514 = vector.broadcast %jit3A_511 : i32 to vector<16xi32>
        %min3A_515 = arith.minsi %min3A_514, %max3A_513 : vector<16xi32>
        %add3A_516 = arith.addi %add3A_497, %min3A_515 : vector<16xi32>
        %get3A_517 = arith.index_cast %add3A_454 : i32 to index
        %get3A_518 = tpu.vector_load %arg13[%get3A_517] {strides = array<i32>} : memref<2048xi32, #tpu.memory_space<vmem>>, vector<16xi32>,
        %lt3A_519 = arith.constant 0 : i32
        %lt3A_520 = vector.broadcast %lt3A_519 : i32 to vector<16xi32>
        %lt3A_521 = arith.cmpi slt, %get3A_518, %lt3A_520 : vector<16xi32>
        %add3A_522 = arith.constant 16 : i32
        %add3A_523 = vector.broadcast %add3A_522 : i32 to vector<16xi32>
        %add3A_524 = arith.addi %get3A_518, %add3A_523 : vector<16xi32>
        %select_n3A_525 = arith.select %lt3A_521, %add3A_524, %get3A_518 : vector<16xi1>, vector<16xi32>
        %reshape3A_526 = vector.shape_cast %select_n3A_525 : vector<16xi32> to vector<16x1xi32>
        %gather3A_527 = vector.shape_cast %reshape3A_526 : vector<16x1xi32> to vector<16xi32>
        %gather3A_528 = tpu.dynamic_gather %get3A_3[%gather3A_527] in [0] : vector<16xi32>, vector<16xi32> -> vector<16xi32>
        %shift_left3A_529 = arith.constant 21 : i32
        %shift_left3A_530 = vector.broadcast %shift_left3A_529 : i32 to vector<16xi32>
        %shift_left3A_531 = arith.shli %gather3A_528, %shift_left3A_530 : vector<16xi32>
        %add3A_532 = arith.addi %shift_left3A_531, %add3A_516 : vector<16xi32>
        %swap3A_533 = arith.index_cast %mul3A_450 : i32 to index
        %swap3A_534 = tpu.vector_load %arg15[%swap3A_533] {strides = array<i32>} : memref<512xi32, #tpu.memory_space<vmem>>, vector<16xi32>,
        tpu.vector_store %arg15[%swap3A_533], %add3A_532 {strides = array<i32>} : memref<512xi32, #tpu.memory_space<vmem>>, vector<16xi32>,
        %scan3A_535 = arith.constant 5 : i32
        %scan3A_536 = arith.addi %scan3A_86, %scan3A_535 : i32
        %mul3A_537 = arith.constant 1 : i32
        %mul3A_538 = arith.muli %scan3A_536, %mul3A_537 : i32
        %add3A_539 = arith.constant 0 : i32
        %add3A_540 = arith.addi %add3A_539, %mul3A_538 : i32
        %mul3A_541 = arith.constant 16 : i32
        %mul3A_542 = arith.muli %add3A_540, %mul3A_541 : i32
        %mul3A_543 = arith.constant 16 : i32
        %mul3A_544 = arith.muli %add3A_540, %mul3A_543 : i32
        %add3A_545 = arith.constant 0 : i32
        %add3A_546 = arith.addi %add3A_545, %mul3A_544 : i32
        %get3A_547 = arith.index_cast %add3A_546 : i32 to index
        %get3A_548 = tpu.vector_load %arg10[%get3A_547] {strides = array<i32>} : memref<2048xf32, #tpu.memory_space<vmem>>, vector<16xf32>,
        %mul3A_549 = arith.constant 5.000000e-01 : f32
        %mul3A_550 = vector.broadcast %mul3A_549 : f32 to vector<16xf32>
        %mul3A_551 = arith.mulf %get3A_548, %mul3A_550 : vector<16xf32>
        %add3A_552 = arith.constant 5.000000e-01 : f32
        %add3A_553 = vector.broadcast %add3A_552 : f32 to vector<16xf32>
        %add3A_554 = arith.addf %mul3A_551, %add3A_553 : vector<16xf32>
        %mul3A_555 = arith.constant 1.280000e+02 : f32
        %mul3A_556 = vector.broadcast %mul3A_555 : f32 to vector<16xf32>
        %mul3A_557 = arith.mulf %add3A_554, %mul3A_556 : vector<16xf32>
        %convert_element_type3A_558 = arith.fptosi %mul3A_557 : vector<16xf32> to vector<16xi32>
        %jit3A_559 = arith.constant 0 : i32
        %jit3A_560 = arith.constant 127 : i32
        %max3A_561 = vector.broadcast %jit3A_559 : i32 to vector<16xi32>
        %max3A_562 = arith.maxsi %max3A_561, %convert_element_type3A_558 : vector<16xi32>
        %min3A_563 = vector.broadcast %jit3A_560 : i32 to vector<16xi32>
        %min3A_564 = arith.minsi %min3A_563, %max3A_562 : vector<16xi32>
        %shift_left3A_565 = arith.constant 14 : i32
        %shift_left3A_566 = vector.broadcast %shift_left3A_565 : i32 to vector<16xi32>
        %shift_left3A_567 = arith.shli %min3A_564, %shift_left3A_566 : vector<16xi32>
        %get3A_568 = arith.index_cast %add3A_546 : i32 to index
        %get3A_569 = tpu.vector_load %arg11[%get3A_568] {strides = array<i32>} : memref<2048xf32, #tpu.memory_space<vmem>>, vector<16xf32>,
        %mul3A_570 = arith.constant 5.000000e-01 : f32
        %mul3A_571 = vector.broadcast %mul3A_570 : f32 to vector<16xf32>
        %mul3A_572 = arith.mulf %get3A_569, %mul3A_571 : vector<16xf32>
        %add3A_573 = arith.constant 5.000000e-01 : f32
        %add3A_574 = vector.broadcast %add3A_573 : f32 to vector<16xf32>
        %add3A_575 = arith.addf %mul3A_572, %add3A_574 : vector<16xf32>
        %mul3A_576 = arith.constant 1.280000e+02 : f32
        %mul3A_577 = vector.broadcast %mul3A_576 : f32 to vector<16xf32>
        %mul3A_578 = arith.mulf %add3A_575, %mul3A_577 : vector<16xf32>
        %convert_element_type3A_579 = arith.fptosi %mul3A_578 : vector<16xf32> to vector<16xi32>
        %jit3A_580 = arith.constant 0 : i32
        %jit3A_581 = arith.constant 127 : i32
        %max3A_582 = vector.broadcast %jit3A_580 : i32 to vector<16xi32>
        %max3A_583 = arith.maxsi %max3A_582, %convert_element_type3A_579 : vector<16xi32>
        %min3A_584 = vector.broadcast %jit3A_581 : i32 to vector<16xi32>
        %min3A_585 = arith.minsi %min3A_584, %max3A_583 : vector<16xi32>
        %shift_left3A_586 = arith.constant 7 : i32
        %shift_left3A_587 = vector.broadcast %shift_left3A_586 : i32 to vector<16xi32>
        %shift_left3A_588 = arith.shli %min3A_585, %shift_left3A_587 : vector<16xi32>
        %add3A_589 = arith.addi %shift_left3A_567, %shift_left3A_588 : vector<16xi32>
        %get3A_590 = arith.index_cast %add3A_546 : i32 to index
        %get3A_591 = tpu.vector_load %arg12[%get3A_590] {strides = array<i32>} : memref<2048xf32, #tpu.memory_space<vmem>>, vector<16xf32>,
        %mul3A_592 = arith.constant 5.000000e-01 : f32
        %mul3A_593 = vector.broadcast %mul3A_592 : f32 to vector<16xf32>
        %mul3A_594 = arith.mulf %get3A_591, %mul3A_593 : vector<16xf32>
        %add3A_595 = arith.constant 5.000000e-01 : f32
        %add3A_596 = vector.broadcast %add3A_595 : f32 to vector<16xf32>
        %add3A_597 = arith.addf %mul3A_594, %add3A_596 : vector<16xf32>
        %mul3A_598 = arith.constant 1.280000e+02 : f32
        %mul3A_599 = vector.broadcast %mul3A_598 : f32 to vector<16xf32>
        %mul3A_600 = arith.mulf %add3A_597, %mul3A_599 : vector<16xf32>
        %convert_element_type3A_601 = arith.fptosi %mul3A_600 : vector<16xf32> to vector<16xi32>
        %jit3A_602 = arith.constant 0 : i32
        %jit3A_603 = arith.constant 127 : i32
        %max3A_604 = vector.broadcast %jit3A_602 : i32 to vector<16xi32>
        %max3A_605 = arith.maxsi %max3A_604, %convert_element_type3A_601 : vector<16xi32>
        %min3A_606 = vector.broadcast %jit3A_603 : i32 to vector<16xi32>
        %min3A_607 = arith.minsi %min3A_606, %max3A_605 : vector<16xi32>
        %add3A_608 = arith.addi %add3A_589, %min3A_607 : vector<16xi32>
        %get3A_609 = arith.index_cast %add3A_546 : i32 to index
        %get3A_610 = tpu.vector_load %arg13[%get3A_609] {strides = array<i32>} : memref<2048xi32, #tpu.memory_space<vmem>>, vector<16xi32>,
        %lt3A_611 = arith.constant 0 : i32
        %lt3A_612 = vector.broadcast %lt3A_611 : i32 to vector<16xi32>
        %lt3A_613 = arith.cmpi slt, %get3A_610, %lt3A_612 : vector<16xi32>
        %add3A_614 = arith.constant 16 : i32
        %add3A_615 = vector.broadcast %add3A_614 : i32 to vector<16xi32>
        %add3A_616 = arith.addi %get3A_610, %add3A_615 : vector<16xi32>
        %select_n3A_617 = arith.select %lt3A_613, %add3A_616, %get3A_610 : vector<16xi1>, vector<16xi32>
        %reshape3A_618 = vector.shape_cast %select_n3A_617 : vector<16xi32> to vector<16x1xi32>
        %gather3A_619 = vector.shape_cast %reshape3A_618 : vector<16x1xi32> to vector<16xi32>
        %gather3A_620 = tpu.dynamic_gather %get3A_3[%gather3A_619] in [0] : vector<16xi32>, vector<16xi32> -> vector<16xi32>
        %shift_left3A_621 = arith.constant 21 : i32
        %shift_left3A_622 = vector.broadcast %shift_left3A_621 : i32 to vector<16xi32>
        %shift_left3A_623 = arith.shli %gather3A_620, %shift_left3A_622 : vector<16xi32>
        %add3A_624 = arith.addi %shift_left3A_623, %add3A_608 : vector<16xi32>
        %swap3A_625 = arith.index_cast %mul3A_542 : i32 to index
        %swap3A_626 = tpu.vector_load %arg15[%swap3A_625] {strides = array<i32>} : memref<512xi32, #tpu.memory_space<vmem>>, vector<16xi32>,
        tpu.vector_store %arg15[%swap3A_625], %add3A_624 {strides = array<i32>} : memref<512xi32, #tpu.memory_space<vmem>>, vector<16xi32>,
        %scan3A_627 = arith.constant 6 : i32
        %scan3A_628 = arith.addi %scan3A_86, %scan3A_627 : i32
        %mul3A_629 = arith.constant 1 : i32
        %mul3A_630 = arith.muli %scan3A_628, %mul3A_629 : i32
        %add3A_631 = arith.constant 0 : i32
        %add3A_632 = arith.addi %add3A_631, %mul3A_630 : i32
        %mul3A_633 = arith.constant 16 : i32
        %mul3A_634 = arith.muli %add3A_632, %mul3A_633 : i32
        %mul3A_635 = arith.constant 16 : i32
        %mul3A_636 = arith.muli %add3A_632, %mul3A_635 : i32
        %add3A_637 = arith.constant 0 : i32
        %add3A_638 = arith.addi %add3A_637, %mul3A_636 : i32
        %get3A_639 = arith.index_cast %add3A_638 : i32 to index
        %get3A_640 = tpu.vector_load %arg10[%get3A_639] {strides = array<i32>} : memref<2048xf32, #tpu.memory_space<vmem>>, vector<16xf32>,
        %mul3A_641 = arith.constant 5.000000e-01 : f32
        %mul3A_642 = vector.broadcast %mul3A_641 : f32 to vector<16xf32>
        %mul3A_643 = arith.mulf %get3A_640, %mul3A_642 : vector<16xf32>
        %add3A_644 = arith.constant 5.000000e-01 : f32
        %add3A_645 = vector.broadcast %add3A_644 : f32 to vector<16xf32>
        %add3A_646 = arith.addf %mul3A_643, %add3A_645 : vector<16xf32>
        %mul3A_647 = arith.constant 1.280000e+02 : f32
        %mul3A_648 = vector.broadcast %mul3A_647 : f32 to vector<16xf32>
        %mul3A_649 = arith.mulf %add3A_646, %mul3A_648 : vector<16xf32>
        %convert_element_type3A_650 = arith.fptosi %mul3A_649 : vector<16xf32> to vector<16xi32>
        %jit3A_651 = arith.constant 0 : i32
        %jit3A_652 = arith.constant 127 : i32
        %max3A_653 = vector.broadcast %jit3A_651 : i32 to vector<16xi32>
        %max3A_654 = arith.maxsi %max3A_653, %convert_element_type3A_650 : vector<16xi32>
        %min3A_655 = vector.broadcast %jit3A_652 : i32 to vector<16xi32>
        %min3A_656 = arith.minsi %min3A_655, %max3A_654 : vector<16xi32>
        %shift_left3A_657 = arith.constant 14 : i32
        %shift_left3A_658 = vector.broadcast %shift_left3A_657 : i32 to vector<16xi32>
        %shift_left3A_659 = arith.shli %min3A_656, %shift_left3A_658 : vector<16xi32>
        %get3A_660 = arith.index_cast %add3A_638 : i32 to index
        %get3A_661 = tpu.vector_load %arg11[%get3A_660] {strides = array<i32>} : memref<2048xf32, #tpu.memory_space<vmem>>, vector<16xf32>,
        %mul3A_662 = arith.constant 5.000000e-01 : f32
        %mul3A_663 = vector.broadcast %mul3A_662 : f32 to vector<16xf32>
        %mul3A_664 = arith.mulf %get3A_661, %mul3A_663 : vector<16xf32>
        %add3A_665 = arith.constant 5.000000e-01 : f32
        %add3A_666 = vector.broadcast %add3A_665 : f32 to vector<16xf32>
        %add3A_667 = arith.addf %mul3A_664, %add3A_666 : vector<16xf32>
        %mul3A_668 = arith.constant 1.280000e+02 : f32
        %mul3A_669 = vector.broadcast %mul3A_668 : f32 to vector<16xf32>
        %mul3A_670 = arith.mulf %add3A_667, %mul3A_669 : vector<16xf32>
        %convert_element_type3A_671 = arith.fptosi %mul3A_670 : vector<16xf32> to vector<16xi32>
        %jit3A_672 = arith.constant 0 : i32
        %jit3A_673 = arith.constant 127 : i32
        %max3A_674 = vector.broadcast %jit3A_672 : i32 to vector<16xi32>
        %max3A_675 = arith.maxsi %max3A_674, %convert_element_type3A_671 : vector<16xi32>
        %min3A_676 = vector.broadcast %jit3A_673 : i32 to vector<16xi32>
        %min3A_677 = arith.minsi %min3A_676, %max3A_675 : vector<16xi32>
        %shift_left3A_678 = arith.constant 7 : i32
        %shift_left3A_679 = vector.broadcast %shift_left3A_678 : i32 to vector<16xi32>
        %shift_left3A_680 = arith.shli %min3A_677, %shift_left3A_679 : vector<16xi32>
        %add3A_681 = arith.addi %shift_left3A_659, %shift_left3A_680 : vector<16xi32>
        %get3A_682 = arith.index_cast %add3A_638 : i32 to index
        %get3A_683 = tpu.vector_load %arg12[%get3A_682] {strides = array<i32>} : memref<2048xf32, #tpu.memory_space<vmem>>, vector<16xf32>,
        %mul3A_684 = arith.constant 5.000000e-01 : f32
        %mul3A_685 = vector.broadcast %mul3A_684 : f32 to vector<16xf32>
        %mul3A_686 = arith.mulf %get3A_683, %mul3A_685 : vector<16xf32>
        %add3A_687 = arith.constant 5.000000e-01 : f32
        %add3A_688 = vector.broadcast %add3A_687 : f32 to vector<16xf32>
        %add3A_689 = arith.addf %mul3A_686, %add3A_688 : vector<16xf32>
        %mul3A_690 = arith.constant 1.280000e+02 : f32
        %mul3A_691 = vector.broadcast %mul3A_690 : f32 to vector<16xf32>
        %mul3A_692 = arith.mulf %add3A_689, %mul3A_691 : vector<16xf32>
        %convert_element_type3A_693 = arith.fptosi %mul3A_692 : vector<16xf32> to vector<16xi32>
        %jit3A_694 = arith.constant 0 : i32
        %jit3A_695 = arith.constant 127 : i32
        %max3A_696 = vector.broadcast %jit3A_694 : i32 to vector<16xi32>
        %max3A_697 = arith.maxsi %max3A_696, %convert_element_type3A_693 : vector<16xi32>
        %min3A_698 = vector.broadcast %jit3A_695 : i32 to vector<16xi32>
        %min3A_699 = arith.minsi %min3A_698, %max3A_697 : vector<16xi32>
        %add3A_700 = arith.addi %add3A_681, %min3A_699 : vector<16xi32>
        %get3A_701 = arith.index_cast %add3A_638 : i32 to index
        %get3A_702 = tpu.vector_load %arg13[%get3A_701] {strides = array<i32>} : memref<2048xi32, #tpu.memory_space<vmem>>, vector<16xi32>,
        %lt3A_703 = arith.constant 0 : i32
        %lt3A_704 = vector.broadcast %lt3A_703 : i32 to vector<16xi32>
        %lt3A_705 = arith.cmpi slt, %get3A_702, %lt3A_704 : vector<16xi32>
        %add3A_706 = arith.constant 16 : i32
        %add3A_707 = vector.broadcast %add3A_706 : i32 to vector<16xi32>
        %add3A_708 = arith.addi %get3A_702, %add3A_707 : vector<16xi32>
        %select_n3A_709 = arith.select %lt3A_705, %add3A_708, %get3A_702 : vector<16xi1>, vector<16xi32>
        %reshape3A_710 = vector.shape_cast %select_n3A_709 : vector<16xi32> to vector<16x1xi32>
        %gather3A_711 = vector.shape_cast %reshape3A_710 : vector<16x1xi32> to vector<16xi32>
        %gather3A_712 = tpu.dynamic_gather %get3A_3[%gather3A_711] in [0] : vector<16xi32>, vector<16xi32> -> vector<16xi32>
        %shift_left3A_713 = arith.constant 21 : i32
        %shift_left3A_714 = vector.broadcast %shift_left3A_713 : i32 to vector<16xi32>
        %shift_left3A_715 = arith.shli %gather3A_712, %shift_left3A_714 : vector<16xi32>
        %add3A_716 = arith.addi %shift_left3A_715, %add3A_700 : vector<16xi32>
        %swap3A_717 = arith.index_cast %mul3A_634 : i32 to index
        %swap3A_718 = tpu.vector_load %arg15[%swap3A_717] {strides = array<i32>} : memref<512xi32, #tpu.memory_space<vmem>>, vector<16xi32>,
        tpu.vector_store %arg15[%swap3A_717], %add3A_716 {strides = array<i32>} : memref<512xi32, #tpu.memory_space<vmem>>, vector<16xi32>,
        %scan3A_719 = arith.constant 7 : i32
        %scan3A_720 = arith.addi %scan3A_86, %scan3A_719 : i32
        %mul3A_721 = arith.constant 1 : i32
        %mul3A_722 = arith.muli %scan3A_720, %mul3A_721 : i32
        %add3A_723 = arith.constant 0 : i32
        %add3A_724 = arith.addi %add3A_723, %mul3A_722 : i32
        %mul3A_725 = arith.constant 16 : i32
        %mul3A_726 = arith.muli %add3A_724, %mul3A_725 : i32
        %mul3A_727 = arith.constant 16 : i32
        %mul3A_728 = arith.muli %add3A_724, %mul3A_727 : i32
        %add3A_729 = arith.constant 0 : i32
        %add3A_730 = arith.addi %add3A_729, %mul3A_728 : i32
        %get3A_731 = arith.index_cast %add3A_730 : i32 to index
        %get3A_732 = tpu.vector_load %arg10[%get3A_731] {strides = array<i32>} : memref<2048xf32, #tpu.memory_space<vmem>>, vector<16xf32>,
        %mul3A_733 = arith.constant 5.000000e-01 : f32
        %mul3A_734 = vector.broadcast %mul3A_733 : f32 to vector<16xf32>
        %mul3A_735 = arith.mulf %get3A_732, %mul3A_734 : vector<16xf32>
        %add3A_736 = arith.constant 5.000000e-01 : f32
        %add3A_737 = vector.broadcast %add3A_736 : f32 to vector<16xf32>
        %add3A_738 = arith.addf %mul3A_735, %add3A_737 : vector<16xf32>
        %mul3A_739 = arith.constant 1.280000e+02 : f32
        %mul3A_740 = vector.broadcast %mul3A_739 : f32 to vector<16xf32>
        %mul3A_741 = arith.mulf %add3A_738, %mul3A_740 : vector<16xf32>
        %convert_element_type3A_742 = arith.fptosi %mul3A_741 : vector<16xf32> to vector<16xi32>
        %jit3A_743 = arith.constant 0 : i32
        %jit3A_744 = arith.constant 127 : i32
        %max3A_745 = vector.broadcast %jit3A_743 : i32 to vector<16xi32>
        %max3A_746 = arith.maxsi %max3A_745, %convert_element_type3A_742 : vector<16xi32>
        %min3A_747 = vector.broadcast %jit3A_744 : i32 to vector<16xi32>
        %min3A_748 = arith.minsi %min3A_747, %max3A_746 : vector<16xi32>
        %shift_left3A_749 = arith.constant 14 : i32
        %shift_left3A_750 = vector.broadcast %shift_left3A_749 : i32 to vector<16xi32>
        %shift_left3A_751 = arith.shli %min3A_748, %shift_left3A_750 : vector<16xi32>
        %get3A_752 = arith.index_cast %add3A_730 : i32 to index
        %get3A_753 = tpu.vector_load %arg11[%get3A_752] {strides = array<i32>} : memref<2048xf32, #tpu.memory_space<vmem>>, vector<16xf32>,
        %mul3A_754 = arith.constant 5.000000e-01 : f32
        %mul3A_755 = vector.broadcast %mul3A_754 : f32 to vector<16xf32>
        %mul3A_756 = arith.mulf %get3A_753, %mul3A_755 : vector<16xf32>
        %add3A_757 = arith.constant 5.000000e-01 : f32
        %add3A_758 = vector.broadcast %add3A_757 : f32 to vector<16xf32>
        %add3A_759 = arith.addf %mul3A_756, %add3A_758 : vector<16xf32>
        %mul3A_760 = arith.constant 1.280000e+02 : f32
        %mul3A_761 = vector.broadcast %mul3A_760 : f32 to vector<16xf32>
        %mul3A_762 = arith.mulf %add3A_759, %mul3A_761 : vector<16xf32>
        %convert_element_type3A_763 = arith.fptosi %mul3A_762 : vector<16xf32> to vector<16xi32>
        %jit3A_764 = arith.constant 0 : i32
        %jit3A_765 = arith.constant 127 : i32
        %max3A_766 = vector.broadcast %jit3A_764 : i32 to vector<16xi32>
        %max3A_767 = arith.maxsi %max3A_766, %convert_element_type3A_763 : vector<16xi32>
        %min3A_768 = vector.broadcast %jit3A_765 : i32 to vector<16xi32>
        %min3A_769 = arith.minsi %min3A_768, %max3A_767 : vector<16xi32>
        %shift_left3A_770 = arith.constant 7 : i32
        %shift_left3A_771 = vector.broadcast %shift_left3A_770 : i32 to vector<16xi32>
        %shift_left3A_772 = arith.shli %min3A_769, %shift_left3A_771 : vector<16xi32>
        %add3A_773 = arith.addi %shift_left3A_751, %shift_left3A_772 : vector<16xi32>
        %get3A_774 = arith.index_cast %add3A_730 : i32 to index
        %get3A_775 = tpu.vector_load %arg12[%get3A_774] {strides = array<i32>} : memref<2048xf32, #tpu.memory_space<vmem>>, vector<16xf32>,
        %mul3A_776 = arith.constant 5.000000e-01 : f32
        %mul3A_777 = vector.broadcast %mul3A_776 : f32 to vector<16xf32>
        %mul3A_778 = arith.mulf %get3A_775, %mul3A_777 : vector<16xf32>
        %add3A_779 = arith.constant 5.000000e-01 : f32
        %add3A_780 = vector.broadcast %add3A_779 : f32 to vector<16xf32>
        %add3A_781 = arith.addf %mul3A_778, %add3A_780 : vector<16xf32>
        %mul3A_782 = arith.constant 1.280000e+02 : f32
        %mul3A_783 = vector.broadcast %mul3A_782 : f32 to vector<16xf32>
        %mul3A_784 = arith.mulf %add3A_781, %mul3A_783 : vector<16xf32>
        %convert_element_type3A_785 = arith.fptosi %mul3A_784 : vector<16xf32> to vector<16xi32>
        %jit3A_786 = arith.constant 0 : i32
        %jit3A_787 = arith.constant 127 : i32
        %max3A_788 = vector.broadcast %jit3A_786 : i32 to vector<16xi32>
        %max3A_789 = arith.maxsi %max3A_788, %convert_element_type3A_785 : vector<16xi32>
        %min3A_790 = vector.broadcast %jit3A_787 : i32 to vector<16xi32>
        %min3A_791 = arith.minsi %min3A_790, %max3A_789 : vector<16xi32>
        %add3A_792 = arith.addi %add3A_773, %min3A_791 : vector<16xi32>
        %get3A_793 = arith.index_cast %add3A_730 : i32 to index
        %get3A_794 = tpu.vector_load %arg13[%get3A_793] {strides = array<i32>} : memref<2048xi32, #tpu.memory_space<vmem>>, vector<16xi32>,
        %lt3A_795 = arith.constant 0 : i32
        %lt3A_796 = vector.broadcast %lt3A_795 : i32 to vector<16xi32>
        %lt3A_797 = arith.cmpi slt, %get3A_794, %lt3A_796 : vector<16xi32>
        %add3A_798 = arith.constant 16 : i32
        %add3A_799 = vector.broadcast %add3A_798 : i32 to vector<16xi32>
        %add3A_800 = arith.addi %get3A_794, %add3A_799 : vector<16xi32>
        %select_n3A_801 = arith.select %lt3A_797, %add3A_800, %get3A_794 : vector<16xi1>, vector<16xi32>
        %reshape3A_802 = vector.shape_cast %select_n3A_801 : vector<16xi32> to vector<16x1xi32>
        %gather3A_803 = vector.shape_cast %reshape3A_802 : vector<16x1xi32> to vector<16xi32>
        %gather3A_804 = tpu.dynamic_gather %get3A_3[%gather3A_803] in [0] : vector<16xi32>, vector<16xi32> -> vector<16xi32>
        %shift_left3A_805 = arith.constant 21 : i32
        %shift_left3A_806 = vector.broadcast %shift_left3A_805 : i32 to vector<16xi32>
        %shift_left3A_807 = arith.shli %gather3A_804, %shift_left3A_806 : vector<16xi32>
        %add3A_808 = arith.addi %shift_left3A_807, %add3A_792 : vector<16xi32>
        %swap3A_809 = arith.index_cast %mul3A_726 : i32 to index
        %swap3A_810 = tpu.vector_load %arg15[%swap3A_809] {strides = array<i32>} : memref<512xi32, #tpu.memory_space<vmem>>, vector<16xi32>,
        tpu.vector_store %arg15[%swap3A_809], %add3A_808 {strides = array<i32>} : memref<512xi32, #tpu.memory_space<vmem>>, vector<16xi32>,
      }
      %scan3A_20 = arith.constant 32 : i32
      %scan3A_21 = arith.constant 0 : i32
      %scan3A_22 = arith.constant 32 : i32
      %scan3A_23 = arith.addi %scan3A_21, %scan3A_22 : i32
      %scan3A_24 = arith.constant 8 : i32
      scf.for %scan3A_86 = %scan3A_21 to %scan3A_23 step %scan3A_24  : i32 {
        %mul3A_87 = arith.constant 1 : i32
        %mul3A_88 = arith.muli %scan3A_86, %mul3A_87 : i32
        %add3A_89 = arith.constant 0 : i32
        %add3A_90 = arith.addi %add3A_89, %mul3A_88 : i32
        %mul3A_91 = arith.constant 16 : i32
        %mul3A_92 = arith.muli %add3A_90, %mul3A_91 : i32
        %mul3A_93 = arith.constant 16 : i32
        %mul3A_94 = arith.muli %add3A_90, %mul3A_93 : i32
        %add3A_95 = arith.constant 512 : i32
        %add3A_96 = arith.addi %add3A_95, %mul3A_94 : i32
        %get3A_97 = arith.index_cast %add3A_96 : i32 to index
        %get3A_98 = tpu.vector_load %arg10[%get3A_97] {strides = array<i32>} : memref<2048xf32, #tpu.memory_space<vmem>>, vector<16xf32>,
        %mul3A_99 = arith.constant 5.000000e-01 : f32
        %mul3A_100 = vector.broadcast %mul3A_99 : f32 to vector<16xf32>
        %mul3A_101 = arith.mulf %get3A_98, %mul3A_100 : vector<16xf32>
        %add3A_102 = arith.constant 5.000000e-01 : f32
        %add3A_103 = vector.broadcast %add3A_102 : f32 to vector<16xf32>
        %add3A_104 = arith.addf %mul3A_101, %add3A_103 : vector<16xf32>
        %mul3A_105 = arith.constant 1.280000e+02 : f32
        %mul3A_106 = vector.broadcast %mul3A_105 : f32 to vector<16xf32>
        %mul3A_107 = arith.mulf %add3A_104, %mul3A_106 : vector<16xf32>
        %convert_element_type3A = arith.fptosi %mul3A_107 : vector<16xf32> to vector<16xi32>
        %jit3A = arith.constant 0 : i32
        %jit3A_108 = arith.constant 127 : i32
        %max3A = vector.broadcast %jit3A : i32 to vector<16xi32>
        %max3A_109 = arith.maxsi %max3A, %convert_element_type3A : vector<16xi32>
        %min3A = vector.broadcast %jit3A_108 : i32 to vector<16xi32>
        %min3A_110 = arith.minsi %min3A, %max3A_109 : vector<16xi32>
        %shift_left3A = arith.constant 14 : i32
        %shift_left3A_111 = vector.broadcast %shift_left3A : i32 to vector<16xi32>
        %shift_left3A_112 = arith.shli %min3A_110, %shift_left3A_111 : vector<16xi32>
        %get3A_113 = arith.index_cast %add3A_96 : i32 to index
        %get3A_114 = tpu.vector_load %arg11[%get3A_113] {strides = array<i32>} : memref<2048xf32, #tpu.memory_space<vmem>>, vector<16xf32>,
        %mul3A_115 = arith.constant 5.000000e-01 : f32
        %mul3A_116 = vector.broadcast %mul3A_115 : f32 to vector<16xf32>
        %mul3A_117 = arith.mulf %get3A_114, %mul3A_116 : vector<16xf32>
        %add3A_118 = arith.constant 5.000000e-01 : f32
        %add3A_119 = vector.broadcast %add3A_118 : f32 to vector<16xf32>
        %add3A_120 = arith.addf %mul3A_117, %add3A_119 : vector<16xf32>
        %mul3A_121 = arith.constant 1.280000e+02 : f32
        %mul3A_122 = vector.broadcast %mul3A_121 : f32 to vector<16xf32>
        %mul3A_123 = arith.mulf %add3A_120, %mul3A_122 : vector<16xf32>
        %convert_element_type3A_124 = arith.fptosi %mul3A_123 : vector<16xf32> to vector<16xi32>
        %jit3A_125 = arith.constant 0 : i32
        %jit3A_126 = arith.constant 127 : i32
        %max3A_127 = vector.broadcast %jit3A_125 : i32 to vector<16xi32>
        %max3A_128 = arith.maxsi %max3A_127, %convert_element_type3A_124 : vector<16xi32>
        %min3A_129 = vector.broadcast %jit3A_126 : i32 to vector<16xi32>
        %min3A_130 = arith.minsi %min3A_129, %max3A_128 : vector<16xi32>
        %shift_left3A_131 = arith.constant 7 : i32
        %shift_left3A_132 = vector.broadcast %shift_left3A_131 : i32 to vector<16xi32>
        %shift_left3A_133 = arith.shli %min3A_130, %shift_left3A_132 : vector<16xi32>
        %add3A_134 = arith.addi %shift_left3A_112, %shift_left3A_133 : vector<16xi32>
        %get3A_135 = arith.index_cast %add3A_96 : i32 to index
        %get3A_136 = tpu.vector_load %arg12[%get3A_135] {strides = array<i32>} : memref<2048xf32, #tpu.memory_space<vmem>>, vector<16xf32>,
        %mul3A_137 = arith.constant 5.000000e-01 : f32
        %mul3A_138 = vector.broadcast %mul3A_137 : f32 to vector<16xf32>
        %mul3A_139 = arith.mulf %get3A_136, %mul3A_138 : vector<16xf32>
        %add3A_140 = arith.constant 5.000000e-01 : f32
        %add3A_141 = vector.broadcast %add3A_140 : f32 to vector<16xf32>
        %add3A_142 = arith.addf %mul3A_139, %add3A_141 : vector<16xf32>
        %mul3A_143 = arith.constant 1.280000e+02 : f32
        %mul3A_144 = vector.broadcast %mul3A_143 : f32 to vector<16xf32>
        %mul3A_145 = arith.mulf %add3A_142, %mul3A_144 : vector<16xf32>
        %convert_element_type3A_146 = arith.fptosi %mul3A_145 : vector<16xf32> to vector<16xi32>
        %jit3A_147 = arith.constant 0 : i32
        %jit3A_148 = arith.constant 127 : i32
        %max3A_149 = vector.broadcast %jit3A_147 : i32 to vector<16xi32>
        %max3A_150 = arith.maxsi %max3A_149, %convert_element_type3A_146 : vector<16xi32>
        %min3A_151 = vector.broadcast %jit3A_148 : i32 to vector<16xi32>
        %min3A_152 = arith.minsi %min3A_151, %max3A_150 : vector<16xi32>
        %add3A_153 = arith.addi %add3A_134, %min3A_152 : vector<16xi32>
        %get3A_154 = arith.index_cast %add3A_96 : i32 to index
        %get3A_155 = tpu.vector_load %arg13[%get3A_154] {strides = array<i32>} : memref<2048xi32, #tpu.memory_space<vmem>>, vector<16xi32>,
        %lt3A = arith.constant 0 : i32
        %lt3A_156 = vector.broadcast %lt3A : i32 to vector<16xi32>
        %lt3A_157 = arith.cmpi slt, %get3A_155, %lt3A_156 : vector<16xi32>
        %add3A_158 = arith.constant 16 : i32
        %add3A_159 = vector.broadcast %add3A_158 : i32 to vector<16xi32>
        %add3A_160 = arith.addi %get3A_155, %add3A_159 : vector<16xi32>
        %select_n3A = arith.select %lt3A_157, %add3A_160, %get3A_155 : vector<16xi1>, vector<16xi32>
        %reshape3A = vector.shape_cast %select_n3A : vector<16xi32> to vector<16x1xi32>
        %gather3A = vector.shape_cast %reshape3A : vector<16x1xi32> to vector<16xi32>
        %gather3A_161 = tpu.dynamic_gather %get3A_3[%gather3A] in [0] : vector<16xi32>, vector<16xi32> -> vector<16xi32>
        %shift_left3A_162 = arith.constant 21 : i32
        %shift_left3A_163 = vector.broadcast %shift_left3A_162 : i32 to vector<16xi32>
        %shift_left3A_164 = arith.shli %gather3A_161, %shift_left3A_163 : vector<16xi32>
        %add3A_165 = arith.addi %shift_left3A_164, %add3A_153 : vector<16xi32>
        %swap3A = arith.index_cast %mul3A_92 : i32 to index
        %swap3A_166 = tpu.vector_load %arg16[%swap3A] {strides = array<i32>} : memref<512xi32, #tpu.memory_space<vmem>>, vector<16xi32>,
        tpu.vector_store %arg16[%swap3A], %add3A_165 {strides = array<i32>} : memref<512xi32, #tpu.memory_space<vmem>>, vector<16xi32>,
        %scan3A_167 = arith.constant 1 : i32
        %scan3A_168 = arith.addi %scan3A_86, %scan3A_167 : i32
        %mul3A_169 = arith.constant 1 : i32
        %mul3A_170 = arith.muli %scan3A_168, %mul3A_169 : i32
        %add3A_171 = arith.constant 0 : i32
        %add3A_172 = arith.addi %add3A_171, %mul3A_170 : i32
        %mul3A_173 = arith.constant 16 : i32
        %mul3A_174 = arith.muli %add3A_172, %mul3A_173 : i32
        %mul3A_175 = arith.constant 16 : i32
        %mul3A_176 = arith.muli %add3A_172, %mul3A_175 : i32
        %add3A_177 = arith.constant 512 : i32
        %add3A_178 = arith.addi %add3A_177, %mul3A_176 : i32
        %get3A_179 = arith.index_cast %add3A_178 : i32 to index
        %get3A_180 = tpu.vector_load %arg10[%get3A_179] {strides = array<i32>} : memref<2048xf32, #tpu.memory_space<vmem>>, vector<16xf32>,
        %mul3A_181 = arith.constant 5.000000e-01 : f32
        %mul3A_182 = vector.broadcast %mul3A_181 : f32 to vector<16xf32>
        %mul3A_183 = arith.mulf %get3A_180, %mul3A_182 : vector<16xf32>
        %add3A_184 = arith.constant 5.000000e-01 : f32
        %add3A_185 = vector.broadcast %add3A_184 : f32 to vector<16xf32>
        %add3A_186 = arith.addf %mul3A_183, %add3A_185 : vector<16xf32>
        %mul3A_187 = arith.constant 1.280000e+02 : f32
        %mul3A_188 = vector.broadcast %mul3A_187 : f32 to vector<16xf32>
        %mul3A_189 = arith.mulf %add3A_186, %mul3A_188 : vector<16xf32>
        %convert_element_type3A_190 = arith.fptosi %mul3A_189 : vector<16xf32> to vector<16xi32>
        %jit3A_191 = arith.constant 0 : i32
        %jit3A_192 = arith.constant 127 : i32
        %max3A_193 = vector.broadcast %jit3A_191 : i32 to vector<16xi32>
        %max3A_194 = arith.maxsi %max3A_193, %convert_element_type3A_190 : vector<16xi32>
        %min3A_195 = vector.broadcast %jit3A_192 : i32 to vector<16xi32>
        %min3A_196 = arith.minsi %min3A_195, %max3A_194 : vector<16xi32>
        %shift_left3A_197 = arith.constant 14 : i32
        %shift_left3A_198 = vector.broadcast %shift_left3A_197 : i32 to vector<16xi32>
        %shift_left3A_199 = arith.shli %min3A_196, %shift_left3A_198 : vector<16xi32>
        %get3A_200 = arith.index_cast %add3A_178 : i32 to index
        %get3A_201 = tpu.vector_load %arg11[%get3A_200] {strides = array<i32>} : memref<2048xf32, #tpu.memory_space<vmem>>, vector<16xf32>,
        %mul3A_202 = arith.constant 5.000000e-01 : f32
        %mul3A_203 = vector.broadcast %mul3A_202 : f32 to vector<16xf32>
        %mul3A_204 = arith.mulf %get3A_201, %mul3A_203 : vector<16xf32>
        %add3A_205 = arith.constant 5.000000e-01 : f32
        %add3A_206 = vector.broadcast %add3A_205 : f32 to vector<16xf32>
        %add3A_207 = arith.addf %mul3A_204, %add3A_206 : vector<16xf32>
        %mul3A_208 = arith.constant 1.280000e+02 : f32
        %mul3A_209 = vector.broadcast %mul3A_208 : f32 to vector<16xf32>
        %mul3A_210 = arith.mulf %add3A_207, %mul3A_209 : vector<16xf32>
        %convert_element_type3A_211 = arith.fptosi %mul3A_210 : vector<16xf32> to vector<16xi32>
        %jit3A_212 = arith.constant 0 : i32
        %jit3A_213 = arith.constant 127 : i32
        %max3A_214 = vector.broadcast %jit3A_212 : i32 to vector<16xi32>
        %max3A_215 = arith.maxsi %max3A_214, %convert_element_type3A_211 : vector<16xi32>
        %min3A_216 = vector.broadcast %jit3A_213 : i32 to vector<16xi32>
        %min3A_217 = arith.minsi %min3A_216, %max3A_215 : vector<16xi32>
        %shift_left3A_218 = arith.constant 7 : i32
        %shift_left3A_219 = vector.broadcast %shift_left3A_218 : i32 to vector<16xi32>
        %shift_left3A_220 = arith.shli %min3A_217, %shift_left3A_219 : vector<16xi32>
        %add3A_221 = arith.addi %shift_left3A_199, %shift_left3A_220 : vector<16xi32>
        %get3A_222 = arith.index_cast %add3A_178 : i32 to index
        %get3A_223 = tpu.vector_load %arg12[%get3A_222] {strides = array<i32>} : memref<2048xf32, #tpu.memory_space<vmem>>, vector<16xf32>,
        %mul3A_224 = arith.constant 5.000000e-01 : f32
        %mul3A_225 = vector.broadcast %mul3A_224 : f32 to vector<16xf32>
        %mul3A_226 = arith.mulf %get3A_223, %mul3A_225 : vector<16xf32>
        %add3A_227 = arith.constant 5.000000e-01 : f32
        %add3A_228 = vector.broadcast %add3A_227 : f32 to vector<16xf32>
        %add3A_229 = arith.addf %mul3A_226, %add3A_228 : vector<16xf32>
        %mul3A_230 = arith.constant 1.280000e+02 : f32
        %mul3A_231 = vector.broadcast %mul3A_230 : f32 to vector<16xf32>
        %mul3A_232 = arith.mulf %add3A_229, %mul3A_231 : vector<16xf32>
        %convert_element_type3A_233 = arith.fptosi %mul3A_232 : vector<16xf32> to vector<16xi32>
        %jit3A_234 = arith.constant 0 : i32
        %jit3A_235 = arith.constant 127 : i32
        %max3A_236 = vector.broadcast %jit3A_234 : i32 to vector<16xi32>
        %max3A_237 = arith.maxsi %max3A_236, %convert_element_type3A_233 : vector<16xi32>
        %min3A_238 = vector.broadcast %jit3A_235 : i32 to vector<16xi32>
        %min3A_239 = arith.minsi %min3A_238, %max3A_237 : vector<16xi32>
        %add3A_240 = arith.addi %add3A_221, %min3A_239 : vector<16xi32>
        %get3A_241 = arith.index_cast %add3A_178 : i32 to index
        %get3A_242 = tpu.vector_load %arg13[%get3A_241] {strides = array<i32>} : memref<2048xi32, #tpu.memory_space<vmem>>, vector<16xi32>,
        %lt3A_243 = arith.constant 0 : i32
        %lt3A_244 = vector.broadcast %lt3A_243 : i32 to vector<16xi32>
        %lt3A_245 = arith.cmpi slt, %get3A_242, %lt3A_244 : vector<16xi32>
        %add3A_246 = arith.constant 16 : i32
        %add3A_247 = vector.broadcast %add3A_246 : i32 to vector<16xi32>
        %add3A_248 = arith.addi %get3A_242, %add3A_247 : vector<16xi32>
        %select_n3A_249 = arith.select %lt3A_245, %add3A_248, %get3A_242 : vector<16xi1>, vector<16xi32>
        %reshape3A_250 = vector.shape_cast %select_n3A_249 : vector<16xi32> to vector<16x1xi32>
        %gather3A_251 = vector.shape_cast %reshape3A_250 : vector<16x1xi32> to vector<16xi32>
        %gather3A_252 = tpu.dynamic_gather %get3A_3[%gather3A_251] in [0] : vector<16xi32>, vector<16xi32> -> vector<16xi32>
        %shift_left3A_253 = arith.constant 21 : i32
        %shift_left3A_254 = vector.broadcast %shift_left3A_253 : i32 to vector<16xi32>
        %shift_left3A_255 = arith.shli %gather3A_252, %shift_left3A_254 : vector<16xi32>
        %add3A_256 = arith.addi %shift_left3A_255, %add3A_240 : vector<16xi32>
        %swap3A_257 = arith.index_cast %mul3A_174 : i32 to index
        %swap3A_258 = tpu.vector_load %arg16[%swap3A_257] {strides = array<i32>} : memref<512xi32, #tpu.memory_space<vmem>>, vector<16xi32>,
        tpu.vector_store %arg16[%swap3A_257], %add3A_256 {strides = array<i32>} : memref<512xi32, #tpu.memory_space<vmem>>, vector<16xi32>,
        %scan3A_259 = arith.constant 2 : i32
        %scan3A_260 = arith.addi %scan3A_86, %scan3A_259 : i32
        %mul3A_261 = arith.constant 1 : i32
        %mul3A_262 = arith.muli %scan3A_260, %mul3A_261 : i32
        %add3A_263 = arith.constant 0 : i32
        %add3A_264 = arith.addi %add3A_263, %mul3A_262 : i32
        %mul3A_265 = arith.constant 16 : i32
        %mul3A_266 = arith.muli %add3A_264, %mul3A_265 : i32
        %mul3A_267 = arith.constant 16 : i32
        %mul3A_268 = arith.muli %add3A_264, %mul3A_267 : i32
        %add3A_269 = arith.constant 512 : i32
        %add3A_270 = arith.addi %add3A_269, %mul3A_268 : i32
        %get3A_271 = arith.index_cast %add3A_270 : i32 to index
        %get3A_272 = tpu.vector_load %arg10[%get3A_271] {strides = array<i32>} : memref<2048xf32, #tpu.memory_space<vmem>>, vector<16xf32>,
        %mul3A_273 = arith.constant 5.000000e-01 : f32
        %mul3A_274 = vector.broadcast %mul3A_273 : f32 to vector<16xf32>
        %mul3A_275 = arith.mulf %get3A_272, %mul3A_274 : vector<16xf32>
        %add3A_276 = arith.constant 5.000000e-01 : f32
        %add3A_277 = vector.broadcast %add3A_276 : f32 to vector<16xf32>
        %add3A_278 = arith.addf %mul3A_275, %add3A_277 : vector<16xf32>
        %mul3A_279 = arith.constant 1.280000e+02 : f32
        %mul3A_280 = vector.broadcast %mul3A_279 : f32 to vector<16xf32>
        %mul3A_281 = arith.mulf %add3A_278, %mul3A_280 : vector<16xf32>
        %convert_element_type3A_282 = arith.fptosi %mul3A_281 : vector<16xf32> to vector<16xi32>
        %jit3A_283 = arith.constant 0 : i32
        %jit3A_284 = arith.constant 127 : i32
        %max3A_285 = vector.broadcast %jit3A_283 : i32 to vector<16xi32>
        %max3A_286 = arith.maxsi %max3A_285, %convert_element_type3A_282 : vector<16xi32>
        %min3A_287 = vector.broadcast %jit3A_284 : i32 to vector<16xi32>
        %min3A_288 = arith.minsi %min3A_287, %max3A_286 : vector<16xi32>
        %shift_left3A_289 = arith.constant 14 : i32
        %shift_left3A_290 = vector.broadcast %shift_left3A_289 : i32 to vector<16xi32>
        %shift_left3A_291 = arith.shli %min3A_288, %shift_left3A_290 : vector<16xi32>
        %get3A_292 = arith.index_cast %add3A_270 : i32 to index
        %get3A_293 = tpu.vector_load %arg11[%get3A_292] {strides = array<i32>} : memref<2048xf32, #tpu.memory_space<vmem>>, vector<16xf32>,
        %mul3A_294 = arith.constant 5.000000e-01 : f32
        %mul3A_295 = vector.broadcast %mul3A_294 : f32 to vector<16xf32>
        %mul3A_296 = arith.mulf %get3A_293, %mul3A_295 : vector<16xf32>
        %add3A_297 = arith.constant 5.000000e-01 : f32
        %add3A_298 = vector.broadcast %add3A_297 : f32 to vector<16xf32>
        %add3A_299 = arith.addf %mul3A_296, %add3A_298 : vector<16xf32>
        %mul3A_300 = arith.constant 1.280000e+02 : f32
        %mul3A_301 = vector.broadcast %mul3A_300 : f32 to vector<16xf32>
        %mul3A_302 = arith.mulf %add3A_299, %mul3A_301 : vector<16xf32>
        %convert_element_type3A_303 = arith.fptosi %mul3A_302 : vector<16xf32> to vector<16xi32>
        %jit3A_304 = arith.constant 0 : i32
        %jit3A_305 = arith.constant 127 : i32
        %max3A_306 = vector.broadcast %jit3A_304 : i32 to vector<16xi32>
        %max3A_307 = arith.maxsi %max3A_306, %convert_element_type3A_303 : vector<16xi32>
        %min3A_308 = vector.broadcast %jit3A_305 : i32 to vector<16xi32>
        %min3A_309 = arith.minsi %min3A_308, %max3A_307 : vector<16xi32>
        %shift_left3A_310 = arith.constant 7 : i32
        %shift_left3A_311 = vector.broadcast %shift_left3A_310 : i32 to vector<16xi32>
        %shift_left3A_312 = arith.shli %min3A_309, %shift_left3A_311 : vector<16xi32>
        %add3A_313 = arith.addi %shift_left3A_291, %shift_left3A_312 : vector<16xi32>
        %get3A_314 = arith.index_cast %add3A_270 : i32 to index
        %get3A_315 = tpu.vector_load %arg12[%get3A_314] {strides = array<i32>} : memref<2048xf32, #tpu.memory_space<vmem>>, vector<16xf32>,
        %mul3A_316 = arith.constant 5.000000e-01 : f32
        %mul3A_317 = vector.broadcast %mul3A_316 : f32 to vector<16xf32>
        %mul3A_318 = arith.mulf %get3A_315, %mul3A_317 : vector<16xf32>
        %add3A_319 = arith.constant 5.000000e-01 : f32
        %add3A_320 = vector.broadcast %add3A_319 : f32 to vector<16xf32>
        %add3A_321 = arith.addf %mul3A_318, %add3A_320 : vector<16xf32>
        %mul3A_322 = arith.constant 1.280000e+02 : f32
        %mul3A_323 = vector.broadcast %mul3A_322 : f32 to vector<16xf32>
        %mul3A_324 = arith.mulf %add3A_321, %mul3A_323 : vector<16xf32>
        %convert_element_type3A_325 = arith.fptosi %mul3A_324 : vector<16xf32> to vector<16xi32>
        %jit3A_326 = arith.constant 0 : i32
        %jit3A_327 = arith.constant 127 : i32
        %max3A_328 = vector.broadcast %jit3A_326 : i32 to vector<16xi32>
        %max3A_329 = arith.maxsi %max3A_328, %convert_element_type3A_325 : vector<16xi32>
        %min3A_330 = vector.broadcast %jit3A_327 : i32 to vector<16xi32>
        %min3A_331 = arith.minsi %min3A_330, %max3A_329 : vector<16xi32>
        %add3A_332 = arith.addi %add3A_313, %min3A_331 : vector<16xi32>
        %get3A_333 = arith.index_cast %add3A_270 : i32 to index
        %get3A_334 = tpu.vector_load %arg13[%get3A_333] {strides = array<i32>} : memref<2048xi32, #tpu.memory_space<vmem>>, vector<16xi32>,
        %lt3A_335 = arith.constant 0 : i32
        %lt3A_336 = vector.broadcast %lt3A_335 : i32 to vector<16xi32>
        %lt3A_337 = arith.cmpi slt, %get3A_334, %lt3A_336 : vector<16xi32>
        %add3A_338 = arith.constant 16 : i32
        %add3A_339 = vector.broadcast %add3A_338 : i32 to vector<16xi32>
        %add3A_340 = arith.addi %get3A_334, %add3A_339 : vector<16xi32>
        %select_n3A_341 = arith.select %lt3A_337, %add3A_340, %get3A_334 : vector<16xi1>, vector<16xi32>
        %reshape3A_342 = vector.shape_cast %select_n3A_341 : vector<16xi32> to vector<16x1xi32>
        %gather3A_343 = vector.shape_cast %reshape3A_342 : vector<16x1xi32> to vector<16xi32>
        %gather3A_344 = tpu.dynamic_gather %get3A_3[%gather3A_343] in [0] : vector<16xi32>, vector<16xi32> -> vector<16xi32>
        %shift_left3A_345 = arith.constant 21 : i32
        %shift_left3A_346 = vector.broadcast %shift_left3A_345 : i32 to vector<16xi32>
        %shift_left3A_347 = arith.shli %gather3A_344, %shift_left3A_346 : vector<16xi32>
        %add3A_348 = arith.addi %shift_left3A_347, %add3A_332 : vector<16xi32>
        %swap3A_349 = arith.index_cast %mul3A_266 : i32 to index
        %swap3A_350 = tpu.vector_load %arg16[%swap3A_349] {strides = array<i32>} : memref<512xi32, #tpu.memory_space<vmem>>, vector<16xi32>,
        tpu.vector_store %arg16[%swap3A_349], %add3A_348 {strides = array<i32>} : memref<512xi32, #tpu.memory_space<vmem>>, vector<16xi32>,
        %scan3A_351 = arith.constant 3 : i32
        %scan3A_352 = arith.addi %scan3A_86, %scan3A_351 : i32
        %mul3A_353 = arith.constant 1 : i32
        %mul3A_354 = arith.muli %scan3A_352, %mul3A_353 : i32
        %add3A_355 = arith.constant 0 : i32
        %add3A_356 = arith.addi %add3A_355, %mul3A_354 : i32
        %mul3A_357 = arith.constant 16 : i32
        %mul3A_358 = arith.muli %add3A_356, %mul3A_357 : i32
        %mul3A_359 = arith.constant 16 : i32
        %mul3A_360 = arith.muli %add3A_356, %mul3A_359 : i32
        %add3A_361 = arith.constant 512 : i32
        %add3A_362 = arith.addi %add3A_361, %mul3A_360 : i32
        %get3A_363 = arith.index_cast %add3A_362 : i32 to index
        %get3A_364 = tpu.vector_load %arg10[%get3A_363] {strides = array<i32>} : memref<2048xf32, #tpu.memory_space<vmem>>, vector<16xf32>,
        %mul3A_365 = arith.constant 5.000000e-01 : f32
        %mul3A_366 = vector.broadcast %mul3A_365 : f32 to vector<16xf32>
        %mul3A_367 = arith.mulf %get3A_364, %mul3A_366 : vector<16xf32>
        %add3A_368 = arith.constant 5.000000e-01 : f32
        %add3A_369 = vector.broadcast %add3A_368 : f32 to vector<16xf32>
        %add3A_370 = arith.addf %mul3A_367, %add3A_369 : vector<16xf32>
        %mul3A_371 = arith.constant 1.280000e+02 : f32
        %mul3A_372 = vector.broadcast %mul3A_371 : f32 to vector<16xf32>
        %mul3A_373 = arith.mulf %add3A_370, %mul3A_372 : vector<16xf32>
        %convert_element_type3A_374 = arith.fptosi %mul3A_373 : vector<16xf32> to vector<16xi32>
        %jit3A_375 = arith.constant 0 : i32
        %jit3A_376 = arith.constant 127 : i32
        %max3A_377 = vector.broadcast %jit3A_375 : i32 to vector<16xi32>
        %max3A_378 = arith.maxsi %max3A_377, %convert_element_type3A_374 : vector<16xi32>
        %min3A_379 = vector.broadcast %jit3A_376 : i32 to vector<16xi32>
        %min3A_380 = arith.minsi %min3A_379, %max3A_378 : vector<16xi32>
        %shift_left3A_381 = arith.constant 14 : i32
        %shift_left3A_382 = vector.broadcast %shift_left3A_381 : i32 to vector<16xi32>
        %shift_left3A_383 = arith.shli %min3A_380, %shift_left3A_382 : vector<16xi32>
        %get3A_384 = arith.index_cast %add3A_362 : i32 to index
        %get3A_385 = tpu.vector_load %arg11[%get3A_384] {strides = array<i32>} : memref<2048xf32, #tpu.memory_space<vmem>>, vector<16xf32>,
        %mul3A_386 = arith.constant 5.000000e-01 : f32
        %mul3A_387 = vector.broadcast %mul3A_386 : f32 to vector<16xf32>
        %mul3A_388 = arith.mulf %get3A_385, %mul3A_387 : vector<16xf32>
        %add3A_389 = arith.constant 5.000000e-01 : f32
        %add3A_390 = vector.broadcast %add3A_389 : f32 to vector<16xf32>
        %add3A_391 = arith.addf %mul3A_388, %add3A_390 : vector<16xf32>
        %mul3A_392 = arith.constant 1.280000e+02 : f32
        %mul3A_393 = vector.broadcast %mul3A_392 : f32 to vector<16xf32>
        %mul3A_394 = arith.mulf %add3A_391, %mul3A_393 : vector<16xf32>
        %convert_element_type3A_395 = arith.fptosi %mul3A_394 : vector<16xf32> to vector<16xi32>
        %jit3A_396 = arith.constant 0 : i32
        %jit3A_397 = arith.constant 127 : i32
        %max3A_398 = vector.broadcast %jit3A_396 : i32 to vector<16xi32>
        %max3A_399 = arith.maxsi %max3A_398, %convert_element_type3A_395 : vector<16xi32>
        %min3A_400 = vector.broadcast %jit3A_397 : i32 to vector<16xi32>
        %min3A_401 = arith.minsi %min3A_400, %max3A_399 : vector<16xi32>
        %shift_left3A_402 = arith.constant 7 : i32
        %shift_left3A_403 = vector.broadcast %shift_left3A_402 : i32 to vector<16xi32>
        %shift_left3A_404 = arith.shli %min3A_401, %shift_left3A_403 : vector<16xi32>
        %add3A_405 = arith.addi %shift_left3A_383, %shift_left3A_404 : vector<16xi32>
        %get3A_406 = arith.index_cast %add3A_362 : i32 to index
        %get3A_407 = tpu.vector_load %arg12[%get3A_406] {strides = array<i32>} : memref<2048xf32, #tpu.memory_space<vmem>>, vector<16xf32>,
        %mul3A_408 = arith.constant 5.000000e-01 : f32
        %mul3A_409 = vector.broadcast %mul3A_408 : f32 to vector<16xf32>
        %mul3A_410 = arith.mulf %get3A_407, %mul3A_409 : vector<16xf32>
        %add3A_411 = arith.constant 5.000000e-01 : f32
        %add3A_412 = vector.broadcast %add3A_411 : f32 to vector<16xf32>
        %add3A_413 = arith.addf %mul3A_410, %add3A_412 : vector<16xf32>
        %mul3A_414 = arith.constant 1.280000e+02 : f32
        %mul3A_415 = vector.broadcast %mul3A_414 : f32 to vector<16xf32>
        %mul3A_416 = arith.mulf %add3A_413, %mul3A_415 : vector<16xf32>
        %convert_element_type3A_417 = arith.fptosi %mul3A_416 : vector<16xf32> to vector<16xi32>
        %jit3A_418 = arith.constant 0 : i32
        %jit3A_419 = arith.constant 127 : i32
        %max3A_420 = vector.broadcast %jit3A_418 : i32 to vector<16xi32>
        %max3A_421 = arith.maxsi %max3A_420, %convert_element_type3A_417 : vector<16xi32>
        %min3A_422 = vector.broadcast %jit3A_419 : i32 to vector<16xi32>
        %min3A_423 = arith.minsi %min3A_422, %max3A_421 : vector<16xi32>
        %add3A_424 = arith.addi %add3A_405, %min3A_423 : vector<16xi32>
        %get3A_425 = arith.index_cast %add3A_362 : i32 to index
        %get3A_426 = tpu.vector_load %arg13[%get3A_425] {strides = array<i32>} : memref<2048xi32, #tpu.memory_space<vmem>>, vector<16xi32>,
        %lt3A_427 = arith.constant 0 : i32
        %lt3A_428 = vector.broadcast %lt3A_427 : i32 to vector<16xi32>
        %lt3A_429 = arith.cmpi slt, %get3A_426, %lt3A_428 : vector<16xi32>
        %add3A_430 = arith.constant 16 : i32
        %add3A_431 = vector.broadcast %add3A_430 : i32 to vector<16xi32>
        %add3A_432 = arith.addi %get3A_426, %add3A_431 : vector<16xi32>
        %select_n3A_433 = arith.select %lt3A_429, %add3A_432, %get3A_426 : vector<16xi1>, vector<16xi32>
        %reshape3A_434 = vector.shape_cast %select_n3A_433 : vector<16xi32> to vector<16x1xi32>
        %gather3A_435 = vector.shape_cast %reshape3A_434 : vector<16x1xi32> to vector<16xi32>
        %gather3A_436 = tpu.dynamic_gather %get3A_3[%gather3A_435] in [0] : vector<16xi32>, vector<16xi32> -> vector<16xi32>
        %shift_left3A_437 = arith.constant 21 : i32
        %shift_left3A_438 = vector.broadcast %shift_left3A_437 : i32 to vector<16xi32>
        %shift_left3A_439 = arith.shli %gather3A_436, %shift_left3A_438 : vector<16xi32>
        %add3A_440 = arith.addi %shift_left3A_439, %add3A_424 : vector<16xi32>
        %swap3A_441 = arith.index_cast %mul3A_358 : i32 to index
        %swap3A_442 = tpu.vector_load %arg16[%swap3A_441] {strides = array<i32>} : memref<512xi32, #tpu.memory_space<vmem>>, vector<16xi32>,
        tpu.vector_store %arg16[%swap3A_441], %add3A_440 {strides = array<i32>} : memref<512xi32, #tpu.memory_space<vmem>>, vector<16xi32>,
        %scan3A_443 = arith.constant 4 : i32
        %scan3A_444 = arith.addi %scan3A_86, %scan3A_443 : i32
        %mul3A_445 = arith.constant 1 : i32
        %mul3A_446 = arith.muli %scan3A_444, %mul3A_445 : i32
        %add3A_447 = arith.constant 0 : i32
        %add3A_448 = arith.addi %add3A_447, %mul3A_446 : i32
        %mul3A_449 = arith.constant 16 : i32
        %mul3A_450 = arith.muli %add3A_448, %mul3A_449 : i32
        %mul3A_451 = arith.constant 16 : i32
        %mul3A_452 = arith.muli %add3A_448, %mul3A_451 : i32
        %add3A_453 = arith.constant 512 : i32
        %add3A_454 = arith.addi %add3A_453, %mul3A_452 : i32
        %get3A_455 = arith.index_cast %add3A_454 : i32 to index
        %get3A_456 = tpu.vector_load %arg10[%get3A_455] {strides = array<i32>} : memref<2048xf32, #tpu.memory_space<vmem>>, vector<16xf32>,
        %mul3A_457 = arith.constant 5.000000e-01 : f32
        %mul3A_458 = vector.broadcast %mul3A_457 : f32 to vector<16xf32>
        %mul3A_459 = arith.mulf %get3A_456, %mul3A_458 : vector<16xf32>
        %add3A_460 = arith.constant 5.000000e-01 : f32
        %add3A_461 = vector.broadcast %add3A_460 : f32 to vector<16xf32>
        %add3A_462 = arith.addf %mul3A_459, %add3A_461 : vector<16xf32>
        %mul3A_463 = arith.constant 1.280000e+02 : f32
        %mul3A_464 = vector.broadcast %mul3A_463 : f32 to vector<16xf32>
        %mul3A_465 = arith.mulf %add3A_462, %mul3A_464 : vector<16xf32>
        %convert_element_type3A_466 = arith.fptosi %mul3A_465 : vector<16xf32> to vector<16xi32>
        %jit3A_467 = arith.constant 0 : i32
        %jit3A_468 = arith.constant 127 : i32
        %max3A_469 = vector.broadcast %jit3A_467 : i32 to vector<16xi32>
        %max3A_470 = arith.maxsi %max3A_469, %convert_element_type3A_466 : vector<16xi32>
        %min3A_471 = vector.broadcast %jit3A_468 : i32 to vector<16xi32>
        %min3A_472 = arith.minsi %min3A_471, %max3A_470 : vector<16xi32>
        %shift_left3A_473 = arith.constant 14 : i32
        %shift_left3A_474 = vector.broadcast %shift_left3A_473 : i32 to vector<16xi32>
        %shift_left3A_475 = arith.shli %min3A_472, %shift_left3A_474 : vector<16xi32>
        %get3A_476 = arith.index_cast %add3A_454 : i32 to index
        %get3A_477 = tpu.vector_load %arg11[%get3A_476] {strides = array<i32>} : memref<2048xf32, #tpu.memory_space<vmem>>, vector<16xf32>,
        %mul3A_478 = arith.constant 5.000000e-01 : f32
        %mul3A_479 = vector.broadcast %mul3A_478 : f32 to vector<16xf32>
        %mul3A_480 = arith.mulf %get3A_477, %mul3A_479 : vector<16xf32>
        %add3A_481 = arith.constant 5.000000e-01 : f32
        %add3A_482 = vector.broadcast %add3A_481 : f32 to vector<16xf32>
        %add3A_483 = arith.addf %mul3A_480, %add3A_482 : vector<16xf32>
        %mul3A_484 = arith.constant 1.280000e+02 : f32
        %mul3A_485 = vector.broadcast %mul3A_484 : f32 to vector<16xf32>
        %mul3A_486 = arith.mulf %add3A_483, %mul3A_485 : vector<16xf32>
        %convert_element_type3A_487 = arith.fptosi %mul3A_486 : vector<16xf32> to vector<16xi32>
        %jit3A_488 = arith.constant 0 : i32
        %jit3A_489 = arith.constant 127 : i32
        %max3A_490 = vector.broadcast %jit3A_488 : i32 to vector<16xi32>
        %max3A_491 = arith.maxsi %max3A_490, %convert_element_type3A_487 : vector<16xi32>
        %min3A_492 = vector.broadcast %jit3A_489 : i32 to vector<16xi32>
        %min3A_493 = arith.minsi %min3A_492, %max3A_491 : vector<16xi32>
        %shift_left3A_494 = arith.constant 7 : i32
        %shift_left3A_495 = vector.broadcast %shift_left3A_494 : i32 to vector<16xi32>
        %shift_left3A_496 = arith.shli %min3A_493, %shift_left3A_495 : vector<16xi32>
        %add3A_497 = arith.addi %shift_left3A_475, %shift_left3A_496 : vector<16xi32>
        %get3A_498 = arith.index_cast %add3A_454 : i32 to index
        %get3A_499 = tpu.vector_load %arg12[%get3A_498] {strides = array<i32>} : memref<2048xf32, #tpu.memory_space<vmem>>, vector<16xf32>,
        %mul3A_500 = arith.constant 5.000000e-01 : f32
        %mul3A_501 = vector.broadcast %mul3A_500 : f32 to vector<16xf32>
        %mul3A_502 = arith.mulf %get3A_499, %mul3A_501 : vector<16xf32>
        %add3A_503 = arith.constant 5.000000e-01 : f32
        %add3A_504 = vector.broadcast %add3A_503 : f32 to vector<16xf32>
        %add3A_505 = arith.addf %mul3A_502, %add3A_504 : vector<16xf32>
        %mul3A_506 = arith.constant 1.280000e+02 : f32
        %mul3A_507 = vector.broadcast %mul3A_506 : f32 to vector<16xf32>
        %mul3A_508 = arith.mulf %add3A_505, %mul3A_507 : vector<16xf32>
        %convert_element_type3A_509 = arith.fptosi %mul3A_508 : vector<16xf32> to vector<16xi32>
        %jit3A_510 = arith.constant 0 : i32
        %jit3A_511 = arith.constant 127 : i32
        %max3A_512 = vector.broadcast %jit3A_510 : i32 to vector<16xi32>
        %max3A_513 = arith.maxsi %max3A_512, %convert_element_type3A_509 : vector<16xi32>
        %min3A_514 = vector.broadcast %jit3A_511 : i32 to vector<16xi32>
        %min3A_515 = arith.minsi %min3A_514, %max3A_513 : vector<16xi32>
        %add3A_516 = arith.addi %add3A_497, %min3A_515 : vector<16xi32>
        %get3A_517 = arith.index_cast %add3A_454 : i32 to index
        %get3A_518 = tpu.vector_load %arg13[%get3A_517] {strides = array<i32>} : memref<2048xi32, #tpu.memory_space<vmem>>, vector<16xi32>,
        %lt3A_519 = arith.constant 0 : i32
        %lt3A_520 = vector.broadcast %lt3A_519 : i32 to vector<16xi32>
        %lt3A_521 = arith.cmpi slt, %get3A_518, %lt3A_520 : vector<16xi32>
        %add3A_522 = arith.constant 16 : i32
        %add3A_523 = vector.broadcast %add3A_522 : i32 to vector<16xi32>
        %add3A_524 = arith.addi %get3A_518, %add3A_523 : vector<16xi32>
        %select_n3A_525 = arith.select %lt3A_521, %add3A_524, %get3A_518 : vector<16xi1>, vector<16xi32>
        %reshape3A_526 = vector.shape_cast %select_n3A_525 : vector<16xi32> to vector<16x1xi32>
        %gather3A_527 = vector.shape_cast %reshape3A_526 : vector<16x1xi32> to vector<16xi32>
        %gather3A_528 = tpu.dynamic_gather %get3A_3[%gather3A_527] in [0] : vector<16xi32>, vector<16xi32> -> vector<16xi32>
        %shift_left3A_529 = arith.constant 21 : i32
        %shift_left3A_530 = vector.broadcast %shift_left3A_529 : i32 to vector<16xi32>
        %shift_left3A_531 = arith.shli %gather3A_528, %shift_left3A_530 : vector<16xi32>
        %add3A_532 = arith.addi %shift_left3A_531, %add3A_516 : vector<16xi32>
        %swap3A_533 = arith.index_cast %mul3A_450 : i32 to index
        %swap3A_534 = tpu.vector_load %arg16[%swap3A_533] {strides = array<i32>} : memref<512xi32, #tpu.memory_space<vmem>>, vector<16xi32>,
        tpu.vector_store %arg16[%swap3A_533], %add3A_532 {strides = array<i32>} : memref<512xi32, #tpu.memory_space<vmem>>, vector<16xi32>,
        %scan3A_535 = arith.constant 5 : i32
        %scan3A_536 = arith.addi %scan3A_86, %scan3A_535 : i32
        %mul3A_537 = arith.constant 1 : i32
        %mul3A_538 = arith.muli %scan3A_536, %mul3A_537 : i32
        %add3A_539 = arith.constant 0 : i32
        %add3A_540 = arith.addi %add3A_539, %mul3A_538 : i32
        %mul3A_541 = arith.constant 16 : i32
        %mul3A_542 = arith.muli %add3A_540, %mul3A_541 : i32
        %mul3A_543 = arith.constant 16 : i32
        %mul3A_544 = arith.muli %add3A_540, %mul3A_543 : i32
        %add3A_545 = arith.constant 512 : i32
        %add3A_546 = arith.addi %add3A_545, %mul3A_544 : i32
        %get3A_547 = arith.index_cast %add3A_546 : i32 to index
        %get3A_548 = tpu.vector_load %arg10[%get3A_547] {strides = array<i32>} : memref<2048xf32, #tpu.memory_space<vmem>>, vector<16xf32>,
        %mul3A_549 = arith.constant 5.000000e-01 : f32
        %mul3A_550 = vector.broadcast %mul3A_549 : f32 to vector<16xf32>
        %mul3A_551 = arith.mulf %get3A_548, %mul3A_550 : vector<16xf32>
        %add3A_552 = arith.constant 5.000000e-01 : f32
        %add3A_553 = vector.broadcast %add3A_552 : f32 to vector<16xf32>
        %add3A_554 = arith.addf %mul3A_551, %add3A_553 : vector<16xf32>
        %mul3A_555 = arith.constant 1.280000e+02 : f32
        %mul3A_556 = vector.broadcast %mul3A_555 : f32 to vector<16xf32>
        %mul3A_557 = arith.mulf %add3A_554, %mul3A_556 : vector<16xf32>
        %convert_element_type3A_558 = arith.fptosi %mul3A_557 : vector<16xf32> to vector<16xi32>
        %jit3A_559 = arith.constant 0 : i32
        %jit3A_560 = arith.constant 127 : i32
        %max3A_561 = vector.broadcast %jit3A_559 : i32 to vector<16xi32>
        %max3A_562 = arith.maxsi %max3A_561, %convert_element_type3A_558 : vector<16xi32>
        %min3A_563 = vector.broadcast %jit3A_560 : i32 to vector<16xi32>
        %min3A_564 = arith.minsi %min3A_563, %max3A_562 : vector<16xi32>
        %shift_left3A_565 = arith.constant 14 : i32
        %shift_left3A_566 = vector.broadcast %shift_left3A_565 : i32 to vector<16xi32>
        %shift_left3A_567 = arith.shli %min3A_564, %shift_left3A_566 : vector<16xi32>
        %get3A_568 = arith.index_cast %add3A_546 : i32 to index
        %get3A_569 = tpu.vector_load %arg11[%get3A_568] {strides = array<i32>} : memref<2048xf32, #tpu.memory_space<vmem>>, vector<16xf32>,
        %mul3A_570 = arith.constant 5.000000e-01 : f32
        %mul3A_571 = vector.broadcast %mul3A_570 : f32 to vector<16xf32>
        %mul3A_572 = arith.mulf %get3A_569, %mul3A_571 : vector<16xf32>
        %add3A_573 = arith.constant 5.000000e-01 : f32
        %add3A_574 = vector.broadcast %add3A_573 : f32 to vector<16xf32>
        %add3A_575 = arith.addf %mul3A_572, %add3A_574 : vector<16xf32>
        %mul3A_576 = arith.constant 1.280000e+02 : f32
        %mul3A_577 = vector.broadcast %mul3A_576 : f32 to vector<16xf32>
        %mul3A_578 = arith.mulf %add3A_575, %mul3A_577 : vector<16xf32>
        %convert_element_type3A_579 = arith.fptosi %mul3A_578 : vector<16xf32> to vector<16xi32>
        %jit3A_580 = arith.constant 0 : i32
        %jit3A_581 = arith.constant 127 : i32
        %max3A_582 = vector.broadcast %jit3A_580 : i32 to vector<16xi32>
        %max3A_583 = arith.maxsi %max3A_582, %convert_element_type3A_579 : vector<16xi32>
        %min3A_584 = vector.broadcast %jit3A_581 : i32 to vector<16xi32>
        %min3A_585 = arith.minsi %min3A_584, %max3A_583 : vector<16xi32>
        %shift_left3A_586 = arith.constant 7 : i32
        %shift_left3A_587 = vector.broadcast %shift_left3A_586 : i32 to vector<16xi32>
        %shift_left3A_588 = arith.shli %min3A_585, %shift_left3A_587 : vector<16xi32>
        %add3A_589 = arith.addi %shift_left3A_567, %shift_left3A_588 : vector<16xi32>
        %get3A_590 = arith.index_cast %add3A_546 : i32 to index
        %get3A_591 = tpu.vector_load %arg12[%get3A_590] {strides = array<i32>} : memref<2048xf32, #tpu.memory_space<vmem>>, vector<16xf32>,
        %mul3A_592 = arith.constant 5.000000e-01 : f32
        %mul3A_593 = vector.broadcast %mul3A_592 : f32 to vector<16xf32>
        %mul3A_594 = arith.mulf %get3A_591, %mul3A_593 : vector<16xf32>
        %add3A_595 = arith.constant 5.000000e-01 : f32
        %add3A_596 = vector.broadcast %add3A_595 : f32 to vector<16xf32>
        %add3A_597 = arith.addf %mul3A_594, %add3A_596 : vector<16xf32>
        %mul3A_598 = arith.constant 1.280000e+02 : f32
        %mul3A_599 = vector.broadcast %mul3A_598 : f32 to vector<16xf32>
        %mul3A_600 = arith.mulf %add3A_597, %mul3A_599 : vector<16xf32>
        %convert_element_type3A_601 = arith.fptosi %mul3A_600 : vector<16xf32> to vector<16xi32>
        %jit3A_602 = arith.constant 0 : i32
        %jit3A_603 = arith.constant 127 : i32
        %max3A_604 = vector.broadcast %jit3A_602 : i32 to vector<16xi32>
        %max3A_605 = arith.maxsi %max3A_604, %convert_element_type3A_601 : vector<16xi32>
        %min3A_606 = vector.broadcast %jit3A_603 : i32 to vector<16xi32>
        %min3A_607 = arith.minsi %min3A_606, %max3A_605 : vector<16xi32>
        %add3A_608 = arith.addi %add3A_589, %min3A_607 : vector<16xi32>
        %get3A_609 = arith.index_cast %add3A_546 : i32 to index
        %get3A_610 = tpu.vector_load %arg13[%get3A_609] {strides = array<i32>} : memref<2048xi32, #tpu.memory_space<vmem>>, vector<16xi32>,
        %lt3A_611 = arith.constant 0 : i32
        %lt3A_612 = vector.broadcast %lt3A_611 : i32 to vector<16xi32>
        %lt3A_613 = arith.cmpi slt, %get3A_610, %lt3A_612 : vector<16xi32>
        %add3A_614 = arith.constant 16 : i32
        %add3A_615 = vector.broadcast %add3A_614 : i32 to vector<16xi32>
        %add3A_616 = arith.addi %get3A_610, %add3A_615 : vector<16xi32>
        %select_n3A_617 = arith.select %lt3A_613, %add3A_616, %get3A_610 : vector<16xi1>, vector<16xi32>
        %reshape3A_618 = vector.shape_cast %select_n3A_617 : vector<16xi32> to vector<16x1xi32>
        %gather3A_619 = vector.shape_cast %reshape3A_618 : vector<16x1xi32> to vector<16xi32>
        %gather3A_620 = tpu.dynamic_gather %get3A_3[%gather3A_619] in [0] : vector<16xi32>, vector<16xi32> -> vector<16xi32>
        %shift_left3A_621 = arith.constant 21 : i32
        %shift_left3A_622 = vector.broadcast %shift_left3A_621 : i32 to vector<16xi32>
        %shift_left3A_623 = arith.shli %gather3A_620, %shift_left3A_622 : vector<16xi32>
        %add3A_624 = arith.addi %shift_left3A_623, %add3A_608 : vector<16xi32>
        %swap3A_625 = arith.index_cast %mul3A_542 : i32 to index
        %swap3A_626 = tpu.vector_load %arg16[%swap3A_625] {strides = array<i32>} : memref<512xi32, #tpu.memory_space<vmem>>, vector<16xi32>,
        tpu.vector_store %arg16[%swap3A_625], %add3A_624 {strides = array<i32>} : memref<512xi32, #tpu.memory_space<vmem>>, vector<16xi32>,
        %scan3A_627 = arith.constant 6 : i32
        %scan3A_628 = arith.addi %scan3A_86, %scan3A_627 : i32
        %mul3A_629 = arith.constant 1 : i32
        %mul3A_630 = arith.muli %scan3A_628, %mul3A_629 : i32
        %add3A_631 = arith.constant 0 : i32
        %add3A_632 = arith.addi %add3A_631, %mul3A_630 : i32
        %mul3A_633 = arith.constant 16 : i32
        %mul3A_634 = arith.muli %add3A_632, %mul3A_633 : i32
        %mul3A_635 = arith.constant 16 : i32
        %mul3A_636 = arith.muli %add3A_632, %mul3A_635 : i32
        %add3A_637 = arith.constant 512 : i32
        %add3A_638 = arith.addi %add3A_637, %mul3A_636 : i32
        %get3A_639 = arith.index_cast %add3A_638 : i32 to index
        %get3A_640 = tpu.vector_load %arg10[%get3A_639] {strides = array<i32>} : memref<2048xf32, #tpu.memory_space<vmem>>, vector<16xf32>,
        %mul3A_641 = arith.constant 5.000000e-01 : f32
        %mul3A_642 = vector.broadcast %mul3A_641 : f32 to vector<16xf32>
        %mul3A_643 = arith.mulf %get3A_640, %mul3A_642 : vector<16xf32>
        %add3A_644 = arith.constant 5.000000e-01 : f32
        %add3A_645 = vector.broadcast %add3A_644 : f32 to vector<16xf32>
        %add3A_646 = arith.addf %mul3A_643, %add3A_645 : vector<16xf32>
        %mul3A_647 = arith.constant 1.280000e+02 : f32
        %mul3A_648 = vector.broadcast %mul3A_647 : f32 to vector<16xf32>
        %mul3A_649 = arith.mulf %add3A_646, %mul3A_648 : vector<16xf32>
        %convert_element_type3A_650 = arith.fptosi %mul3A_649 : vector<16xf32> to vector<16xi32>
        %jit3A_651 = arith.constant 0 : i32
        %jit3A_652 = arith.constant 127 : i32
        %max3A_653 = vector.broadcast %jit3A_651 : i32 to vector<16xi32>
        %max3A_654 = arith.maxsi %max3A_653, %convert_element_type3A_650 : vector<16xi32>
        %min3A_655 = vector.broadcast %jit3A_652 : i32 to vector<16xi32>
        %min3A_656 = arith.minsi %min3A_655, %max3A_654 : vector<16xi32>
        %shift_left3A_657 = arith.constant 14 : i32
        %shift_left3A_658 = vector.broadcast %shift_left3A_657 : i32 to vector<16xi32>
        %shift_left3A_659 = arith.shli %min3A_656, %shift_left3A_658 : vector<16xi32>
        %get3A_660 = arith.index_cast %add3A_638 : i32 to index
        %get3A_661 = tpu.vector_load %arg11[%get3A_660] {strides = array<i32>} : memref<2048xf32, #tpu.memory_space<vmem>>, vector<16xf32>,
        %mul3A_662 = arith.constant 5.000000e-01 : f32
        %mul3A_663 = vector.broadcast %mul3A_662 : f32 to vector<16xf32>
        %mul3A_664 = arith.mulf %get3A_661, %mul3A_663 : vector<16xf32>
        %add3A_665 = arith.constant 5.000000e-01 : f32
        %add3A_666 = vector.broadcast %add3A_665 : f32 to vector<16xf32>
        %add3A_667 = arith.addf %mul3A_664, %add3A_666 : vector<16xf32>
        %mul3A_668 = arith.constant 1.280000e+02 : f32
        %mul3A_669 = vector.broadcast %mul3A_668 : f32 to vector<16xf32>
        %mul3A_670 = arith.mulf %add3A_667, %mul3A_669 : vector<16xf32>
        %convert_element_type3A_671 = arith.fptosi %mul3A_670 : vector<16xf32> to vector<16xi32>
        %jit3A_672 = arith.constant 0 : i32
        %jit3A_673 = arith.constant 127 : i32
        %max3A_674 = vector.broadcast %jit3A_672 : i32 to vector<16xi32>
        %max3A_675 = arith.maxsi %max3A_674, %convert_element_type3A_671 : vector<16xi32>
        %min3A_676 = vector.broadcast %jit3A_673 : i32 to vector<16xi32>
        %min3A_677 = arith.minsi %min3A_676, %max3A_675 : vector<16xi32>
        %shift_left3A_678 = arith.constant 7 : i32
        %shift_left3A_679 = vector.broadcast %shift_left3A_678 : i32 to vector<16xi32>
        %shift_left3A_680 = arith.shli %min3A_677, %shift_left3A_679 : vector<16xi32>
        %add3A_681 = arith.addi %shift_left3A_659, %shift_left3A_680 : vector<16xi32>
        %get3A_682 = arith.index_cast %add3A_638 : i32 to index
        %get3A_683 = tpu.vector_load %arg12[%get3A_682] {strides = array<i32>} : memref<2048xf32, #tpu.memory_space<vmem>>, vector<16xf32>,
        %mul3A_684 = arith.constant 5.000000e-01 : f32
        %mul3A_685 = vector.broadcast %mul3A_684 : f32 to vector<16xf32>
        %mul3A_686 = arith.mulf %get3A_683, %mul3A_685 : vector<16xf32>
        %add3A_687 = arith.constant 5.000000e-01 : f32
        %add3A_688 = vector.broadcast %add3A_687 : f32 to vector<16xf32>
        %add3A_689 = arith.addf %mul3A_686, %add3A_688 : vector<16xf32>
        %mul3A_690 = arith.constant 1.280000e+02 : f32
        %mul3A_691 = vector.broadcast %mul3A_690 : f32 to vector<16xf32>
        %mul3A_692 = arith.mulf %add3A_689, %mul3A_691 : vector<16xf32>
        %convert_element_type3A_693 = arith.fptosi %mul3A_692 : vector<16xf32> to vector<16xi32>
        %jit3A_694 = arith.constant 0 : i32
        %jit3A_695 = arith.constant 127 : i32
        %max3A_696 = vector.broadcast %jit3A_694 : i32 to vector<16xi32>
        %max3A_697 = arith.maxsi %max3A_696, %convert_element_type3A_693 : vector<16xi32>
        %min3A_698 = vector.broadcast %jit3A_695 : i32 to vector<16xi32>
        %min3A_699 = arith.minsi %min3A_698, %max3A_697 : vector<16xi32>
        %add3A_700 = arith.addi %add3A_681, %min3A_699 : vector<16xi32>
        %get3A_701 = arith.index_cast %add3A_638 : i32 to index
        %get3A_702 = tpu.vector_load %arg13[%get3A_701] {strides = array<i32>} : memref<2048xi32, #tpu.memory_space<vmem>>, vector<16xi32>,
        %lt3A_703 = arith.constant 0 : i32
        %lt3A_704 = vector.broadcast %lt3A_703 : i32 to vector<16xi32>
        %lt3A_705 = arith.cmpi slt, %get3A_702, %lt3A_704 : vector<16xi32>
        %add3A_706 = arith.constant 16 : i32
        %add3A_707 = vector.broadcast %add3A_706 : i32 to vector<16xi32>
        %add3A_708 = arith.addi %get3A_702, %add3A_707 : vector<16xi32>
        %select_n3A_709 = arith.select %lt3A_705, %add3A_708, %get3A_702 : vector<16xi1>, vector<16xi32>
        %reshape3A_710 = vector.shape_cast %select_n3A_709 : vector<16xi32> to vector<16x1xi32>
        %gather3A_711 = vector.shape_cast %reshape3A_710 : vector<16x1xi32> to vector<16xi32>
        %gather3A_712 = tpu.dynamic_gather %get3A_3[%gather3A_711] in [0] : vector<16xi32>, vector<16xi32> -> vector<16xi32>
        %shift_left3A_713 = arith.constant 21 : i32
        %shift_left3A_714 = vector.broadcast %shift_left3A_713 : i32 to vector<16xi32>
        %shift_left3A_715 = arith.shli %gather3A_712, %shift_left3A_714 : vector<16xi32>
        %add3A_716 = arith.addi %shift_left3A_715, %add3A_700 : vector<16xi32>
        %swap3A_717 = arith.index_cast %mul3A_634 : i32 to index
        %swap3A_718 = tpu.vector_load %arg16[%swap3A_717] {strides = array<i32>} : memref<512xi32, #tpu.memory_space<vmem>>, vector<16xi32>,
        tpu.vector_store %arg16[%swap3A_717], %add3A_716 {strides = array<i32>} : memref<512xi32, #tpu.memory_space<vmem>>, vector<16xi32>,
        %scan3A_719 = arith.constant 7 : i32
        %scan3A_720 = arith.addi %scan3A_86, %scan3A_719 : i32
        %mul3A_721 = arith.constant 1 : i32
        %mul3A_722 = arith.muli %scan3A_720, %mul3A_721 : i32
        %add3A_723 = arith.constant 0 : i32
        %add3A_724 = arith.addi %add3A_723, %mul3A_722 : i32
        %mul3A_725 = arith.constant 16 : i32
        %mul3A_726 = arith.muli %add3A_724, %mul3A_725 : i32
        %mul3A_727 = arith.constant 16 : i32
        %mul3A_728 = arith.muli %add3A_724, %mul3A_727 : i32
        %add3A_729 = arith.constant 512 : i32
        %add3A_730 = arith.addi %add3A_729, %mul3A_728 : i32
        %get3A_731 = arith.index_cast %add3A_730 : i32 to index
        %get3A_732 = tpu.vector_load %arg10[%get3A_731] {strides = array<i32>} : memref<2048xf32, #tpu.memory_space<vmem>>, vector<16xf32>,
        %mul3A_733 = arith.constant 5.000000e-01 : f32
        %mul3A_734 = vector.broadcast %mul3A_733 : f32 to vector<16xf32>
        %mul3A_735 = arith.mulf %get3A_732, %mul3A_734 : vector<16xf32>
        %add3A_736 = arith.constant 5.000000e-01 : f32
        %add3A_737 = vector.broadcast %add3A_736 : f32 to vector<16xf32>
        %add3A_738 = arith.addf %mul3A_735, %add3A_737 : vector<16xf32>
        %mul3A_739 = arith.constant 1.280000e+02 : f32
        %mul3A_740 = vector.broadcast %mul3A_739 : f32 to vector<16xf32>
        %mul3A_741 = arith.mulf %add3A_738, %mul3A_740 : vector<16xf32>
        %convert_element_type3A_742 = arith.fptosi %mul3A_741 : vector<16xf32> to vector<16xi32>
        %jit3A_743 = arith.constant 0 : i32
        %jit3A_744 = arith.constant 127 : i32
        %max3A_745 = vector.broadcast %jit3A_743 : i32 to vector<16xi32>
        %max3A_746 = arith.maxsi %max3A_745, %convert_element_type3A_742 : vector<16xi32>
        %min3A_747 = vector.broadcast %jit3A_744 : i32 to vector<16xi32>
        %min3A_748 = arith.minsi %min3A_747, %max3A_746 : vector<16xi32>
        %shift_left3A_749 = arith.constant 14 : i32
        %shift_left3A_750 = vector.broadcast %shift_left3A_749 : i32 to vector<16xi32>
        %shift_left3A_751 = arith.shli %min3A_748, %shift_left3A_750 : vector<16xi32>
        %get3A_752 = arith.index_cast %add3A_730 : i32 to index
        %get3A_753 = tpu.vector_load %arg11[%get3A_752] {strides = array<i32>} : memref<2048xf32, #tpu.memory_space<vmem>>, vector<16xf32>,
        %mul3A_754 = arith.constant 5.000000e-01 : f32
        %mul3A_755 = vector.broadcast %mul3A_754 : f32 to vector<16xf32>
        %mul3A_756 = arith.mulf %get3A_753, %mul3A_755 : vector<16xf32>
        %add3A_757 = arith.constant 5.000000e-01 : f32
        %add3A_758 = vector.broadcast %add3A_757 : f32 to vector<16xf32>
        %add3A_759 = arith.addf %mul3A_756, %add3A_758 : vector<16xf32>
        %mul3A_760 = arith.constant 1.280000e+02 : f32
        %mul3A_761 = vector.broadcast %mul3A_760 : f32 to vector<16xf32>
        %mul3A_762 = arith.mulf %add3A_759, %mul3A_761 : vector<16xf32>
        %convert_element_type3A_763 = arith.fptosi %mul3A_762 : vector<16xf32> to vector<16xi32>
        %jit3A_764 = arith.constant 0 : i32
        %jit3A_765 = arith.constant 127 : i32
        %max3A_766 = vector.broadcast %jit3A_764 : i32 to vector<16xi32>
        %max3A_767 = arith.maxsi %max3A_766, %convert_element_type3A_763 : vector<16xi32>
        %min3A_768 = vector.broadcast %jit3A_765 : i32 to vector<16xi32>
        %min3A_769 = arith.minsi %min3A_768, %max3A_767 : vector<16xi32>
        %shift_left3A_770 = arith.constant 7 : i32
        %shift_left3A_771 = vector.broadcast %shift_left3A_770 : i32 to vector<16xi32>
        %shift_left3A_772 = arith.shli %min3A_769, %shift_left3A_771 : vector<16xi32>
        %add3A_773 = arith.addi %shift_left3A_751, %shift_left3A_772 : vector<16xi32>
        %get3A_774 = arith.index_cast %add3A_730 : i32 to index
        %get3A_775 = tpu.vector_load %arg12[%get3A_774] {strides = array<i32>} : memref<2048xf32, #tpu.memory_space<vmem>>, vector<16xf32>,
        %mul3A_776 = arith.constant 5.000000e-01 : f32
        %mul3A_777 = vector.broadcast %mul3A_776 : f32 to vector<16xf32>
        %mul3A_778 = arith.mulf %get3A_775, %mul3A_777 : vector<16xf32>
        %add3A_779 = arith.constant 5.000000e-01 : f32
        %add3A_780 = vector.broadcast %add3A_779 : f32 to vector<16xf32>
        %add3A_781 = arith.addf %mul3A_778, %add3A_780 : vector<16xf32>
        %mul3A_782 = arith.constant 1.280000e+02 : f32
        %mul3A_783 = vector.broadcast %mul3A_782 : f32 to vector<16xf32>
        %mul3A_784 = arith.mulf %add3A_781, %mul3A_783 : vector<16xf32>
        %convert_element_type3A_785 = arith.fptosi %mul3A_784 : vector<16xf32> to vector<16xi32>
        %jit3A_786 = arith.constant 0 : i32
        %jit3A_787 = arith.constant 127 : i32
        %max3A_788 = vector.broadcast %jit3A_786 : i32 to vector<16xi32>
        %max3A_789 = arith.maxsi %max3A_788, %convert_element_type3A_785 : vector<16xi32>
        %min3A_790 = vector.broadcast %jit3A_787 : i32 to vector<16xi32>
        %min3A_791 = arith.minsi %min3A_790, %max3A_789 : vector<16xi32>
        %add3A_792 = arith.addi %add3A_773, %min3A_791 : vector<16xi32>
        %get3A_793 = arith.index_cast %add3A_730 : i32 to index
        %get3A_794 = tpu.vector_load %arg13[%get3A_793] {strides = array<i32>} : memref<2048xi32, #tpu.memory_space<vmem>>, vector<16xi32>,
        %lt3A_795 = arith.constant 0 : i32
        %lt3A_796 = vector.broadcast %lt3A_795 : i32 to vector<16xi32>
        %lt3A_797 = arith.cmpi slt, %get3A_794, %lt3A_796 : vector<16xi32>
        %add3A_798 = arith.constant 16 : i32
        %add3A_799 = vector.broadcast %add3A_798 : i32 to vector<16xi32>
        %add3A_800 = arith.addi %get3A_794, %add3A_799 : vector<16xi32>
        %select_n3A_801 = arith.select %lt3A_797, %add3A_800, %get3A_794 : vector<16xi1>, vector<16xi32>
        %reshape3A_802 = vector.shape_cast %select_n3A_801 : vector<16xi32> to vector<16x1xi32>
        %gather3A_803 = vector.shape_cast %reshape3A_802 : vector<16x1xi32> to vector<16xi32>
        %gather3A_804 = tpu.dynamic_gather %get3A_3[%gather3A_803] in [0] : vector<16xi32>, vector<16xi32> -> vector<16xi32>
        %shift_left3A_805 = arith.constant 21 : i32
        %shift_left3A_806 = vector.broadcast %shift_left3A_805 : i32 to vector<16xi32>
        %shift_left3A_807 = arith.shli %gather3A_804, %shift_left3A_806 : vector<16xi32>
        %add3A_808 = arith.addi %shift_left3A_807, %add3A_792 : vector<16xi32>
        %swap3A_809 = arith.index_cast %mul3A_726 : i32 to index
        %swap3A_810 = tpu.vector_load %arg16[%swap3A_809] {strides = array<i32>} : memref<512xi32, #tpu.memory_space<vmem>>, vector<16xi32>,
        tpu.vector_store %arg16[%swap3A_809], %add3A_808 {strides = array<i32>} : memref<512xi32, #tpu.memory_space<vmem>>, vector<16xi32>,
      }
      %scan3A_25 = arith.constant 32 : i32
      %scan3A_26 = arith.constant 0 : i32
      %scan3A_27 = arith.constant 32 : i32
      %scan3A_28 = arith.addi %scan3A_26, %scan3A_27 : i32
      %scan3A_29 = arith.constant 8 : i32
      scf.for %scan3A_86 = %scan3A_26 to %scan3A_28 step %scan3A_29  : i32 {
        %mul3A_87 = arith.constant 1 : i32
        %mul3A_88 = arith.muli %scan3A_86, %mul3A_87 : i32
        %add3A_89 = arith.constant 0 : i32
        %add3A_90 = arith.addi %add3A_89, %mul3A_88 : i32
        %mul3A_91 = arith.constant 16 : i32
        %mul3A_92 = arith.muli %add3A_90, %mul3A_91 : i32
        %mul3A_93 = arith.constant 16 : i32
        %mul3A_94 = arith.muli %add3A_90, %mul3A_93 : i32
        %add3A_95 = arith.constant 1024 : i32
        %add3A_96 = arith.addi %add3A_95, %mul3A_94 : i32
        %get3A_97 = arith.index_cast %add3A_96 : i32 to index
        %get3A_98 = tpu.vector_load %arg10[%get3A_97] {strides = array<i32>} : memref<2048xf32, #tpu.memory_space<vmem>>, vector<16xf32>,
        %mul3A_99 = arith.constant 5.000000e-01 : f32
        %mul3A_100 = vector.broadcast %mul3A_99 : f32 to vector<16xf32>
        %mul3A_101 = arith.mulf %get3A_98, %mul3A_100 : vector<16xf32>
        %add3A_102 = arith.constant 5.000000e-01 : f32
        %add3A_103 = vector.broadcast %add3A_102 : f32 to vector<16xf32>
        %add3A_104 = arith.addf %mul3A_101, %add3A_103 : vector<16xf32>
        %mul3A_105 = arith.constant 1.280000e+02 : f32
        %mul3A_106 = vector.broadcast %mul3A_105 : f32 to vector<16xf32>
        %mul3A_107 = arith.mulf %add3A_104, %mul3A_106 : vector<16xf32>
        %convert_element_type3A = arith.fptosi %mul3A_107 : vector<16xf32> to vector<16xi32>
        %jit3A = arith.constant 0 : i32
        %jit3A_108 = arith.constant 127 : i32
        %max3A = vector.broadcast %jit3A : i32 to vector<16xi32>
        %max3A_109 = arith.maxsi %max3A, %convert_element_type3A : vector<16xi32>
        %min3A = vector.broadcast %jit3A_108 : i32 to vector<16xi32>
        %min3A_110 = arith.minsi %min3A, %max3A_109 : vector<16xi32>
        %shift_left3A = arith.constant 14 : i32
        %shift_left3A_111 = vector.broadcast %shift_left3A : i32 to vector<16xi32>
        %shift_left3A_112 = arith.shli %min3A_110, %shift_left3A_111 : vector<16xi32>
        %get3A_113 = arith.index_cast %add3A_96 : i32 to index
        %get3A_114 = tpu.vector_load %arg11[%get3A_113] {strides = array<i32>} : memref<2048xf32, #tpu.memory_space<vmem>>, vector<16xf32>,
        %mul3A_115 = arith.constant 5.000000e-01 : f32
        %mul3A_116 = vector.broadcast %mul3A_115 : f32 to vector<16xf32>
        %mul3A_117 = arith.mulf %get3A_114, %mul3A_116 : vector<16xf32>
        %add3A_118 = arith.constant 5.000000e-01 : f32
        %add3A_119 = vector.broadcast %add3A_118 : f32 to vector<16xf32>
        %add3A_120 = arith.addf %mul3A_117, %add3A_119 : vector<16xf32>
        %mul3A_121 = arith.constant 1.280000e+02 : f32
        %mul3A_122 = vector.broadcast %mul3A_121 : f32 to vector<16xf32>
        %mul3A_123 = arith.mulf %add3A_120, %mul3A_122 : vector<16xf32>
        %convert_element_type3A_124 = arith.fptosi %mul3A_123 : vector<16xf32> to vector<16xi32>
        %jit3A_125 = arith.constant 0 : i32
        %jit3A_126 = arith.constant 127 : i32
        %max3A_127 = vector.broadcast %jit3A_125 : i32 to vector<16xi32>
        %max3A_128 = arith.maxsi %max3A_127, %convert_element_type3A_124 : vector<16xi32>
        %min3A_129 = vector.broadcast %jit3A_126 : i32 to vector<16xi32>
        %min3A_130 = arith.minsi %min3A_129, %max3A_128 : vector<16xi32>
        %shift_left3A_131 = arith.constant 7 : i32
        %shift_left3A_132 = vector.broadcast %shift_left3A_131 : i32 to vector<16xi32>
        %shift_left3A_133 = arith.shli %min3A_130, %shift_left3A_132 : vector<16xi32>
        %add3A_134 = arith.addi %shift_left3A_112, %shift_left3A_133 : vector<16xi32>
        %get3A_135 = arith.index_cast %add3A_96 : i32 to index
        %get3A_136 = tpu.vector_load %arg12[%get3A_135] {strides = array<i32>} : memref<2048xf32, #tpu.memory_space<vmem>>, vector<16xf32>,
        %mul3A_137 = arith.constant 5.000000e-01 : f32
        %mul3A_138 = vector.broadcast %mul3A_137 : f32 to vector<16xf32>
        %mul3A_139 = arith.mulf %get3A_136, %mul3A_138 : vector<16xf32>
        %add3A_140 = arith.constant 5.000000e-01 : f32
        %add3A_141 = vector.broadcast %add3A_140 : f32 to vector<16xf32>
        %add3A_142 = arith.addf %mul3A_139, %add3A_141 : vector<16xf32>
        %mul3A_143 = arith.constant 1.280000e+02 : f32
        %mul3A_144 = vector.broadcast %mul3A_143 : f32 to vector<16xf32>
        %mul3A_145 = arith.mulf %add3A_142, %mul3A_144 : vector<16xf32>
        %convert_element_type3A_146 = arith.fptosi %mul3A_145 : vector<16xf32> to vector<16xi32>
        %jit3A_147 = arith.constant 0 : i32
        %jit3A_148 = arith.constant 127 : i32
        %max3A_149 = vector.broadcast %jit3A_147 : i32 to vector<16xi32>
        %max3A_150 = arith.maxsi %max3A_149, %convert_element_type3A_146 : vector<16xi32>
        %min3A_151 = vector.broadcast %jit3A_148 : i32 to vector<16xi32>
        %min3A_152 = arith.minsi %min3A_151, %max3A_150 : vector<16xi32>
        %add3A_153 = arith.addi %add3A_134, %min3A_152 : vector<16xi32>
        %get3A_154 = arith.index_cast %add3A_96 : i32 to index
        %get3A_155 = tpu.vector_load %arg13[%get3A_154] {strides = array<i32>} : memref<2048xi32, #tpu.memory_space<vmem>>, vector<16xi32>,
        %lt3A = arith.constant 0 : i32
        %lt3A_156 = vector.broadcast %lt3A : i32 to vector<16xi32>
        %lt3A_157 = arith.cmpi slt, %get3A_155, %lt3A_156 : vector<16xi32>
        %add3A_158 = arith.constant 16 : i32
        %add3A_159 = vector.broadcast %add3A_158 : i32 to vector<16xi32>
        %add3A_160 = arith.addi %get3A_155, %add3A_159 : vector<16xi32>
        %select_n3A = arith.select %lt3A_157, %add3A_160, %get3A_155 : vector<16xi1>, vector<16xi32>
        %reshape3A = vector.shape_cast %select_n3A : vector<16xi32> to vector<16x1xi32>
        %gather3A = vector.shape_cast %reshape3A : vector<16x1xi32> to vector<16xi32>
        %gather3A_161 = tpu.dynamic_gather %get3A_3[%gather3A] in [0] : vector<16xi32>, vector<16xi32> -> vector<16xi32>
        %shift_left3A_162 = arith.constant 21 : i32
        %shift_left3A_163 = vector.broadcast %shift_left3A_162 : i32 to vector<16xi32>
        %shift_left3A_164 = arith.shli %gather3A_161, %shift_left3A_163 : vector<16xi32>
        %add3A_165 = arith.addi %shift_left3A_164, %add3A_153 : vector<16xi32>
        %swap3A = arith.index_cast %mul3A_92 : i32 to index
        %swap3A_166 = tpu.vector_load %arg17[%swap3A] {strides = array<i32>} : memref<512xi32, #tpu.memory_space<vmem>>, vector<16xi32>,
        tpu.vector_store %arg17[%swap3A], %add3A_165 {strides = array<i32>} : memref<512xi32, #tpu.memory_space<vmem>>, vector<16xi32>,
        %scan3A_167 = arith.constant 1 : i32
        %scan3A_168 = arith.addi %scan3A_86, %scan3A_167 : i32
        %mul3A_169 = arith.constant 1 : i32
        %mul3A_170 = arith.muli %scan3A_168, %mul3A_169 : i32
        %add3A_171 = arith.constant 0 : i32
        %add3A_172 = arith.addi %add3A_171, %mul3A_170 : i32
        %mul3A_173 = arith.constant 16 : i32
        %mul3A_174 = arith.muli %add3A_172, %mul3A_173 : i32
        %mul3A_175 = arith.constant 16 : i32
        %mul3A_176 = arith.muli %add3A_172, %mul3A_175 : i32
        %add3A_177 = arith.constant 1024 : i32
        %add3A_178 = arith.addi %add3A_177, %mul3A_176 : i32
        %get3A_179 = arith.index_cast %add3A_178 : i32 to index
        %get3A_180 = tpu.vector_load %arg10[%get3A_179] {strides = array<i32>} : memref<2048xf32, #tpu.memory_space<vmem>>, vector<16xf32>,
        %mul3A_181 = arith.constant 5.000000e-01 : f32
        %mul3A_182 = vector.broadcast %mul3A_181 : f32 to vector<16xf32>
        %mul3A_183 = arith.mulf %get3A_180, %mul3A_182 : vector<16xf32>
        %add3A_184 = arith.constant 5.000000e-01 : f32
        %add3A_185 = vector.broadcast %add3A_184 : f32 to vector<16xf32>
        %add3A_186 = arith.addf %mul3A_183, %add3A_185 : vector<16xf32>
        %mul3A_187 = arith.constant 1.280000e+02 : f32
        %mul3A_188 = vector.broadcast %mul3A_187 : f32 to vector<16xf32>
        %mul3A_189 = arith.mulf %add3A_186, %mul3A_188 : vector<16xf32>
        %convert_element_type3A_190 = arith.fptosi %mul3A_189 : vector<16xf32> to vector<16xi32>
        %jit3A_191 = arith.constant 0 : i32
        %jit3A_192 = arith.constant 127 : i32
        %max3A_193 = vector.broadcast %jit3A_191 : i32 to vector<16xi32>
        %max3A_194 = arith.maxsi %max3A_193, %convert_element_type3A_190 : vector<16xi32>
        %min3A_195 = vector.broadcast %jit3A_192 : i32 to vector<16xi32>
        %min3A_196 = arith.minsi %min3A_195, %max3A_194 : vector<16xi32>
        %shift_left3A_197 = arith.constant 14 : i32
        %shift_left3A_198 = vector.broadcast %shift_left3A_197 : i32 to vector<16xi32>
        %shift_left3A_199 = arith.shli %min3A_196, %shift_left3A_198 : vector<16xi32>
        %get3A_200 = arith.index_cast %add3A_178 : i32 to index
        %get3A_201 = tpu.vector_load %arg11[%get3A_200] {strides = array<i32>} : memref<2048xf32, #tpu.memory_space<vmem>>, vector<16xf32>,
        %mul3A_202 = arith.constant 5.000000e-01 : f32
        %mul3A_203 = vector.broadcast %mul3A_202 : f32 to vector<16xf32>
        %mul3A_204 = arith.mulf %get3A_201, %mul3A_203 : vector<16xf32>
        %add3A_205 = arith.constant 5.000000e-01 : f32
        %add3A_206 = vector.broadcast %add3A_205 : f32 to vector<16xf32>
        %add3A_207 = arith.addf %mul3A_204, %add3A_206 : vector<16xf32>
        %mul3A_208 = arith.constant 1.280000e+02 : f32
        %mul3A_209 = vector.broadcast %mul3A_208 : f32 to vector<16xf32>
        %mul3A_210 = arith.mulf %add3A_207, %mul3A_209 : vector<16xf32>
        %convert_element_type3A_211 = arith.fptosi %mul3A_210 : vector<16xf32> to vector<16xi32>
        %jit3A_212 = arith.constant 0 : i32
        %jit3A_213 = arith.constant 127 : i32
        %max3A_214 = vector.broadcast %jit3A_212 : i32 to vector<16xi32>
        %max3A_215 = arith.maxsi %max3A_214, %convert_element_type3A_211 : vector<16xi32>
        %min3A_216 = vector.broadcast %jit3A_213 : i32 to vector<16xi32>
        %min3A_217 = arith.minsi %min3A_216, %max3A_215 : vector<16xi32>
        %shift_left3A_218 = arith.constant 7 : i32
        %shift_left3A_219 = vector.broadcast %shift_left3A_218 : i32 to vector<16xi32>
        %shift_left3A_220 = arith.shli %min3A_217, %shift_left3A_219 : vector<16xi32>
        %add3A_221 = arith.addi %shift_left3A_199, %shift_left3A_220 : vector<16xi32>
        %get3A_222 = arith.index_cast %add3A_178 : i32 to index
        %get3A_223 = tpu.vector_load %arg12[%get3A_222] {strides = array<i32>} : memref<2048xf32, #tpu.memory_space<vmem>>, vector<16xf32>,
        %mul3A_224 = arith.constant 5.000000e-01 : f32
        %mul3A_225 = vector.broadcast %mul3A_224 : f32 to vector<16xf32>
        %mul3A_226 = arith.mulf %get3A_223, %mul3A_225 : vector<16xf32>
        %add3A_227 = arith.constant 5.000000e-01 : f32
        %add3A_228 = vector.broadcast %add3A_227 : f32 to vector<16xf32>
        %add3A_229 = arith.addf %mul3A_226, %add3A_228 : vector<16xf32>
        %mul3A_230 = arith.constant 1.280000e+02 : f32
        %mul3A_231 = vector.broadcast %mul3A_230 : f32 to vector<16xf32>
        %mul3A_232 = arith.mulf %add3A_229, %mul3A_231 : vector<16xf32>
        %convert_element_type3A_233 = arith.fptosi %mul3A_232 : vector<16xf32> to vector<16xi32>
        %jit3A_234 = arith.constant 0 : i32
        %jit3A_235 = arith.constant 127 : i32
        %max3A_236 = vector.broadcast %jit3A_234 : i32 to vector<16xi32>
        %max3A_237 = arith.maxsi %max3A_236, %convert_element_type3A_233 : vector<16xi32>
        %min3A_238 = vector.broadcast %jit3A_235 : i32 to vector<16xi32>
        %min3A_239 = arith.minsi %min3A_238, %max3A_237 : vector<16xi32>
        %add3A_240 = arith.addi %add3A_221, %min3A_239 : vector<16xi32>
        %get3A_241 = arith.index_cast %add3A_178 : i32 to index
        %get3A_242 = tpu.vector_load %arg13[%get3A_241] {strides = array<i32>} : memref<2048xi32, #tpu.memory_space<vmem>>, vector<16xi32>,
        %lt3A_243 = arith.constant 0 : i32
        %lt3A_244 = vector.broadcast %lt3A_243 : i32 to vector<16xi32>
        %lt3A_245 = arith.cmpi slt, %get3A_242, %lt3A_244 : vector<16xi32>
        %add3A_246 = arith.constant 16 : i32
        %add3A_247 = vector.broadcast %add3A_246 : i32 to vector<16xi32>
        %add3A_248 = arith.addi %get3A_242, %add3A_247 : vector<16xi32>
        %select_n3A_249 = arith.select %lt3A_245, %add3A_248, %get3A_242 : vector<16xi1>, vector<16xi32>
        %reshape3A_250 = vector.shape_cast %select_n3A_249 : vector<16xi32> to vector<16x1xi32>
        %gather3A_251 = vector.shape_cast %reshape3A_250 : vector<16x1xi32> to vector<16xi32>
        %gather3A_252 = tpu.dynamic_gather %get3A_3[%gather3A_251] in [0] : vector<16xi32>, vector<16xi32> -> vector<16xi32>
        %shift_left3A_253 = arith.constant 21 : i32
        %shift_left3A_254 = vector.broadcast %shift_left3A_253 : i32 to vector<16xi32>
        %shift_left3A_255 = arith.shli %gather3A_252, %shift_left3A_254 : vector<16xi32>
        %add3A_256 = arith.addi %shift_left3A_255, %add3A_240 : vector<16xi32>
        %swap3A_257 = arith.index_cast %mul3A_174 : i32 to index
        %swap3A_258 = tpu.vector_load %arg17[%swap3A_257] {strides = array<i32>} : memref<512xi32, #tpu.memory_space<vmem>>, vector<16xi32>,
        tpu.vector_store %arg17[%swap3A_257], %add3A_256 {strides = array<i32>} : memref<512xi32, #tpu.memory_space<vmem>>, vector<16xi32>,
        %scan3A_259 = arith.constant 2 : i32
        %scan3A_260 = arith.addi %scan3A_86, %scan3A_259 : i32
        %mul3A_261 = arith.constant 1 : i32
        %mul3A_262 = arith.muli %scan3A_260, %mul3A_261 : i32
        %add3A_263 = arith.constant 0 : i32
        %add3A_264 = arith.addi %add3A_263, %mul3A_262 : i32
        %mul3A_265 = arith.constant 16 : i32
        %mul3A_266 = arith.muli %add3A_264, %mul3A_265 : i32
        %mul3A_267 = arith.constant 16 : i32
        %mul3A_268 = arith.muli %add3A_264, %mul3A_267 : i32
        %add3A_269 = arith.constant 1024 : i32
        %add3A_270 = arith.addi %add3A_269, %mul3A_268 : i32
        %get3A_271 = arith.index_cast %add3A_270 : i32 to index
        %get3A_272 = tpu.vector_load %arg10[%get3A_271] {strides = array<i32>} : memref<2048xf32, #tpu.memory_space<vmem>>, vector<16xf32>,
        %mul3A_273 = arith.constant 5.000000e-01 : f32
        %mul3A_274 = vector.broadcast %mul3A_273 : f32 to vector<16xf32>
        %mul3A_275 = arith.mulf %get3A_272, %mul3A_274 : vector<16xf32>
        %add3A_276 = arith.constant 5.000000e-01 : f32
        %add3A_277 = vector.broadcast %add3A_276 : f32 to vector<16xf32>
        %add3A_278 = arith.addf %mul3A_275, %add3A_277 : vector<16xf32>
        %mul3A_279 = arith.constant 1.280000e+02 : f32
        %mul3A_280 = vector.broadcast %mul3A_279 : f32 to vector<16xf32>
        %mul3A_281 = arith.mulf %add3A_278, %mul3A_280 : vector<16xf32>
        %convert_element_type3A_282 = arith.fptosi %mul3A_281 : vector<16xf32> to vector<16xi32>
        %jit3A_283 = arith.constant 0 : i32
        %jit3A_284 = arith.constant 127 : i32
        %max3A_285 = vector.broadcast %jit3A_283 : i32 to vector<16xi32>
        %max3A_286 = arith.maxsi %max3A_285, %convert_element_type3A_282 : vector<16xi32>
        %min3A_287 = vector.broadcast %jit3A_284 : i32 to vector<16xi32>
        %min3A_288 = arith.minsi %min3A_287, %max3A_286 : vector<16xi32>
        %shift_left3A_289 = arith.constant 14 : i32
        %shift_left3A_290 = vector.broadcast %shift_left3A_289 : i32 to vector<16xi32>
        %shift_left3A_291 = arith.shli %min3A_288, %shift_left3A_290 : vector<16xi32>
        %get3A_292 = arith.index_cast %add3A_270 : i32 to index
        %get3A_293 = tpu.vector_load %arg11[%get3A_292] {strides = array<i32>} : memref<2048xf32, #tpu.memory_space<vmem>>, vector<16xf32>,
        %mul3A_294 = arith.constant 5.000000e-01 : f32
        %mul3A_295 = vector.broadcast %mul3A_294 : f32 to vector<16xf32>
        %mul3A_296 = arith.mulf %get3A_293, %mul3A_295 : vector<16xf32>
        %add3A_297 = arith.constant 5.000000e-01 : f32
        %add3A_298 = vector.broadcast %add3A_297 : f32 to vector<16xf32>
        %add3A_299 = arith.addf %mul3A_296, %add3A_298 : vector<16xf32>
        %mul3A_300 = arith.constant 1.280000e+02 : f32
        %mul3A_301 = vector.broadcast %mul3A_300 : f32 to vector<16xf32>
        %mul3A_302 = arith.mulf %add3A_299, %mul3A_301 : vector<16xf32>
        %convert_element_type3A_303 = arith.fptosi %mul3A_302 : vector<16xf32> to vector<16xi32>
        %jit3A_304 = arith.constant 0 : i32
        %jit3A_305 = arith.constant 127 : i32
        %max3A_306 = vector.broadcast %jit3A_304 : i32 to vector<16xi32>
        %max3A_307 = arith.maxsi %max3A_306, %convert_element_type3A_303 : vector<16xi32>
        %min3A_308 = vector.broadcast %jit3A_305 : i32 to vector<16xi32>
        %min3A_309 = arith.minsi %min3A_308, %max3A_307 : vector<16xi32>
        %shift_left3A_310 = arith.constant 7 : i32
        %shift_left3A_311 = vector.broadcast %shift_left3A_310 : i32 to vector<16xi32>
        %shift_left3A_312 = arith.shli %min3A_309, %shift_left3A_311 : vector<16xi32>
        %add3A_313 = arith.addi %shift_left3A_291, %shift_left3A_312 : vector<16xi32>
        %get3A_314 = arith.index_cast %add3A_270 : i32 to index
        %get3A_315 = tpu.vector_load %arg12[%get3A_314] {strides = array<i32>} : memref<2048xf32, #tpu.memory_space<vmem>>, vector<16xf32>,
        %mul3A_316 = arith.constant 5.000000e-01 : f32
        %mul3A_317 = vector.broadcast %mul3A_316 : f32 to vector<16xf32>
        %mul3A_318 = arith.mulf %get3A_315, %mul3A_317 : vector<16xf32>
        %add3A_319 = arith.constant 5.000000e-01 : f32
        %add3A_320 = vector.broadcast %add3A_319 : f32 to vector<16xf32>
        %add3A_321 = arith.addf %mul3A_318, %add3A_320 : vector<16xf32>
        %mul3A_322 = arith.constant 1.280000e+02 : f32
        %mul3A_323 = vector.broadcast %mul3A_322 : f32 to vector<16xf32>
        %mul3A_324 = arith.mulf %add3A_321, %mul3A_323 : vector<16xf32>
        %convert_element_type3A_325 = arith.fptosi %mul3A_324 : vector<16xf32> to vector<16xi32>
        %jit3A_326 = arith.constant 0 : i32
        %jit3A_327 = arith.constant 127 : i32
        %max3A_328 = vector.broadcast %jit3A_326 : i32 to vector<16xi32>
        %max3A_329 = arith.maxsi %max3A_328, %convert_element_type3A_325 : vector<16xi32>
        %min3A_330 = vector.broadcast %jit3A_327 : i32 to vector<16xi32>
        %min3A_331 = arith.minsi %min3A_330, %max3A_329 : vector<16xi32>
        %add3A_332 = arith.addi %add3A_313, %min3A_331 : vector<16xi32>
        %get3A_333 = arith.index_cast %add3A_270 : i32 to index
        %get3A_334 = tpu.vector_load %arg13[%get3A_333] {strides = array<i32>} : memref<2048xi32, #tpu.memory_space<vmem>>, vector<16xi32>,
        %lt3A_335 = arith.constant 0 : i32
        %lt3A_336 = vector.broadcast %lt3A_335 : i32 to vector<16xi32>
        %lt3A_337 = arith.cmpi slt, %get3A_334, %lt3A_336 : vector<16xi32>
        %add3A_338 = arith.constant 16 : i32
        %add3A_339 = vector.broadcast %add3A_338 : i32 to vector<16xi32>
        %add3A_340 = arith.addi %get3A_334, %add3A_339 : vector<16xi32>
        %select_n3A_341 = arith.select %lt3A_337, %add3A_340, %get3A_334 : vector<16xi1>, vector<16xi32>
        %reshape3A_342 = vector.shape_cast %select_n3A_341 : vector<16xi32> to vector<16x1xi32>
        %gather3A_343 = vector.shape_cast %reshape3A_342 : vector<16x1xi32> to vector<16xi32>
        %gather3A_344 = tpu.dynamic_gather %get3A_3[%gather3A_343] in [0] : vector<16xi32>, vector<16xi32> -> vector<16xi32>
        %shift_left3A_345 = arith.constant 21 : i32
        %shift_left3A_346 = vector.broadcast %shift_left3A_345 : i32 to vector<16xi32>
        %shift_left3A_347 = arith.shli %gather3A_344, %shift_left3A_346 : vector<16xi32>
        %add3A_348 = arith.addi %shift_left3A_347, %add3A_332 : vector<16xi32>
        %swap3A_349 = arith.index_cast %mul3A_266 : i32 to index
        %swap3A_350 = tpu.vector_load %arg17[%swap3A_349] {strides = array<i32>} : memref<512xi32, #tpu.memory_space<vmem>>, vector<16xi32>,
        tpu.vector_store %arg17[%swap3A_349], %add3A_348 {strides = array<i32>} : memref<512xi32, #tpu.memory_space<vmem>>, vector<16xi32>,
        %scan3A_351 = arith.constant 3 : i32
        %scan3A_352 = arith.addi %scan3A_86, %scan3A_351 : i32
        %mul3A_353 = arith.constant 1 : i32
        %mul3A_354 = arith.muli %scan3A_352, %mul3A_353 : i32
        %add3A_355 = arith.constant 0 : i32
        %add3A_356 = arith.addi %add3A_355, %mul3A_354 : i32
        %mul3A_357 = arith.constant 16 : i32
        %mul3A_358 = arith.muli %add3A_356, %mul3A_357 : i32
        %mul3A_359 = arith.constant 16 : i32
        %mul3A_360 = arith.muli %add3A_356, %mul3A_359 : i32
        %add3A_361 = arith.constant 1024 : i32
        %add3A_362 = arith.addi %add3A_361, %mul3A_360 : i32
        %get3A_363 = arith.index_cast %add3A_362 : i32 to index
        %get3A_364 = tpu.vector_load %arg10[%get3A_363] {strides = array<i32>} : memref<2048xf32, #tpu.memory_space<vmem>>, vector<16xf32>,
        %mul3A_365 = arith.constant 5.000000e-01 : f32
        %mul3A_366 = vector.broadcast %mul3A_365 : f32 to vector<16xf32>
        %mul3A_367 = arith.mulf %get3A_364, %mul3A_366 : vector<16xf32>
        %add3A_368 = arith.constant 5.000000e-01 : f32
        %add3A_369 = vector.broadcast %add3A_368 : f32 to vector<16xf32>
        %add3A_370 = arith.addf %mul3A_367, %add3A_369 : vector<16xf32>
        %mul3A_371 = arith.constant 1.280000e+02 : f32
        %mul3A_372 = vector.broadcast %mul3A_371 : f32 to vector<16xf32>
        %mul3A_373 = arith.mulf %add3A_370, %mul3A_372 : vector<16xf32>
        %convert_element_type3A_374 = arith.fptosi %mul3A_373 : vector<16xf32> to vector<16xi32>
        %jit3A_375 = arith.constant 0 : i32
        %jit3A_376 = arith.constant 127 : i32
        %max3A_377 = vector.broadcast %jit3A_375 : i32 to vector<16xi32>
        %max3A_378 = arith.maxsi %max3A_377, %convert_element_type3A_374 : vector<16xi32>
        %min3A_379 = vector.broadcast %jit3A_376 : i32 to vector<16xi32>
        %min3A_380 = arith.minsi %min3A_379, %max3A_378 : vector<16xi32>
        %shift_left3A_381 = arith.constant 14 : i32
        %shift_left3A_382 = vector.broadcast %shift_left3A_381 : i32 to vector<16xi32>
        %shift_left3A_383 = arith.shli %min3A_380, %shift_left3A_382 : vector<16xi32>
        %get3A_384 = arith.index_cast %add3A_362 : i32 to index
        %get3A_385 = tpu.vector_load %arg11[%get3A_384] {strides = array<i32>} : memref<2048xf32, #tpu.memory_space<vmem>>, vector<16xf32>,
        %mul3A_386 = arith.constant 5.000000e-01 : f32
        %mul3A_387 = vector.broadcast %mul3A_386 : f32 to vector<16xf32>
        %mul3A_388 = arith.mulf %get3A_385, %mul3A_387 : vector<16xf32>
        %add3A_389 = arith.constant 5.000000e-01 : f32
        %add3A_390 = vector.broadcast %add3A_389 : f32 to vector<16xf32>
        %add3A_391 = arith.addf %mul3A_388, %add3A_390 : vector<16xf32>
        %mul3A_392 = arith.constant 1.280000e+02 : f32
        %mul3A_393 = vector.broadcast %mul3A_392 : f32 to vector<16xf32>
        %mul3A_394 = arith.mulf %add3A_391, %mul3A_393 : vector<16xf32>
        %convert_element_type3A_395 = arith.fptosi %mul3A_394 : vector<16xf32> to vector<16xi32>
        %jit3A_396 = arith.constant 0 : i32
        %jit3A_397 = arith.constant 127 : i32
        %max3A_398 = vector.broadcast %jit3A_396 : i32 to vector<16xi32>
        %max3A_399 = arith.maxsi %max3A_398, %convert_element_type3A_395 : vector<16xi32>
        %min3A_400 = vector.broadcast %jit3A_397 : i32 to vector<16xi32>
        %min3A_401 = arith.minsi %min3A_400, %max3A_399 : vector<16xi32>
        %shift_left3A_402 = arith.constant 7 : i32
        %shift_left3A_403 = vector.broadcast %shift_left3A_402 : i32 to vector<16xi32>
        %shift_left3A_404 = arith.shli %min3A_401, %shift_left3A_403 : vector<16xi32>
        %add3A_405 = arith.addi %shift_left3A_383, %shift_left3A_404 : vector<16xi32>
        %get3A_406 = arith.index_cast %add3A_362 : i32 to index
        %get3A_407 = tpu.vector_load %arg12[%get3A_406] {strides = array<i32>} : memref<2048xf32, #tpu.memory_space<vmem>>, vector<16xf32>,
        %mul3A_408 = arith.constant 5.000000e-01 : f32
        %mul3A_409 = vector.broadcast %mul3A_408 : f32 to vector<16xf32>
        %mul3A_410 = arith.mulf %get3A_407, %mul3A_409 : vector<16xf32>
        %add3A_411 = arith.constant 5.000000e-01 : f32
        %add3A_412 = vector.broadcast %add3A_411 : f32 to vector<16xf32>
        %add3A_413 = arith.addf %mul3A_410, %add3A_412 : vector<16xf32>
        %mul3A_414 = arith.constant 1.280000e+02 : f32
        %mul3A_415 = vector.broadcast %mul3A_414 : f32 to vector<16xf32>
        %mul3A_416 = arith.mulf %add3A_413, %mul3A_415 : vector<16xf32>
        %convert_element_type3A_417 = arith.fptosi %mul3A_416 : vector<16xf32> to vector<16xi32>
        %jit3A_418 = arith.constant 0 : i32
        %jit3A_419 = arith.constant 127 : i32
        %max3A_420 = vector.broadcast %jit3A_418 : i32 to vector<16xi32>
        %max3A_421 = arith.maxsi %max3A_420, %convert_element_type3A_417 : vector<16xi32>
        %min3A_422 = vector.broadcast %jit3A_419 : i32 to vector<16xi32>
        %min3A_423 = arith.minsi %min3A_422, %max3A_421 : vector<16xi32>
        %add3A_424 = arith.addi %add3A_405, %min3A_423 : vector<16xi32>
        %get3A_425 = arith.index_cast %add3A_362 : i32 to index
        %get3A_426 = tpu.vector_load %arg13[%get3A_425] {strides = array<i32>} : memref<2048xi32, #tpu.memory_space<vmem>>, vector<16xi32>,
        %lt3A_427 = arith.constant 0 : i32
        %lt3A_428 = vector.broadcast %lt3A_427 : i32 to vector<16xi32>
        %lt3A_429 = arith.cmpi slt, %get3A_426, %lt3A_428 : vector<16xi32>
        %add3A_430 = arith.constant 16 : i32
        %add3A_431 = vector.broadcast %add3A_430 : i32 to vector<16xi32>
        %add3A_432 = arith.addi %get3A_426, %add3A_431 : vector<16xi32>
        %select_n3A_433 = arith.select %lt3A_429, %add3A_432, %get3A_426 : vector<16xi1>, vector<16xi32>
        %reshape3A_434 = vector.shape_cast %select_n3A_433 : vector<16xi32> to vector<16x1xi32>
        %gather3A_435 = vector.shape_cast %reshape3A_434 : vector<16x1xi32> to vector<16xi32>
        %gather3A_436 = tpu.dynamic_gather %get3A_3[%gather3A_435] in [0] : vector<16xi32>, vector<16xi32> -> vector<16xi32>
        %shift_left3A_437 = arith.constant 21 : i32
        %shift_left3A_438 = vector.broadcast %shift_left3A_437 : i32 to vector<16xi32>
        %shift_left3A_439 = arith.shli %gather3A_436, %shift_left3A_438 : vector<16xi32>
        %add3A_440 = arith.addi %shift_left3A_439, %add3A_424 : vector<16xi32>
        %swap3A_441 = arith.index_cast %mul3A_358 : i32 to index
        %swap3A_442 = tpu.vector_load %arg17[%swap3A_441] {strides = array<i32>} : memref<512xi32, #tpu.memory_space<vmem>>, vector<16xi32>,
        tpu.vector_store %arg17[%swap3A_441], %add3A_440 {strides = array<i32>} : memref<512xi32, #tpu.memory_space<vmem>>, vector<16xi32>,
        %scan3A_443 = arith.constant 4 : i32
        %scan3A_444 = arith.addi %scan3A_86, %scan3A_443 : i32
        %mul3A_445 = arith.constant 1 : i32
        %mul3A_446 = arith.muli %scan3A_444, %mul3A_445 : i32
        %add3A_447 = arith.constant 0 : i32
        %add3A_448 = arith.addi %add3A_447, %mul3A_446 : i32
        %mul3A_449 = arith.constant 16 : i32
        %mul3A_450 = arith.muli %add3A_448, %mul3A_449 : i32
        %mul3A_451 = arith.constant 16 : i32
        %mul3A_452 = arith.muli %add3A_448, %mul3A_451 : i32
        %add3A_453 = arith.constant 1024 : i32
        %add3A_454 = arith.addi %add3A_453, %mul3A_452 : i32
        %get3A_455 = arith.index_cast %add3A_454 : i32 to index
        %get3A_456 = tpu.vector_load %arg10[%get3A_455] {strides = array<i32>} : memref<2048xf32, #tpu.memory_space<vmem>>, vector<16xf32>,
        %mul3A_457 = arith.constant 5.000000e-01 : f32
        %mul3A_458 = vector.broadcast %mul3A_457 : f32 to vector<16xf32>
        %mul3A_459 = arith.mulf %get3A_456, %mul3A_458 : vector<16xf32>
        %add3A_460 = arith.constant 5.000000e-01 : f32
        %add3A_461 = vector.broadcast %add3A_460 : f32 to vector<16xf32>
        %add3A_462 = arith.addf %mul3A_459, %add3A_461 : vector<16xf32>
        %mul3A_463 = arith.constant 1.280000e+02 : f32
        %mul3A_464 = vector.broadcast %mul3A_463 : f32 to vector<16xf32>
        %mul3A_465 = arith.mulf %add3A_462, %mul3A_464 : vector<16xf32>
        %convert_element_type3A_466 = arith.fptosi %mul3A_465 : vector<16xf32> to vector<16xi32>
        %jit3A_467 = arith.constant 0 : i32
        %jit3A_468 = arith.constant 127 : i32
        %max3A_469 = vector.broadcast %jit3A_467 : i32 to vector<16xi32>
        %max3A_470 = arith.maxsi %max3A_469, %convert_element_type3A_466 : vector<16xi32>
        %min3A_471 = vector.broadcast %jit3A_468 : i32 to vector<16xi32>
        %min3A_472 = arith.minsi %min3A_471, %max3A_470 : vector<16xi32>
        %shift_left3A_473 = arith.constant 14 : i32
        %shift_left3A_474 = vector.broadcast %shift_left3A_473 : i32 to vector<16xi32>
        %shift_left3A_475 = arith.shli %min3A_472, %shift_left3A_474 : vector<16xi32>
        %get3A_476 = arith.index_cast %add3A_454 : i32 to index
        %get3A_477 = tpu.vector_load %arg11[%get3A_476] {strides = array<i32>} : memref<2048xf32, #tpu.memory_space<vmem>>, vector<16xf32>,
        %mul3A_478 = arith.constant 5.000000e-01 : f32
        %mul3A_479 = vector.broadcast %mul3A_478 : f32 to vector<16xf32>
        %mul3A_480 = arith.mulf %get3A_477, %mul3A_479 : vector<16xf32>
        %add3A_481 = arith.constant 5.000000e-01 : f32
        %add3A_482 = vector.broadcast %add3A_481 : f32 to vector<16xf32>
        %add3A_483 = arith.addf %mul3A_480, %add3A_482 : vector<16xf32>
        %mul3A_484 = arith.constant 1.280000e+02 : f32
        %mul3A_485 = vector.broadcast %mul3A_484 : f32 to vector<16xf32>
        %mul3A_486 = arith.mulf %add3A_483, %mul3A_485 : vector<16xf32>
        %convert_element_type3A_487 = arith.fptosi %mul3A_486 : vector<16xf32> to vector<16xi32>
        %jit3A_488 = arith.constant 0 : i32
        %jit3A_489 = arith.constant 127 : i32
        %max3A_490 = vector.broadcast %jit3A_488 : i32 to vector<16xi32>
        %max3A_491 = arith.maxsi %max3A_490, %convert_element_type3A_487 : vector<16xi32>
        %min3A_492 = vector.broadcast %jit3A_489 : i32 to vector<16xi32>
        %min3A_493 = arith.minsi %min3A_492, %max3A_491 : vector<16xi32>
        %shift_left3A_494 = arith.constant 7 : i32
        %shift_left3A_495 = vector.broadcast %shift_left3A_494 : i32 to vector<16xi32>
        %shift_left3A_496 = arith.shli %min3A_493, %shift_left3A_495 : vector<16xi32>
        %add3A_497 = arith.addi %shift_left3A_475, %shift_left3A_496 : vector<16xi32>
        %get3A_498 = arith.index_cast %add3A_454 : i32 to index
        %get3A_499 = tpu.vector_load %arg12[%get3A_498] {strides = array<i32>} : memref<2048xf32, #tpu.memory_space<vmem>>, vector<16xf32>,
        %mul3A_500 = arith.constant 5.000000e-01 : f32
        %mul3A_501 = vector.broadcast %mul3A_500 : f32 to vector<16xf32>
        %mul3A_502 = arith.mulf %get3A_499, %mul3A_501 : vector<16xf32>
        %add3A_503 = arith.constant 5.000000e-01 : f32
        %add3A_504 = vector.broadcast %add3A_503 : f32 to vector<16xf32>
        %add3A_505 = arith.addf %mul3A_502, %add3A_504 : vector<16xf32>
        %mul3A_506 = arith.constant 1.280000e+02 : f32
        %mul3A_507 = vector.broadcast %mul3A_506 : f32 to vector<16xf32>
        %mul3A_508 = arith.mulf %add3A_505, %mul3A_507 : vector<16xf32>
        %convert_element_type3A_509 = arith.fptosi %mul3A_508 : vector<16xf32> to vector<16xi32>
        %jit3A_510 = arith.constant 0 : i32
        %jit3A_511 = arith.constant 127 : i32
        %max3A_512 = vector.broadcast %jit3A_510 : i32 to vector<16xi32>
        %max3A_513 = arith.maxsi %max3A_512, %convert_element_type3A_509 : vector<16xi32>
        %min3A_514 = vector.broadcast %jit3A_511 : i32 to vector<16xi32>
        %min3A_515 = arith.minsi %min3A_514, %max3A_513 : vector<16xi32>
        %add3A_516 = arith.addi %add3A_497, %min3A_515 : vector<16xi32>
        %get3A_517 = arith.index_cast %add3A_454 : i32 to index
        %get3A_518 = tpu.vector_load %arg13[%get3A_517] {strides = array<i32>} : memref<2048xi32, #tpu.memory_space<vmem>>, vector<16xi32>,
        %lt3A_519 = arith.constant 0 : i32
        %lt3A_520 = vector.broadcast %lt3A_519 : i32 to vector<16xi32>
        %lt3A_521 = arith.cmpi slt, %get3A_518, %lt3A_520 : vector<16xi32>
        %add3A_522 = arith.constant 16 : i32
        %add3A_523 = vector.broadcast %add3A_522 : i32 to vector<16xi32>
        %add3A_524 = arith.addi %get3A_518, %add3A_523 : vector<16xi32>
        %select_n3A_525 = arith.select %lt3A_521, %add3A_524, %get3A_518 : vector<16xi1>, vector<16xi32>
        %reshape3A_526 = vector.shape_cast %select_n3A_525 : vector<16xi32> to vector<16x1xi32>
        %gather3A_527 = vector.shape_cast %reshape3A_526 : vector<16x1xi32> to vector<16xi32>
        %gather3A_528 = tpu.dynamic_gather %get3A_3[%gather3A_527] in [0] : vector<16xi32>, vector<16xi32> -> vector<16xi32>
        %shift_left3A_529 = arith.constant 21 : i32
        %shift_left3A_530 = vector.broadcast %shift_left3A_529 : i32 to vector<16xi32>
        %shift_left3A_531 = arith.shli %gather3A_528, %shift_left3A_530 : vector<16xi32>
        %add3A_532 = arith.addi %shift_left3A_531, %add3A_516 : vector<16xi32>
        %swap3A_533 = arith.index_cast %mul3A_450 : i32 to index
        %swap3A_534 = tpu.vector_load %arg17[%swap3A_533] {strides = array<i32>} : memref<512xi32, #tpu.memory_space<vmem>>, vector<16xi32>,
        tpu.vector_store %arg17[%swap3A_533], %add3A_532 {strides = array<i32>} : memref<512xi32, #tpu.memory_space<vmem>>, vector<16xi32>,
        %scan3A_535 = arith.constant 5 : i32
        %scan3A_536 = arith.addi %scan3A_86, %scan3A_535 : i32
        %mul3A_537 = arith.constant 1 : i32
        %mul3A_538 = arith.muli %scan3A_536, %mul3A_537 : i32
        %add3A_539 = arith.constant 0 : i32
        %add3A_540 = arith.addi %add3A_539, %mul3A_538 : i32
        %mul3A_541 = arith.constant 16 : i32
        %mul3A_542 = arith.muli %add3A_540, %mul3A_541 : i32
        %mul3A_543 = arith.constant 16 : i32
        %mul3A_544 = arith.muli %add3A_540, %mul3A_543 : i32
        %add3A_545 = arith.constant 1024 : i32
        %add3A_546 = arith.addi %add3A_545, %mul3A_544 : i32
        %get3A_547 = arith.index_cast %add3A_546 : i32 to index
        %get3A_548 = tpu.vector_load %arg10[%get3A_547] {strides = array<i32>} : memref<2048xf32, #tpu.memory_space<vmem>>, vector<16xf32>,
        %mul3A_549 = arith.constant 5.000000e-01 : f32
        %mul3A_550 = vector.broadcast %mul3A_549 : f32 to vector<16xf32>
        %mul3A_551 = arith.mulf %get3A_548, %mul3A_550 : vector<16xf32>
        %add3A_552 = arith.constant 5.000000e-01 : f32
        %add3A_553 = vector.broadcast %add3A_552 : f32 to vector<16xf32>
        %add3A_554 = arith.addf %mul3A_551, %add3A_553 : vector<16xf32>
        %mul3A_555 = arith.constant 1.280000e+02 : f32
        %mul3A_556 = vector.broadcast %mul3A_555 : f32 to vector<16xf32>
        %mul3A_557 = arith.mulf %add3A_554, %mul3A_556 : vector<16xf32>
        %convert_element_type3A_558 = arith.fptosi %mul3A_557 : vector<16xf32> to vector<16xi32>
        %jit3A_559 = arith.constant 0 : i32
        %jit3A_560 = arith.constant 127 : i32
        %max3A_561 = vector.broadcast %jit3A_559 : i32 to vector<16xi32>
        %max3A_562 = arith.maxsi %max3A_561, %convert_element_type3A_558 : vector<16xi32>
        %min3A_563 = vector.broadcast %jit3A_560 : i32 to vector<16xi32>
        %min3A_564 = arith.minsi %min3A_563, %max3A_562 : vector<16xi32>
        %shift_left3A_565 = arith.constant 14 : i32
        %shift_left3A_566 = vector.broadcast %shift_left3A_565 : i32 to vector<16xi32>
        %shift_left3A_567 = arith.shli %min3A_564, %shift_left3A_566 : vector<16xi32>
        %get3A_568 = arith.index_cast %add3A_546 : i32 to index
        %get3A_569 = tpu.vector_load %arg11[%get3A_568] {strides = array<i32>} : memref<2048xf32, #tpu.memory_space<vmem>>, vector<16xf32>,
        %mul3A_570 = arith.constant 5.000000e-01 : f32
        %mul3A_571 = vector.broadcast %mul3A_570 : f32 to vector<16xf32>
        %mul3A_572 = arith.mulf %get3A_569, %mul3A_571 : vector<16xf32>
        %add3A_573 = arith.constant 5.000000e-01 : f32
        %add3A_574 = vector.broadcast %add3A_573 : f32 to vector<16xf32>
        %add3A_575 = arith.addf %mul3A_572, %add3A_574 : vector<16xf32>
        %mul3A_576 = arith.constant 1.280000e+02 : f32
        %mul3A_577 = vector.broadcast %mul3A_576 : f32 to vector<16xf32>
        %mul3A_578 = arith.mulf %add3A_575, %mul3A_577 : vector<16xf32>
        %convert_element_type3A_579 = arith.fptosi %mul3A_578 : vector<16xf32> to vector<16xi32>
        %jit3A_580 = arith.constant 0 : i32
        %jit3A_581 = arith.constant 127 : i32
        %max3A_582 = vector.broadcast %jit3A_580 : i32 to vector<16xi32>
        %max3A_583 = arith.maxsi %max3A_582, %convert_element_type3A_579 : vector<16xi32>
        %min3A_584 = vector.broadcast %jit3A_581 : i32 to vector<16xi32>
        %min3A_585 = arith.minsi %min3A_584, %max3A_583 : vector<16xi32>
        %shift_left3A_586 = arith.constant 7 : i32
        %shift_left3A_587 = vector.broadcast %shift_left3A_586 : i32 to vector<16xi32>
        %shift_left3A_588 = arith.shli %min3A_585, %shift_left3A_587 : vector<16xi32>
        %add3A_589 = arith.addi %shift_left3A_567, %shift_left3A_588 : vector<16xi32>
        %get3A_590 = arith.index_cast %add3A_546 : i32 to index
        %get3A_591 = tpu.vector_load %arg12[%get3A_590] {strides = array<i32>} : memref<2048xf32, #tpu.memory_space<vmem>>, vector<16xf32>,
        %mul3A_592 = arith.constant 5.000000e-01 : f32
        %mul3A_593 = vector.broadcast %mul3A_592 : f32 to vector<16xf32>
        %mul3A_594 = arith.mulf %get3A_591, %mul3A_593 : vector<16xf32>
        %add3A_595 = arith.constant 5.000000e-01 : f32
        %add3A_596 = vector.broadcast %add3A_595 : f32 to vector<16xf32>
        %add3A_597 = arith.addf %mul3A_594, %add3A_596 : vector<16xf32>
        %mul3A_598 = arith.constant 1.280000e+02 : f32
        %mul3A_599 = vector.broadcast %mul3A_598 : f32 to vector<16xf32>
        %mul3A_600 = arith.mulf %add3A_597, %mul3A_599 : vector<16xf32>
        %convert_element_type3A_601 = arith.fptosi %mul3A_600 : vector<16xf32> to vector<16xi32>
        %jit3A_602 = arith.constant 0 : i32
        %jit3A_603 = arith.constant 127 : i32
        %max3A_604 = vector.broadcast %jit3A_602 : i32 to vector<16xi32>
        %max3A_605 = arith.maxsi %max3A_604, %convert_element_type3A_601 : vector<16xi32>
        %min3A_606 = vector.broadcast %jit3A_603 : i32 to vector<16xi32>
        %min3A_607 = arith.minsi %min3A_606, %max3A_605 : vector<16xi32>
        %add3A_608 = arith.addi %add3A_589, %min3A_607 : vector<16xi32>
        %get3A_609 = arith.index_cast %add3A_546 : i32 to index
        %get3A_610 = tpu.vector_load %arg13[%get3A_609] {strides = array<i32>} : memref<2048xi32, #tpu.memory_space<vmem>>, vector<16xi32>,
        %lt3A_611 = arith.constant 0 : i32
        %lt3A_612 = vector.broadcast %lt3A_611 : i32 to vector<16xi32>
        %lt3A_613 = arith.cmpi slt, %get3A_610, %lt3A_612 : vector<16xi32>
        %add3A_614 = arith.constant 16 : i32
        %add3A_615 = vector.broadcast %add3A_614 : i32 to vector<16xi32>
        %add3A_616 = arith.addi %get3A_610, %add3A_615 : vector<16xi32>
        %select_n3A_617 = arith.select %lt3A_613, %add3A_616, %get3A_610 : vector<16xi1>, vector<16xi32>
        %reshape3A_618 = vector.shape_cast %select_n3A_617 : vector<16xi32> to vector<16x1xi32>
        %gather3A_619 = vector.shape_cast %reshape3A_618 : vector<16x1xi32> to vector<16xi32>
        %gather3A_620 = tpu.dynamic_gather %get3A_3[%gather3A_619] in [0] : vector<16xi32>, vector<16xi32> -> vector<16xi32>
        %shift_left3A_621 = arith.constant 21 : i32
        %shift_left3A_622 = vector.broadcast %shift_left3A_621 : i32 to vector<16xi32>
        %shift_left3A_623 = arith.shli %gather3A_620, %shift_left3A_622 : vector<16xi32>
        %add3A_624 = arith.addi %shift_left3A_623, %add3A_608 : vector<16xi32>
        %swap3A_625 = arith.index_cast %mul3A_542 : i32 to index
        %swap3A_626 = tpu.vector_load %arg17[%swap3A_625] {strides = array<i32>} : memref<512xi32, #tpu.memory_space<vmem>>, vector<16xi32>,
        tpu.vector_store %arg17[%swap3A_625], %add3A_624 {strides = array<i32>} : memref<512xi32, #tpu.memory_space<vmem>>, vector<16xi32>,
        %scan3A_627 = arith.constant 6 : i32
        %scan3A_628 = arith.addi %scan3A_86, %scan3A_627 : i32
        %mul3A_629 = arith.constant 1 : i32
        %mul3A_630 = arith.muli %scan3A_628, %mul3A_629 : i32
        %add3A_631 = arith.constant 0 : i32
        %add3A_632 = arith.addi %add3A_631, %mul3A_630 : i32
        %mul3A_633 = arith.constant 16 : i32
        %mul3A_634 = arith.muli %add3A_632, %mul3A_633 : i32
        %mul3A_635 = arith.constant 16 : i32
        %mul3A_636 = arith.muli %add3A_632, %mul3A_635 : i32
        %add3A_637 = arith.constant 1024 : i32
        %add3A_638 = arith.addi %add3A_637, %mul3A_636 : i32
        %get3A_639 = arith.index_cast %add3A_638 : i32 to index
        %get3A_640 = tpu.vector_load %arg10[%get3A_639] {strides = array<i32>} : memref<2048xf32, #tpu.memory_space<vmem>>, vector<16xf32>,
        %mul3A_641 = arith.constant 5.000000e-01 : f32
        %mul3A_642 = vector.broadcast %mul3A_641 : f32 to vector<16xf32>
        %mul3A_643 = arith.mulf %get3A_640, %mul3A_642 : vector<16xf32>
        %add3A_644 = arith.constant 5.000000e-01 : f32
        %add3A_645 = vector.broadcast %add3A_644 : f32 to vector<16xf32>
        %add3A_646 = arith.addf %mul3A_643, %add3A_645 : vector<16xf32>
        %mul3A_647 = arith.constant 1.280000e+02 : f32
        %mul3A_648 = vector.broadcast %mul3A_647 : f32 to vector<16xf32>
        %mul3A_649 = arith.mulf %add3A_646, %mul3A_648 : vector<16xf32>
        %convert_element_type3A_650 = arith.fptosi %mul3A_649 : vector<16xf32> to vector<16xi32>
        %jit3A_651 = arith.constant 0 : i32
        %jit3A_652 = arith.constant 127 : i32
        %max3A_653 = vector.broadcast %jit3A_651 : i32 to vector<16xi32>
        %max3A_654 = arith.maxsi %max3A_653, %convert_element_type3A_650 : vector<16xi32>
        %min3A_655 = vector.broadcast %jit3A_652 : i32 to vector<16xi32>
        %min3A_656 = arith.minsi %min3A_655, %max3A_654 : vector<16xi32>
        %shift_left3A_657 = arith.constant 14 : i32
        %shift_left3A_658 = vector.broadcast %shift_left3A_657 : i32 to vector<16xi32>
        %shift_left3A_659 = arith.shli %min3A_656, %shift_left3A_658 : vector<16xi32>
        %get3A_660 = arith.index_cast %add3A_638 : i32 to index
        %get3A_661 = tpu.vector_load %arg11[%get3A_660] {strides = array<i32>} : memref<2048xf32, #tpu.memory_space<vmem>>, vector<16xf32>,
        %mul3A_662 = arith.constant 5.000000e-01 : f32
        %mul3A_663 = vector.broadcast %mul3A_662 : f32 to vector<16xf32>
        %mul3A_664 = arith.mulf %get3A_661, %mul3A_663 : vector<16xf32>
        %add3A_665 = arith.constant 5.000000e-01 : f32
        %add3A_666 = vector.broadcast %add3A_665 : f32 to vector<16xf32>
        %add3A_667 = arith.addf %mul3A_664, %add3A_666 : vector<16xf32>
        %mul3A_668 = arith.constant 1.280000e+02 : f32
        %mul3A_669 = vector.broadcast %mul3A_668 : f32 to vector<16xf32>
        %mul3A_670 = arith.mulf %add3A_667, %mul3A_669 : vector<16xf32>
        %convert_element_type3A_671 = arith.fptosi %mul3A_670 : vector<16xf32> to vector<16xi32>
        %jit3A_672 = arith.constant 0 : i32
        %jit3A_673 = arith.constant 127 : i32
        %max3A_674 = vector.broadcast %jit3A_672 : i32 to vector<16xi32>
        %max3A_675 = arith.maxsi %max3A_674, %convert_element_type3A_671 : vector<16xi32>
        %min3A_676 = vector.broadcast %jit3A_673 : i32 to vector<16xi32>
        %min3A_677 = arith.minsi %min3A_676, %max3A_675 : vector<16xi32>
        %shift_left3A_678 = arith.constant 7 : i32
        %shift_left3A_679 = vector.broadcast %shift_left3A_678 : i32 to vector<16xi32>
        %shift_left3A_680 = arith.shli %min3A_677, %shift_left3A_679 : vector<16xi32>
        %add3A_681 = arith.addi %shift_left3A_659, %shift_left3A_680 : vector<16xi32>
        %get3A_682 = arith.index_cast %add3A_638 : i32 to index
        %get3A_683 = tpu.vector_load %arg12[%get3A_682] {strides = array<i32>} : memref<2048xf32, #tpu.memory_space<vmem>>, vector<16xf32>,
        %mul3A_684 = arith.constant 5.000000e-01 : f32
        %mul3A_685 = vector.broadcast %mul3A_684 : f32 to vector<16xf32>
        %mul3A_686 = arith.mulf %get3A_683, %mul3A_685 : vector<16xf32>
        %add3A_687 = arith.constant 5.000000e-01 : f32
        %add3A_688 = vector.broadcast %add3A_687 : f32 to vector<16xf32>
        %add3A_689 = arith.addf %mul3A_686, %add3A_688 : vector<16xf32>
        %mul3A_690 = arith.constant 1.280000e+02 : f32
        %mul3A_691 = vector.broadcast %mul3A_690 : f32 to vector<16xf32>
        %mul3A_692 = arith.mulf %add3A_689, %mul3A_691 : vector<16xf32>
        %convert_element_type3A_693 = arith.fptosi %mul3A_692 : vector<16xf32> to vector<16xi32>
        %jit3A_694 = arith.constant 0 : i32
        %jit3A_695 = arith.constant 127 : i32
        %max3A_696 = vector.broadcast %jit3A_694 : i32 to vector<16xi32>
        %max3A_697 = arith.maxsi %max3A_696, %convert_element_type3A_693 : vector<16xi32>
        %min3A_698 = vector.broadcast %jit3A_695 : i32 to vector<16xi32>
        %min3A_699 = arith.minsi %min3A_698, %max3A_697 : vector<16xi32>
        %add3A_700 = arith.addi %add3A_681, %min3A_699 : vector<16xi32>
        %get3A_701 = arith.index_cast %add3A_638 : i32 to index
        %get3A_702 = tpu.vector_load %arg13[%get3A_701] {strides = array<i32>} : memref<2048xi32, #tpu.memory_space<vmem>>, vector<16xi32>,
        %lt3A_703 = arith.constant 0 : i32
        %lt3A_704 = vector.broadcast %lt3A_703 : i32 to vector<16xi32>
        %lt3A_705 = arith.cmpi slt, %get3A_702, %lt3A_704 : vector<16xi32>
        %add3A_706 = arith.constant 16 : i32
        %add3A_707 = vector.broadcast %add3A_706 : i32 to vector<16xi32>
        %add3A_708 = arith.addi %get3A_702, %add3A_707 : vector<16xi32>
        %select_n3A_709 = arith.select %lt3A_705, %add3A_708, %get3A_702 : vector<16xi1>, vector<16xi32>
        %reshape3A_710 = vector.shape_cast %select_n3A_709 : vector<16xi32> to vector<16x1xi32>
        %gather3A_711 = vector.shape_cast %reshape3A_710 : vector<16x1xi32> to vector<16xi32>
        %gather3A_712 = tpu.dynamic_gather %get3A_3[%gather3A_711] in [0] : vector<16xi32>, vector<16xi32> -> vector<16xi32>
        %shift_left3A_713 = arith.constant 21 : i32
        %shift_left3A_714 = vector.broadcast %shift_left3A_713 : i32 to vector<16xi32>
        %shift_left3A_715 = arith.shli %gather3A_712, %shift_left3A_714 : vector<16xi32>
        %add3A_716 = arith.addi %shift_left3A_715, %add3A_700 : vector<16xi32>
        %swap3A_717 = arith.index_cast %mul3A_634 : i32 to index
        %swap3A_718 = tpu.vector_load %arg17[%swap3A_717] {strides = array<i32>} : memref<512xi32, #tpu.memory_space<vmem>>, vector<16xi32>,
        tpu.vector_store %arg17[%swap3A_717], %add3A_716 {strides = array<i32>} : memref<512xi32, #tpu.memory_space<vmem>>, vector<16xi32>,
        %scan3A_719 = arith.constant 7 : i32
        %scan3A_720 = arith.addi %scan3A_86, %scan3A_719 : i32
        %mul3A_721 = arith.constant 1 : i32
        %mul3A_722 = arith.muli %scan3A_720, %mul3A_721 : i32
        %add3A_723 = arith.constant 0 : i32
        %add3A_724 = arith.addi %add3A_723, %mul3A_722 : i32
        %mul3A_725 = arith.constant 16 : i32
        %mul3A_726 = arith.muli %add3A_724, %mul3A_725 : i32
        %mul3A_727 = arith.constant 16 : i32
        %mul3A_728 = arith.muli %add3A_724, %mul3A_727 : i32
        %add3A_729 = arith.constant 1024 : i32
        %add3A_730 = arith.addi %add3A_729, %mul3A_728 : i32
        %get3A_731 = arith.index_cast %add3A_730 : i32 to index
        %get3A_732 = tpu.vector_load %arg10[%get3A_731] {strides = array<i32>} : memref<2048xf32, #tpu.memory_space<vmem>>, vector<16xf32>,
        %mul3A_733 = arith.constant 5.000000e-01 : f32
        %mul3A_734 = vector.broadcast %mul3A_733 : f32 to vector<16xf32>
        %mul3A_735 = arith.mulf %get3A_732, %mul3A_734 : vector<16xf32>
        %add3A_736 = arith.constant 5.000000e-01 : f32
        %add3A_737 = vector.broadcast %add3A_736 : f32 to vector<16xf32>
        %add3A_738 = arith.addf %mul3A_735, %add3A_737 : vector<16xf32>
        %mul3A_739 = arith.constant 1.280000e+02 : f32
        %mul3A_740 = vector.broadcast %mul3A_739 : f32 to vector<16xf32>
        %mul3A_741 = arith.mulf %add3A_738, %mul3A_740 : vector<16xf32>
        %convert_element_type3A_742 = arith.fptosi %mul3A_741 : vector<16xf32> to vector<16xi32>
        %jit3A_743 = arith.constant 0 : i32
        %jit3A_744 = arith.constant 127 : i32
        %max3A_745 = vector.broadcast %jit3A_743 : i32 to vector<16xi32>
        %max3A_746 = arith.maxsi %max3A_745, %convert_element_type3A_742 : vector<16xi32>
        %min3A_747 = vector.broadcast %jit3A_744 : i32 to vector<16xi32>
        %min3A_748 = arith.minsi %min3A_747, %max3A_746 : vector<16xi32>
        %shift_left3A_749 = arith.constant 14 : i32
        %shift_left3A_750 = vector.broadcast %shift_left3A_749 : i32 to vector<16xi32>
        %shift_left3A_751 = arith.shli %min3A_748, %shift_left3A_750 : vector<16xi32>
        %get3A_752 = arith.index_cast %add3A_730 : i32 to index
        %get3A_753 = tpu.vector_load %arg11[%get3A_752] {strides = array<i32>} : memref<2048xf32, #tpu.memory_space<vmem>>, vector<16xf32>,
        %mul3A_754 = arith.constant 5.000000e-01 : f32
        %mul3A_755 = vector.broadcast %mul3A_754 : f32 to vector<16xf32>
        %mul3A_756 = arith.mulf %get3A_753, %mul3A_755 : vector<16xf32>
        %add3A_757 = arith.constant 5.000000e-01 : f32
        %add3A_758 = vector.broadcast %add3A_757 : f32 to vector<16xf32>
        %add3A_759 = arith.addf %mul3A_756, %add3A_758 : vector<16xf32>
        %mul3A_760 = arith.constant 1.280000e+02 : f32
        %mul3A_761 = vector.broadcast %mul3A_760 : f32 to vector<16xf32>
        %mul3A_762 = arith.mulf %add3A_759, %mul3A_761 : vector<16xf32>
        %convert_element_type3A_763 = arith.fptosi %mul3A_762 : vector<16xf32> to vector<16xi32>
        %jit3A_764 = arith.constant 0 : i32
        %jit3A_765 = arith.constant 127 : i32
        %max3A_766 = vector.broadcast %jit3A_764 : i32 to vector<16xi32>
        %max3A_767 = arith.maxsi %max3A_766, %convert_element_type3A_763 : vector<16xi32>
        %min3A_768 = vector.broadcast %jit3A_765 : i32 to vector<16xi32>
        %min3A_769 = arith.minsi %min3A_768, %max3A_767 : vector<16xi32>
        %shift_left3A_770 = arith.constant 7 : i32
        %shift_left3A_771 = vector.broadcast %shift_left3A_770 : i32 to vector<16xi32>
        %shift_left3A_772 = arith.shli %min3A_769, %shift_left3A_771 : vector<16xi32>
        %add3A_773 = arith.addi %shift_left3A_751, %shift_left3A_772 : vector<16xi32>
        %get3A_774 = arith.index_cast %add3A_730 : i32 to index
        %get3A_775 = tpu.vector_load %arg12[%get3A_774] {strides = array<i32>} : memref<2048xf32, #tpu.memory_space<vmem>>, vector<16xf32>,
        %mul3A_776 = arith.constant 5.000000e-01 : f32
        %mul3A_777 = vector.broadcast %mul3A_776 : f32 to vector<16xf32>
        %mul3A_778 = arith.mulf %get3A_775, %mul3A_777 : vector<16xf32>
        %add3A_779 = arith.constant 5.000000e-01 : f32
        %add3A_780 = vector.broadcast %add3A_779 : f32 to vector<16xf32>
        %add3A_781 = arith.addf %mul3A_778, %add3A_780 : vector<16xf32>
        %mul3A_782 = arith.constant 1.280000e+02 : f32
        %mul3A_783 = vector.broadcast %mul3A_782 : f32 to vector<16xf32>
        %mul3A_784 = arith.mulf %add3A_781, %mul3A_783 : vector<16xf32>
        %convert_element_type3A_785 = arith.fptosi %mul3A_784 : vector<16xf32> to vector<16xi32>
        %jit3A_786 = arith.constant 0 : i32
        %jit3A_787 = arith.constant 127 : i32
        %max3A_788 = vector.broadcast %jit3A_786 : i32 to vector<16xi32>
        %max3A_789 = arith.maxsi %max3A_788, %convert_element_type3A_785 : vector<16xi32>
        %min3A_790 = vector.broadcast %jit3A_787 : i32 to vector<16xi32>
        %min3A_791 = arith.minsi %min3A_790, %max3A_789 : vector<16xi32>
        %add3A_792 = arith.addi %add3A_773, %min3A_791 : vector<16xi32>
        %get3A_793 = arith.index_cast %add3A_730 : i32 to index
        %get3A_794 = tpu.vector_load %arg13[%get3A_793] {strides = array<i32>} : memref<2048xi32, #tpu.memory_space<vmem>>, vector<16xi32>,
        %lt3A_795 = arith.constant 0 : i32
        %lt3A_796 = vector.broadcast %lt3A_795 : i32 to vector<16xi32>
        %lt3A_797 = arith.cmpi slt, %get3A_794, %lt3A_796 : vector<16xi32>
        %add3A_798 = arith.constant 16 : i32
        %add3A_799 = vector.broadcast %add3A_798 : i32 to vector<16xi32>
        %add3A_800 = arith.addi %get3A_794, %add3A_799 : vector<16xi32>
        %select_n3A_801 = arith.select %lt3A_797, %add3A_800, %get3A_794 : vector<16xi1>, vector<16xi32>
        %reshape3A_802 = vector.shape_cast %select_n3A_801 : vector<16xi32> to vector<16x1xi32>
        %gather3A_803 = vector.shape_cast %reshape3A_802 : vector<16x1xi32> to vector<16xi32>
        %gather3A_804 = tpu.dynamic_gather %get3A_3[%gather3A_803] in [0] : vector<16xi32>, vector<16xi32> -> vector<16xi32>
        %shift_left3A_805 = arith.constant 21 : i32
        %shift_left3A_806 = vector.broadcast %shift_left3A_805 : i32 to vector<16xi32>
        %shift_left3A_807 = arith.shli %gather3A_804, %shift_left3A_806 : vector<16xi32>
        %add3A_808 = arith.addi %shift_left3A_807, %add3A_792 : vector<16xi32>
        %swap3A_809 = arith.index_cast %mul3A_726 : i32 to index
        %swap3A_810 = tpu.vector_load %arg17[%swap3A_809] {strides = array<i32>} : memref<512xi32, #tpu.memory_space<vmem>>, vector<16xi32>,
        tpu.vector_store %arg17[%swap3A_809], %add3A_808 {strides = array<i32>} : memref<512xi32, #tpu.memory_space<vmem>>, vector<16xi32>,
      }
      %scan3A_30 = arith.constant 32 : i32
      %scan3A_31 = arith.constant 0 : i32
      %scan3A_32 = arith.constant 32 : i32
      %scan3A_33 = arith.addi %scan3A_31, %scan3A_32 : i32
      %scan3A_34 = arith.constant 8 : i32
      scf.for %scan3A_86 = %scan3A_31 to %scan3A_33 step %scan3A_34  : i32 {
        %mul3A_87 = arith.constant 1 : i32
        %mul3A_88 = arith.muli %scan3A_86, %mul3A_87 : i32
        %add3A_89 = arith.constant 0 : i32
        %add3A_90 = arith.addi %add3A_89, %mul3A_88 : i32
        %mul3A_91 = arith.constant 16 : i32
        %mul3A_92 = arith.muli %add3A_90, %mul3A_91 : i32
        %mul3A_93 = arith.constant 16 : i32
        %mul3A_94 = arith.muli %add3A_90, %mul3A_93 : i32
        %add3A_95 = arith.constant 1536 : i32
        %add3A_96 = arith.addi %add3A_95, %mul3A_94 : i32
        %get3A_97 = arith.index_cast %add3A_96 : i32 to index
        %get3A_98 = tpu.vector_load %arg10[%get3A_97] {strides = array<i32>} : memref<2048xf32, #tpu.memory_space<vmem>>, vector<16xf32>,
        %mul3A_99 = arith.constant 5.000000e-01 : f32
        %mul3A_100 = vector.broadcast %mul3A_99 : f32 to vector<16xf32>
        %mul3A_101 = arith.mulf %get3A_98, %mul3A_100 : vector<16xf32>
        %add3A_102 = arith.constant 5.000000e-01 : f32
        %add3A_103 = vector.broadcast %add3A_102 : f32 to vector<16xf32>
        %add3A_104 = arith.addf %mul3A_101, %add3A_103 : vector<16xf32>
        %mul3A_105 = arith.constant 1.280000e+02 : f32
        %mul3A_106 = vector.broadcast %mul3A_105 : f32 to vector<16xf32>
        %mul3A_107 = arith.mulf %add3A_104, %mul3A_106 : vector<16xf32>
        %convert_element_type3A = arith.fptosi %mul3A_107 : vector<16xf32> to vector<16xi32>
        %jit3A = arith.constant 0 : i32
        %jit3A_108 = arith.constant 127 : i32
        %max3A = vector.broadcast %jit3A : i32 to vector<16xi32>
        %max3A_109 = arith.maxsi %max3A, %convert_element_type3A : vector<16xi32>
        %min3A = vector.broadcast %jit3A_108 : i32 to vector<16xi32>
        %min3A_110 = arith.minsi %min3A, %max3A_109 : vector<16xi32>
        %shift_left3A = arith.constant 14 : i32
        %shift_left3A_111 = vector.broadcast %shift_left3A : i32 to vector<16xi32>
        %shift_left3A_112 = arith.shli %min3A_110, %shift_left3A_111 : vector<16xi32>
        %get3A_113 = arith.index_cast %add3A_96 : i32 to index
        %get3A_114 = tpu.vector_load %arg11[%get3A_113] {strides = array<i32>} : memref<2048xf32, #tpu.memory_space<vmem>>, vector<16xf32>,
        %mul3A_115 = arith.constant 5.000000e-01 : f32
        %mul3A_116 = vector.broadcast %mul3A_115 : f32 to vector<16xf32>
        %mul3A_117 = arith.mulf %get3A_114, %mul3A_116 : vector<16xf32>
        %add3A_118 = arith.constant 5.000000e-01 : f32
        %add3A_119 = vector.broadcast %add3A_118 : f32 to vector<16xf32>
        %add3A_120 = arith.addf %mul3A_117, %add3A_119 : vector<16xf32>
        %mul3A_121 = arith.constant 1.280000e+02 : f32
        %mul3A_122 = vector.broadcast %mul3A_121 : f32 to vector<16xf32>
        %mul3A_123 = arith.mulf %add3A_120, %mul3A_122 : vector<16xf32>
        %convert_element_type3A_124 = arith.fptosi %mul3A_123 : vector<16xf32> to vector<16xi32>
        %jit3A_125 = arith.constant 0 : i32
        %jit3A_126 = arith.constant 127 : i32
        %max3A_127 = vector.broadcast %jit3A_125 : i32 to vector<16xi32>
        %max3A_128 = arith.maxsi %max3A_127, %convert_element_type3A_124 : vector<16xi32>
        %min3A_129 = vector.broadcast %jit3A_126 : i32 to vector<16xi32>
        %min3A_130 = arith.minsi %min3A_129, %max3A_128 : vector<16xi32>
        %shift_left3A_131 = arith.constant 7 : i32
        %shift_left3A_132 = vector.broadcast %shift_left3A_131 : i32 to vector<16xi32>
        %shift_left3A_133 = arith.shli %min3A_130, %shift_left3A_132 : vector<16xi32>
        %add3A_134 = arith.addi %shift_left3A_112, %shift_left3A_133 : vector<16xi32>
        %get3A_135 = arith.index_cast %add3A_96 : i32 to index
        %get3A_136 = tpu.vector_load %arg12[%get3A_135] {strides = array<i32>} : memref<2048xf32, #tpu.memory_space<vmem>>, vector<16xf32>,
        %mul3A_137 = arith.constant 5.000000e-01 : f32
        %mul3A_138 = vector.broadcast %mul3A_137 : f32 to vector<16xf32>
        %mul3A_139 = arith.mulf %get3A_136, %mul3A_138 : vector<16xf32>
        %add3A_140 = arith.constant 5.000000e-01 : f32
        %add3A_141 = vector.broadcast %add3A_140 : f32 to vector<16xf32>
        %add3A_142 = arith.addf %mul3A_139, %add3A_141 : vector<16xf32>
        %mul3A_143 = arith.constant 1.280000e+02 : f32
        %mul3A_144 = vector.broadcast %mul3A_143 : f32 to vector<16xf32>
        %mul3A_145 = arith.mulf %add3A_142, %mul3A_144 : vector<16xf32>
        %convert_element_type3A_146 = arith.fptosi %mul3A_145 : vector<16xf32> to vector<16xi32>
        %jit3A_147 = arith.constant 0 : i32
        %jit3A_148 = arith.constant 127 : i32
        %max3A_149 = vector.broadcast %jit3A_147 : i32 to vector<16xi32>
        %max3A_150 = arith.maxsi %max3A_149, %convert_element_type3A_146 : vector<16xi32>
        %min3A_151 = vector.broadcast %jit3A_148 : i32 to vector<16xi32>
        %min3A_152 = arith.minsi %min3A_151, %max3A_150 : vector<16xi32>
        %add3A_153 = arith.addi %add3A_134, %min3A_152 : vector<16xi32>
        %get3A_154 = arith.index_cast %add3A_96 : i32 to index
        %get3A_155 = tpu.vector_load %arg13[%get3A_154] {strides = array<i32>} : memref<2048xi32, #tpu.memory_space<vmem>>, vector<16xi32>,
        %lt3A = arith.constant 0 : i32
        %lt3A_156 = vector.broadcast %lt3A : i32 to vector<16xi32>
        %lt3A_157 = arith.cmpi slt, %get3A_155, %lt3A_156 : vector<16xi32>
        %add3A_158 = arith.constant 16 : i32
        %add3A_159 = vector.broadcast %add3A_158 : i32 to vector<16xi32>
        %add3A_160 = arith.addi %get3A_155, %add3A_159 : vector<16xi32>
        %select_n3A = arith.select %lt3A_157, %add3A_160, %get3A_155 : vector<16xi1>, vector<16xi32>
        %reshape3A = vector.shape_cast %select_n3A : vector<16xi32> to vector<16x1xi32>
        %gather3A = vector.shape_cast %reshape3A : vector<16x1xi32> to vector<16xi32>
        %gather3A_161 = tpu.dynamic_gather %get3A_3[%gather3A] in [0] : vector<16xi32>, vector<16xi32> -> vector<16xi32>
        %shift_left3A_162 = arith.constant 21 : i32
        %shift_left3A_163 = vector.broadcast %shift_left3A_162 : i32 to vector<16xi32>
        %shift_left3A_164 = arith.shli %gather3A_161, %shift_left3A_163 : vector<16xi32>
        %add3A_165 = arith.addi %shift_left3A_164, %add3A_153 : vector<16xi32>
        %swap3A = arith.index_cast %mul3A_92 : i32 to index
        %swap3A_166 = tpu.vector_load %arg18[%swap3A] {strides = array<i32>} : memref<512xi32, #tpu.memory_space<vmem>>, vector<16xi32>,
        tpu.vector_store %arg18[%swap3A], %add3A_165 {strides = array<i32>} : memref<512xi32, #tpu.memory_space<vmem>>, vector<16xi32>,
        %scan3A_167 = arith.constant 1 : i32
        %scan3A_168 = arith.addi %scan3A_86, %scan3A_167 : i32
        %mul3A_169 = arith.constant 1 : i32
        %mul3A_170 = arith.muli %scan3A_168, %mul3A_169 : i32
        %add3A_171 = arith.constant 0 : i32
        %add3A_172 = arith.addi %add3A_171, %mul3A_170 : i32
        %mul3A_173 = arith.constant 16 : i32
        %mul3A_174 = arith.muli %add3A_172, %mul3A_173 : i32
        %mul3A_175 = arith.constant 16 : i32
        %mul3A_176 = arith.muli %add3A_172, %mul3A_175 : i32
        %add3A_177 = arith.constant 1536 : i32
        %add3A_178 = arith.addi %add3A_177, %mul3A_176 : i32
        %get3A_179 = arith.index_cast %add3A_178 : i32 to index
        %get3A_180 = tpu.vector_load %arg10[%get3A_179] {strides = array<i32>} : memref<2048xf32, #tpu.memory_space<vmem>>, vector<16xf32>,
        %mul3A_181 = arith.constant 5.000000e-01 : f32
        %mul3A_182 = vector.broadcast %mul3A_181 : f32 to vector<16xf32>
        %mul3A_183 = arith.mulf %get3A_180, %mul3A_182 : vector<16xf32>
        %add3A_184 = arith.constant 5.000000e-01 : f32
        %add3A_185 = vector.broadcast %add3A_184 : f32 to vector<16xf32>
        %add3A_186 = arith.addf %mul3A_183, %add3A_185 : vector<16xf32>
        %mul3A_187 = arith.constant 1.280000e+02 : f32
        %mul3A_188 = vector.broadcast %mul3A_187 : f32 to vector<16xf32>
        %mul3A_189 = arith.mulf %add3A_186, %mul3A_188 : vector<16xf32>
        %convert_element_type3A_190 = arith.fptosi %mul3A_189 : vector<16xf32> to vector<16xi32>
        %jit3A_191 = arith.constant 0 : i32
        %jit3A_192 = arith.constant 127 : i32
        %max3A_193 = vector.broadcast %jit3A_191 : i32 to vector<16xi32>
        %max3A_194 = arith.maxsi %max3A_193, %convert_element_type3A_190 : vector<16xi32>
        %min3A_195 = vector.broadcast %jit3A_192 : i32 to vector<16xi32>
        %min3A_196 = arith.minsi %min3A_195, %max3A_194 : vector<16xi32>
        %shift_left3A_197 = arith.constant 14 : i32
        %shift_left3A_198 = vector.broadcast %shift_left3A_197 : i32 to vector<16xi32>
        %shift_left3A_199 = arith.shli %min3A_196, %shift_left3A_198 : vector<16xi32>
        %get3A_200 = arith.index_cast %add3A_178 : i32 to index
        %get3A_201 = tpu.vector_load %arg11[%get3A_200] {strides = array<i32>} : memref<2048xf32, #tpu.memory_space<vmem>>, vector<16xf32>,
        %mul3A_202 = arith.constant 5.000000e-01 : f32
        %mul3A_203 = vector.broadcast %mul3A_202 : f32 to vector<16xf32>
        %mul3A_204 = arith.mulf %get3A_201, %mul3A_203 : vector<16xf32>
        %add3A_205 = arith.constant 5.000000e-01 : f32
        %add3A_206 = vector.broadcast %add3A_205 : f32 to vector<16xf32>
        %add3A_207 = arith.addf %mul3A_204, %add3A_206 : vector<16xf32>
        %mul3A_208 = arith.constant 1.280000e+02 : f32
        %mul3A_209 = vector.broadcast %mul3A_208 : f32 to vector<16xf32>
        %mul3A_210 = arith.mulf %add3A_207, %mul3A_209 : vector<16xf32>
        %convert_element_type3A_211 = arith.fptosi %mul3A_210 : vector<16xf32> to vector<16xi32>
        %jit3A_212 = arith.constant 0 : i32
        %jit3A_213 = arith.constant 127 : i32
        %max3A_214 = vector.broadcast %jit3A_212 : i32 to vector<16xi32>
        %max3A_215 = arith.maxsi %max3A_214, %convert_element_type3A_211 : vector<16xi32>
        %min3A_216 = vector.broadcast %jit3A_213 : i32 to vector<16xi32>
        %min3A_217 = arith.minsi %min3A_216, %max3A_215 : vector<16xi32>
        %shift_left3A_218 = arith.constant 7 : i32
        %shift_left3A_219 = vector.broadcast %shift_left3A_218 : i32 to vector<16xi32>
        %shift_left3A_220 = arith.shli %min3A_217, %shift_left3A_219 : vector<16xi32>
        %add3A_221 = arith.addi %shift_left3A_199, %shift_left3A_220 : vector<16xi32>
        %get3A_222 = arith.index_cast %add3A_178 : i32 to index
        %get3A_223 = tpu.vector_load %arg12[%get3A_222] {strides = array<i32>} : memref<2048xf32, #tpu.memory_space<vmem>>, vector<16xf32>,
        %mul3A_224 = arith.constant 5.000000e-01 : f32
        %mul3A_225 = vector.broadcast %mul3A_224 : f32 to vector<16xf32>
        %mul3A_226 = arith.mulf %get3A_223, %mul3A_225 : vector<16xf32>
        %add3A_227 = arith.constant 5.000000e-01 : f32
        %add3A_228 = vector.broadcast %add3A_227 : f32 to vector<16xf32>
        %add3A_229 = arith.addf %mul3A_226, %add3A_228 : vector<16xf32>
        %mul3A_230 = arith.constant 1.280000e+02 : f32
        %mul3A_231 = vector.broadcast %mul3A_230 : f32 to vector<16xf32>
        %mul3A_232 = arith.mulf %add3A_229, %mul3A_231 : vector<16xf32>
        %convert_element_type3A_233 = arith.fptosi %mul3A_232 : vector<16xf32> to vector<16xi32>
        %jit3A_234 = arith.constant 0 : i32
        %jit3A_235 = arith.constant 127 : i32
        %max3A_236 = vector.broadcast %jit3A_234 : i32 to vector<16xi32>
        %max3A_237 = arith.maxsi %max3A_236, %convert_element_type3A_233 : vector<16xi32>
        %min3A_238 = vector.broadcast %jit3A_235 : i32 to vector<16xi32>
        %min3A_239 = arith.minsi %min3A_238, %max3A_237 : vector<16xi32>
        %add3A_240 = arith.addi %add3A_221, %min3A_239 : vector<16xi32>
        %get3A_241 = arith.index_cast %add3A_178 : i32 to index
        %get3A_242 = tpu.vector_load %arg13[%get3A_241] {strides = array<i32>} : memref<2048xi32, #tpu.memory_space<vmem>>, vector<16xi32>,
        %lt3A_243 = arith.constant 0 : i32
        %lt3A_244 = vector.broadcast %lt3A_243 : i32 to vector<16xi32>
        %lt3A_245 = arith.cmpi slt, %get3A_242, %lt3A_244 : vector<16xi32>
        %add3A_246 = arith.constant 16 : i32
        %add3A_247 = vector.broadcast %add3A_246 : i32 to vector<16xi32>
        %add3A_248 = arith.addi %get3A_242, %add3A_247 : vector<16xi32>
        %select_n3A_249 = arith.select %lt3A_245, %add3A_248, %get3A_242 : vector<16xi1>, vector<16xi32>
        %reshape3A_250 = vector.shape_cast %select_n3A_249 : vector<16xi32> to vector<16x1xi32>
        %gather3A_251 = vector.shape_cast %reshape3A_250 : vector<16x1xi32> to vector<16xi32>
        %gather3A_252 = tpu.dynamic_gather %get3A_3[%gather3A_251] in [0] : vector<16xi32>, vector<16xi32> -> vector<16xi32>
        %shift_left3A_253 = arith.constant 21 : i32
        %shift_left3A_254 = vector.broadcast %shift_left3A_253 : i32 to vector<16xi32>
        %shift_left3A_255 = arith.shli %gather3A_252, %shift_left3A_254 : vector<16xi32>
        %add3A_256 = arith.addi %shift_left3A_255, %add3A_240 : vector<16xi32>
        %swap3A_257 = arith.index_cast %mul3A_174 : i32 to index
        %swap3A_258 = tpu.vector_load %arg18[%swap3A_257] {strides = array<i32>} : memref<512xi32, #tpu.memory_space<vmem>>, vector<16xi32>,
        tpu.vector_store %arg18[%swap3A_257], %add3A_256 {strides = array<i32>} : memref<512xi32, #tpu.memory_space<vmem>>, vector<16xi32>,
        %scan3A_259 = arith.constant 2 : i32
        %scan3A_260 = arith.addi %scan3A_86, %scan3A_259 : i32
        %mul3A_261 = arith.constant 1 : i32
        %mul3A_262 = arith.muli %scan3A_260, %mul3A_261 : i32
        %add3A_263 = arith.constant 0 : i32
        %add3A_264 = arith.addi %add3A_263, %mul3A_262 : i32
        %mul3A_265 = arith.constant 16 : i32
        %mul3A_266 = arith.muli %add3A_264, %mul3A_265 : i32
        %mul3A_267 = arith.constant 16 : i32
        %mul3A_268 = arith.muli %add3A_264, %mul3A_267 : i32
        %add3A_269 = arith.constant 1536 : i32
        %add3A_270 = arith.addi %add3A_269, %mul3A_268 : i32
        %get3A_271 = arith.index_cast %add3A_270 : i32 to index
        %get3A_272 = tpu.vector_load %arg10[%get3A_271] {strides = array<i32>} : memref<2048xf32, #tpu.memory_space<vmem>>, vector<16xf32>,
        %mul3A_273 = arith.constant 5.000000e-01 : f32
        %mul3A_274 = vector.broadcast %mul3A_273 : f32 to vector<16xf32>
        %mul3A_275 = arith.mulf %get3A_272, %mul3A_274 : vector<16xf32>
        %add3A_276 = arith.constant 5.000000e-01 : f32
        %add3A_277 = vector.broadcast %add3A_276 : f32 to vector<16xf32>
        %add3A_278 = arith.addf %mul3A_275, %add3A_277 : vector<16xf32>
        %mul3A_279 = arith.constant 1.280000e+02 : f32
        %mul3A_280 = vector.broadcast %mul3A_279 : f32 to vector<16xf32>
        %mul3A_281 = arith.mulf %add3A_278, %mul3A_280 : vector<16xf32>
        %convert_element_type3A_282 = arith.fptosi %mul3A_281 : vector<16xf32> to vector<16xi32>
        %jit3A_283 = arith.constant 0 : i32
        %jit3A_284 = arith.constant 127 : i32
        %max3A_285 = vector.broadcast %jit3A_283 : i32 to vector<16xi32>
        %max3A_286 = arith.maxsi %max3A_285, %convert_element_type3A_282 : vector<16xi32>
        %min3A_287 = vector.broadcast %jit3A_284 : i32 to vector<16xi32>
        %min3A_288 = arith.minsi %min3A_287, %max3A_286 : vector<16xi32>
        %shift_left3A_289 = arith.constant 14 : i32
        %shift_left3A_290 = vector.broadcast %shift_left3A_289 : i32 to vector<16xi32>
        %shift_left3A_291 = arith.shli %min3A_288, %shift_left3A_290 : vector<16xi32>
        %get3A_292 = arith.index_cast %add3A_270 : i32 to index
        %get3A_293 = tpu.vector_load %arg11[%get3A_292] {strides = array<i32>} : memref<2048xf32, #tpu.memory_space<vmem>>, vector<16xf32>,
        %mul3A_294 = arith.constant 5.000000e-01 : f32
        %mul3A_295 = vector.broadcast %mul3A_294 : f32 to vector<16xf32>
        %mul3A_296 = arith.mulf %get3A_293, %mul3A_295 : vector<16xf32>
        %add3A_297 = arith.constant 5.000000e-01 : f32
        %add3A_298 = vector.broadcast %add3A_297 : f32 to vector<16xf32>
        %add3A_299 = arith.addf %mul3A_296, %add3A_298 : vector<16xf32>
        %mul3A_300 = arith.constant 1.280000e+02 : f32
        %mul3A_301 = vector.broadcast %mul3A_300 : f32 to vector<16xf32>
        %mul3A_302 = arith.mulf %add3A_299, %mul3A_301 : vector<16xf32>
        %convert_element_type3A_303 = arith.fptosi %mul3A_302 : vector<16xf32> to vector<16xi32>
        %jit3A_304 = arith.constant 0 : i32
        %jit3A_305 = arith.constant 127 : i32
        %max3A_306 = vector.broadcast %jit3A_304 : i32 to vector<16xi32>
        %max3A_307 = arith.maxsi %max3A_306, %convert_element_type3A_303 : vector<16xi32>
        %min3A_308 = vector.broadcast %jit3A_305 : i32 to vector<16xi32>
        %min3A_309 = arith.minsi %min3A_308, %max3A_307 : vector<16xi32>
        %shift_left3A_310 = arith.constant 7 : i32
        %shift_left3A_311 = vector.broadcast %shift_left3A_310 : i32 to vector<16xi32>
        %shift_left3A_312 = arith.shli %min3A_309, %shift_left3A_311 : vector<16xi32>
        %add3A_313 = arith.addi %shift_left3A_291, %shift_left3A_312 : vector<16xi32>
        %get3A_314 = arith.index_cast %add3A_270 : i32 to index
        %get3A_315 = tpu.vector_load %arg12[%get3A_314] {strides = array<i32>} : memref<2048xf32, #tpu.memory_space<vmem>>, vector<16xf32>,
        %mul3A_316 = arith.constant 5.000000e-01 : f32
        %mul3A_317 = vector.broadcast %mul3A_316 : f32 to vector<16xf32>
        %mul3A_318 = arith.mulf %get3A_315, %mul3A_317 : vector<16xf32>
        %add3A_319 = arith.constant 5.000000e-01 : f32
        %add3A_320 = vector.broadcast %add3A_319 : f32 to vector<16xf32>
        %add3A_321 = arith.addf %mul3A_318, %add3A_320 : vector<16xf32>
        %mul3A_322 = arith.constant 1.280000e+02 : f32
        %mul3A_323 = vector.broadcast %mul3A_322 : f32 to vector<16xf32>
        %mul3A_324 = arith.mulf %add3A_321, %mul3A_323 : vector<16xf32>
        %convert_element_type3A_325 = arith.fptosi %mul3A_324 : vector<16xf32> to vector<16xi32>
        %jit3A_326 = arith.constant 0 : i32
        %jit3A_327 = arith.constant 127 : i32
        %max3A_328 = vector.broadcast %jit3A_326 : i32 to vector<16xi32>
        %max3A_329 = arith.maxsi %max3A_328, %convert_element_type3A_325 : vector<16xi32>
        %min3A_330 = vector.broadcast %jit3A_327 : i32 to vector<16xi32>
        %min3A_331 = arith.minsi %min3A_330, %max3A_329 : vector<16xi32>
        %add3A_332 = arith.addi %add3A_313, %min3A_331 : vector<16xi32>
        %get3A_333 = arith.index_cast %add3A_270 : i32 to index
        %get3A_334 = tpu.vector_load %arg13[%get3A_333] {strides = array<i32>} : memref<2048xi32, #tpu.memory_space<vmem>>, vector<16xi32>,
        %lt3A_335 = arith.constant 0 : i32
        %lt3A_336 = vector.broadcast %lt3A_335 : i32 to vector<16xi32>
        %lt3A_337 = arith.cmpi slt, %get3A_334, %lt3A_336 : vector<16xi32>
        %add3A_338 = arith.constant 16 : i32
        %add3A_339 = vector.broadcast %add3A_338 : i32 to vector<16xi32>
        %add3A_340 = arith.addi %get3A_334, %add3A_339 : vector<16xi32>
        %select_n3A_341 = arith.select %lt3A_337, %add3A_340, %get3A_334 : vector<16xi1>, vector<16xi32>
        %reshape3A_342 = vector.shape_cast %select_n3A_341 : vector<16xi32> to vector<16x1xi32>
        %gather3A_343 = vector.shape_cast %reshape3A_342 : vector<16x1xi32> to vector<16xi32>
        %gather3A_344 = tpu.dynamic_gather %get3A_3[%gather3A_343] in [0] : vector<16xi32>, vector<16xi32> -> vector<16xi32>
        %shift_left3A_345 = arith.constant 21 : i32
        %shift_left3A_346 = vector.broadcast %shift_left3A_345 : i32 to vector<16xi32>
        %shift_left3A_347 = arith.shli %gather3A_344, %shift_left3A_346 : vector<16xi32>
        %add3A_348 = arith.addi %shift_left3A_347, %add3A_332 : vector<16xi32>
        %swap3A_349 = arith.index_cast %mul3A_266 : i32 to index
        %swap3A_350 = tpu.vector_load %arg18[%swap3A_349] {strides = array<i32>} : memref<512xi32, #tpu.memory_space<vmem>>, vector<16xi32>,
        tpu.vector_store %arg18[%swap3A_349], %add3A_348 {strides = array<i32>} : memref<512xi32, #tpu.memory_space<vmem>>, vector<16xi32>,
        %scan3A_351 = arith.constant 3 : i32
        %scan3A_352 = arith.addi %scan3A_86, %scan3A_351 : i32
        %mul3A_353 = arith.constant 1 : i32
        %mul3A_354 = arith.muli %scan3A_352, %mul3A_353 : i32
        %add3A_355 = arith.constant 0 : i32
        %add3A_356 = arith.addi %add3A_355, %mul3A_354 : i32
        %mul3A_357 = arith.constant 16 : i32
        %mul3A_358 = arith.muli %add3A_356, %mul3A_357 : i32
        %mul3A_359 = arith.constant 16 : i32
        %mul3A_360 = arith.muli %add3A_356, %mul3A_359 : i32
        %add3A_361 = arith.constant 1536 : i32
        %add3A_362 = arith.addi %add3A_361, %mul3A_360 : i32
        %get3A_363 = arith.index_cast %add3A_362 : i32 to index
        %get3A_364 = tpu.vector_load %arg10[%get3A_363] {strides = array<i32>} : memref<2048xf32, #tpu.memory_space<vmem>>, vector<16xf32>,
        %mul3A_365 = arith.constant 5.000000e-01 : f32
        %mul3A_366 = vector.broadcast %mul3A_365 : f32 to vector<16xf32>
        %mul3A_367 = arith.mulf %get3A_364, %mul3A_366 : vector<16xf32>
        %add3A_368 = arith.constant 5.000000e-01 : f32
        %add3A_369 = vector.broadcast %add3A_368 : f32 to vector<16xf32>
        %add3A_370 = arith.addf %mul3A_367, %add3A_369 : vector<16xf32>
        %mul3A_371 = arith.constant 1.280000e+02 : f32
        %mul3A_372 = vector.broadcast %mul3A_371 : f32 to vector<16xf32>
        %mul3A_373 = arith.mulf %add3A_370, %mul3A_372 : vector<16xf32>
        %convert_element_type3A_374 = arith.fptosi %mul3A_373 : vector<16xf32> to vector<16xi32>
        %jit3A_375 = arith.constant 0 : i32
        %jit3A_376 = arith.constant 127 : i32
        %max3A_377 = vector.broadcast %jit3A_375 : i32 to vector<16xi32>
        %max3A_378 = arith.maxsi %max3A_377, %convert_element_type3A_374 : vector<16xi32>
        %min3A_379 = vector.broadcast %jit3A_376 : i32 to vector<16xi32>
        %min3A_380 = arith.minsi %min3A_379, %max3A_378 : vector<16xi32>
        %shift_left3A_381 = arith.constant 14 : i32
        %shift_left3A_382 = vector.broadcast %shift_left3A_381 : i32 to vector<16xi32>
        %shift_left3A_383 = arith.shli %min3A_380, %shift_left3A_382 : vector<16xi32>
        %get3A_384 = arith.index_cast %add3A_362 : i32 to index
        %get3A_385 = tpu.vector_load %arg11[%get3A_384] {strides = array<i32>} : memref<2048xf32, #tpu.memory_space<vmem>>, vector<16xf32>,
        %mul3A_386 = arith.constant 5.000000e-01 : f32
        %mul3A_387 = vector.broadcast %mul3A_386 : f32 to vector<16xf32>
        %mul3A_388 = arith.mulf %get3A_385, %mul3A_387 : vector<16xf32>
        %add3A_389 = arith.constant 5.000000e-01 : f32
        %add3A_390 = vector.broadcast %add3A_389 : f32 to vector<16xf32>
        %add3A_391 = arith.addf %mul3A_388, %add3A_390 : vector<16xf32>
        %mul3A_392 = arith.constant 1.280000e+02 : f32
        %mul3A_393 = vector.broadcast %mul3A_392 : f32 to vector<16xf32>
        %mul3A_394 = arith.mulf %add3A_391, %mul3A_393 : vector<16xf32>
        %convert_element_type3A_395 = arith.fptosi %mul3A_394 : vector<16xf32> to vector<16xi32>
        %jit3A_396 = arith.constant 0 : i32
        %jit3A_397 = arith.constant 127 : i32
        %max3A_398 = vector.broadcast %jit3A_396 : i32 to vector<16xi32>
        %max3A_399 = arith.maxsi %max3A_398, %convert_element_type3A_395 : vector<16xi32>
        %min3A_400 = vector.broadcast %jit3A_397 : i32 to vector<16xi32>
        %min3A_401 = arith.minsi %min3A_400, %max3A_399 : vector<16xi32>
        %shift_left3A_402 = arith.constant 7 : i32
        %shift_left3A_403 = vector.broadcast %shift_left3A_402 : i32 to vector<16xi32>
        %shift_left3A_404 = arith.shli %min3A_401, %shift_left3A_403 : vector<16xi32>
        %add3A_405 = arith.addi %shift_left3A_383, %shift_left3A_404 : vector<16xi32>
        %get3A_406 = arith.index_cast %add3A_362 : i32 to index
        %get3A_407 = tpu.vector_load %arg12[%get3A_406] {strides = array<i32>} : memref<2048xf32, #tpu.memory_space<vmem>>, vector<16xf32>,
        %mul3A_408 = arith.constant 5.000000e-01 : f32
        %mul3A_409 = vector.broadcast %mul3A_408 : f32 to vector<16xf32>
        %mul3A_410 = arith.mulf %get3A_407, %mul3A_409 : vector<16xf32>
        %add3A_411 = arith.constant 5.000000e-01 : f32
        %add3A_412 = vector.broadcast %add3A_411 : f32 to vector<16xf32>
        %add3A_413 = arith.addf %mul3A_410, %add3A_412 : vector<16xf32>
        %mul3A_414 = arith.constant 1.280000e+02 : f32
        %mul3A_415 = vector.broadcast %mul3A_414 : f32 to vector<16xf32>
        %mul3A_416 = arith.mulf %add3A_413, %mul3A_415 : vector<16xf32>
        %convert_element_type3A_417 = arith.fptosi %mul3A_416 : vector<16xf32> to vector<16xi32>
        %jit3A_418 = arith.constant 0 : i32
        %jit3A_419 = arith.constant 127 : i32
        %max3A_420 = vector.broadcast %jit3A_418 : i32 to vector<16xi32>
        %max3A_421 = arith.maxsi %max3A_420, %convert_element_type3A_417 : vector<16xi32>
        %min3A_422 = vector.broadcast %jit3A_419 : i32 to vector<16xi32>
        %min3A_423 = arith.minsi %min3A_422, %max3A_421 : vector<16xi32>
        %add3A_424 = arith.addi %add3A_405, %min3A_423 : vector<16xi32>
        %get3A_425 = arith.index_cast %add3A_362 : i32 to index
        %get3A_426 = tpu.vector_load %arg13[%get3A_425] {strides = array<i32>} : memref<2048xi32, #tpu.memory_space<vmem>>, vector<16xi32>,
        %lt3A_427 = arith.constant 0 : i32
        %lt3A_428 = vector.broadcast %lt3A_427 : i32 to vector<16xi32>
        %lt3A_429 = arith.cmpi slt, %get3A_426, %lt3A_428 : vector<16xi32>
        %add3A_430 = arith.constant 16 : i32
        %add3A_431 = vector.broadcast %add3A_430 : i32 to vector<16xi32>
        %add3A_432 = arith.addi %get3A_426, %add3A_431 : vector<16xi32>
        %select_n3A_433 = arith.select %lt3A_429, %add3A_432, %get3A_426 : vector<16xi1>, vector<16xi32>
        %reshape3A_434 = vector.shape_cast %select_n3A_433 : vector<16xi32> to vector<16x1xi32>
        %gather3A_435 = vector.shape_cast %reshape3A_434 : vector<16x1xi32> to vector<16xi32>
        %gather3A_436 = tpu.dynamic_gather %get3A_3[%gather3A_435] in [0] : vector<16xi32>, vector<16xi32> -> vector<16xi32>
        %shift_left3A_437 = arith.constant 21 : i32
        %shift_left3A_438 = vector.broadcast %shift_left3A_437 : i32 to vector<16xi32>
        %shift_left3A_439 = arith.shli %gather3A_436, %shift_left3A_438 : vector<16xi32>
        %add3A_440 = arith.addi %shift_left3A_439, %add3A_424 : vector<16xi32>
        %swap3A_441 = arith.index_cast %mul3A_358 : i32 to index
        %swap3A_442 = tpu.vector_load %arg18[%swap3A_441] {strides = array<i32>} : memref<512xi32, #tpu.memory_space<vmem>>, vector<16xi32>,
        tpu.vector_store %arg18[%swap3A_441], %add3A_440 {strides = array<i32>} : memref<512xi32, #tpu.memory_space<vmem>>, vector<16xi32>,
        %scan3A_443 = arith.constant 4 : i32
        %scan3A_444 = arith.addi %scan3A_86, %scan3A_443 : i32
        %mul3A_445 = arith.constant 1 : i32
        %mul3A_446 = arith.muli %scan3A_444, %mul3A_445 : i32
        %add3A_447 = arith.constant 0 : i32
        %add3A_448 = arith.addi %add3A_447, %mul3A_446 : i32
        %mul3A_449 = arith.constant 16 : i32
        %mul3A_450 = arith.muli %add3A_448, %mul3A_449 : i32
        %mul3A_451 = arith.constant 16 : i32
        %mul3A_452 = arith.muli %add3A_448, %mul3A_451 : i32
        %add3A_453 = arith.constant 1536 : i32
        %add3A_454 = arith.addi %add3A_453, %mul3A_452 : i32
        %get3A_455 = arith.index_cast %add3A_454 : i32 to index
        %get3A_456 = tpu.vector_load %arg10[%get3A_455] {strides = array<i32>} : memref<2048xf32, #tpu.memory_space<vmem>>, vector<16xf32>,
        %mul3A_457 = arith.constant 5.000000e-01 : f32
        %mul3A_458 = vector.broadcast %mul3A_457 : f32 to vector<16xf32>
        %mul3A_459 = arith.mulf %get3A_456, %mul3A_458 : vector<16xf32>
        %add3A_460 = arith.constant 5.000000e-01 : f32
        %add3A_461 = vector.broadcast %add3A_460 : f32 to vector<16xf32>
        %add3A_462 = arith.addf %mul3A_459, %add3A_461 : vector<16xf32>
        %mul3A_463 = arith.constant 1.280000e+02 : f32
        %mul3A_464 = vector.broadcast %mul3A_463 : f32 to vector<16xf32>
        %mul3A_465 = arith.mulf %add3A_462, %mul3A_464 : vector<16xf32>
        %convert_element_type3A_466 = arith.fptosi %mul3A_465 : vector<16xf32> to vector<16xi32>
        %jit3A_467 = arith.constant 0 : i32
        %jit3A_468 = arith.constant 127 : i32
        %max3A_469 = vector.broadcast %jit3A_467 : i32 to vector<16xi32>
        %max3A_470 = arith.maxsi %max3A_469, %convert_element_type3A_466 : vector<16xi32>
        %min3A_471 = vector.broadcast %jit3A_468 : i32 to vector<16xi32>
        %min3A_472 = arith.minsi %min3A_471, %max3A_470 : vector<16xi32>
        %shift_left3A_473 = arith.constant 14 : i32
        %shift_left3A_474 = vector.broadcast %shift_left3A_473 : i32 to vector<16xi32>
        %shift_left3A_475 = arith.shli %min3A_472, %shift_left3A_474 : vector<16xi32>
        %get3A_476 = arith.index_cast %add3A_454 : i32 to index
        %get3A_477 = tpu.vector_load %arg11[%get3A_476] {strides = array<i32>} : memref<2048xf32, #tpu.memory_space<vmem>>, vector<16xf32>,
        %mul3A_478 = arith.constant 5.000000e-01 : f32
        %mul3A_479 = vector.broadcast %mul3A_478 : f32 to vector<16xf32>
        %mul3A_480 = arith.mulf %get3A_477, %mul3A_479 : vector<16xf32>
        %add3A_481 = arith.constant 5.000000e-01 : f32
        %add3A_482 = vector.broadcast %add3A_481 : f32 to vector<16xf32>
        %add3A_483 = arith.addf %mul3A_480, %add3A_482 : vector<16xf32>
        %mul3A_484 = arith.constant 1.280000e+02 : f32
        %mul3A_485 = vector.broadcast %mul3A_484 : f32 to vector<16xf32>
        %mul3A_486 = arith.mulf %add3A_483, %mul3A_485 : vector<16xf32>
        %convert_element_type3A_487 = arith.fptosi %mul3A_486 : vector<16xf32> to vector<16xi32>
        %jit3A_488 = arith.constant 0 : i32
        %jit3A_489 = arith.constant 127 : i32
        %max3A_490 = vector.broadcast %jit3A_488 : i32 to vector<16xi32>
        %max3A_491 = arith.maxsi %max3A_490, %convert_element_type3A_487 : vector<16xi32>
        %min3A_492 = vector.broadcast %jit3A_489 : i32 to vector<16xi32>
        %min3A_493 = arith.minsi %min3A_492, %max3A_491 : vector<16xi32>
        %shift_left3A_494 = arith.constant 7 : i32
        %shift_left3A_495 = vector.broadcast %shift_left3A_494 : i32 to vector<16xi32>
        %shift_left3A_496 = arith.shli %min3A_493, %shift_left3A_495 : vector<16xi32>
        %add3A_497 = arith.addi %shift_left3A_475, %shift_left3A_496 : vector<16xi32>
        %get3A_498 = arith.index_cast %add3A_454 : i32 to index
        %get3A_499 = tpu.vector_load %arg12[%get3A_498] {strides = array<i32>} : memref<2048xf32, #tpu.memory_space<vmem>>, vector<16xf32>,
        %mul3A_500 = arith.constant 5.000000e-01 : f32
        %mul3A_501 = vector.broadcast %mul3A_500 : f32 to vector<16xf32>
        %mul3A_502 = arith.mulf %get3A_499, %mul3A_501 : vector<16xf32>
        %add3A_503 = arith.constant 5.000000e-01 : f32
        %add3A_504 = vector.broadcast %add3A_503 : f32 to vector<16xf32>
        %add3A_505 = arith.addf %mul3A_502, %add3A_504 : vector<16xf32>
        %mul3A_506 = arith.constant 1.280000e+02 : f32
        %mul3A_507 = vector.broadcast %mul3A_506 : f32 to vector<16xf32>
        %mul3A_508 = arith.mulf %add3A_505, %mul3A_507 : vector<16xf32>
        %convert_element_type3A_509 = arith.fptosi %mul3A_508 : vector<16xf32> to vector<16xi32>
        %jit3A_510 = arith.constant 0 : i32
        %jit3A_511 = arith.constant 127 : i32
        %max3A_512 = vector.broadcast %jit3A_510 : i32 to vector<16xi32>
        %max3A_513 = arith.maxsi %max3A_512, %convert_element_type3A_509 : vector<16xi32>
        %min3A_514 = vector.broadcast %jit3A_511 : i32 to vector<16xi32>
        %min3A_515 = arith.minsi %min3A_514, %max3A_513 : vector<16xi32>
        %add3A_516 = arith.addi %add3A_497, %min3A_515 : vector<16xi32>
        %get3A_517 = arith.index_cast %add3A_454 : i32 to index
        %get3A_518 = tpu.vector_load %arg13[%get3A_517] {strides = array<i32>} : memref<2048xi32, #tpu.memory_space<vmem>>, vector<16xi32>,
        %lt3A_519 = arith.constant 0 : i32
        %lt3A_520 = vector.broadcast %lt3A_519 : i32 to vector<16xi32>
        %lt3A_521 = arith.cmpi slt, %get3A_518, %lt3A_520 : vector<16xi32>
        %add3A_522 = arith.constant 16 : i32
        %add3A_523 = vector.broadcast %add3A_522 : i32 to vector<16xi32>
        %add3A_524 = arith.addi %get3A_518, %add3A_523 : vector<16xi32>
        %select_n3A_525 = arith.select %lt3A_521, %add3A_524, %get3A_518 : vector<16xi1>, vector<16xi32>
        %reshape3A_526 = vector.shape_cast %select_n3A_525 : vector<16xi32> to vector<16x1xi32>
        %gather3A_527 = vector.shape_cast %reshape3A_526 : vector<16x1xi32> to vector<16xi32>
        %gather3A_528 = tpu.dynamic_gather %get3A_3[%gather3A_527] in [0] : vector<16xi32>, vector<16xi32> -> vector<16xi32>
        %shift_left3A_529 = arith.constant 21 : i32
        %shift_left3A_530 = vector.broadcast %shift_left3A_529 : i32 to vector<16xi32>
        %shift_left3A_531 = arith.shli %gather3A_528, %shift_left3A_530 : vector<16xi32>
        %add3A_532 = arith.addi %shift_left3A_531, %add3A_516 : vector<16xi32>
        %swap3A_533 = arith.index_cast %mul3A_450 : i32 to index
        %swap3A_534 = tpu.vector_load %arg18[%swap3A_533] {strides = array<i32>} : memref<512xi32, #tpu.memory_space<vmem>>, vector<16xi32>,
        tpu.vector_store %arg18[%swap3A_533], %add3A_532 {strides = array<i32>} : memref<512xi32, #tpu.memory_space<vmem>>, vector<16xi32>,
        %scan3A_535 = arith.constant 5 : i32
        %scan3A_536 = arith.addi %scan3A_86, %scan3A_535 : i32
        %mul3A_537 = arith.constant 1 : i32
        %mul3A_538 = arith.muli %scan3A_536, %mul3A_537 : i32
        %add3A_539 = arith.constant 0 : i32
        %add3A_540 = arith.addi %add3A_539, %mul3A_538 : i32
        %mul3A_541 = arith.constant 16 : i32
        %mul3A_542 = arith.muli %add3A_540, %mul3A_541 : i32
        %mul3A_543 = arith.constant 16 : i32
        %mul3A_544 = arith.muli %add3A_540, %mul3A_543 : i32
        %add3A_545 = arith.constant 1536 : i32
        %add3A_546 = arith.addi %add3A_545, %mul3A_544 : i32
        %get3A_547 = arith.index_cast %add3A_546 : i32 to index
        %get3A_548 = tpu.vector_load %arg10[%get3A_547] {strides = array<i32>} : memref<2048xf32, #tpu.memory_space<vmem>>, vector<16xf32>,
        %mul3A_549 = arith.constant 5.000000e-01 : f32
        %mul3A_550 = vector.broadcast %mul3A_549 : f32 to vector<16xf32>
        %mul3A_551 = arith.mulf %get3A_548, %mul3A_550 : vector<16xf32>
        %add3A_552 = arith.constant 5.000000e-01 : f32
        %add3A_553 = vector.broadcast %add3A_552 : f32 to vector<16xf32>
        %add3A_554 = arith.addf %mul3A_551, %add3A_553 : vector<16xf32>
        %mul3A_555 = arith.constant 1.280000e+02 : f32
        %mul3A_556 = vector.broadcast %mul3A_555 : f32 to vector<16xf32>
        %mul3A_557 = arith.mulf %add3A_554, %mul3A_556 : vector<16xf32>
        %convert_element_type3A_558 = arith.fptosi %mul3A_557 : vector<16xf32> to vector<16xi32>
        %jit3A_559 = arith.constant 0 : i32
        %jit3A_560 = arith.constant 127 : i32
        %max3A_561 = vector.broadcast %jit3A_559 : i32 to vector<16xi32>
        %max3A_562 = arith.maxsi %max3A_561, %convert_element_type3A_558 : vector<16xi32>
        %min3A_563 = vector.broadcast %jit3A_560 : i32 to vector<16xi32>
        %min3A_564 = arith.minsi %min3A_563, %max3A_562 : vector<16xi32>
        %shift_left3A_565 = arith.constant 14 : i32
        %shift_left3A_566 = vector.broadcast %shift_left3A_565 : i32 to vector<16xi32>
        %shift_left3A_567 = arith.shli %min3A_564, %shift_left3A_566 : vector<16xi32>
        %get3A_568 = arith.index_cast %add3A_546 : i32 to index
        %get3A_569 = tpu.vector_load %arg11[%get3A_568] {strides = array<i32>} : memref<2048xf32, #tpu.memory_space<vmem>>, vector<16xf32>,
        %mul3A_570 = arith.constant 5.000000e-01 : f32
        %mul3A_571 = vector.broadcast %mul3A_570 : f32 to vector<16xf32>
        %mul3A_572 = arith.mulf %get3A_569, %mul3A_571 : vector<16xf32>
        %add3A_573 = arith.constant 5.000000e-01 : f32
        %add3A_574 = vector.broadcast %add3A_573 : f32 to vector<16xf32>
        %add3A_575 = arith.addf %mul3A_572, %add3A_574 : vector<16xf32>
        %mul3A_576 = arith.constant 1.280000e+02 : f32
        %mul3A_577 = vector.broadcast %mul3A_576 : f32 to vector<16xf32>
        %mul3A_578 = arith.mulf %add3A_575, %mul3A_577 : vector<16xf32>
        %convert_element_type3A_579 = arith.fptosi %mul3A_578 : vector<16xf32> to vector<16xi32>
        %jit3A_580 = arith.constant 0 : i32
        %jit3A_581 = arith.constant 127 : i32
        %max3A_582 = vector.broadcast %jit3A_580 : i32 to vector<16xi32>
        %max3A_583 = arith.maxsi %max3A_582, %convert_element_type3A_579 : vector<16xi32>
        %min3A_584 = vector.broadcast %jit3A_581 : i32 to vector<16xi32>
        %min3A_585 = arith.minsi %min3A_584, %max3A_583 : vector<16xi32>
        %shift_left3A_586 = arith.constant 7 : i32
        %shift_left3A_587 = vector.broadcast %shift_left3A_586 : i32 to vector<16xi32>
        %shift_left3A_588 = arith.shli %min3A_585, %shift_left3A_587 : vector<16xi32>
        %add3A_589 = arith.addi %shift_left3A_567, %shift_left3A_588 : vector<16xi32>
        %get3A_590 = arith.index_cast %add3A_546 : i32 to index
        %get3A_591 = tpu.vector_load %arg12[%get3A_590] {strides = array<i32>} : memref<2048xf32, #tpu.memory_space<vmem>>, vector<16xf32>,
        %mul3A_592 = arith.constant 5.000000e-01 : f32
        %mul3A_593 = vector.broadcast %mul3A_592 : f32 to vector<16xf32>
        %mul3A_594 = arith.mulf %get3A_591, %mul3A_593 : vector<16xf32>
        %add3A_595 = arith.constant 5.000000e-01 : f32
        %add3A_596 = vector.broadcast %add3A_595 : f32 to vector<16xf32>
        %add3A_597 = arith.addf %mul3A_594, %add3A_596 : vector<16xf32>
        %mul3A_598 = arith.constant 1.280000e+02 : f32
        %mul3A_599 = vector.broadcast %mul3A_598 : f32 to vector<16xf32>
        %mul3A_600 = arith.mulf %add3A_597, %mul3A_599 : vector<16xf32>
        %convert_element_type3A_601 = arith.fptosi %mul3A_600 : vector<16xf32> to vector<16xi32>
        %jit3A_602 = arith.constant 0 : i32
        %jit3A_603 = arith.constant 127 : i32
        %max3A_604 = vector.broadcast %jit3A_602 : i32 to vector<16xi32>
        %max3A_605 = arith.maxsi %max3A_604, %convert_element_type3A_601 : vector<16xi32>
        %min3A_606 = vector.broadcast %jit3A_603 : i32 to vector<16xi32>
        %min3A_607 = arith.minsi %min3A_606, %max3A_605 : vector<16xi32>
        %add3A_608 = arith.addi %add3A_589, %min3A_607 : vector<16xi32>
        %get3A_609 = arith.index_cast %add3A_546 : i32 to index
        %get3A_610 = tpu.vector_load %arg13[%get3A_609] {strides = array<i32>} : memref<2048xi32, #tpu.memory_space<vmem>>, vector<16xi32>,
        %lt3A_611 = arith.constant 0 : i32
        %lt3A_612 = vector.broadcast %lt3A_611 : i32 to vector<16xi32>
        %lt3A_613 = arith.cmpi slt, %get3A_610, %lt3A_612 : vector<16xi32>
        %add3A_614 = arith.constant 16 : i32
        %add3A_615 = vector.broadcast %add3A_614 : i32 to vector<16xi32>
        %add3A_616 = arith.addi %get3A_610, %add3A_615 : vector<16xi32>
        %select_n3A_617 = arith.select %lt3A_613, %add3A_616, %get3A_610 : vector<16xi1>, vector<16xi32>
        %reshape3A_618 = vector.shape_cast %select_n3A_617 : vector<16xi32> to vector<16x1xi32>
        %gather3A_619 = vector.shape_cast %reshape3A_618 : vector<16x1xi32> to vector<16xi32>
        %gather3A_620 = tpu.dynamic_gather %get3A_3[%gather3A_619] in [0] : vector<16xi32>, vector<16xi32> -> vector<16xi32>
        %shift_left3A_621 = arith.constant 21 : i32
        %shift_left3A_622 = vector.broadcast %shift_left3A_621 : i32 to vector<16xi32>
        %shift_left3A_623 = arith.shli %gather3A_620, %shift_left3A_622 : vector<16xi32>
        %add3A_624 = arith.addi %shift_left3A_623, %add3A_608 : vector<16xi32>
        %swap3A_625 = arith.index_cast %mul3A_542 : i32 to index
        %swap3A_626 = tpu.vector_load %arg18[%swap3A_625] {strides = array<i32>} : memref<512xi32, #tpu.memory_space<vmem>>, vector<16xi32>,
        tpu.vector_store %arg18[%swap3A_625], %add3A_624 {strides = array<i32>} : memref<512xi32, #tpu.memory_space<vmem>>, vector<16xi32>,
        %scan3A_627 = arith.constant 6 : i32
        %scan3A_628 = arith.addi %scan3A_86, %scan3A_627 : i32
        %mul3A_629 = arith.constant 1 : i32
        %mul3A_630 = arith.muli %scan3A_628, %mul3A_629 : i32
        %add3A_631 = arith.constant 0 : i32
        %add3A_632 = arith.addi %add3A_631, %mul3A_630 : i32
        %mul3A_633 = arith.constant 16 : i32
        %mul3A_634 = arith.muli %add3A_632, %mul3A_633 : i32
        %mul3A_635 = arith.constant 16 : i32
        %mul3A_636 = arith.muli %add3A_632, %mul3A_635 : i32
        %add3A_637 = arith.constant 1536 : i32
        %add3A_638 = arith.addi %add3A_637, %mul3A_636 : i32
        %get3A_639 = arith.index_cast %add3A_638 : i32 to index
        %get3A_640 = tpu.vector_load %arg10[%get3A_639] {strides = array<i32>} : memref<2048xf32, #tpu.memory_space<vmem>>, vector<16xf32>,
        %mul3A_641 = arith.constant 5.000000e-01 : f32
        %mul3A_642 = vector.broadcast %mul3A_641 : f32 to vector<16xf32>
        %mul3A_643 = arith.mulf %get3A_640, %mul3A_642 : vector<16xf32>
        %add3A_644 = arith.constant 5.000000e-01 : f32
        %add3A_645 = vector.broadcast %add3A_644 : f32 to vector<16xf32>
        %add3A_646 = arith.addf %mul3A_643, %add3A_645 : vector<16xf32>
        %mul3A_647 = arith.constant 1.280000e+02 : f32
        %mul3A_648 = vector.broadcast %mul3A_647 : f32 to vector<16xf32>
        %mul3A_649 = arith.mulf %add3A_646, %mul3A_648 : vector<16xf32>
        %convert_element_type3A_650 = arith.fptosi %mul3A_649 : vector<16xf32> to vector<16xi32>
        %jit3A_651 = arith.constant 0 : i32
        %jit3A_652 = arith.constant 127 : i32
        %max3A_653 = vector.broadcast %jit3A_651 : i32 to vector<16xi32>
        %max3A_654 = arith.maxsi %max3A_653, %convert_element_type3A_650 : vector<16xi32>
        %min3A_655 = vector.broadcast %jit3A_652 : i32 to vector<16xi32>
        %min3A_656 = arith.minsi %min3A_655, %max3A_654 : vector<16xi32>
        %shift_left3A_657 = arith.constant 14 : i32
        %shift_left3A_658 = vector.broadcast %shift_left3A_657 : i32 to vector<16xi32>
        %shift_left3A_659 = arith.shli %min3A_656, %shift_left3A_658 : vector<16xi32>
        %get3A_660 = arith.index_cast %add3A_638 : i32 to index
        %get3A_661 = tpu.vector_load %arg11[%get3A_660] {strides = array<i32>} : memref<2048xf32, #tpu.memory_space<vmem>>, vector<16xf32>,
        %mul3A_662 = arith.constant 5.000000e-01 : f32
        %mul3A_663 = vector.broadcast %mul3A_662 : f32 to vector<16xf32>
        %mul3A_664 = arith.mulf %get3A_661, %mul3A_663 : vector<16xf32>
        %add3A_665 = arith.constant 5.000000e-01 : f32
        %add3A_666 = vector.broadcast %add3A_665 : f32 to vector<16xf32>
        %add3A_667 = arith.addf %mul3A_664, %add3A_666 : vector<16xf32>
        %mul3A_668 = arith.constant 1.280000e+02 : f32
        %mul3A_669 = vector.broadcast %mul3A_668 : f32 to vector<16xf32>
        %mul3A_670 = arith.mulf %add3A_667, %mul3A_669 : vector<16xf32>
        %convert_element_type3A_671 = arith.fptosi %mul3A_670 : vector<16xf32> to vector<16xi32>
        %jit3A_672 = arith.constant 0 : i32
        %jit3A_673 = arith.constant 127 : i32
        %max3A_674 = vector.broadcast %jit3A_672 : i32 to vector<16xi32>
        %max3A_675 = arith.maxsi %max3A_674, %convert_element_type3A_671 : vector<16xi32>
        %min3A_676 = vector.broadcast %jit3A_673 : i32 to vector<16xi32>
        %min3A_677 = arith.minsi %min3A_676, %max3A_675 : vector<16xi32>
        %shift_left3A_678 = arith.constant 7 : i32
        %shift_left3A_679 = vector.broadcast %shift_left3A_678 : i32 to vector<16xi32>
        %shift_left3A_680 = arith.shli %min3A_677, %shift_left3A_679 : vector<16xi32>
        %add3A_681 = arith.addi %shift_left3A_659, %shift_left3A_680 : vector<16xi32>
        %get3A_682 = arith.index_cast %add3A_638 : i32 to index
        %get3A_683 = tpu.vector_load %arg12[%get3A_682] {strides = array<i32>} : memref<2048xf32, #tpu.memory_space<vmem>>, vector<16xf32>,
        %mul3A_684 = arith.constant 5.000000e-01 : f32
        %mul3A_685 = vector.broadcast %mul3A_684 : f32 to vector<16xf32>
        %mul3A_686 = arith.mulf %get3A_683, %mul3A_685 : vector<16xf32>
        %add3A_687 = arith.constant 5.000000e-01 : f32
        %add3A_688 = vector.broadcast %add3A_687 : f32 to vector<16xf32>
        %add3A_689 = arith.addf %mul3A_686, %add3A_688 : vector<16xf32>
        %mul3A_690 = arith.constant 1.280000e+02 : f32
        %mul3A_691 = vector.broadcast %mul3A_690 : f32 to vector<16xf32>
        %mul3A_692 = arith.mulf %add3A_689, %mul3A_691 : vector<16xf32>
        %convert_element_type3A_693 = arith.fptosi %mul3A_692 : vector<16xf32> to vector<16xi32>
        %jit3A_694 = arith.constant 0 : i32
        %jit3A_695 = arith.constant 127 : i32
        %max3A_696 = vector.broadcast %jit3A_694 : i32 to vector<16xi32>
        %max3A_697 = arith.maxsi %max3A_696, %convert_element_type3A_693 : vector<16xi32>
        %min3A_698 = vector.broadcast %jit3A_695 : i32 to vector<16xi32>
        %min3A_699 = arith.minsi %min3A_698, %max3A_697 : vector<16xi32>
        %add3A_700 = arith.addi %add3A_681, %min3A_699 : vector<16xi32>
        %get3A_701 = arith.index_cast %add3A_638 : i32 to index
        %get3A_702 = tpu.vector_load %arg13[%get3A_701] {strides = array<i32>} : memref<2048xi32, #tpu.memory_space<vmem>>, vector<16xi32>,
        %lt3A_703 = arith.constant 0 : i32
        %lt3A_704 = vector.broadcast %lt3A_703 : i32 to vector<16xi32>
        %lt3A_705 = arith.cmpi slt, %get3A_702, %lt3A_704 : vector<16xi32>
        %add3A_706 = arith.constant 16 : i32
        %add3A_707 = vector.broadcast %add3A_706 : i32 to vector<16xi32>
        %add3A_708 = arith.addi %get3A_702, %add3A_707 : vector<16xi32>
        %select_n3A_709 = arith.select %lt3A_705, %add3A_708, %get3A_702 : vector<16xi1>, vector<16xi32>
        %reshape3A_710 = vector.shape_cast %select_n3A_709 : vector<16xi32> to vector<16x1xi32>
        %gather3A_711 = vector.shape_cast %reshape3A_710 : vector<16x1xi32> to vector<16xi32>
        %gather3A_712 = tpu.dynamic_gather %get3A_3[%gather3A_711] in [0] : vector<16xi32>, vector<16xi32> -> vector<16xi32>
        %shift_left3A_713 = arith.constant 21 : i32
        %shift_left3A_714 = vector.broadcast %shift_left3A_713 : i32 to vector<16xi32>
        %shift_left3A_715 = arith.shli %gather3A_712, %shift_left3A_714 : vector<16xi32>
        %add3A_716 = arith.addi %shift_left3A_715, %add3A_700 : vector<16xi32>
        %swap3A_717 = arith.index_cast %mul3A_634 : i32 to index
        %swap3A_718 = tpu.vector_load %arg18[%swap3A_717] {strides = array<i32>} : memref<512xi32, #tpu.memory_space<vmem>>, vector<16xi32>,
        tpu.vector_store %arg18[%swap3A_717], %add3A_716 {strides = array<i32>} : memref<512xi32, #tpu.memory_space<vmem>>, vector<16xi32>,
        %scan3A_719 = arith.constant 7 : i32
        %scan3A_720 = arith.addi %scan3A_86, %scan3A_719 : i32
        %mul3A_721 = arith.constant 1 : i32
        %mul3A_722 = arith.muli %scan3A_720, %mul3A_721 : i32
        %add3A_723 = arith.constant 0 : i32
        %add3A_724 = arith.addi %add3A_723, %mul3A_722 : i32
        %mul3A_725 = arith.constant 16 : i32
        %mul3A_726 = arith.muli %add3A_724, %mul3A_725 : i32
        %mul3A_727 = arith.constant 16 : i32
        %mul3A_728 = arith.muli %add3A_724, %mul3A_727 : i32
        %add3A_729 = arith.constant 1536 : i32
        %add3A_730 = arith.addi %add3A_729, %mul3A_728 : i32
        %get3A_731 = arith.index_cast %add3A_730 : i32 to index
        %get3A_732 = tpu.vector_load %arg10[%get3A_731] {strides = array<i32>} : memref<2048xf32, #tpu.memory_space<vmem>>, vector<16xf32>,
        %mul3A_733 = arith.constant 5.000000e-01 : f32
        %mul3A_734 = vector.broadcast %mul3A_733 : f32 to vector<16xf32>
        %mul3A_735 = arith.mulf %get3A_732, %mul3A_734 : vector<16xf32>
        %add3A_736 = arith.constant 5.000000e-01 : f32
        %add3A_737 = vector.broadcast %add3A_736 : f32 to vector<16xf32>
        %add3A_738 = arith.addf %mul3A_735, %add3A_737 : vector<16xf32>
        %mul3A_739 = arith.constant 1.280000e+02 : f32
        %mul3A_740 = vector.broadcast %mul3A_739 : f32 to vector<16xf32>
        %mul3A_741 = arith.mulf %add3A_738, %mul3A_740 : vector<16xf32>
        %convert_element_type3A_742 = arith.fptosi %mul3A_741 : vector<16xf32> to vector<16xi32>
        %jit3A_743 = arith.constant 0 : i32
        %jit3A_744 = arith.constant 127 : i32
        %max3A_745 = vector.broadcast %jit3A_743 : i32 to vector<16xi32>
        %max3A_746 = arith.maxsi %max3A_745, %convert_element_type3A_742 : vector<16xi32>
        %min3A_747 = vector.broadcast %jit3A_744 : i32 to vector<16xi32>
        %min3A_748 = arith.minsi %min3A_747, %max3A_746 : vector<16xi32>
        %shift_left3A_749 = arith.constant 14 : i32
        %shift_left3A_750 = vector.broadcast %shift_left3A_749 : i32 to vector<16xi32>
        %shift_left3A_751 = arith.shli %min3A_748, %shift_left3A_750 : vector<16xi32>
        %get3A_752 = arith.index_cast %add3A_730 : i32 to index
        %get3A_753 = tpu.vector_load %arg11[%get3A_752] {strides = array<i32>} : memref<2048xf32, #tpu.memory_space<vmem>>, vector<16xf32>,
        %mul3A_754 = arith.constant 5.000000e-01 : f32
        %mul3A_755 = vector.broadcast %mul3A_754 : f32 to vector<16xf32>
        %mul3A_756 = arith.mulf %get3A_753, %mul3A_755 : vector<16xf32>
        %add3A_757 = arith.constant 5.000000e-01 : f32
        %add3A_758 = vector.broadcast %add3A_757 : f32 to vector<16xf32>
        %add3A_759 = arith.addf %mul3A_756, %add3A_758 : vector<16xf32>
        %mul3A_760 = arith.constant 1.280000e+02 : f32
        %mul3A_761 = vector.broadcast %mul3A_760 : f32 to vector<16xf32>
        %mul3A_762 = arith.mulf %add3A_759, %mul3A_761 : vector<16xf32>
        %convert_element_type3A_763 = arith.fptosi %mul3A_762 : vector<16xf32> to vector<16xi32>
        %jit3A_764 = arith.constant 0 : i32
        %jit3A_765 = arith.constant 127 : i32
        %max3A_766 = vector.broadcast %jit3A_764 : i32 to vector<16xi32>
        %max3A_767 = arith.maxsi %max3A_766, %convert_element_type3A_763 : vector<16xi32>
        %min3A_768 = vector.broadcast %jit3A_765 : i32 to vector<16xi32>
        %min3A_769 = arith.minsi %min3A_768, %max3A_767 : vector<16xi32>
        %shift_left3A_770 = arith.constant 7 : i32
        %shift_left3A_771 = vector.broadcast %shift_left3A_770 : i32 to vector<16xi32>
        %shift_left3A_772 = arith.shli %min3A_769, %shift_left3A_771 : vector<16xi32>
        %add3A_773 = arith.addi %shift_left3A_751, %shift_left3A_772 : vector<16xi32>
        %get3A_774 = arith.index_cast %add3A_730 : i32 to index
        %get3A_775 = tpu.vector_load %arg12[%get3A_774] {strides = array<i32>} : memref<2048xf32, #tpu.memory_space<vmem>>, vector<16xf32>,
        %mul3A_776 = arith.constant 5.000000e-01 : f32
        %mul3A_777 = vector.broadcast %mul3A_776 : f32 to vector<16xf32>
        %mul3A_778 = arith.mulf %get3A_775, %mul3A_777 : vector<16xf32>
        %add3A_779 = arith.constant 5.000000e-01 : f32
        %add3A_780 = vector.broadcast %add3A_779 : f32 to vector<16xf32>
        %add3A_781 = arith.addf %mul3A_778, %add3A_780 : vector<16xf32>
        %mul3A_782 = arith.constant 1.280000e+02 : f32
        %mul3A_783 = vector.broadcast %mul3A_782 : f32 to vector<16xf32>
        %mul3A_784 = arith.mulf %add3A_781, %mul3A_783 : vector<16xf32>
        %convert_element_type3A_785 = arith.fptosi %mul3A_784 : vector<16xf32> to vector<16xi32>
        %jit3A_786 = arith.constant 0 : i32
        %jit3A_787 = arith.constant 127 : i32
        %max3A_788 = vector.broadcast %jit3A_786 : i32 to vector<16xi32>
        %max3A_789 = arith.maxsi %max3A_788, %convert_element_type3A_785 : vector<16xi32>
        %min3A_790 = vector.broadcast %jit3A_787 : i32 to vector<16xi32>
        %min3A_791 = arith.minsi %min3A_790, %max3A_789 : vector<16xi32>
        %add3A_792 = arith.addi %add3A_773, %min3A_791 : vector<16xi32>
        %get3A_793 = arith.index_cast %add3A_730 : i32 to index
        %get3A_794 = tpu.vector_load %arg13[%get3A_793] {strides = array<i32>} : memref<2048xi32, #tpu.memory_space<vmem>>, vector<16xi32>,
        %lt3A_795 = arith.constant 0 : i32
        %lt3A_796 = vector.broadcast %lt3A_795 : i32 to vector<16xi32>
        %lt3A_797 = arith.cmpi slt, %get3A_794, %lt3A_796 : vector<16xi32>
        %add3A_798 = arith.constant 16 : i32
        %add3A_799 = vector.broadcast %add3A_798 : i32 to vector<16xi32>
        %add3A_800 = arith.addi %get3A_794, %add3A_799 : vector<16xi32>
        %select_n3A_801 = arith.select %lt3A_797, %add3A_800, %get3A_794 : vector<16xi1>, vector<16xi32>
        %reshape3A_802 = vector.shape_cast %select_n3A_801 : vector<16xi32> to vector<16x1xi32>
        %gather3A_803 = vector.shape_cast %reshape3A_802 : vector<16x1xi32> to vector<16xi32>
        %gather3A_804 = tpu.dynamic_gather %get3A_3[%gather3A_803] in [0] : vector<16xi32>, vector<16xi32> -> vector<16xi32>
        %shift_left3A_805 = arith.constant 21 : i32
        %shift_left3A_806 = vector.broadcast %shift_left3A_805 : i32 to vector<16xi32>
        %shift_left3A_807 = arith.shli %gather3A_804, %shift_left3A_806 : vector<16xi32>
        %add3A_808 = arith.addi %shift_left3A_807, %add3A_792 : vector<16xi32>
        %swap3A_809 = arith.index_cast %mul3A_726 : i32 to index
        %swap3A_810 = tpu.vector_load %arg18[%swap3A_809] {strides = array<i32>} : memref<512xi32, #tpu.memory_space<vmem>>, vector<16xi32>,
        tpu.vector_store %arg18[%swap3A_809], %add3A_808 {strides = array<i32>} : memref<512xi32, #tpu.memory_space<vmem>>, vector<16xi32>,
      }
      %scan3A_35 = arith.constant 32 : i32
      "tpu.trace_stop"() : () -> ()
      "tpu.trace_start"() <{level = 10 : i32, message = "rmw"}> : () -> ()
      %dma_start3A = arith.constant 0 : i32
      %dma_start3A_36 = tpu.memref_slice %arg2[%dma_start3A] : memref<33554432xf32, #tpu.memory_space<hbm>> -> memref<33554432xf32, #tpu.memory_space<hbm>>
      tpu.enqueue_indirect_dma source(%dma_start3A_36 : memref<33554432xf32, #tpu.memory_space<hbm>>) target(%arg19 : memref<512xf32, #tpu.memory_space<vmem>>) offsets(%arg15 : memref<512xi32, #tpu.memory_space<vmem>>) semaphore(%arg24 : memref<!tpu.dma_semaphore, #tpu.memory_space<semaphore_mem>>)
      %dma_start3A_37 = arith.constant 0 : i32
      %dma_start3A_38 = tpu.memref_slice %arg2[%dma_start3A_37] : memref<33554432xf32, #tpu.memory_space<hbm>> -> memref<33554432xf32, #tpu.memory_space<hbm>>
      tpu.enqueue_indirect_dma source(%dma_start3A_38 : memref<33554432xf32, #tpu.memory_space<hbm>>) target(%arg20 : memref<512xf32, #tpu.memory_space<vmem>>) offsets(%arg16 : memref<512xi32, #tpu.memory_space<vmem>>) semaphore(%arg25 : memref<!tpu.dma_semaphore, #tpu.memory_space<semaphore_mem>>)
      %dma_start3A_39 = arith.constant 0 : i32
      %dma_start3A_40 = tpu.memref_slice %arg2[%dma_start3A_39] : memref<33554432xf32, #tpu.memory_space<hbm>> -> memref<33554432xf32, #tpu.memory_space<hbm>>
      tpu.enqueue_indirect_dma source(%dma_start3A_40 : memref<33554432xf32, #tpu.memory_space<hbm>>) target(%arg21 : memref<512xf32, #tpu.memory_space<vmem>>) offsets(%arg17 : memref<512xi32, #tpu.memory_space<vmem>>) semaphore(%arg26 : memref<!tpu.dma_semaphore, #tpu.memory_space<semaphore_mem>>)
      %dma_start3A_41 = arith.constant 0 : i32
      %dma_start3A_42 = tpu.memref_slice %arg2[%dma_start3A_41] : memref<33554432xf32, #tpu.memory_space<hbm>> -> memref<33554432xf32, #tpu.memory_space<hbm>>
      tpu.enqueue_indirect_dma source(%dma_start3A_42 : memref<33554432xf32, #tpu.memory_space<hbm>>) target(%arg22 : memref<512xf32, #tpu.memory_space<vmem>>) offsets(%arg18 : memref<512xi32, #tpu.memory_space<vmem>>) semaphore(%arg27 : memref<!tpu.dma_semaphore, #tpu.memory_space<semaphore_mem>>)
      %dma_wait3A = arith.constant 0 : i32
      %dma_wait3A_43 = tpu.memref_slice %arg2[%dma_wait3A] : memref<33554432xf32, #tpu.memory_space<hbm>> -> memref<33554432xf32, #tpu.memory_space<hbm>>
      tpu.wait_indirect_dma semaphore(%arg24 : memref<!tpu.dma_semaphore, #tpu.memory_space<semaphore_mem>>) src(%dma_wait3A_43 : memref<33554432xf32, #tpu.memory_space<hbm>>) dst(%arg19 : memref<512xf32, #tpu.memory_space<vmem>>)
      %scan3A_44 = arith.constant 0 : i32
      %scan3A_45 = arith.constant 32 : i32
      %scan3A_46 = arith.addi %scan3A_44, %scan3A_45 : i32
      %scan3A_47 = arith.constant 8 : i32
      scf.for %scan3A_86 = %scan3A_44 to %scan3A_46 step %scan3A_47  : i32 {
        %mul3A_87 = arith.constant 1 : i32
        %mul3A_88 = arith.muli %scan3A_86, %mul3A_87 : i32
        %add3A_89 = arith.constant 0 : i32
        %add3A_90 = arith.addi %add3A_89, %mul3A_88 : i32
        %mul3A_91 = arith.constant 16 : i32
        %mul3A_92 = arith.muli %add3A_90, %mul3A_91 : i32
        %mul3A_93 = arith.constant 16 : i32
        %mul3A_94 = arith.muli %add3A_90, %mul3A_93 : i32
        %add3A_95 = arith.constant 0 : i32
        %add3A_96 = arith.addi %add3A_95, %mul3A_94 : i32
        %get3A_97 = arith.index_cast %mul3A_92 : i32 to index
        %get3A_98 = tpu.vector_load %arg19[%get3A_97] {strides = array<i32>} : memref<512xf32, #tpu.memory_space<vmem>>, vector<16xf32>,
        %get3A_99 = arith.index_cast %add3A_96 : i32 to index
        %get3A_100 = tpu.vector_load %arg14[%get3A_99] {strides = array<i32>} : memref<2048xf32, #tpu.memory_space<vmem>>, vector<16xf32>,
        %max3A = arith.maximumf %get3A_98, %get3A_100 : vector<16xf32>
        %swap3A = arith.index_cast %mul3A_92 : i32 to index
        %swap3A_101 = tpu.vector_load %arg19[%swap3A] {strides = array<i32>} : memref<512xf32, #tpu.memory_space<vmem>>, vector<16xf32>,
        tpu.vector_store %arg19[%swap3A], %max3A {strides = array<i32>} : memref<512xf32, #tpu.memory_space<vmem>>, vector<16xf32>,
        %scan3A_102 = arith.constant 1 : i32
        %scan3A_103 = arith.addi %scan3A_86, %scan3A_102 : i32
        %mul3A_104 = arith.constant 1 : i32
        %mul3A_105 = arith.muli %scan3A_103, %mul3A_104 : i32
        %add3A_106 = arith.constant 0 : i32
        %add3A_107 = arith.addi %add3A_106, %mul3A_105 : i32
        %mul3A_108 = arith.constant 16 : i32
        %mul3A_109 = arith.muli %add3A_107, %mul3A_108 : i32
        %mul3A_110 = arith.constant 16 : i32
        %mul3A_111 = arith.muli %add3A_107, %mul3A_110 : i32
        %add3A_112 = arith.constant 0 : i32
        %add3A_113 = arith.addi %add3A_112, %mul3A_111 : i32
        %get3A_114 = arith.index_cast %mul3A_109 : i32 to index
        %get3A_115 = tpu.vector_load %arg19[%get3A_114] {strides = array<i32>} : memref<512xf32, #tpu.memory_space<vmem>>, vector<16xf32>,
        %get3A_116 = arith.index_cast %add3A_113 : i32 to index
        %get3A_117 = tpu.vector_load %arg14[%get3A_116] {strides = array<i32>} : memref<2048xf32, #tpu.memory_space<vmem>>, vector<16xf32>,
        %max3A_118 = arith.maximumf %get3A_115, %get3A_117 : vector<16xf32>
        %swap3A_119 = arith.index_cast %mul3A_109 : i32 to index
        %swap3A_120 = tpu.vector_load %arg19[%swap3A_119] {strides = array<i32>} : memref<512xf32, #tpu.memory_space<vmem>>, vector<16xf32>,
        tpu.vector_store %arg19[%swap3A_119], %max3A_118 {strides = array<i32>} : memref<512xf32, #tpu.memory_space<vmem>>, vector<16xf32>,
        %scan3A_121 = arith.constant 2 : i32
        %scan3A_122 = arith.addi %scan3A_86, %scan3A_121 : i32
        %mul3A_123 = arith.constant 1 : i32
        %mul3A_124 = arith.muli %scan3A_122, %mul3A_123 : i32
        %add3A_125 = arith.constant 0 : i32
        %add3A_126 = arith.addi %add3A_125, %mul3A_124 : i32
        %mul3A_127 = arith.constant 16 : i32
        %mul3A_128 = arith.muli %add3A_126, %mul3A_127 : i32
        %mul3A_129 = arith.constant 16 : i32
        %mul3A_130 = arith.muli %add3A_126, %mul3A_129 : i32
        %add3A_131 = arith.constant 0 : i32
        %add3A_132 = arith.addi %add3A_131, %mul3A_130 : i32
        %get3A_133 = arith.index_cast %mul3A_128 : i32 to index
        %get3A_134 = tpu.vector_load %arg19[%get3A_133] {strides = array<i32>} : memref<512xf32, #tpu.memory_space<vmem>>, vector<16xf32>,
        %get3A_135 = arith.index_cast %add3A_132 : i32 to index
        %get3A_136 = tpu.vector_load %arg14[%get3A_135] {strides = array<i32>} : memref<2048xf32, #tpu.memory_space<vmem>>, vector<16xf32>,
        %max3A_137 = arith.maximumf %get3A_134, %get3A_136 : vector<16xf32>
        %swap3A_138 = arith.index_cast %mul3A_128 : i32 to index
        %swap3A_139 = tpu.vector_load %arg19[%swap3A_138] {strides = array<i32>} : memref<512xf32, #tpu.memory_space<vmem>>, vector<16xf32>,
        tpu.vector_store %arg19[%swap3A_138], %max3A_137 {strides = array<i32>} : memref<512xf32, #tpu.memory_space<vmem>>, vector<16xf32>,
        %scan3A_140 = arith.constant 3 : i32
        %scan3A_141 = arith.addi %scan3A_86, %scan3A_140 : i32
        %mul3A_142 = arith.constant 1 : i32
        %mul3A_143 = arith.muli %scan3A_141, %mul3A_142 : i32
        %add3A_144 = arith.constant 0 : i32
        %add3A_145 = arith.addi %add3A_144, %mul3A_143 : i32
        %mul3A_146 = arith.constant 16 : i32
        %mul3A_147 = arith.muli %add3A_145, %mul3A_146 : i32
        %mul3A_148 = arith.constant 16 : i32
        %mul3A_149 = arith.muli %add3A_145, %mul3A_148 : i32
        %add3A_150 = arith.constant 0 : i32
        %add3A_151 = arith.addi %add3A_150, %mul3A_149 : i32
        %get3A_152 = arith.index_cast %mul3A_147 : i32 to index
        %get3A_153 = tpu.vector_load %arg19[%get3A_152] {strides = array<i32>} : memref<512xf32, #tpu.memory_space<vmem>>, vector<16xf32>,
        %get3A_154 = arith.index_cast %add3A_151 : i32 to index
        %get3A_155 = tpu.vector_load %arg14[%get3A_154] {strides = array<i32>} : memref<2048xf32, #tpu.memory_space<vmem>>, vector<16xf32>,
        %max3A_156 = arith.maximumf %get3A_153, %get3A_155 : vector<16xf32>
        %swap3A_157 = arith.index_cast %mul3A_147 : i32 to index
        %swap3A_158 = tpu.vector_load %arg19[%swap3A_157] {strides = array<i32>} : memref<512xf32, #tpu.memory_space<vmem>>, vector<16xf32>,
        tpu.vector_store %arg19[%swap3A_157], %max3A_156 {strides = array<i32>} : memref<512xf32, #tpu.memory_space<vmem>>, vector<16xf32>,
        %scan3A_159 = arith.constant 4 : i32
        %scan3A_160 = arith.addi %scan3A_86, %scan3A_159 : i32
        %mul3A_161 = arith.constant 1 : i32
        %mul3A_162 = arith.muli %scan3A_160, %mul3A_161 : i32
        %add3A_163 = arith.constant 0 : i32
        %add3A_164 = arith.addi %add3A_163, %mul3A_162 : i32
        %mul3A_165 = arith.constant 16 : i32
        %mul3A_166 = arith.muli %add3A_164, %mul3A_165 : i32
        %mul3A_167 = arith.constant 16 : i32
        %mul3A_168 = arith.muli %add3A_164, %mul3A_167 : i32
        %add3A_169 = arith.constant 0 : i32
        %add3A_170 = arith.addi %add3A_169, %mul3A_168 : i32
        %get3A_171 = arith.index_cast %mul3A_166 : i32 to index
        %get3A_172 = tpu.vector_load %arg19[%get3A_171] {strides = array<i32>} : memref<512xf32, #tpu.memory_space<vmem>>, vector<16xf32>,
        %get3A_173 = arith.index_cast %add3A_170 : i32 to index
        %get3A_174 = tpu.vector_load %arg14[%get3A_173] {strides = array<i32>} : memref<2048xf32, #tpu.memory_space<vmem>>, vector<16xf32>,
        %max3A_175 = arith.maximumf %get3A_172, %get3A_174 : vector<16xf32>
        %swap3A_176 = arith.index_cast %mul3A_166 : i32 to index
        %swap3A_177 = tpu.vector_load %arg19[%swap3A_176] {strides = array<i32>} : memref<512xf32, #tpu.memory_space<vmem>>, vector<16xf32>,
        tpu.vector_store %arg19[%swap3A_176], %max3A_175 {strides = array<i32>} : memref<512xf32, #tpu.memory_space<vmem>>, vector<16xf32>,
        %scan3A_178 = arith.constant 5 : i32
        %scan3A_179 = arith.addi %scan3A_86, %scan3A_178 : i32
        %mul3A_180 = arith.constant 1 : i32
        %mul3A_181 = arith.muli %scan3A_179, %mul3A_180 : i32
        %add3A_182 = arith.constant 0 : i32
        %add3A_183 = arith.addi %add3A_182, %mul3A_181 : i32
        %mul3A_184 = arith.constant 16 : i32
        %mul3A_185 = arith.muli %add3A_183, %mul3A_184 : i32
        %mul3A_186 = arith.constant 16 : i32
        %mul3A_187 = arith.muli %add3A_183, %mul3A_186 : i32
        %add3A_188 = arith.constant 0 : i32
        %add3A_189 = arith.addi %add3A_188, %mul3A_187 : i32
        %get3A_190 = arith.index_cast %mul3A_185 : i32 to index
        %get3A_191 = tpu.vector_load %arg19[%get3A_190] {strides = array<i32>} : memref<512xf32, #tpu.memory_space<vmem>>, vector<16xf32>,
        %get3A_192 = arith.index_cast %add3A_189 : i32 to index
        %get3A_193 = tpu.vector_load %arg14[%get3A_192] {strides = array<i32>} : memref<2048xf32, #tpu.memory_space<vmem>>, vector<16xf32>,
        %max3A_194 = arith.maximumf %get3A_191, %get3A_193 : vector<16xf32>
        %swap3A_195 = arith.index_cast %mul3A_185 : i32 to index
        %swap3A_196 = tpu.vector_load %arg19[%swap3A_195] {strides = array<i32>} : memref<512xf32, #tpu.memory_space<vmem>>, vector<16xf32>,
        tpu.vector_store %arg19[%swap3A_195], %max3A_194 {strides = array<i32>} : memref<512xf32, #tpu.memory_space<vmem>>, vector<16xf32>,
        %scan3A_197 = arith.constant 6 : i32
        %scan3A_198 = arith.addi %scan3A_86, %scan3A_197 : i32
        %mul3A_199 = arith.constant 1 : i32
        %mul3A_200 = arith.muli %scan3A_198, %mul3A_199 : i32
        %add3A_201 = arith.constant 0 : i32
        %add3A_202 = arith.addi %add3A_201, %mul3A_200 : i32
        %mul3A_203 = arith.constant 16 : i32
        %mul3A_204 = arith.muli %add3A_202, %mul3A_203 : i32
        %mul3A_205 = arith.constant 16 : i32
        %mul3A_206 = arith.muli %add3A_202, %mul3A_205 : i32
        %add3A_207 = arith.constant 0 : i32
        %add3A_208 = arith.addi %add3A_207, %mul3A_206 : i32
        %get3A_209 = arith.index_cast %mul3A_204 : i32 to index
        %get3A_210 = tpu.vector_load %arg19[%get3A_209] {strides = array<i32>} : memref<512xf32, #tpu.memory_space<vmem>>, vector<16xf32>,
        %get3A_211 = arith.index_cast %add3A_208 : i32 to index
        %get3A_212 = tpu.vector_load %arg14[%get3A_211] {strides = array<i32>} : memref<2048xf32, #tpu.memory_space<vmem>>, vector<16xf32>,
        %max3A_213 = arith.maximumf %get3A_210, %get3A_212 : vector<16xf32>
        %swap3A_214 = arith.index_cast %mul3A_204 : i32 to index
        %swap3A_215 = tpu.vector_load %arg19[%swap3A_214] {strides = array<i32>} : memref<512xf32, #tpu.memory_space<vmem>>, vector<16xf32>,
        tpu.vector_store %arg19[%swap3A_214], %max3A_213 {strides = array<i32>} : memref<512xf32, #tpu.memory_space<vmem>>, vector<16xf32>,
        %scan3A_216 = arith.constant 7 : i32
        %scan3A_217 = arith.addi %scan3A_86, %scan3A_216 : i32
        %mul3A_218 = arith.constant 1 : i32
        %mul3A_219 = arith.muli %scan3A_217, %mul3A_218 : i32
        %add3A_220 = arith.constant 0 : i32
        %add3A_221 = arith.addi %add3A_220, %mul3A_219 : i32
        %mul3A_222 = arith.constant 16 : i32
        %mul3A_223 = arith.muli %add3A_221, %mul3A_222 : i32
        %mul3A_224 = arith.constant 16 : i32
        %mul3A_225 = arith.muli %add3A_221, %mul3A_224 : i32
        %add3A_226 = arith.constant 0 : i32
        %add3A_227 = arith.addi %add3A_226, %mul3A_225 : i32
        %get3A_228 = arith.index_cast %mul3A_223 : i32 to index
        %get3A_229 = tpu.vector_load %arg19[%get3A_228] {strides = array<i32>} : memref<512xf32, #tpu.memory_space<vmem>>, vector<16xf32>,
        %get3A_230 = arith.index_cast %add3A_227 : i32 to index
        %get3A_231 = tpu.vector_load %arg14[%get3A_230] {strides = array<i32>} : memref<2048xf32, #tpu.memory_space<vmem>>, vector<16xf32>,
        %max3A_232 = arith.maximumf %get3A_229, %get3A_231 : vector<16xf32>
        %swap3A_233 = arith.index_cast %mul3A_223 : i32 to index
        %swap3A_234 = tpu.vector_load %arg19[%swap3A_233] {strides = array<i32>} : memref<512xf32, #tpu.memory_space<vmem>>, vector<16xf32>,
        tpu.vector_store %arg19[%swap3A_233], %max3A_232 {strides = array<i32>} : memref<512xf32, #tpu.memory_space<vmem>>, vector<16xf32>,
      }
      %scan3A_48 = arith.constant 32 : i32
      %dma_start3A_49 = arith.constant 0 : i32
      %dma_start3A_50 = tpu.memref_slice %arg2[%dma_start3A_49] : memref<33554432xf32, #tpu.memory_space<hbm>> -> memref<33554432xf32, #tpu.memory_space<hbm>>
      tpu.enqueue_indirect_dma source(%arg19 : memref<512xf32, #tpu.memory_space<vmem>>) target(%dma_start3A_50 : memref<33554432xf32, #tpu.memory_space<hbm>>) offsets(%arg15 : memref<512xi32, #tpu.memory_space<vmem>>) semaphore(%arg28 : memref<!tpu.dma_semaphore, #tpu.memory_space<semaphore_mem>>)
      %dma_wait3A_51 = arith.constant 0 : i32
      %dma_wait3A_52 = tpu.memref_slice %arg2[%dma_wait3A_51] : memref<33554432xf32, #tpu.memory_space<hbm>> -> memref<33554432xf32, #tpu.memory_space<hbm>>
      tpu.wait_indirect_dma semaphore(%arg25 : memref<!tpu.dma_semaphore, #tpu.memory_space<semaphore_mem>>) src(%dma_wait3A_52 : memref<33554432xf32, #tpu.memory_space<hbm>>) dst(%arg20 : memref<512xf32, #tpu.memory_space<vmem>>)
      %scan3A_53 = arith.constant 0 : i32
      %scan3A_54 = arith.constant 32 : i32
      %scan3A_55 = arith.addi %scan3A_53, %scan3A_54 : i32
      %scan3A_56 = arith.constant 8 : i32
      scf.for %scan3A_86 = %scan3A_53 to %scan3A_55 step %scan3A_56  : i32 {
        %mul3A_87 = arith.constant 1 : i32
        %mul3A_88 = arith.muli %scan3A_86, %mul3A_87 : i32
        %add3A_89 = arith.constant 0 : i32
        %add3A_90 = arith.addi %add3A_89, %mul3A_88 : i32
        %mul3A_91 = arith.constant 16 : i32
        %mul3A_92 = arith.muli %add3A_90, %mul3A_91 : i32
        %mul3A_93 = arith.constant 16 : i32
        %mul3A_94 = arith.muli %add3A_90, %mul3A_93 : i32
        %add3A_95 = arith.constant 512 : i32
        %add3A_96 = arith.addi %add3A_95, %mul3A_94 : i32
        %get3A_97 = arith.index_cast %mul3A_92 : i32 to index
        %get3A_98 = tpu.vector_load %arg20[%get3A_97] {strides = array<i32>} : memref<512xf32, #tpu.memory_space<vmem>>, vector<16xf32>,
        %get3A_99 = arith.index_cast %add3A_96 : i32 to index
        %get3A_100 = tpu.vector_load %arg14[%get3A_99] {strides = array<i32>} : memref<2048xf32, #tpu.memory_space<vmem>>, vector<16xf32>,
        %max3A = arith.maximumf %get3A_98, %get3A_100 : vector<16xf32>
        %swap3A = arith.index_cast %mul3A_92 : i32 to index
        %swap3A_101 = tpu.vector_load %arg20[%swap3A] {strides = array<i32>} : memref<512xf32, #tpu.memory_space<vmem>>, vector<16xf32>,
        tpu.vector_store %arg20[%swap3A], %max3A {strides = array<i32>} : memref<512xf32, #tpu.memory_space<vmem>>, vector<16xf32>,
        %scan3A_102 = arith.constant 1 : i32
        %scan3A_103 = arith.addi %scan3A_86, %scan3A_102 : i32
        %mul3A_104 = arith.constant 1 : i32
        %mul3A_105 = arith.muli %scan3A_103, %mul3A_104 : i32
        %add3A_106 = arith.constant 0 : i32
        %add3A_107 = arith.addi %add3A_106, %mul3A_105 : i32
        %mul3A_108 = arith.constant 16 : i32
        %mul3A_109 = arith.muli %add3A_107, %mul3A_108 : i32
        %mul3A_110 = arith.constant 16 : i32
        %mul3A_111 = arith.muli %add3A_107, %mul3A_110 : i32
        %add3A_112 = arith.constant 512 : i32
        %add3A_113 = arith.addi %add3A_112, %mul3A_111 : i32
        %get3A_114 = arith.index_cast %mul3A_109 : i32 to index
        %get3A_115 = tpu.vector_load %arg20[%get3A_114] {strides = array<i32>} : memref<512xf32, #tpu.memory_space<vmem>>, vector<16xf32>,
        %get3A_116 = arith.index_cast %add3A_113 : i32 to index
        %get3A_117 = tpu.vector_load %arg14[%get3A_116] {strides = array<i32>} : memref<2048xf32, #tpu.memory_space<vmem>>, vector<16xf32>,
        %max3A_118 = arith.maximumf %get3A_115, %get3A_117 : vector<16xf32>
        %swap3A_119 = arith.index_cast %mul3A_109 : i32 to index
        %swap3A_120 = tpu.vector_load %arg20[%swap3A_119] {strides = array<i32>} : memref<512xf32, #tpu.memory_space<vmem>>, vector<16xf32>,
        tpu.vector_store %arg20[%swap3A_119], %max3A_118 {strides = array<i32>} : memref<512xf32, #tpu.memory_space<vmem>>, vector<16xf32>,
        %scan3A_121 = arith.constant 2 : i32
        %scan3A_122 = arith.addi %scan3A_86, %scan3A_121 : i32
        %mul3A_123 = arith.constant 1 : i32
        %mul3A_124 = arith.muli %scan3A_122, %mul3A_123 : i32
        %add3A_125 = arith.constant 0 : i32
        %add3A_126 = arith.addi %add3A_125, %mul3A_124 : i32
        %mul3A_127 = arith.constant 16 : i32
        %mul3A_128 = arith.muli %add3A_126, %mul3A_127 : i32
        %mul3A_129 = arith.constant 16 : i32
        %mul3A_130 = arith.muli %add3A_126, %mul3A_129 : i32
        %add3A_131 = arith.constant 512 : i32
        %add3A_132 = arith.addi %add3A_131, %mul3A_130 : i32
        %get3A_133 = arith.index_cast %mul3A_128 : i32 to index
        %get3A_134 = tpu.vector_load %arg20[%get3A_133] {strides = array<i32>} : memref<512xf32, #tpu.memory_space<vmem>>, vector<16xf32>,
        %get3A_135 = arith.index_cast %add3A_132 : i32 to index
        %get3A_136 = tpu.vector_load %arg14[%get3A_135] {strides = array<i32>} : memref<2048xf32, #tpu.memory_space<vmem>>, vector<16xf32>,
        %max3A_137 = arith.maximumf %get3A_134, %get3A_136 : vector<16xf32>
        %swap3A_138 = arith.index_cast %mul3A_128 : i32 to index
        %swap3A_139 = tpu.vector_load %arg20[%swap3A_138] {strides = array<i32>} : memref<512xf32, #tpu.memory_space<vmem>>, vector<16xf32>,
        tpu.vector_store %arg20[%swap3A_138], %max3A_137 {strides = array<i32>} : memref<512xf32, #tpu.memory_space<vmem>>, vector<16xf32>,
        %scan3A_140 = arith.constant 3 : i32
        %scan3A_141 = arith.addi %scan3A_86, %scan3A_140 : i32
        %mul3A_142 = arith.constant 1 : i32
        %mul3A_143 = arith.muli %scan3A_141, %mul3A_142 : i32
        %add3A_144 = arith.constant 0 : i32
        %add3A_145 = arith.addi %add3A_144, %mul3A_143 : i32
        %mul3A_146 = arith.constant 16 : i32
        %mul3A_147 = arith.muli %add3A_145, %mul3A_146 : i32
        %mul3A_148 = arith.constant 16 : i32
        %mul3A_149 = arith.muli %add3A_145, %mul3A_148 : i32
        %add3A_150 = arith.constant 512 : i32
        %add3A_151 = arith.addi %add3A_150, %mul3A_149 : i32
        %get3A_152 = arith.index_cast %mul3A_147 : i32 to index
        %get3A_153 = tpu.vector_load %arg20[%get3A_152] {strides = array<i32>} : memref<512xf32, #tpu.memory_space<vmem>>, vector<16xf32>,
        %get3A_154 = arith.index_cast %add3A_151 : i32 to index
        %get3A_155 = tpu.vector_load %arg14[%get3A_154] {strides = array<i32>} : memref<2048xf32, #tpu.memory_space<vmem>>, vector<16xf32>,
        %max3A_156 = arith.maximumf %get3A_153, %get3A_155 : vector<16xf32>
        %swap3A_157 = arith.index_cast %mul3A_147 : i32 to index
        %swap3A_158 = tpu.vector_load %arg20[%swap3A_157] {strides = array<i32>} : memref<512xf32, #tpu.memory_space<vmem>>, vector<16xf32>,
        tpu.vector_store %arg20[%swap3A_157], %max3A_156 {strides = array<i32>} : memref<512xf32, #tpu.memory_space<vmem>>, vector<16xf32>,
        %scan3A_159 = arith.constant 4 : i32
        %scan3A_160 = arith.addi %scan3A_86, %scan3A_159 : i32
        %mul3A_161 = arith.constant 1 : i32
        %mul3A_162 = arith.muli %scan3A_160, %mul3A_161 : i32
        %add3A_163 = arith.constant 0 : i32
        %add3A_164 = arith.addi %add3A_163, %mul3A_162 : i32
        %mul3A_165 = arith.constant 16 : i32
        %mul3A_166 = arith.muli %add3A_164, %mul3A_165 : i32
        %mul3A_167 = arith.constant 16 : i32
        %mul3A_168 = arith.muli %add3A_164, %mul3A_167 : i32
        %add3A_169 = arith.constant 512 : i32
        %add3A_170 = arith.addi %add3A_169, %mul3A_168 : i32
        %get3A_171 = arith.index_cast %mul3A_166 : i32 to index
        %get3A_172 = tpu.vector_load %arg20[%get3A_171] {strides = array<i32>} : memref<512xf32, #tpu.memory_space<vmem>>, vector<16xf32>,
        %get3A_173 = arith.index_cast %add3A_170 : i32 to index
        %get3A_174 = tpu.vector_load %arg14[%get3A_173] {strides = array<i32>} : memref<2048xf32, #tpu.memory_space<vmem>>, vector<16xf32>,
        %max3A_175 = arith.maximumf %get3A_172, %get3A_174 : vector<16xf32>
        %swap3A_176 = arith.index_cast %mul3A_166 : i32 to index
        %swap3A_177 = tpu.vector_load %arg20[%swap3A_176] {strides = array<i32>} : memref<512xf32, #tpu.memory_space<vmem>>, vector<16xf32>,
        tpu.vector_store %arg20[%swap3A_176], %max3A_175 {strides = array<i32>} : memref<512xf32, #tpu.memory_space<vmem>>, vector<16xf32>,
        %scan3A_178 = arith.constant 5 : i32
        %scan3A_179 = arith.addi %scan3A_86, %scan3A_178 : i32
        %mul3A_180 = arith.constant 1 : i32
        %mul3A_181 = arith.muli %scan3A_179, %mul3A_180 : i32
        %add3A_182 = arith.constant 0 : i32
        %add3A_183 = arith.addi %add3A_182, %mul3A_181 : i32
        %mul3A_184 = arith.constant 16 : i32
        %mul3A_185 = arith.muli %add3A_183, %mul3A_184 : i32
        %mul3A_186 = arith.constant 16 : i32
        %mul3A_187 = arith.muli %add3A_183, %mul3A_186 : i32
        %add3A_188 = arith.constant 512 : i32
        %add3A_189 = arith.addi %add3A_188, %mul3A_187 : i32
        %get3A_190 = arith.index_cast %mul3A_185 : i32 to index
        %get3A_191 = tpu.vector_load %arg20[%get3A_190] {strides = array<i32>} : memref<512xf32, #tpu.memory_space<vmem>>, vector<16xf32>,
        %get3A_192 = arith.index_cast %add3A_189 : i32 to index
        %get3A_193 = tpu.vector_load %arg14[%get3A_192] {strides = array<i32>} : memref<2048xf32, #tpu.memory_space<vmem>>, vector<16xf32>,
        %max3A_194 = arith.maximumf %get3A_191, %get3A_193 : vector<16xf32>
        %swap3A_195 = arith.index_cast %mul3A_185 : i32 to index
        %swap3A_196 = tpu.vector_load %arg20[%swap3A_195] {strides = array<i32>} : memref<512xf32, #tpu.memory_space<vmem>>, vector<16xf32>,
        tpu.vector_store %arg20[%swap3A_195], %max3A_194 {strides = array<i32>} : memref<512xf32, #tpu.memory_space<vmem>>, vector<16xf32>,
        %scan3A_197 = arith.constant 6 : i32
        %scan3A_198 = arith.addi %scan3A_86, %scan3A_197 : i32
        %mul3A_199 = arith.constant 1 : i32
        %mul3A_200 = arith.muli %scan3A_198, %mul3A_199 : i32
        %add3A_201 = arith.constant 0 : i32
        %add3A_202 = arith.addi %add3A_201, %mul3A_200 : i32
        %mul3A_203 = arith.constant 16 : i32
        %mul3A_204 = arith.muli %add3A_202, %mul3A_203 : i32
        %mul3A_205 = arith.constant 16 : i32
        %mul3A_206 = arith.muli %add3A_202, %mul3A_205 : i32
        %add3A_207 = arith.constant 512 : i32
        %add3A_208 = arith.addi %add3A_207, %mul3A_206 : i32
        %get3A_209 = arith.index_cast %mul3A_204 : i32 to index
        %get3A_210 = tpu.vector_load %arg20[%get3A_209] {strides = array<i32>} : memref<512xf32, #tpu.memory_space<vmem>>, vector<16xf32>,
        %get3A_211 = arith.index_cast %add3A_208 : i32 to index
        %get3A_212 = tpu.vector_load %arg14[%get3A_211] {strides = array<i32>} : memref<2048xf32, #tpu.memory_space<vmem>>, vector<16xf32>,
        %max3A_213 = arith.maximumf %get3A_210, %get3A_212 : vector<16xf32>
        %swap3A_214 = arith.index_cast %mul3A_204 : i32 to index
        %swap3A_215 = tpu.vector_load %arg20[%swap3A_214] {strides = array<i32>} : memref<512xf32, #tpu.memory_space<vmem>>, vector<16xf32>,
        tpu.vector_store %arg20[%swap3A_214], %max3A_213 {strides = array<i32>} : memref<512xf32, #tpu.memory_space<vmem>>, vector<16xf32>,
        %scan3A_216 = arith.constant 7 : i32
        %scan3A_217 = arith.addi %scan3A_86, %scan3A_216 : i32
        %mul3A_218 = arith.constant 1 : i32
        %mul3A_219 = arith.muli %scan3A_217, %mul3A_218 : i32
        %add3A_220 = arith.constant 0 : i32
        %add3A_221 = arith.addi %add3A_220, %mul3A_219 : i32
        %mul3A_222 = arith.constant 16 : i32
        %mul3A_223 = arith.muli %add3A_221, %mul3A_222 : i32
        %mul3A_224 = arith.constant 16 : i32
        %mul3A_225 = arith.muli %add3A_221, %mul3A_224 : i32
        %add3A_226 = arith.constant 512 : i32
        %add3A_227 = arith.addi %add3A_226, %mul3A_225 : i32
        %get3A_228 = arith.index_cast %mul3A_223 : i32 to index
        %get3A_229 = tpu.vector_load %arg20[%get3A_228] {strides = array<i32>} : memref<512xf32, #tpu.memory_space<vmem>>, vector<16xf32>,
        %get3A_230 = arith.index_cast %add3A_227 : i32 to index
        %get3A_231 = tpu.vector_load %arg14[%get3A_230] {strides = array<i32>} : memref<2048xf32, #tpu.memory_space<vmem>>, vector<16xf32>,
        %max3A_232 = arith.maximumf %get3A_229, %get3A_231 : vector<16xf32>
        %swap3A_233 = arith.index_cast %mul3A_223 : i32 to index
        %swap3A_234 = tpu.vector_load %arg20[%swap3A_233] {strides = array<i32>} : memref<512xf32, #tpu.memory_space<vmem>>, vector<16xf32>,
        tpu.vector_store %arg20[%swap3A_233], %max3A_232 {strides = array<i32>} : memref<512xf32, #tpu.memory_space<vmem>>, vector<16xf32>,
      }
      %scan3A_57 = arith.constant 32 : i32
      %dma_start3A_58 = arith.constant 0 : i32
      %dma_start3A_59 = tpu.memref_slice %arg2[%dma_start3A_58] : memref<33554432xf32, #tpu.memory_space<hbm>> -> memref<33554432xf32, #tpu.memory_space<hbm>>
      tpu.enqueue_indirect_dma source(%arg20 : memref<512xf32, #tpu.memory_space<vmem>>) target(%dma_start3A_59 : memref<33554432xf32, #tpu.memory_space<hbm>>) offsets(%arg16 : memref<512xi32, #tpu.memory_space<vmem>>) semaphore(%arg29 : memref<!tpu.dma_semaphore, #tpu.memory_space<semaphore_mem>>)
      %dma_wait3A_60 = arith.constant 0 : i32
      %dma_wait3A_61 = tpu.memref_slice %arg2[%dma_wait3A_60] : memref<33554432xf32, #tpu.memory_space<hbm>> -> memref<33554432xf32, #tpu.memory_space<hbm>>
      tpu.wait_indirect_dma semaphore(%arg26 : memref<!tpu.dma_semaphore, #tpu.memory_space<semaphore_mem>>) src(%dma_wait3A_61 : memref<33554432xf32, #tpu.memory_space<hbm>>) dst(%arg21 : memref<512xf32, #tpu.memory_space<vmem>>)
      %scan3A_62 = arith.constant 0 : i32
      %scan3A_63 = arith.constant 32 : i32
      %scan3A_64 = arith.addi %scan3A_62, %scan3A_63 : i32
      %scan3A_65 = arith.constant 8 : i32
      scf.for %scan3A_86 = %scan3A_62 to %scan3A_64 step %scan3A_65  : i32 {
        %mul3A_87 = arith.constant 1 : i32
        %mul3A_88 = arith.muli %scan3A_86, %mul3A_87 : i32
        %add3A_89 = arith.constant 0 : i32
        %add3A_90 = arith.addi %add3A_89, %mul3A_88 : i32
        %mul3A_91 = arith.constant 16 : i32
        %mul3A_92 = arith.muli %add3A_90, %mul3A_91 : i32
        %mul3A_93 = arith.constant 16 : i32
        %mul3A_94 = arith.muli %add3A_90, %mul3A_93 : i32
        %add3A_95 = arith.constant 1024 : i32
        %add3A_96 = arith.addi %add3A_95, %mul3A_94 : i32
        %get3A_97 = arith.index_cast %mul3A_92 : i32 to index
        %get3A_98 = tpu.vector_load %arg21[%get3A_97] {strides = array<i32>} : memref<512xf32, #tpu.memory_space<vmem>>, vector<16xf32>,
        %get3A_99 = arith.index_cast %add3A_96 : i32 to index
        %get3A_100 = tpu.vector_load %arg14[%get3A_99] {strides = array<i32>} : memref<2048xf32, #tpu.memory_space<vmem>>, vector<16xf32>,
        %max3A = arith.maximumf %get3A_98, %get3A_100 : vector<16xf32>
        %swap3A = arith.index_cast %mul3A_92 : i32 to index
        %swap3A_101 = tpu.vector_load %arg21[%swap3A] {strides = array<i32>} : memref<512xf32, #tpu.memory_space<vmem>>, vector<16xf32>,
        tpu.vector_store %arg21[%swap3A], %max3A {strides = array<i32>} : memref<512xf32, #tpu.memory_space<vmem>>, vector<16xf32>,
        %scan3A_102 = arith.constant 1 : i32
        %scan3A_103 = arith.addi %scan3A_86, %scan3A_102 : i32
        %mul3A_104 = arith.constant 1 : i32
        %mul3A_105 = arith.muli %scan3A_103, %mul3A_104 : i32
        %add3A_106 = arith.constant 0 : i32
        %add3A_107 = arith.addi %add3A_106, %mul3A_105 : i32
        %mul3A_108 = arith.constant 16 : i32
        %mul3A_109 = arith.muli %add3A_107, %mul3A_108 : i32
        %mul3A_110 = arith.constant 16 : i32
        %mul3A_111 = arith.muli %add3A_107, %mul3A_110 : i32
        %add3A_112 = arith.constant 1024 : i32
        %add3A_113 = arith.addi %add3A_112, %mul3A_111 : i32
        %get3A_114 = arith.index_cast %mul3A_109 : i32 to index
        %get3A_115 = tpu.vector_load %arg21[%get3A_114] {strides = array<i32>} : memref<512xf32, #tpu.memory_space<vmem>>, vector<16xf32>,
        %get3A_116 = arith.index_cast %add3A_113 : i32 to index
        %get3A_117 = tpu.vector_load %arg14[%get3A_116] {strides = array<i32>} : memref<2048xf32, #tpu.memory_space<vmem>>, vector<16xf32>,
        %max3A_118 = arith.maximumf %get3A_115, %get3A_117 : vector<16xf32>
        %swap3A_119 = arith.index_cast %mul3A_109 : i32 to index
        %swap3A_120 = tpu.vector_load %arg21[%swap3A_119] {strides = array<i32>} : memref<512xf32, #tpu.memory_space<vmem>>, vector<16xf32>,
        tpu.vector_store %arg21[%swap3A_119], %max3A_118 {strides = array<i32>} : memref<512xf32, #tpu.memory_space<vmem>>, vector<16xf32>,
        %scan3A_121 = arith.constant 2 : i32
        %scan3A_122 = arith.addi %scan3A_86, %scan3A_121 : i32
        %mul3A_123 = arith.constant 1 : i32
        %mul3A_124 = arith.muli %scan3A_122, %mul3A_123 : i32
        %add3A_125 = arith.constant 0 : i32
        %add3A_126 = arith.addi %add3A_125, %mul3A_124 : i32
        %mul3A_127 = arith.constant 16 : i32
        %mul3A_128 = arith.muli %add3A_126, %mul3A_127 : i32
        %mul3A_129 = arith.constant 16 : i32
        %mul3A_130 = arith.muli %add3A_126, %mul3A_129 : i32
        %add3A_131 = arith.constant 1024 : i32
        %add3A_132 = arith.addi %add3A_131, %mul3A_130 : i32
        %get3A_133 = arith.index_cast %mul3A_128 : i32 to index
        %get3A_134 = tpu.vector_load %arg21[%get3A_133] {strides = array<i32>} : memref<512xf32, #tpu.memory_space<vmem>>, vector<16xf32>,
        %get3A_135 = arith.index_cast %add3A_132 : i32 to index
        %get3A_136 = tpu.vector_load %arg14[%get3A_135] {strides = array<i32>} : memref<2048xf32, #tpu.memory_space<vmem>>, vector<16xf32>,
        %max3A_137 = arith.maximumf %get3A_134, %get3A_136 : vector<16xf32>
        %swap3A_138 = arith.index_cast %mul3A_128 : i32 to index
        %swap3A_139 = tpu.vector_load %arg21[%swap3A_138] {strides = array<i32>} : memref<512xf32, #tpu.memory_space<vmem>>, vector<16xf32>,
        tpu.vector_store %arg21[%swap3A_138], %max3A_137 {strides = array<i32>} : memref<512xf32, #tpu.memory_space<vmem>>, vector<16xf32>,
        %scan3A_140 = arith.constant 3 : i32
        %scan3A_141 = arith.addi %scan3A_86, %scan3A_140 : i32
        %mul3A_142 = arith.constant 1 : i32
        %mul3A_143 = arith.muli %scan3A_141, %mul3A_142 : i32
        %add3A_144 = arith.constant 0 : i32
        %add3A_145 = arith.addi %add3A_144, %mul3A_143 : i32
        %mul3A_146 = arith.constant 16 : i32
        %mul3A_147 = arith.muli %add3A_145, %mul3A_146 : i32
        %mul3A_148 = arith.constant 16 : i32
        %mul3A_149 = arith.muli %add3A_145, %mul3A_148 : i32
        %add3A_150 = arith.constant 1024 : i32
        %add3A_151 = arith.addi %add3A_150, %mul3A_149 : i32
        %get3A_152 = arith.index_cast %mul3A_147 : i32 to index
        %get3A_153 = tpu.vector_load %arg21[%get3A_152] {strides = array<i32>} : memref<512xf32, #tpu.memory_space<vmem>>, vector<16xf32>,
        %get3A_154 = arith.index_cast %add3A_151 : i32 to index
        %get3A_155 = tpu.vector_load %arg14[%get3A_154] {strides = array<i32>} : memref<2048xf32, #tpu.memory_space<vmem>>, vector<16xf32>,
        %max3A_156 = arith.maximumf %get3A_153, %get3A_155 : vector<16xf32>
        %swap3A_157 = arith.index_cast %mul3A_147 : i32 to index
        %swap3A_158 = tpu.vector_load %arg21[%swap3A_157] {strides = array<i32>} : memref<512xf32, #tpu.memory_space<vmem>>, vector<16xf32>,
        tpu.vector_store %arg21[%swap3A_157], %max3A_156 {strides = array<i32>} : memref<512xf32, #tpu.memory_space<vmem>>, vector<16xf32>,
        %scan3A_159 = arith.constant 4 : i32
        %scan3A_160 = arith.addi %scan3A_86, %scan3A_159 : i32
        %mul3A_161 = arith.constant 1 : i32
        %mul3A_162 = arith.muli %scan3A_160, %mul3A_161 : i32
        %add3A_163 = arith.constant 0 : i32
        %add3A_164 = arith.addi %add3A_163, %mul3A_162 : i32
        %mul3A_165 = arith.constant 16 : i32
        %mul3A_166 = arith.muli %add3A_164, %mul3A_165 : i32
        %mul3A_167 = arith.constant 16 : i32
        %mul3A_168 = arith.muli %add3A_164, %mul3A_167 : i32
        %add3A_169 = arith.constant 1024 : i32
        %add3A_170 = arith.addi %add3A_169, %mul3A_168 : i32
        %get3A_171 = arith.index_cast %mul3A_166 : i32 to index
        %get3A_172 = tpu.vector_load %arg21[%get3A_171] {strides = array<i32>} : memref<512xf32, #tpu.memory_space<vmem>>, vector<16xf32>,
        %get3A_173 = arith.index_cast %add3A_170 : i32 to index
        %get3A_174 = tpu.vector_load %arg14[%get3A_173] {strides = array<i32>} : memref<2048xf32, #tpu.memory_space<vmem>>, vector<16xf32>,
        %max3A_175 = arith.maximumf %get3A_172, %get3A_174 : vector<16xf32>
        %swap3A_176 = arith.index_cast %mul3A_166 : i32 to index
        %swap3A_177 = tpu.vector_load %arg21[%swap3A_176] {strides = array<i32>} : memref<512xf32, #tpu.memory_space<vmem>>, vector<16xf32>,
        tpu.vector_store %arg21[%swap3A_176], %max3A_175 {strides = array<i32>} : memref<512xf32, #tpu.memory_space<vmem>>, vector<16xf32>,
        %scan3A_178 = arith.constant 5 : i32
        %scan3A_179 = arith.addi %scan3A_86, %scan3A_178 : i32
        %mul3A_180 = arith.constant 1 : i32
        %mul3A_181 = arith.muli %scan3A_179, %mul3A_180 : i32
        %add3A_182 = arith.constant 0 : i32
        %add3A_183 = arith.addi %add3A_182, %mul3A_181 : i32
        %mul3A_184 = arith.constant 16 : i32
        %mul3A_185 = arith.muli %add3A_183, %mul3A_184 : i32
        %mul3A_186 = arith.constant 16 : i32
        %mul3A_187 = arith.muli %add3A_183, %mul3A_186 : i32
        %add3A_188 = arith.constant 1024 : i32
        %add3A_189 = arith.addi %add3A_188, %mul3A_187 : i32
        %get3A_190 = arith.index_cast %mul3A_185 : i32 to index
        %get3A_191 = tpu.vector_load %arg21[%get3A_190] {strides = array<i32>} : memref<512xf32, #tpu.memory_space<vmem>>, vector<16xf32>,
        %get3A_192 = arith.index_cast %add3A_189 : i32 to index
        %get3A_193 = tpu.vector_load %arg14[%get3A_192] {strides = array<i32>} : memref<2048xf32, #tpu.memory_space<vmem>>, vector<16xf32>,
        %max3A_194 = arith.maximumf %get3A_191, %get3A_193 : vector<16xf32>
        %swap3A_195 = arith.index_cast %mul3A_185 : i32 to index
        %swap3A_196 = tpu.vector_load %arg21[%swap3A_195] {strides = array<i32>} : memref<512xf32, #tpu.memory_space<vmem>>, vector<16xf32>,
        tpu.vector_store %arg21[%swap3A_195], %max3A_194 {strides = array<i32>} : memref<512xf32, #tpu.memory_space<vmem>>, vector<16xf32>,
        %scan3A_197 = arith.constant 6 : i32
        %scan3A_198 = arith.addi %scan3A_86, %scan3A_197 : i32
        %mul3A_199 = arith.constant 1 : i32
        %mul3A_200 = arith.muli %scan3A_198, %mul3A_199 : i32
        %add3A_201 = arith.constant 0 : i32
        %add3A_202 = arith.addi %add3A_201, %mul3A_200 : i32
        %mul3A_203 = arith.constant 16 : i32
        %mul3A_204 = arith.muli %add3A_202, %mul3A_203 : i32
        %mul3A_205 = arith.constant 16 : i32
        %mul3A_206 = arith.muli %add3A_202, %mul3A_205 : i32
        %add3A_207 = arith.constant 1024 : i32
        %add3A_208 = arith.addi %add3A_207, %mul3A_206 : i32
        %get3A_209 = arith.index_cast %mul3A_204 : i32 to index
        %get3A_210 = tpu.vector_load %arg21[%get3A_209] {strides = array<i32>} : memref<512xf32, #tpu.memory_space<vmem>>, vector<16xf32>,
        %get3A_211 = arith.index_cast %add3A_208 : i32 to index
        %get3A_212 = tpu.vector_load %arg14[%get3A_211] {strides = array<i32>} : memref<2048xf32, #tpu.memory_space<vmem>>, vector<16xf32>,
        %max3A_213 = arith.maximumf %get3A_210, %get3A_212 : vector<16xf32>
        %swap3A_214 = arith.index_cast %mul3A_204 : i32 to index
        %swap3A_215 = tpu.vector_load %arg21[%swap3A_214] {strides = array<i32>} : memref<512xf32, #tpu.memory_space<vmem>>, vector<16xf32>,
        tpu.vector_store %arg21[%swap3A_214], %max3A_213 {strides = array<i32>} : memref<512xf32, #tpu.memory_space<vmem>>, vector<16xf32>,
        %scan3A_216 = arith.constant 7 : i32
        %scan3A_217 = arith.addi %scan3A_86, %scan3A_216 : i32
        %mul3A_218 = arith.constant 1 : i32
        %mul3A_219 = arith.muli %scan3A_217, %mul3A_218 : i32
        %add3A_220 = arith.constant 0 : i32
        %add3A_221 = arith.addi %add3A_220, %mul3A_219 : i32
        %mul3A_222 = arith.constant 16 : i32
        %mul3A_223 = arith.muli %add3A_221, %mul3A_222 : i32
        %mul3A_224 = arith.constant 16 : i32
        %mul3A_225 = arith.muli %add3A_221, %mul3A_224 : i32
        %add3A_226 = arith.constant 1024 : i32
        %add3A_227 = arith.addi %add3A_226, %mul3A_225 : i32
        %get3A_228 = arith.index_cast %mul3A_223 : i32 to index
        %get3A_229 = tpu.vector_load %arg21[%get3A_228] {strides = array<i32>} : memref<512xf32, #tpu.memory_space<vmem>>, vector<16xf32>,
        %get3A_230 = arith.index_cast %add3A_227 : i32 to index
        %get3A_231 = tpu.vector_load %arg14[%get3A_230] {strides = array<i32>} : memref<2048xf32, #tpu.memory_space<vmem>>, vector<16xf32>,
        %max3A_232 = arith.maximumf %get3A_229, %get3A_231 : vector<16xf32>
        %swap3A_233 = arith.index_cast %mul3A_223 : i32 to index
        %swap3A_234 = tpu.vector_load %arg21[%swap3A_233] {strides = array<i32>} : memref<512xf32, #tpu.memory_space<vmem>>, vector<16xf32>,
        tpu.vector_store %arg21[%swap3A_233], %max3A_232 {strides = array<i32>} : memref<512xf32, #tpu.memory_space<vmem>>, vector<16xf32>,
      }
      %scan3A_66 = arith.constant 32 : i32
      %dma_start3A_67 = arith.constant 0 : i32
      %dma_start3A_68 = tpu.memref_slice %arg2[%dma_start3A_67] : memref<33554432xf32, #tpu.memory_space<hbm>> -> memref<33554432xf32, #tpu.memory_space<hbm>>
      tpu.enqueue_indirect_dma source(%arg21 : memref<512xf32, #tpu.memory_space<vmem>>) target(%dma_start3A_68 : memref<33554432xf32, #tpu.memory_space<hbm>>) offsets(%arg17 : memref<512xi32, #tpu.memory_space<vmem>>) semaphore(%arg30 : memref<!tpu.dma_semaphore, #tpu.memory_space<semaphore_mem>>)
      %dma_wait3A_69 = arith.constant 0 : i32
      %dma_wait3A_70 = tpu.memref_slice %arg2[%dma_wait3A_69] : memref<33554432xf32, #tpu.memory_space<hbm>> -> memref<33554432xf32, #tpu.memory_space<hbm>>
      tpu.wait_indirect_dma semaphore(%arg27 : memref<!tpu.dma_semaphore, #tpu.memory_space<semaphore_mem>>) src(%dma_wait3A_70 : memref<33554432xf32, #tpu.memory_space<hbm>>) dst(%arg22 : memref<512xf32, #tpu.memory_space<vmem>>)
      %scan3A_71 = arith.constant 0 : i32
      %scan3A_72 = arith.constant 32 : i32
      %scan3A_73 = arith.addi %scan3A_71, %scan3A_72 : i32
      %scan3A_74 = arith.constant 8 : i32
      scf.for %scan3A_86 = %scan3A_71 to %scan3A_73 step %scan3A_74  : i32 {
        %mul3A_87 = arith.constant 1 : i32
        %mul3A_88 = arith.muli %scan3A_86, %mul3A_87 : i32
        %add3A_89 = arith.constant 0 : i32
        %add3A_90 = arith.addi %add3A_89, %mul3A_88 : i32
        %mul3A_91 = arith.constant 16 : i32
        %mul3A_92 = arith.muli %add3A_90, %mul3A_91 : i32
        %mul3A_93 = arith.constant 16 : i32
        %mul3A_94 = arith.muli %add3A_90, %mul3A_93 : i32
        %add3A_95 = arith.constant 1536 : i32
        %add3A_96 = arith.addi %add3A_95, %mul3A_94 : i32
        %get3A_97 = arith.index_cast %mul3A_92 : i32 to index
        %get3A_98 = tpu.vector_load %arg22[%get3A_97] {strides = array<i32>} : memref<512xf32, #tpu.memory_space<vmem>>, vector<16xf32>,
        %get3A_99 = arith.index_cast %add3A_96 : i32 to index
        %get3A_100 = tpu.vector_load %arg14[%get3A_99] {strides = array<i32>} : memref<2048xf32, #tpu.memory_space<vmem>>, vector<16xf32>,
        %max3A = arith.maximumf %get3A_98, %get3A_100 : vector<16xf32>
        %swap3A = arith.index_cast %mul3A_92 : i32 to index
        %swap3A_101 = tpu.vector_load %arg22[%swap3A] {strides = array<i32>} : memref<512xf32, #tpu.memory_space<vmem>>, vector<16xf32>,
        tpu.vector_store %arg22[%swap3A], %max3A {strides = array<i32>} : memref<512xf32, #tpu.memory_space<vmem>>, vector<16xf32>,
        %scan3A_102 = arith.constant 1 : i32
        %scan3A_103 = arith.addi %scan3A_86, %scan3A_102 : i32
        %mul3A_104 = arith.constant 1 : i32
        %mul3A_105 = arith.muli %scan3A_103, %mul3A_104 : i32
        %add3A_106 = arith.constant 0 : i32
        %add3A_107 = arith.addi %add3A_106, %mul3A_105 : i32
        %mul3A_108 = arith.constant 16 : i32
        %mul3A_109 = arith.muli %add3A_107, %mul3A_108 : i32
        %mul3A_110 = arith.constant 16 : i32
        %mul3A_111 = arith.muli %add3A_107, %mul3A_110 : i32
        %add3A_112 = arith.constant 1536 : i32
        %add3A_113 = arith.addi %add3A_112, %mul3A_111 : i32
        %get3A_114 = arith.index_cast %mul3A_109 : i32 to index
        %get3A_115 = tpu.vector_load %arg22[%get3A_114] {strides = array<i32>} : memref<512xf32, #tpu.memory_space<vmem>>, vector<16xf32>,
        %get3A_116 = arith.index_cast %add3A_113 : i32 to index
        %get3A_117 = tpu.vector_load %arg14[%get3A_116] {strides = array<i32>} : memref<2048xf32, #tpu.memory_space<vmem>>, vector<16xf32>,
        %max3A_118 = arith.maximumf %get3A_115, %get3A_117 : vector<16xf32>
        %swap3A_119 = arith.index_cast %mul3A_109 : i32 to index
        %swap3A_120 = tpu.vector_load %arg22[%swap3A_119] {strides = array<i32>} : memref<512xf32, #tpu.memory_space<vmem>>, vector<16xf32>,
        tpu.vector_store %arg22[%swap3A_119], %max3A_118 {strides = array<i32>} : memref<512xf32, #tpu.memory_space<vmem>>, vector<16xf32>,
        %scan3A_121 = arith.constant 2 : i32
        %scan3A_122 = arith.addi %scan3A_86, %scan3A_121 : i32
        %mul3A_123 = arith.constant 1 : i32
        %mul3A_124 = arith.muli %scan3A_122, %mul3A_123 : i32
        %add3A_125 = arith.constant 0 : i32
        %add3A_126 = arith.addi %add3A_125, %mul3A_124 : i32
        %mul3A_127 = arith.constant 16 : i32
        %mul3A_128 = arith.muli %add3A_126, %mul3A_127 : i32
        %mul3A_129 = arith.constant 16 : i32
        %mul3A_130 = arith.muli %add3A_126, %mul3A_129 : i32
        %add3A_131 = arith.constant 1536 : i32
        %add3A_132 = arith.addi %add3A_131, %mul3A_130 : i32
        %get3A_133 = arith.index_cast %mul3A_128 : i32 to index
        %get3A_134 = tpu.vector_load %arg22[%get3A_133] {strides = array<i32>} : memref<512xf32, #tpu.memory_space<vmem>>, vector<16xf32>,
        %get3A_135 = arith.index_cast %add3A_132 : i32 to index
        %get3A_136 = tpu.vector_load %arg14[%get3A_135] {strides = array<i32>} : memref<2048xf32, #tpu.memory_space<vmem>>, vector<16xf32>,
        %max3A_137 = arith.maximumf %get3A_134, %get3A_136 : vector<16xf32>
        %swap3A_138 = arith.index_cast %mul3A_128 : i32 to index
        %swap3A_139 = tpu.vector_load %arg22[%swap3A_138] {strides = array<i32>} : memref<512xf32, #tpu.memory_space<vmem>>, vector<16xf32>,
        tpu.vector_store %arg22[%swap3A_138], %max3A_137 {strides = array<i32>} : memref<512xf32, #tpu.memory_space<vmem>>, vector<16xf32>,
        %scan3A_140 = arith.constant 3 : i32
        %scan3A_141 = arith.addi %scan3A_86, %scan3A_140 : i32
        %mul3A_142 = arith.constant 1 : i32
        %mul3A_143 = arith.muli %scan3A_141, %mul3A_142 : i32
        %add3A_144 = arith.constant 0 : i32
        %add3A_145 = arith.addi %add3A_144, %mul3A_143 : i32
        %mul3A_146 = arith.constant 16 : i32
        %mul3A_147 = arith.muli %add3A_145, %mul3A_146 : i32
        %mul3A_148 = arith.constant 16 : i32
        %mul3A_149 = arith.muli %add3A_145, %mul3A_148 : i32
        %add3A_150 = arith.constant 1536 : i32
        %add3A_151 = arith.addi %add3A_150, %mul3A_149 : i32
        %get3A_152 = arith.index_cast %mul3A_147 : i32 to index
        %get3A_153 = tpu.vector_load %arg22[%get3A_152] {strides = array<i32>} : memref<512xf32, #tpu.memory_space<vmem>>, vector<16xf32>,
        %get3A_154 = arith.index_cast %add3A_151 : i32 to index
        %get3A_155 = tpu.vector_load %arg14[%get3A_154] {strides = array<i32>} : memref<2048xf32, #tpu.memory_space<vmem>>, vector<16xf32>,
        %max3A_156 = arith.maximumf %get3A_153, %get3A_155 : vector<16xf32>
        %swap3A_157 = arith.index_cast %mul3A_147 : i32 to index
        %swap3A_158 = tpu.vector_load %arg22[%swap3A_157] {strides = array<i32>} : memref<512xf32, #tpu.memory_space<vmem>>, vector<16xf32>,
        tpu.vector_store %arg22[%swap3A_157], %max3A_156 {strides = array<i32>} : memref<512xf32, #tpu.memory_space<vmem>>, vector<16xf32>,
        %scan3A_159 = arith.constant 4 : i32
        %scan3A_160 = arith.addi %scan3A_86, %scan3A_159 : i32
        %mul3A_161 = arith.constant 1 : i32
        %mul3A_162 = arith.muli %scan3A_160, %mul3A_161 : i32
        %add3A_163 = arith.constant 0 : i32
        %add3A_164 = arith.addi %add3A_163, %mul3A_162 : i32
        %mul3A_165 = arith.constant 16 : i32
        %mul3A_166 = arith.muli %add3A_164, %mul3A_165 : i32
        %mul3A_167 = arith.constant 16 : i32
        %mul3A_168 = arith.muli %add3A_164, %mul3A_167 : i32
        %add3A_169 = arith.constant 1536 : i32
        %add3A_170 = arith.addi %add3A_169, %mul3A_168 : i32
        %get3A_171 = arith.index_cast %mul3A_166 : i32 to index
        %get3A_172 = tpu.vector_load %arg22[%get3A_171] {strides = array<i32>} : memref<512xf32, #tpu.memory_space<vmem>>, vector<16xf32>,
        %get3A_173 = arith.index_cast %add3A_170 : i32 to index
        %get3A_174 = tpu.vector_load %arg14[%get3A_173] {strides = array<i32>} : memref<2048xf32, #tpu.memory_space<vmem>>, vector<16xf32>,
        %max3A_175 = arith.maximumf %get3A_172, %get3A_174 : vector<16xf32>
        %swap3A_176 = arith.index_cast %mul3A_166 : i32 to index
        %swap3A_177 = tpu.vector_load %arg22[%swap3A_176] {strides = array<i32>} : memref<512xf32, #tpu.memory_space<vmem>>, vector<16xf32>,
        tpu.vector_store %arg22[%swap3A_176], %max3A_175 {strides = array<i32>} : memref<512xf32, #tpu.memory_space<vmem>>, vector<16xf32>,
        %scan3A_178 = arith.constant 5 : i32
        %scan3A_179 = arith.addi %scan3A_86, %scan3A_178 : i32
        %mul3A_180 = arith.constant 1 : i32
        %mul3A_181 = arith.muli %scan3A_179, %mul3A_180 : i32
        %add3A_182 = arith.constant 0 : i32
        %add3A_183 = arith.addi %add3A_182, %mul3A_181 : i32
        %mul3A_184 = arith.constant 16 : i32
        %mul3A_185 = arith.muli %add3A_183, %mul3A_184 : i32
        %mul3A_186 = arith.constant 16 : i32
        %mul3A_187 = arith.muli %add3A_183, %mul3A_186 : i32
        %add3A_188 = arith.constant 1536 : i32
        %add3A_189 = arith.addi %add3A_188, %mul3A_187 : i32
        %get3A_190 = arith.index_cast %mul3A_185 : i32 to index
        %get3A_191 = tpu.vector_load %arg22[%get3A_190] {strides = array<i32>} : memref<512xf32, #tpu.memory_space<vmem>>, vector<16xf32>,
        %get3A_192 = arith.index_cast %add3A_189 : i32 to index
        %get3A_193 = tpu.vector_load %arg14[%get3A_192] {strides = array<i32>} : memref<2048xf32, #tpu.memory_space<vmem>>, vector<16xf32>,
        %max3A_194 = arith.maximumf %get3A_191, %get3A_193 : vector<16xf32>
        %swap3A_195 = arith.index_cast %mul3A_185 : i32 to index
        %swap3A_196 = tpu.vector_load %arg22[%swap3A_195] {strides = array<i32>} : memref<512xf32, #tpu.memory_space<vmem>>, vector<16xf32>,
        tpu.vector_store %arg22[%swap3A_195], %max3A_194 {strides = array<i32>} : memref<512xf32, #tpu.memory_space<vmem>>, vector<16xf32>,
        %scan3A_197 = arith.constant 6 : i32
        %scan3A_198 = arith.addi %scan3A_86, %scan3A_197 : i32
        %mul3A_199 = arith.constant 1 : i32
        %mul3A_200 = arith.muli %scan3A_198, %mul3A_199 : i32
        %add3A_201 = arith.constant 0 : i32
        %add3A_202 = arith.addi %add3A_201, %mul3A_200 : i32
        %mul3A_203 = arith.constant 16 : i32
        %mul3A_204 = arith.muli %add3A_202, %mul3A_203 : i32
        %mul3A_205 = arith.constant 16 : i32
        %mul3A_206 = arith.muli %add3A_202, %mul3A_205 : i32
        %add3A_207 = arith.constant 1536 : i32
        %add3A_208 = arith.addi %add3A_207, %mul3A_206 : i32
        %get3A_209 = arith.index_cast %mul3A_204 : i32 to index
        %get3A_210 = tpu.vector_load %arg22[%get3A_209] {strides = array<i32>} : memref<512xf32, #tpu.memory_space<vmem>>, vector<16xf32>,
        %get3A_211 = arith.index_cast %add3A_208 : i32 to index
        %get3A_212 = tpu.vector_load %arg14[%get3A_211] {strides = array<i32>} : memref<2048xf32, #tpu.memory_space<vmem>>, vector<16xf32>,
        %max3A_213 = arith.maximumf %get3A_210, %get3A_212 : vector<16xf32>
        %swap3A_214 = arith.index_cast %mul3A_204 : i32 to index
        %swap3A_215 = tpu.vector_load %arg22[%swap3A_214] {strides = array<i32>} : memref<512xf32, #tpu.memory_space<vmem>>, vector<16xf32>,
        tpu.vector_store %arg22[%swap3A_214], %max3A_213 {strides = array<i32>} : memref<512xf32, #tpu.memory_space<vmem>>, vector<16xf32>,
        %scan3A_216 = arith.constant 7 : i32
        %scan3A_217 = arith.addi %scan3A_86, %scan3A_216 : i32
        %mul3A_218 = arith.constant 1 : i32
        %mul3A_219 = arith.muli %scan3A_217, %mul3A_218 : i32
        %add3A_220 = arith.constant 0 : i32
        %add3A_221 = arith.addi %add3A_220, %mul3A_219 : i32
        %mul3A_222 = arith.constant 16 : i32
        %mul3A_223 = arith.muli %add3A_221, %mul3A_222 : i32
        %mul3A_224 = arith.constant 16 : i32
        %mul3A_225 = arith.muli %add3A_221, %mul3A_224 : i32
        %add3A_226 = arith.constant 1536 : i32
        %add3A_227 = arith.addi %add3A_226, %mul3A_225 : i32
        %get3A_228 = arith.index_cast %mul3A_223 : i32 to index
        %get3A_229 = tpu.vector_load %arg22[%get3A_228] {strides = array<i32>} : memref<512xf32, #tpu.memory_space<vmem>>, vector<16xf32>,
        %get3A_230 = arith.index_cast %add3A_227 : i32 to index
        %get3A_231 = tpu.vector_load %arg14[%get3A_230] {strides = array<i32>} : memref<2048xf32, #tpu.memory_space<vmem>>, vector<16xf32>,
        %max3A_232 = arith.maximumf %get3A_229, %get3A_231 : vector<16xf32>
        %swap3A_233 = arith.index_cast %mul3A_223 : i32 to index
        %swap3A_234 = tpu.vector_load %arg22[%swap3A_233] {strides = array<i32>} : memref<512xf32, #tpu.memory_space<vmem>>, vector<16xf32>,
        tpu.vector_store %arg22[%swap3A_233], %max3A_232 {strides = array<i32>} : memref<512xf32, #tpu.memory_space<vmem>>, vector<16xf32>,
      }
      %scan3A_75 = arith.constant 32 : i32
      %dma_start3A_76 = arith.constant 0 : i32
      %dma_start3A_77 = tpu.memref_slice %arg2[%dma_start3A_76] : memref<33554432xf32, #tpu.memory_space<hbm>> -> memref<33554432xf32, #tpu.memory_space<hbm>>
      tpu.enqueue_indirect_dma source(%arg22 : memref<512xf32, #tpu.memory_space<vmem>>) target(%dma_start3A_77 : memref<33554432xf32, #tpu.memory_space<hbm>>) offsets(%arg18 : memref<512xi32, #tpu.memory_space<vmem>>) semaphore(%arg31 : memref<!tpu.dma_semaphore, #tpu.memory_space<semaphore_mem>>)
      %dma_wait3A_78 = arith.constant 0 : i32
      %dma_wait3A_79 = tpu.memref_slice %arg2[%dma_wait3A_78] : memref<33554432xf32, #tpu.memory_space<hbm>> -> memref<33554432xf32, #tpu.memory_space<hbm>>
      tpu.wait_indirect_dma semaphore(%arg28 : memref<!tpu.dma_semaphore, #tpu.memory_space<semaphore_mem>>) src(%arg19 : memref<512xf32, #tpu.memory_space<vmem>>) dst(%dma_wait3A_79 : memref<33554432xf32, #tpu.memory_space<hbm>>)
      %dma_wait3A_80 = arith.constant 0 : i32
      %dma_wait3A_81 = tpu.memref_slice %arg2[%dma_wait3A_80] : memref<33554432xf32, #tpu.memory_space<hbm>> -> memref<33554432xf32, #tpu.memory_space<hbm>>
      tpu.wait_indirect_dma semaphore(%arg29 : memref<!tpu.dma_semaphore, #tpu.memory_space<semaphore_mem>>) src(%arg20 : memref<512xf32, #tpu.memory_space<vmem>>) dst(%dma_wait3A_81 : memref<33554432xf32, #tpu.memory_space<hbm>>)
      %dma_wait3A_82 = arith.constant 0 : i32
      %dma_wait3A_83 = tpu.memref_slice %arg2[%dma_wait3A_82] : memref<33554432xf32, #tpu.memory_space<hbm>> -> memref<33554432xf32, #tpu.memory_space<hbm>>
      tpu.wait_indirect_dma semaphore(%arg30 : memref<!tpu.dma_semaphore, #tpu.memory_space<semaphore_mem>>) src(%arg21 : memref<512xf32, #tpu.memory_space<vmem>>) dst(%dma_wait3A_83 : memref<33554432xf32, #tpu.memory_space<hbm>>)
      %dma_wait3A_84 = arith.constant 0 : i32
      %dma_wait3A_85 = tpu.memref_slice %arg2[%dma_wait3A_84] : memref<33554432xf32, #tpu.memory_space<hbm>> -> memref<33554432xf32, #tpu.memory_space<hbm>>
      tpu.wait_indirect_dma semaphore(%arg31 : memref<!tpu.dma_semaphore, #tpu.memory_space<semaphore_mem>>) src(%arg22 : memref<512xf32, #tpu.memory_space<vmem>>) dst(%dma_wait3A_85 : memref<33554432xf32, #tpu.memory_space<hbm>>)
      "tpu.trace_stop"() : () -> ()
    }
    %scan3A_7 = arith.constant 16 : i32
    return
  }
}

module attributes {stable_mosaic.version = 14 : i64} {
  func.func @_decay_body(%arg0: i32, %arg1: memref<16384x128xf32, #tpu.memory_space<vmem>>, %arg2: memref<16384x128xf32, #tpu.memory_space<vmem>>) attributes {dimension_semantics = [#tpu.dimension_semantics<arbitrary>], iteration_bounds = array<i64: 16>, scalar_prefetch = 0 : i64, scratch_operands = 0 : i64, tpu.core_type = #tpu.core_type<tc>, window_params = [{transform_indices = @transform_0, window_bounds = array<i64: 16384, 128>}, {transform_indices = @transform_1, window_bounds = array<i64: 16384, 128>}]} {
    %get3A = arith.constant 0 : index
    %get3A_0 = arith.constant 0 : index
    %get3A_1 = vector.load %arg1[%get3A, %get3A_0] : memref<16384x128xf32, #tpu.memory_space<vmem>>, vector<16384x128xf32>
    %mul3A = arith.constant 0.949999988 : f32
    %mul3A_2 = vector.broadcast %mul3A : f32 to vector<16384x128xf32>
    %mul3A_3 = arith.mulf %get3A_1, %mul3A_2 : vector<16384x128xf32>
    %swap3A = arith.constant 0 : index
    %swap3A_4 = arith.constant 0 : index
    %swap3A_5 = vector.load %arg2[%swap3A, %swap3A_4] : memref<16384x128xf32, #tpu.memory_space<vmem>>, vector<16384x128xf32>
    tpu.vector_store %arg2[%swap3A, %swap3A_4], %mul3A_3 {strides = array<i32>} : memref<16384x128xf32, #tpu.memory_space<vmem>>, vector<16384x128xf32>,
    return
  }
  func.func @transform_0(%arg0: i32) -> (i32, i32) {
    %c0_i32 = arith.constant 0 : i32
    %c0_i32_0 = arith.constant 0 : i32
    return %arg0, %c0_i32 : i32, i32
  }
  func.func @transform_1(%arg0: i32) -> (i32, i32) {
    %c0_i32 = arith.constant 0 : i32
    %c0_i32_0 = arith.constant 0 : i32
    return %arg0, %c0_i32 : i32, i32
  }
}

</mosaic_0001>

<sc_bundles>
// kernel: kernel.4.cloned.1.call-start
scs
__scs_entry_jumppad:
0x0: {  	(pc) =	sbr.rel $0x88, $3  }
0x1: {  	(tag) =	ssettag $0x0;
	lr =	simm.s32 $0x1  }
0x2: {  	[smem:$0x3F9C] =	sst lr;
	_ =	strace $0xD0000000  }
0x3: {  	_ = 	snop  }
0x4: {  	_ = 	snop  }
0x5: {  	_ = 	snop  }
0x6: {  	_ = 	snop  }
0x7: {  	_ = 	snop  }
__scs_overlays_trampoline_lowered:
0x8: {  	[smem:$0x3FAB] =	sst s0  }
0x9: {  	[smem:$0x3FAC] =	sst s1  }
0xa: {  	[smem:$0x3FAD] =	sst s2  }
0xb: {  	[smem:$0x3FAE] =	sst s3  }
0xc: {  	[smem:$0x3FAF] =	sst s4  }
0xd: {  	[smem:$0x3FB0] =	sst s5  }
0xe: {  	[smem:$0x3FB1] =	sst s6  }
0xf: {  	[smem:$0x3FB2] =	sst s7  }
0x10: {  	[smem:$0x3FB3] =	sst s8  }
0x11: {  	[smem:$0x3FB4] =	sst s9;
	s0 =	simm.s32 @!p0 $0x0  }
0x12: {  	s1 =	sld [smem:$0x3F9A];
	s0 =	simm.s32 @p0 $0x1  }
0x13: {  	[smem:$0x3FB5] =	sst s0;
	s0 =	simm.s32 @!p1 $0x0  }
0x14: {  	s2 =	sld [smem:$0x3F99];
	s0 =	simm.s32 @p1 $0x1  }
0x15: {  	[smem:$0x3FB6] =	sst s0;
	s0 =	simm.s32 @!p2 $0x0  }
0x16: {  	s3 =	sld [smem:$0x3FDB];
	s0 =	simm.s32 @p2 $0x1  }
0x17: {  	s4 =	simm.s32 $0x1BF5;
	[smem:$0x3FB8] =	sst s0  }
0x18: {  	s0 =	sld [smem:$0x3F9B];
	_ =	swait.ge [sflag:s4], $0x0  }
0x19: {  	s7 =	sld [smem:$0x3F9C]  }
0x1a: {  	s8 =	sadd.s32 $0xFFFFE003, lr  }
0x1b: {  	s9 =	sadd.s32 $0xFFFFFEF7, lr;
	s5 =	simm.s32 $0xFFFFFFFF;
	p2 =	slt.u32 s8, $0xFFFFF086  }
0x1c: {  	p1 =	slt.u32 s9, $0xF7A;
	s5 =	simm.s32 @!p2 $0x0  }
0x1d: {  	s5 =	simm.s32 @p1 $0x1;
	p0 =	seq.s32 s7, s2  }
0x1e: {  	s7 =	smul.u32 @!p0 $0xF7A, s2;
	p2 =	seq.s32 @!p0 s5, $0x0  }
0x1f: {  	s9 =	smul.u32 $0xF7A, s1;
	s8 =	simm.s32 @!p0 $0x1BF5;
	p2 =	por !p2, p0  }
0x20: {  	[sflag:s8] =	ssyncset.s32 @!p0 $0xFFFFF086;
	s6 =	sadd.s32 @!p0 s3, s7;
	s7 =	simm.s32 @!p0 $0x108  }
0x21: {  	s3 =	sadd.s32 s3, s9;
	s6 =	sadd.s32 @!p0 $0x88, s6;
	s7 =	simm.s32 @p2 $0x1082  }
0x22: {  	[simem:s7], [sflag:s8] =	dma.local @!p0 [hbm:s6], $0xF7A  }
0x23: {  	s9 =	sor.u32 $0xD0000000, s2;
	s6 =	simm.s32 $0x108;
	_ =	swait.ge @!p0 [sflag:s8], $0x0  }
0x24: {  	s3 =	sadd.s32 $0x88, s3;
	s6 =	simm.s32 @!p1 $0x1082;
	[sflag:s4] =	ssyncset.s32 $0xFFFFF086  }
0x25: {  	[simem:s6], [sflag:s4] =	dma.local [hbm:s3], $0xF7A  }
0x26: {  	[smem:$0x3F9C] =	sst s1;
	(tag) =	ssettag s2;
	_ =	strace s9  }
0x27: {  	s1 =	sld [smem:$0x3FAC]  }
0x28: {  	s2 =	sld [smem:$0x3FAD]  }
0x29: {  	s4 =	sld [smem:$0x3FAF]  }
0x2a: {  	p0 =	seq.s32 s5, $0x0;
	s5 =	sld [smem:$0x3FB0]  }
0x2b: {  	s6 =	sld [smem:$0x3FB1]  }
0x2c: {  	s7 =	sld [smem:$0x3FB2]  }
0x2d: {  	s3 =	simm.s32 $0x108;
	s8 =	sld [smem:$0x3FB3]  }
0x2e: {  	s3 =	simm.s32 @!p0 $0x1082;
	s9 =	sld [smem:$0x3FB4]  }
0x2f: {  	lr =	sadd.s32 s0, s3;
	s0 =	sld [smem:$0x3FAB]  }
0x30: {  	s3 =	sld [smem:$0x3FAE]  }
0x31: {  	[smem:$0x3FB7] =	sst s10  }
0x32: {  	s10 =	sld [smem:$0x3FB5];
	_ =	sdelay $0x3  }
0x33: {  	p0 =	seq.s32 s10, $0x1;
	s10 =	sld [smem:$0x3FB7];
	_ =	sdelay $0x3  }
0x34: {  	[smem:$0x3FB7] =	sst s10  }
0x35: {  	s10 =	sld [smem:$0x3FB6];
	_ =	sdelay $0x3  }
0x36: {  	p1 =	seq.s32 s10, $0x1;
	s10 =	sld [smem:$0x3FB7];
	_ =	sdelay $0x3  }
0x37: {  	[smem:$0x3FB7] =	sst s10  }
0x38: {  	s10 =	sld [smem:$0x3FB8]  }
0x39: {  	_ = 	snop;
	(pc) =	sbr.ind lr, $3  }
0x3a: {  	_ = 	snop  }
0x3b: {  	_ = 	snop  }
0x3c: {  	p2 =	seq.s32 s10, $0x1;
	s10 =	sld [smem:$0x3FB7]  }
0x3d: {  	_ =	shalt  }
0x3e: {  	_ =	shalt  }
0x3f: {  	_ =	shalt  }
0x40: {  	_ =	shalt  }
0x41: {  	_ =	shalt  }
0x42: {  	_ =	shalt  }
0x43: {  	_ =	shalt  }
0x44: {  	_ =	shalt  }
0x45: {  	_ =	shalt  }
0x46: {  	_ =	shalt  }
0x47: {  	_ =	shalt  }
0x48: {  	_ =	shalt  }
0x49: {  	_ =	shalt  }
0x4a: {  	_ =	shalt  }
0x4b: {  	_ =	shalt  }
0x4c: {  	_ =	shalt  }
0x4d: {  	_ =	shalt  }
0x4e: {  	_ =	shalt  }
0x4f: {  	_ =	shalt  }
0x50: {  	_ =	shalt  }
0x51: {  	_ =	shalt  }
0x52: {  	_ =	shalt  }
0x53: {  	_ =	shalt  }
0x54: {  	_ =	shalt  }
0x55: {  	_ =	shalt  }
0x56: {  	_ =	shalt  }
0x57: {  	_ =	shalt  }
0x58: {  	_ =	shalt  }
0x59: {  	_ =	shalt  }
0x5a: {  	_ =	shalt  }
0x5b: {  	_ =	shalt  }
0x5c: {  	_ =	shalt  }
0x5d: {  	_ =	shalt  }
0x5e: {  	_ =	shalt  }
0x5f: {  	_ =	shalt  }
0x60: {  	_ =	shalt  }
0x61: {  	_ =	shalt  }
0x62: {  	_ =	shalt  }
0x63: {  	_ =	shalt  }
0x64: {  	_ =	shalt  }
0x65: {  	_ =	shalt  }
0x66: {  	_ =	shalt  }
0x67: {  	_ =	shalt  }
0x68: {  	_ =	shalt  }
0x69: {  	_ =	shalt  }
0x6a: {  	_ =	shalt  }
0x6b: {  	_ =	shalt  }
0x6c: {  	_ =	shalt  }
0x6d: {  	_ =	shalt  }
0x6e: {  	_ =	shalt  }
0x6f: {  	_ =	shalt  }
0x70: {  	_ =	shalt  }
0x71: {  	_ =	shalt  }
0x72: {  	_ =	shalt  }
0x73: {  	_ =	shalt  }
0x74: {  	_ =	shalt  }
0x75: {  	_ =	shalt  }
0x76: {  	_ =	shalt  }
0x77: {  	_ =	shalt  }
0x78: {  	_ =	shalt  }
0x79: {  	_ =	shalt  }
0x7a: {  	_ =	shalt  }
0x7b: {  	_ =	shalt  }
0x7c: {  	_ =	shalt  }
0x7d: {  	_ =	shalt  }
0x7e: {  	_ =	shalt  }
0x7f: {  	_ =	shalt  }
0x80: {  	_ =	shalt  }
0x81: {  	_ =	shalt  }
0x82: {  	_ =	shalt  }
0x83: {  	_ =	shalt  }
0x84: {  	_ =	shalt  }
0x85: {  	_ =	shalt  }
0x86: {  	_ =	shalt  }
0x87: {  	_ =	shalt  }
.Lfunc_end0:
.L_simem_size_0:
called_computation_lowered:
.L_overlay_start_0:
0x88: {  	s2 =	sld [smem:$0x3FD9]  }
0x89: {  	s3 =	sld [smem:$0x3FFE];
	_ =	sdelay $0x1  }
0x8a: {  	s1 =	srdreg.scid  }
0x8b: {  	s0 =	sand.u32 $0x1, s1  }
0x8c: {  	s17 =	sshll.u32 s0, $0xA;
	s2 =	sadd.s32 s3, s2  }
0x8d: {  	s2 =	sadd.s32 s2, s17  }
0x8e: {  	[smem:$0x3FC3] =	sst s2  }
0x8f: {  	_ = 	snop  }
0x90: {  	s2 =	sld [smem:$0x3FC8]  }
0x91: {  	s18 =	sld [smem:$0x3FC7]  }
0x92: {  	s4 =	sld [smem:$0x3FD0];
	(tm) =	ssettm $0x1  }
0x93: {  	s5 =	sld [smem:$0x3FFB];
	_ =	sdelay $0x3  }
0x94: {  	_ =	strace s5  }
0x95: {  	s5 =	sld [smem:$0x3FFC];
	_ =	sdelay $0x3  }
0x96: {  	_ =	strace s5  }
0x97: {  	s5 =	sld [smem:$0x3FFD];
	_ =	sdelay $0x3  }
0x98: {  	_ =	strace s5  }
0x99: {  	_ =	strace $0x8FFFFFFF  }
0x9a: {  	s19 =	sld [smem:$0x3FDB];
	_ =	sdelay $0x1  }
0x9b: {  	s6 =	simm.s32 $_scs_section_size  }
0x9c: {  	s7 =	simm.s32 $_size__tile_overlayer_lowered;
	s8 =	simm.s32 $_tile_overlayer_lowered  }
0x9d: {  	s22 =	simm.s32 $0x1BFF;
	s21 =	sshll.u32 s8, $0x1;
	s5 =	sadd.s32 s6, s19  }
0x9e: {  	s9 =	simm.s32 $0x0;
	s20 =	sshll.u32 s7, $0x1;
	s7 =	sadd.s32 s21, s5  }
0x9f: {  	[timem:s9], [sflag:s22] =	dma.local [hbm:s7], s20  }
0xa0: {  	_ =	swait.ge [sflag:s22], s20  }
0xa1: {  	s6 =	ssub.s32 $0x0, s20;
	[sflag:s22] =	ssyncset.done $0x0  }
0xa2: {  	[sflag:s22] =	ssyncadd.s32 s6;
	_ =	sdelay $0x1  }
0xa3: {  	s23 =	simm.s32 $0x1B8B  }
0xa4: {  	_ =	swait.ge [sflag:s23], $0x1  }
0xa5: {  	[sflag:s23] =	ssyncset.done $0x0  }
0xa6: {  	s25 =	simm.s32 $0x1B8E;
	s24 =	sld [smem:$0x3FFE];
	[sflag:s23] =	ssyncadd.s32 $0xFFFFFFFF  }
0xa7: {  	s26 =	simm.s32 $execute0_lowered;
	[smem:$0x3FD2] =	sst s25  }
0xa8: {  	s7 =	sshll.u32 s26, $0x1;
	_ =	strace $0x80000046;
	[dreg:$0x1] =	wrdreg $0xFFFFFFFF  }
0xa9: {  	s28 =	simm.s32 $_size_execute0_lowered;
	s5 =	sadd.s32 s5, s7;
	[dreg:$0x0] =	wrdreg $0x0  }
0xaa: {  	s7 =	sshll.u32 s28, $0x1;
	[dreg:$0x2] =	wrdreg s5  }
0xab: {  	[dreg:$0x3] =	wrdreg s7  }
0xac: {  	[dreg:$0x4] =	wrdreg $0xC0  }
0xad: {  	_ =	task [dreg:s9], $0x5FFFF  }
0xae: {  	[dreg:$0x1] =	wrdreg $0xFFFFFFFF  }
0xaf: {  	[dreg:$0x0] =	wrdreg $0x60  }
0xb0: {  	[dreg:$0x2] =	wrdreg s4  }
0xb1: {  	[dreg:$0x3] =	wrdreg s24  }
0xb2: {  	[dreg:$0x4] =	wrdreg s2  }
0xb3: {  	[dreg:$0x5] =	wrdreg s18  }
0xb4: {  	[dreg:$0x6] =	wrdreg $0x9  }
0xb5: {  	_ =	task.clear_ibuf [dreg:s9], $0x7FFFF;
	_ =	strace $0x90000046  }
0xb6: {  	s29 =	simm.s32 $0x9;
	_ =	strace $0x8000004B  }
0xb7: {  	_ =	swait.ge [sflag:s29], $0x1  }
0xb8: {  	[sflag:s29] =	ssyncadd.s32 $0xFFFFFFFF  }
0xb9: {  	_ =	strace $0x9000004B  }
0xba: {  	_ =	sfence  }
0xbb: {  	s30 =	sld [smem:$0x0];
	_ =	sdelay $0x2  }
0xbc: {  	s31 =	sshll.u32 s1, $0xD;
	s1 =	sshrl.u32 s1, $0x2  }
0xbd: {  	s3 =	sand.u32 $0x4000, s31;
	s1 =	sadd.s32 s1, s30  }
0xbe: {  	s0 =	sor.u32 s3, s0;
	s1 =	sshll.u32 s1, $0x11  }
0xbf: {  	s0 =	sor.u32 s1, s0  }
0xc0: {  	s0 =	sadd.s32 $0x8F2B, s0  }
0xc1: {  	[sflag:s0] =	ssyncadd.remote.s32 $0x1  }
0xc2: {  	_ =	sfence.sel $0xFFFF  }
0xc3: {  	[dreg:$0x0] =	wrdreg $0xFFFFFFFF;
	(pc) =	sbr.abs _section_cstart, $3  }
0xc4: {  	[dreg:$0x1] =	wrdreg $0xFFFFFFFF  }
0xc5: {  	_ =	task.clear_ibuf [dreg:s9], $0x2FFFF;
	_ =	strace $0x9FFFFFFF  }
0xc6: {  	(tm) =	ssettm $0x7FFFFFFF  }
0xc7: {  	_ =	shalt  }
tec
execute0_lowered:
.L_overlay_start_1:
0x0: {  	(tag) =	ssettag $0x1  }
0x1: {  	s1 =	rddreg [dreg:$0x0]  }
0x2: {  	s0 =	rddreg [dreg:$0x1];
	s4 =	simm.s32 $0x0  }
0x3: {  	s2 =	srdreg.scid;
	s6 =	stileid.u32;
	s13 =	simm.s32 $0x9  }
0x4: {  	s18 =	simm.s32 $0x200;
	s28 =	simm.s32 $0x1;
	s29 =	simm.s32 $0x2  }
0x5: {  	s30 =	simm.s32 $0x3;
	s31 =	simm.s32 $0x4;
	s12 =	simm.s32 $0x7  }
0x6: {  	s9 =	simm.s32 $0x8;
	[smem:$0x7FF] =	sst s4;
	s3 =	sadd.s32 $0x40800, s0  }
0x7: {  	s21 =	sadd.s32 $0x20800, s0;
	_ =	strace $0x80000047;
	[dreg:$0x5] =	wrdreg s3  }
0x8: {  	s2 =	sand.u32 $0x1, s2;
	s5 =	sadd.s32 $0x800, s0;
	[dreg:$0x6] =	wrdreg s21  }
0x9: {  	s24 =	sshll.u32 s6, $0xD;
	s0 =	sadd.s32 $0x60800, s0;
	[dreg:$0x7] =	wrdreg s5  }
0xa: {  	s22 =	ssub.s32 $0x2, s2;
	s2 =	sshll.u32 s2, $0xC;
	[dreg:$0x8] =	wrdreg s0  }
0xb: {  	s21 =	simm.s32 $0x2A00;
	s0 =	simm.s32 $0x5;
	s5 =	simm.s32 $0x6  }
0xc: {  	s23 =	sshrl.u32 s22, $0x1;
	s25 =	sor.u32 s2, s24;
	s24 =	simm.s32 $0x3400  }
0xd: {  	s3 =	ssub.s32 s22, s23;
	[dreg:$0x9] =	wrdreg s25;
	s22 =	simm.s32 $0x3200  }
0xe: {  	s23 =	simm.s32 $0x2C00;
	s25 =	simm.s32 $0x2E00;
	s26 =	smax.u32 s3, $0x1  }
0xf: {  	s3 =	simm.s32 $0x0;
	[dreg:$0xa] =	wrdreg s26;
	s26 =	simm.s32 $0x3600  }
.LBB2_1:
0x10: {  	[dreg:$0xb] =	wrdreg s3  }
0x11: {  	s2 =	rddreg [dreg:$0x8];
	s20 =	simm.s32 $0x3800  }
0x12: {  	[tilespmem:s20], [sflag:$0x9] =	stream.linear.gather [hbm4b:s2+s4], $0x80, $0x38;
	[tilespmem:$0x3880] =	vst v63  }
0x13: {  	_ =	swait.ge [sflag:s13], $0x80  }
0x14: {  	[sflag:s13] =	ssyncset.done $0x0  }
0x15: {  	[sflag:s13] =	ssyncadd.s32 $0xFFFFFF80  }
0x16: {  	s11 =	simm.s32 $0x0;
	v0 =	vld [tilespmem:$0x3800]  }
.LBB2_2:
0x17: {  	s2 =	sshll.u32 s11, $0x8;
	s3 =	rddreg [dreg:$0x9];
	_ =	strace $0x80000048  }
0x18: {  	s2 =	sadd.s32 s3, s2;
	s8 =	rddreg [dreg:$0x5]  }
0x19: {  	s3 =	sadd.s32 s8, s2  }
0x1a: {  	[tilespmem:s4], [sflag:$0x9] =	stream.linear.gather [hbm4b:s3+s4], $0x800, $0x200038;
	[tilespmem:$0x3880] =	vst v63  }
0x1b: {  	_ =	swait.ge [sflag:s13], $0x800  }
0x1c: {  	[sflag:s13] =	ssyncset.done $0x0;
	s10 =	rddreg [dreg:$0x6]  }
0x1d: {  	s6 =	simm.s32 $0x800;
	[sflag:s13] =	ssyncadd.s32 $0xFFFFF800;
	s3 =	sadd.s32 s10, s2  }
0x1e: {  	[tilespmem:s6], [sflag:$0x9] =	stream.linear.gather [hbm4b:s3+s4], $0x800, $0x200038;
	[tilespmem:$0x3880] =	vst v63  }
0x1f: {  	_ =	swait.ge [sflag:s13], $0x800  }
0x20: {  	[sflag:s13] =	ssyncset.done $0x0;
	s14 =	rddreg [dreg:$0x7]  }
0x21: {  	s15 =	simm.s32 $0x1000;
	[sflag:s13] =	ssyncadd.s32 $0xFFFFF800;
	s3 =	sadd.s32 s14, s2  }
0x22: {  	[tilespmem:s15], [sflag:$0x9] =	stream.linear.gather [hbm4b:s3+s4], $0x800, $0x200038;
	[tilespmem:$0x3880] =	vst v63  }
0x23: {  	_ =	swait.ge [sflag:s13], $0x800  }
0x24: {  	[sflag:s13] =	ssyncset.done $0x0  }
0x25: {  	[sflag:s13] =	ssyncadd.s32 $0xFFFFF800  }
0x26: {  	s16 =	rddreg [dreg:$0x2]  }
0x27: {  	s17 =	simm.s32 $0x1800;
	s3 =	sadd.s32 s16, s2  }
0x28: {  	[tilespmem:s17], [sflag:$0x9] =	stream.linear.gather [hbm4b:s3+s4], $0x800, $0x200038;
	[tilespmem:$0x3880] =	vst v63  }
0x29: {  	_ =	swait.ge [sflag:s13], $0x800  }
0x2a: {  	[sflag:s13] =	ssyncset.done $0x0  }
0x2b: {  	[sflag:s13] =	ssyncadd.s32 $0xFFFFF800  }
0x2c: {  	s19 =	rddreg [dreg:$0x3]  }
0x2d: {  	s20 =	simm.s32 $0x2000;
	s2 =	sadd.s32 s19, s2  }
0x2e: {  	[tilespmem:s20], [sflag:$0x9] =	stream.linear.gather [hbm4b:s2+s4], $0x800, $0x200038;
	[tilespmem:$0x3880] =	vst v63  }
0x2f: {  	_ =	swait.ge [sflag:s13], $0x800  }
0x30: {  	s8 =	simm.s32 $0x840;
	[sflag:s13] =	ssyncset.done $0x0  }
0x31: {  	s6 =	simm.s32 $0x40;
	s15 =	simm.s32 $0x1040;
	[sflag:s13] =	ssyncadd.s32 $0xFFFFF800  }
0x32: {  	s17 =	simm.s32 $0x1840;
	s19 =	simm.s32 $0x2840;
	_ =	strace $0x90000048  }
0x33: {  	s2 =	simm.s32 $0xFFFFFFF8;
	s20 =	simm.s32 $0xFFFFFFF8;
	_ =	strace $0x80000049  }
.LBB2_3:
0x34: {  	v1 =	vld [tilespmem:s6+$0xFFFFFFC0]  }
0x35: {  	v2 =	vld [tilespmem:s8+$0xFFFFFFC0]  }
0x36: {  	v3 =	vld [tilespmem:s15+$0xFFFFFFC0];
	_ =	sdelay $0x3  }
0x37: {  	v1 =	vmul.f32 $5.000000000e-01, v1;
	v2 =	vmul.f32 $5.000000000e-01, v2  }
0x38: {  	v3 =	vmul.f32 $5.000000000e-01, v3  }
0x39: {  	v1 =	vadd.f32 $5.000000000e-01, v1;
	v2 =	vadd.f32 $5.000000000e-01, v2  }
0x3a: {  	v4 =	vld [tilespmem:s17+$0xFFFFFFC0];
	v3 =	vadd.f32 $5.000000000e-01, v3  }
0x3b: {  	v1 =	vmul.f32 $1.280000000e+02, v1;
	v2 =	vmul.f32 $1.280000000e+02, v2  }
0x3c: {  	v3 =	vmul.f32 $1.280000000e+02, v3  }
0x3d: {  	v1 =	vtrunc.f32 v1;
	v2 =	vtrunc.f32 v2  }
0x3e: {  	v1 =	vcvt.f32.s32 v1;
	v2 =	vcvt.f32.s32 v2  }
0x3f: {  	v4 =	vadd.s32 $0x10, v4;
	v3 =	vtrunc.f32 v3  }
0x40: {  	v3 =	vcvt.f32.s32 v3;
	vm0 =	vgt.s32 v1, $0x0;
	vm7 =	vgt.s32 v2, $0x0  }
0x41: {  	v4 =	vperm.xlane v0, v4;
	v1 =	vnsel vm0, $0x0, v1;
	v2 =	vnsel vm7, $0x0, v2  }
0x42: {  	vm8 =	vgt.s32 v3, $0x0;
	v1 =	vmin.u32 v1, $0x7F;
	v2 =	vmin.u32 v2, $0x7F  }
0x43: {  	v3 =	vnsel vm8, $0x0, v3;
	v1 =	vshll.u32 v1, $0xE;
	v2 =	vshll.u32 v2, $0x7  }
0x44: {  	v1 =	vor.u32 v1, v2;
	v2 =	vmin.u32 v3, $0x7F  }
0x45: {  	v1 =	vor.u32 v2, v1;
	v2 =	vshll.u32 v4, $0x15  }
0x46: {  	v1 =	vor.u32 v2, v1  }
0x47: {  	[tilespmem:s19+$0xFFFFFFC0] =	vst v1  }
0x48: {  	v1 =	vld [tilespmem:s6+$0xFFFFFFD0]  }
0x49: {  	v2 =	vld [tilespmem:s8+$0xFFFFFFD0]  }
0x4a: {  	v3 =	vld [tilespmem:s15+$0xFFFFFFD0];
	_ =	sdelay $0x3  }
0x4b: {  	v1 =	vmul.f32 $5.000000000e-01, v1;
	v2 =	vmul.f32 $5.000000000e-01, v2  }
0x4c: {  	v3 =	vmul.f32 $5.000000000e-01, v3  }
0x4d: {  	v1 =	vadd.f32 $5.000000000e-01, v1;
	v2 =	vadd.f32 $5.000000000e-01, v2  }
0x4e: {  	v57 =	vld [tilespmem:s17+$0xFFFFFFD0];
	v3 =	vadd.f32 $5.000000000e-01, v3  }
0x4f: {  	v1 =	vmul.f32 $1.280000000e+02, v1;
	v2 =	vmul.f32 $1.280000000e+02, v2  }
0x50: {  	v3 =	vmul.f32 $1.280000000e+02, v3  }
0x51: {  	v1 =	vtrunc.f32 v1;
	v2 =	vtrunc.f32 v2  }
0x52: {  	v1 =	vcvt.f32.s32 v1;
	v2 =	vcvt.f32.s32 v2  }
0x53: {  	v4 =	vadd.s32 $0x10, v57;
	v3 =	vtrunc.f32 v3  }
0x54: {  	v3 =	vcvt.f32.s32 v3;
	vm9 =	vgt.s32 v1, $0x0;
	vm10 =	vgt.s32 v2, $0x0  }
0x55: {  	v4 =	vperm.xlane v0, v4;
	v1 =	vnsel vm9, $0x0, v1;
	v2 =	vnsel vm10, $0x0, v2  }
0x56: {  	vm11 =	vgt.s32 v3, $0x0;
	v1 =	vmin.u32 v1, $0x7F;
	v2 =	vmin.u32 v2, $0x7F  }
0x57: {  	v3 =	vnsel vm11, $0x0, v3;
	v1 =	vshll.u32 v1, $0xE;
	v2 =	vshll.u32 v2, $0x7  }
0x58: {  	v1 =	vor.u32 v1, v2;
	v2 =	vmin.u32 v3, $0x7F  }
0x59: {  	v1 =	vor.u32 v2, v1;
	v2 =	vshll.u32 v4, $0x15  }
0x5a: {  	v1 =	vor.u32 v2, v1  }
0x5b: {  	[tilespmem:s19+$0xFFFFFFD0] =	vst v1  }
0x5c: {  	v1 =	vld [tilespmem:s6+$0xFFFFFFE0]  }
0x5d: {  	v2 =	vld [tilespmem:s8+$0xFFFFFFE0]  }
0x5e: {  	v3 =	vld [tilespmem:s15+$0xFFFFFFE0];
	_ =	sdelay $0x3  }
0x5f: {  	v1 =	vmul.f32 $5.000000000e-01, v1;
	v2 =	vmul.f32 $5.000000000e-01, v2  }
0x60: {  	v3 =	vmul.f32 $5.000000000e-01, v3  }
0x61: {  	v1 =	vadd.f32 $5.000000000e-01, v1;
	v2 =	vadd.f32 $5.000000000e-01, v2  }
0x62: {  	v58 =	vld [tilespmem:s17+$0xFFFFFFE0];
	v3 =	vadd.f32 $5.000000000e-01, v3  }
0x63: {  	v1 =	vmul.f32 $1.280000000e+02, v1;
	v2 =	vmul.f32 $1.280000000e+02, v2  }
0x64: {  	v3 =	vmul.f32 $1.280000000e+02, v3  }
0x65: {  	v1 =	vtrunc.f32 v1;
	v2 =	vtrunc.f32 v2  }
0x66: {  	v1 =	vcvt.f32.s32 v1;
	v2 =	vcvt.f32.s32 v2  }
0x67: {  	v4 =	vadd.s32 $0x10, v58;
	v3 =	vtrunc.f32 v3  }
0x68: {  	v3 =	vcvt.f32.s32 v3;
	vm12 =	vgt.s32 v1, $0x0;
	vm13 =	vgt.s32 v2, $0x0  }
0x69: {  	v4 =	vperm.xlane v0, v4;
	v1 =	vnsel vm12, $0x0, v1;
	v2 =	vnsel vm13, $0x0, v2  }
0x6a: {  	vm14 =	vgt.s32 v3, $0x0;
	v1 =	vmin.u32 v1, $0x7F;
	v2 =	vmin.u32 v2, $0x7F  }
0x6b: {  	v3 =	vnsel vm14, $0x0, v3;
	v1 =	vshll.u32 v1, $0xE;
	v2 =	vshll.u32 v2, $0x7  }
0x6c: {  	v1 =	vor.u32 v1, v2;
	v2 =	vmin.u32 v3, $0x7F  }
0x6d: {  	v1 =	vor.u32 v2, v1;
	v2 =	vshll.u32 v4, $0x15  }
0x6e: {  	v1 =	vor.u32 v2, v1  }
0x6f: {  	[tilespmem:s19+$0xFFFFFFE0] =	vst v1  }
0x70: {  	v1 =	vld [tilespmem:s6+$0xFFFFFFF0]  }
0x71: {  	v2 =	vld [tilespmem:s8+$0xFFFFFFF0]  }
0x72: {  	v3 =	vld [tilespmem:s15+$0xFFFFFFF0];
	_ =	sdelay $0x3  }
0x73: {  	v1 =	vmul.f32 $5.000000000e-01, v1;
	v2 =	vmul.f32 $5.000000000e-01, v2  }
0x74: {  	v3 =	vmul.f32 $5.000000000e-01, v3  }
0x75: {  	v1 =	vadd.f32 $5.000000000e-01, v1;
	v2 =	vadd.f32 $5.000000000e-01, v2  }
0x76: {  	v59 =	vld [tilespmem:s17+$0xFFFFFFF0];
	v3 =	vadd.f32 $5.000000000e-01, v3  }
0x77: {  	v1 =	vmul.f32 $1.280000000e+02, v1;
	v2 =	vmul.f32 $1.280000000e+02, v2  }
0x78: {  	v3 =	vmul.f32 $1.280000000e+02, v3  }
0x79: {  	v1 =	vtrunc.f32 v1;
	v2 =	vtrunc.f32 v2  }
0x7a: {  	v1 =	vcvt.f32.s32 v1;
	v2 =	vcvt.f32.s32 v2  }
0x7b: {  	v4 =	vadd.s32 $0x10, v59;
	v3 =	vtrunc.f32 v3  }
0x7c: {  	v3 =	vcvt.f32.s32 v3;
	vm15 =	vgt.s32 v1, $0x0;
	vm4 =	vgt.s32 v2, $0x0  }
0x7d: {  	v4 =	vperm.xlane v0, v4;
	v1 =	vnsel vm15, $0x0, v1;
	v2 =	vnsel vm4, $0x0, v2  }
0x7e: {  	vm5 =	vgt.s32 v3, $0x0;
	v1 =	vmin.u32 v1, $0x7F;
	v2 =	vmin.u32 v2, $0x7F  }
0x7f: {  	v3 =	vnsel vm5, $0x0, v3;
	v1 =	vshll.u32 v1, $0xE;
	v2 =	vshll.u32 v2, $0x7  }
0x80: {  	v1 =	vor.u32 v1, v2;
	v2 =	vmin.u32 v3, $0x7F  }
0x81: {  	v1 =	vor.u32 v2, v1;
	v2 =	vshll.u32 v4, $0x15  }
0x82: {  	v1 =	vor.u32 v2, v1  }
0x83: {  	[tilespmem:s19+$0xFFFFFFF0] =	vst v1  }
0x84: {  	v1 =	vld [tilespmem:s6+$0x0]  }
0x85: {  	v2 =	vld [tilespmem:s8+$0x0]  }
0x86: {  	v3 =	vld [tilespmem:s15+$0x0];
	_ =	sdelay $0x3  }
0x87: {  	v1 =	vmul.f32 $5.000000000e-01, v1;
	v2 =	vmul.f32 $5.000000000e-01, v2  }
0x88: {  	v3 =	vmul.f32 $5.000000000e-01, v3  }
0x89: {  	v1 =	vadd.f32 $5.000000000e-01, v1;
	v2 =	vadd.f32 $5.000000000e-01, v2  }
0x8a: {  	v60 =	vld [tilespmem:s17+$0x0];
	v3 =	vadd.f32 $5.000000000e-01, v3  }
0x8b: {  	v1 =	vmul.f32 $1.280000000e+02, v1;
	v2 =	vmul.f32 $1.280000000e+02, v2  }
0x8c: {  	v3 =	vmul.f32 $1.280000000e+02, v3  }
0x8d: {  	v1 =	vtrunc.f32 v1;
	v2 =	vtrunc.f32 v2  }
0x8e: {  	v1 =	vcvt.f32.s32 v1;
	v2 =	vcvt.f32.s32 v2  }
0x8f: {  	v4 =	vadd.s32 $0x10, v60;
	v3 =	vtrunc.f32 v3  }
0x90: {  	v3 =	vcvt.f32.s32 v3;
	vm6 =	vgt.s32 v1, $0x0;
	vm7 =	vgt.s32 v2, $0x0  }
0x91: {  	v4 =	vperm.xlane v0, v4;
	v1 =	vnsel vm6, $0x0, v1;
	v2 =	vnsel vm7, $0x0, v2  }
0x92: {  	vm8 =	vgt.s32 v3, $0x0;
	v1 =	vmin.u32 v1, $0x7F;
	v2 =	vmin.u32 v2, $0x7F  }
0x93: {  	v3 =	vnsel vm8, $0x0, v3;
	v1 =	vshll.u32 v1, $0xE;
	v2 =	vshll.u32 v2, $0x7  }
0x94: {  	v1 =	vor.u32 v1, v2;
	v2 =	vmin.u32 v3, $0x7F  }
0x95: {  	v1 =	vor.u32 v2, v1;
	v2 =	vshll.u32 v4, $0x15  }
0x96: {  	v1 =	vor.u32 v2, v1  }
0x97: {  	[tilespmem:s19+$0x0] =	vst v1  }
0x98: {  	v1 =	vld [tilespmem:s6+$0x10]  }
0x99: {  	v2 =	vld [tilespmem:s8+$0x10]  }
0x9a: {  	v3 =	vld [tilespmem:s15+$0x10];
	_ =	sdelay $0x3  }
0x9b: {  	v1 =	vmul.f32 $5.000000000e-01, v1;
	v2 =	vmul.f32 $5.000000000e-01, v2  }
0x9c: {  	v3 =	vmul.f32 $5.000000000e-01, v3  }
0x9d: {  	v1 =	vadd.f32 $5.000000000e-01, v1;
	v2 =	vadd.f32 $5.000000000e-01, v2  }
0x9e: {  	v61 =	vld [tilespmem:s17+$0x10];
	v3 =	vadd.f32 $5.000000000e-01, v3  }
0x9f: {  	v1 =	vmul.f32 $1.280000000e+02, v1;
	v2 =	vmul.f32 $1.280000000e+02, v2  }
0xa0: {  	v3 =	vmul.f32 $1.280000000e+02, v3  }
0xa1: {  	v1 =	vtrunc.f32 v1;
	v2 =	vtrunc.f32 v2  }
0xa2: {  	v1 =	vcvt.f32.s32 v1;
	v2 =	vcvt.f32.s32 v2  }
0xa3: {  	v4 =	vadd.s32 $0x10, v61;
	v3 =	vtrunc.f32 v3  }
0xa4: {  	v3 =	vcvt.f32.s32 v3;
	vm9 =	vgt.s32 v1, $0x0;
	vm10 =	vgt.s32 v2, $0x0  }
0xa5: {  	v4 =	vperm.xlane v0, v4;
	v1 =	vnsel vm9, $0x0, v1;
	v2 =	vnsel vm10, $0x0, v2  }
0xa6: {  	vm11 =	vgt.s32 v3, $0x0;
	v1 =	vmin.u32 v1, $0x7F;
	v2 =	vmin.u32 v2, $0x7F  }
0xa7: {  	v3 =	vnsel vm11, $0x0, v3;
	v1 =	vshll.u32 v1, $0xE;
	v2 =	vshll.u32 v2, $0x7  }
0xa8: {  	v1 =	vor.u32 v1, v2;
	v2 =	vmin.u32 v3, $0x7F  }
0xa9: {  	v1 =	vor.u32 v2, v1;
	v2 =	vshll.u32 v4, $0x15  }
0xaa: {  	v1 =	vor.u32 v2, v1  }
0xab: {  	[tilespmem:s19+$0x10] =	vst v1  }
0xac: {  	v1 =	vld [tilespmem:s6+$0x20]  }
0xad: {  	v2 =	vld [tilespmem:s8+$0x20]  }
0xae: {  	v3 =	vld [tilespmem:s15+$0x20];
	_ =	sdelay $0x3  }
0xaf: {  	v1 =	vmul.f32 $5.000000000e-01, v1;
	v2 =	vmul.f32 $5.000000000e-01, v2  }
0xb0: {  	v3 =	vmul.f32 $5.000000000e-01, v3  }
0xb1: {  	v1 =	vadd.f32 $5.000000000e-01, v1;
	v2 =	vadd.f32 $5.000000000e-01, v2  }
0xb2: {  	v62 =	vld [tilespmem:s17+$0x20];
	v3 =	vadd.f32 $5.000000000e-01, v3  }
0xb3: {  	v1 =	vmul.f32 $1.280000000e+02, v1;
	v2 =	vmul.f32 $1.280000000e+02, v2  }
0xb4: {  	v3 =	vmul.f32 $1.280000000e+02, v3  }
0xb5: {  	v1 =	vtrunc.f32 v1;
	v2 =	vtrunc.f32 v2  }
0xb6: {  	v1 =	vcvt.f32.s32 v1;
	v2 =	vcvt.f32.s32 v2  }
0xb7: {  	v4 =	vadd.s32 $0x10, v62;
	v3 =	vtrunc.f32 v3  }
0xb8: {  	v3 =	vcvt.f32.s32 v3;
	vm12 =	vgt.s32 v1, $0x0;
	vm13 =	vgt.s32 v2, $0x0  }
0xb9: {  	v4 =	vperm.xlane v0, v4;
	v1 =	vnsel vm12, $0x0, v1;
	v2 =	vnsel vm13, $0x0, v2  }
0xba: {  	vm14 =	vgt.s32 v3, $0x0;
	v1 =	vmin.u32 v1, $0x7F;
	v2 =	vmin.u32 v2, $0x7F  }
0xbb: {  	v3 =	vnsel vm14, $0x0, v3;
	v1 =	vshll.u32 v1, $0xE;
	v2 =	vshll.u32 v2, $0x7  }
0xbc: {  	v1 =	vor.u32 v1, v2;
	v2 =	vmin.u32 v3, $0x7F  }
0xbd: {  	v1 =	vor.u32 v2, v1;
	v2 =	vshll.u32 v4, $0x15  }
0xbe: {  	v1 =	vor.u32 v2, v1  }
0xbf: {  	[tilespmem:s19+$0x20] =	vst v1  }
0xc0: {  	v1 =	vld [tilespmem:s6+$0x30]  }
0xc1: {  	v2 =	vld [tilespmem:s8+$0x30]  }
0xc2: {  	v3 =	vld [tilespmem:s15+$0x30];
	_ =	sdelay $0x3  }
0xc3: {  	v1 =	vmul.f32 $5.000000000e-01, v1;
	v2 =	vmul.f32 $5.000000000e-01, v2  }
0xc4: {  	v3 =	vmul.f32 $5.000000000e-01, v3  }
0xc5: {  	v1 =	vadd.f32 $5.000000000e-01, v1;
	v2 =	vadd.f32 $5.000000000e-01, v2  }
0xc6: {  	v63 =	vld [tilespmem:s17+$0x30];
	v3 =	vadd.f32 $5.000000000e-01, v3  }
0xc7: {  	v1 =	vmul.f32 $1.280000000e+02, v1;
	v2 =	vmul.f32 $1.280000000e+02, v2  }
0xc8: {  	v3 =	vmul.f32 $1.280000000e+02, v3  }
0xc9: {  	v1 =	vtrunc.f32 v1;
	v2 =	vtrunc.f32 v2  }
0xca: {  	v1 =	vcvt.f32.s32 v1;
	v2 =	vcvt.f32.s32 v2  }
0xcb: {  	v4 =	vadd.s32 $0x10, v63;
	v3 =	vtrunc.f32 v3  }
0xcc: {  	v3 =	vcvt.f32.s32 v3;
	vm15 =	vgt.s32 v1, $0x0;
	vm1 =	vgt.s32 v2, $0x0  }
0xcd: {  	s20 =	sadd.s32 $0x8, s20;
	v4 =	vperm.xlane v0, v4;
	v1 =	vnsel vm15, $0x0, v1;
	v2 =	vnsel vm1, $0x0, v2  }
0xce: {  	p0 =	slt.u32 s20, $0x18;
	vm2 =	vgt.s32 v3, $0x0;
	v1 =	vmin.u32 v1, $0x7F;
	v2 =	vmin.u32 v2, $0x7F  }
.Ltmp0:
0xcf: {  	v3 =	vnsel vm2, $0x0, v3;
	v1 =	vshll.u32 v1, $0xE;
	v2 =	vshll.u32 v2, $0x7;
	(pc) =	sbr.rel @p0 .LBB2_3-.Ltmp0, $4  }
0xd0: {  	s3 =	simm.s32 $0x2A40;
	v1 =	vor.u32 v1, v2;
	v2 =	vmin.u32 v3, $0x7F  }
0xd1: {  	s14 =	simm.s32 $0x270;
	s16 =	simm.s32 $0xA70;
	s7 =	simm.s32 $0x1270;
	v1 =	vor.u32 v2, v1;
	v2 =	vshll.u32 v4, $0x15  }
0xd2: {  	s10 =	simm.s32 $0x1A70;
	s6 =	sadd.s32 $0x80, s6;
	s8 =	sadd.s32 $0x80, s8;
	v1 =	vor.u32 v2, v1  }
0xd3: {  	s15 =	sadd.s32 $0x80, s15;
	s17 =	sadd.s32 $0x80, s17;
	[tilespmem:s19+$0x30] =	vst v1;
	s19 =	sadd.s32 $0x80, s19  }
.LBB2_4:
0xd4: {  	v1 =	vld [tilespmem:s14+$0xFFFFFF90]  }
0xd5: {  	v2 =	vld [tilespmem:s16+$0xFFFFFF90]  }
0xd6: {  	v3 =	vld [tilespmem:s7+$0xFFFFFF90];
	_ =	sdelay $0x3  }
0xd7: {  	v1 =	vmul.f32 $5.000000000e-01, v1;
	v2 =	vmul.f32 $5.000000000e-01, v2  }
0xd8: {  	v3 =	vmul.f32 $5.000000000e-01, v3  }
0xd9: {  	v1 =	vadd.f32 $5.000000000e-01, v1;
	v2 =	vadd.f32 $5.000000000e-01, v2  }
0xda: {  	v4 =	vld [tilespmem:s10+$0xFFFFFF90];
	v3 =	vadd.f32 $5.000000000e-01, v3  }
0xdb: {  	v1 =	vmul.f32 $1.280000000e+02, v1;
	v2 =	vmul.f32 $1.280000000e+02, v2  }
0xdc: {  	v3 =	vmul.f32 $1.280000000e+02, v3  }
0xdd: {  	v1 =	vtrunc.f32 v1;
	v2 =	vtrunc.f32 v2  }
0xde: {  	v1 =	vcvt.f32.s32 v1;
	v2 =	vcvt.f32.s32 v2  }
0xdf: {  	v4 =	vadd.s32 $0x10, v4;
	v3 =	vtrunc.f32 v3  }
0xe0: {  	v3 =	vcvt.f32.s32 v3;
	vm0 =	vgt.s32 v1, $0x0;
	vm7 =	vgt.s32 v2, $0x0  }
0xe1: {  	v4 =	vperm.xlane v0, v4;
	v1 =	vnsel vm0, $0x0, v1;
	v2 =	vnsel vm7, $0x0, v2  }
0xe2: {  	vm8 =	vgt.s32 v3, $0x0;
	v1 =	vmin.u32 v1, $0x7F;
	v2 =	vmin.u32 v2, $0x7F  }
0xe3: {  	v3 =	vnsel vm8, $0x0, v3;
	v1 =	vshll.u32 v1, $0xE;
	v2 =	vshll.u32 v2, $0x7  }
0xe4: {  	v1 =	vor.u32 v1, v2;
	v2 =	vmin.u32 v3, $0x7F  }
0xe5: {  	v1 =	vor.u32 v2, v1;
	v2 =	vshll.u32 v4, $0x15  }
0xe6: {  	v1 =	vor.u32 v2, v1  }
0xe7: {  	[tilespmem:s3+$0xFFFFFFC0] =	vst v1  }
0xe8: {  	v1 =	vld [tilespmem:s14+$0xFFFFFFA0]  }
0xe9: {  	v2 =	vld [tilespmem:s16+$0xFFFFFFA0]  }
0xea: {  	v3 =	vld [tilespmem:s7+$0xFFFFFFA0];
	_ =	sdelay $0x3  }
0xeb: {  	v1 =	vmul.f32 $5.000000000e-01, v1;
	v2 =	vmul.f32 $5.000000000e-01, v2  }
0xec: {  	v3 =	vmul.f32 $5.000000000e-01, v3  }
0xed: {  	v1 =	vadd.f32 $5.000000000e-01, v1;
	v2 =	vadd.f32 $5.000000000e-01, v2  }
0xee: {  	v57 =	vld [tilespmem:s10+$0xFFFFFFA0];
	v3 =	vadd.f32 $5.000000000e-01, v3  }
0xef: {  	v1 =	vmul.f32 $1.280000000e+02, v1;
	v2 =	vmul.f32 $1.280000000e+02, v2  }
0xf0: {  	v3 =	vmul.f32 $1.280000000e+02, v3  }
0xf1: {  	v1 =	vtrunc.f32 v1;
	v2 =	vtrunc.f32 v2  }
0xf2: {  	v1 =	vcvt.f32.s32 v1;
	v2 =	vcvt.f32.s32 v2  }
0xf3: {  	v4 =	vadd.s32 $0x10, v57;
	v3 =	vtrunc.f32 v3  }
0xf4: {  	v3 =	vcvt.f32.s32 v3;
	vm9 =	vgt.s32 v1, $0x0;
	vm10 =	vgt.s32 v2, $0x0  }
0xf5: {  	v4 =	vperm.xlane v0, v4;
	v1 =	vnsel vm9, $0x0, v1;
	v2 =	vnsel vm10, $0x0, v2  }
0xf6: {  	vm11 =	vgt.s32 v3, $0x0;
	v1 =	vmin.u32 v1, $0x7F;
	v2 =	vmin.u32 v2, $0x7F  }
0xf7: {  	v3 =	vnsel vm11, $0x0, v3;
	v1 =	vshll.u32 v1, $0xE;
	v2 =	vshll.u32 v2, $0x7  }
0xf8: {  	v1 =	vor.u32 v1, v2;
	v2 =	vmin.u32 v3, $0x7F  }
0xf9: {  	v1 =	vor.u32 v2, v1;
	v2 =	vshll.u32 v4, $0x15  }
0xfa: {  	v1 =	vor.u32 v2, v1  }
0xfb: {  	[tilespmem:s3+$0xFFFFFFD0] =	vst v1  }
0xfc: {  	v1 =	vld [tilespmem:s14+$0xFFFFFFB0]  }
0xfd: {  	v2 =	vld [tilespmem:s16+$0xFFFFFFB0]  }
0xfe: {  	v3 =	vld [tilespmem:s7+$0xFFFFFFB0];
	_ =	sdelay $0x3  }
0xff: {  	v1 =	vmul.f32 $5.000000000e-01, v1;
	v2 =	vmul.f32 $5.000000000e-01, v2  }
0x100: {  	v3 =	vmul.f32 $5.000000000e-01, v3  }
0x101: {  	v1 =	vadd.f32 $5.000000000e-01, v1;
	v2 =	vadd.f32 $5.000000000e-01, v2  }
0x102: {  	v58 =	vld [tilespmem:s10+$0xFFFFFFB0];
	v3 =	vadd.f32 $5.000000000e-01, v3  }
0x103: {  	v1 =	vmul.f32 $1.280000000e+02, v1;
	v2 =	vmul.f32 $1.280000000e+02, v2  }
0x104: {  	v3 =	vmul.f32 $1.280000000e+02, v3  }
0x105: {  	v1 =	vtrunc.f32 v1;
	v2 =	vtrunc.f32 v2  }
0x106: {  	v1 =	vcvt.f32.s32 v1;
	v2 =	vcvt.f32.s32 v2  }
0x107: {  	v4 =	vadd.s32 $0x10, v58;
	v3 =	vtrunc.f32 v3  }
0x108: {  	v3 =	vcvt.f32.s32 v3;
	vm12 =	vgt.s32 v1, $0x0;
	vm13 =	vgt.s32 v2, $0x0  }
0x109: {  	v4 =	vperm.xlane v0, v4;
	v1 =	vnsel vm12, $0x0, v1;
	v2 =	vnsel vm13, $0x0, v2  }
0x10a: {  	vm14 =	vgt.s32 v3, $0x0;
	v1 =	vmin.u32 v1, $0x7F;
	v2 =	vmin.u32 v2, $0x7F  }
0x10b: {  	v3 =	vnsel vm14, $0x0, v3;
	v1 =	vshll.u32 v1, $0xE;
	v2 =	vshll.u32 v2, $0x7  }
0x10c: {  	v1 =	vor.u32 v1, v2;
	v2 =	vmin.u32 v3, $0x7F  }
0x10d: {  	v1 =	vor.u32 v2, v1;
	v2 =	vshll.u32 v4, $0x15  }
0x10e: {  	v1 =	vor.u32 v2, v1  }
0x10f: {  	[tilespmem:s3+$0xFFFFFFE0] =	vst v1  }
0x110: {  	v1 =	vld [tilespmem:s14+$0xFFFFFFC0]  }
0x111: {  	v2 =	vld [tilespmem:s16+$0xFFFFFFC0]  }
0x112: {  	v3 =	vld [tilespmem:s7+$0xFFFFFFC0];
	_ =	sdelay $0x3  }
0x113: {  	v1 =	vmul.f32 $5.000000000e-01, v1;
	v2 =	vmul.f32 $5.000000000e-01, v2  }
0x114: {  	v3 =	vmul.f32 $5.000000000e-01, v3  }
0x115: {  	v1 =	vadd.f32 $5.000000000e-01, v1;
	v2 =	vadd.f32 $5.000000000e-01, v2  }
0x116: {  	v59 =	vld [tilespmem:s10+$0xFFFFFFC0];
	v3 =	vadd.f32 $5.000000000e-01, v3  }
0x117: {  	v1 =	vmul.f32 $1.280000000e+02, v1;
	v2 =	vmul.f32 $1.280000000e+02, v2  }
0x118: {  	v3 =	vmul.f32 $1.280000000e+02, v3  }
0x119: {  	v1 =	vtrunc.f32 v1;
	v2 =	vtrunc.f32 v2  }
0x11a: {  	v1 =	vcvt.f32.s32 v1;
	v2 =	vcvt.f32.s32 v2  }
0x11b: {  	v4 =	vadd.s32 $0x10, v59;
	v3 =	vtrunc.f32 v3  }
0x11c: {  	v3 =	vcvt.f32.s32 v3;
	vm15 =	vgt.s32 v1, $0x0;
	vm4 =	vgt.s32 v2, $0x0  }
0x11d: {  	v4 =	vperm.xlane v0, v4;
	v1 =	vnsel vm15, $0x0, v1;
	v2 =	vnsel vm4, $0x0, v2  }
0x11e: {  	vm5 =	vgt.s32 v3, $0x0;
	v1 =	vmin.u32 v1, $0x7F;
	v2 =	vmin.u32 v2, $0x7F  }
0x11f: {  	v3 =	vnsel vm5, $0x0, v3;
	v1 =	vshll.u32 v1, $0xE;
	v2 =	vshll.u32 v2, $0x7  }
0x120: {  	v1 =	vor.u32 v1, v2;
	v2 =	vmin.u32 v3, $0x7F  }
0x121: {  	v1 =	vor.u32 v2, v1;
	v2 =	vshll.u32 v4, $0x15  }
0x122: {  	v1 =	vor.u32 v2, v1  }
0x123: {  	[tilespmem:s3+$0xFFFFFFF0] =	vst v1  }
0x124: {  	v1 =	vld [tilespmem:s14+$0xFFFFFFD0]  }
0x125: {  	v2 =	vld [tilespmem:s16+$0xFFFFFFD0]  }
0x126: {  	v3 =	vld [tilespmem:s7+$0xFFFFFFD0];
	_ =	sdelay $0x3  }
0x127: {  	v1 =	vmul.f32 $5.000000000e-01, v1;
	v2 =	vmul.f32 $5.000000000e-01, v2  }
0x128: {  	v3 =	vmul.f32 $5.000000000e-01, v3  }
0x129: {  	v1 =	vadd.f32 $5.000000000e-01, v1;
	v2 =	vadd.f32 $5.000000000e-01, v2  }
0x12a: {  	v60 =	vld [tilespmem:s10+$0xFFFFFFD0];
	v3 =	vadd.f32 $5.000000000e-01, v3  }
0x12b: {  	v1 =	vmul.f32 $1.280000000e+02, v1;
	v2 =	vmul.f32 $1.280000000e+02, v2  }
0x12c: {  	v3 =	vmul.f32 $1.280000000e+02, v3  }
0x12d: {  	v1 =	vtrunc.f32 v1;
	v2 =	vtrunc.f32 v2  }
0x12e: {  	v1 =	vcvt.f32.s32 v1;
	v2 =	vcvt.f32.s32 v2  }
0x12f: {  	v4 =	vadd.s32 $0x10, v60;
	v3 =	vtrunc.f32 v3  }
0x130: {  	v3 =	vcvt.f32.s32 v3;
	vm6 =	vgt.s32 v1, $0x0;
	vm7 =	vgt.s32 v2, $0x0  }
0x131: {  	v4 =	vperm.xlane v0, v4;
	v1 =	vnsel vm6, $0x0, v1;
	v2 =	vnsel vm7, $0x0, v2  }
0x132: {  	vm8 =	vgt.s32 v3, $0x0;
	v1 =	vmin.u32 v1, $0x7F;
	v2 =	vmin.u32 v2, $0x7F  }
0x133: {  	v3 =	vnsel vm8, $0x0, v3;
	v1 =	vshll.u32 v1, $0xE;
	v2 =	vshll.u32 v2, $0x7  }
0x134: {  	v1 =	vor.u32 v1, v2;
	v2 =	vmin.u32 v3, $0x7F  }
0x135: {  	v1 =	vor.u32 v2, v1;
	v2 =	vshll.u32 v4, $0x15  }
0x136: {  	v1 =	vor.u32 v2, v1  }
0x137: {  	[tilespmem:s3+$0x0] =	vst v1  }
0x138: {  	v1 =	vld [tilespmem:s14+$0xFFFFFFE0]  }
0x139: {  	v2 =	vld [tilespmem:s16+$0xFFFFFFE0]  }
0x13a: {  	v3 =	vld [tilespmem:s7+$0xFFFFFFE0];
	_ =	sdelay $0x3  }
0x13b: {  	v1 =	vmul.f32 $5.000000000e-01, v1;
	v2 =	vmul.f32 $5.000000000e-01, v2  }
0x13c: {  	v3 =	vmul.f32 $5.000000000e-01, v3  }
0x13d: {  	v1 =	vadd.f32 $5.000000000e-01, v1;
	v2 =	vadd.f32 $5.000000000e-01, v2  }
0x13e: {  	v61 =	vld [tilespmem:s10+$0xFFFFFFE0];
	v3 =	vadd.f32 $5.000000000e-01, v3  }
0x13f: {  	v1 =	vmul.f32 $1.280000000e+02, v1;
	v2 =	vmul.f32 $1.280000000e+02, v2  }
0x140: {  	v3 =	vmul.f32 $1.280000000e+02, v3  }
0x141: {  	v1 =	vtrunc.f32 v1;
	v2 =	vtrunc.f32 v2  }
0x142: {  	v1 =	vcvt.f32.s32 v1;
	v2 =	vcvt.f32.s32 v2  }
0x143: {  	v4 =	vadd.s32 $0x10, v61;
	v3 =	vtrunc.f32 v3  }
0x144: {  	v3 =	vcvt.f32.s32 v3;
	vm9 =	vgt.s32 v1, $0x0;
	vm10 =	vgt.s32 v2, $0x0  }
0x145: {  	v4 =	vperm.xlane v0, v4;
	v1 =	vnsel vm9, $0x0, v1;
	v2 =	vnsel vm10, $0x0, v2  }
0x146: {  	vm11 =	vgt.s32 v3, $0x0;
	v1 =	vmin.u32 v1, $0x7F;
	v2 =	vmin.u32 v2, $0x7F  }
0x147: {  	v3 =	vnsel vm11, $0x0, v3;
	v1 =	vshll.u32 v1, $0xE;
	v2 =	vshll.u32 v2, $0x7  }
0x148: {  	v1 =	vor.u32 v1, v2;
	v2 =	vmin.u32 v3, $0x7F  }
0x149: {  	v1 =	vor.u32 v2, v1;
	v2 =	vshll.u32 v4, $0x15  }
0x14a: {  	v1 =	vor.u32 v2, v1  }
0x14b: {  	[tilespmem:s3+$0x10] =	vst v1  }
0x14c: {  	v1 =	vld [tilespmem:s14+$0xFFFFFFF0]  }
0x14d: {  	v2 =	vld [tilespmem:s16+$0xFFFFFFF0]  }
0x14e: {  	v3 =	vld [tilespmem:s7+$0xFFFFFFF0];
	_ =	sdelay $0x3  }
0x14f: {  	v1 =	vmul.f32 $5.000000000e-01, v1;
	v2 =	vmul.f32 $5.000000000e-01, v2  }
0x150: {  	v3 =	vmul.f32 $5.000000000e-01, v3  }
0x151: {  	v1 =	vadd.f32 $5.000000000e-01, v1;
	v2 =	vadd.f32 $5.000000000e-01, v2  }
0x152: {  	v62 =	vld [tilespmem:s10+$0xFFFFFFF0];
	v3 =	vadd.f32 $5.000000000e-01, v3  }
0x153: {  	v1 =	vmul.f32 $1.280000000e+02, v1;
	v2 =	vmul.f32 $1.280000000e+02, v2  }
0x154: {  	v3 =	vmul.f32 $1.280000000e+02, v3  }
0x155: {  	v1 =	vtrunc.f32 v1;
	v2 =	vtrunc.f32 v2  }
0x156: {  	v1 =	vcvt.f32.s32 v1;
	v2 =	vcvt.f32.s32 v2  }
0x157: {  	v4 =	vadd.s32 $0x10, v62;
	v3 =	vtrunc.f32 v3  }
0x158: {  	v3 =	vcvt.f32.s32 v3;
	vm12 =	vgt.s32 v1, $0x0;
	vm13 =	vgt.s32 v2, $0x0  }
0x159: {  	v4 =	vperm.xlane v0, v4;
	v1 =	vnsel vm12, $0x0, v1;
	v2 =	vnsel vm13, $0x0, v2  }
0x15a: {  	vm14 =	vgt.s32 v3, $0x0;
	v1 =	vmin.u32 v1, $0x7F;
	v2 =	vmin.u32 v2, $0x7F  }
0x15b: {  	v3 =	vnsel vm14, $0x0, v3;
	v1 =	vshll.u32 v1, $0xE;
	v2 =	vshll.u32 v2, $0x7  }
0x15c: {  	v1 =	vor.u32 v1, v2;
	v2 =	vmin.u32 v3, $0x7F  }
0x15d: {  	v1 =	vor.u32 v2, v1;
	v2 =	vshll.u32 v4, $0x15  }
0x15e: {  	v1 =	vor.u32 v2, v1  }
0x15f: {  	[tilespmem:s3+$0x20] =	vst v1  }
0x160: {  	v1 =	vld [tilespmem:s14+$0x0]  }
0x161: {  	v2 =	vld [tilespmem:s16+$0x0]  }
0x162: {  	v3 =	vld [tilespmem:s7+$0x0];
	_ =	sdelay $0x3  }
0x163: {  	v1 =	vmul.f32 $5.000000000e-01, v1;
	v2 =	vmul.f32 $5.000000000e-01, v2  }
0x164: {  	v3 =	vmul.f32 $5.000000000e-01, v3  }
0x165: {  	v1 =	vadd.f32 $5.000000000e-01, v1;
	v2 =	vadd.f32 $5.000000000e-01, v2  }
0x166: {  	v63 =	vld [tilespmem:s10+$0x0];
	v3 =	vadd.f32 $5.000000000e-01, v3  }
0x167: {  	v1 =	vmul.f32 $1.280000000e+02, v1;
	v2 =	vmul.f32 $1.280000000e+02, v2  }
0x168: {  	v3 =	vmul.f32 $1.280000000e+02, v3  }
0x169: {  	v1 =	vtrunc.f32 v1;
	v2 =	vtrunc.f32 v2  }
0x16a: {  	v1 =	vcvt.f32.s32 v1;
	v2 =	vcvt.f32.s32 v2  }
0x16b: {  	v4 =	vadd.s32 $0x10, v63;
	v3 =	vtrunc.f32 v3  }
0x16c: {  	v3 =	vcvt.f32.s32 v3;
	vm15 =	vgt.s32 v1, $0x0;
	vm1 =	vgt.s32 v2, $0x0  }
0x16d: {  	s2 =	sadd.s32 $0x8, s2;
	v4 =	vperm.xlane v0, v4;
	v1 =	vnsel vm15, $0x0, v1;
	v2 =	vnsel vm1, $0x0, v2  }
0x16e: {  	p0 =	slt.u32 s2, $0x18;
	vm2 =	vgt.s32 v3, $0x0;
	v1 =	vmin.u32 v1, $0x7F;
	v2 =	vmin.u32 v2, $0x7F  }
.Ltmp1:
0x16f: {  	v3 =	vnsel vm2, $0x0, v3;
	v1 =	vshll.u32 v1, $0xE;
	v2 =	vshll.u32 v2, $0x7;
	(pc) =	sbr.rel @p0 .LBB2_4-.Ltmp1, $4  }
0x170: {  	s6 =	simm.s32 $0xFFFFFFF8;
	s15 =	simm.s32 $0x2C40;
	v1 =	vor.u32 v1, v2;
	v2 =	vmin.u32 v3, $0x7F  }
0x171: {  	s17 =	simm.s32 $0x470;
	s8 =	simm.s32 $0xC70;
	s19 =	simm.s32 $0x1470;
	v1 =	vor.u32 v2, v1;
	v2 =	vshll.u32 v4, $0x15  }
0x172: {  	s20 =	simm.s32 $0x1C70;
	s14 =	sadd.s32 $0x80, s14;
	s16 =	sadd.s32 $0x80, s16;
	v1 =	vor.u32 v2, v1  }
0x173: {  	s7 =	sadd.s32 $0x80, s7;
	s10 =	sadd.s32 $0x80, s10;
	[tilespmem:s3+$0x30] =	vst v1;
	s3 =	sadd.s32 $0x80, s3  }
.LBB2_5:
0x174: {  	v1 =	vld [tilespmem:s17+$0xFFFFFF90]  }
0x175: {  	v2 =	vld [tilespmem:s8+$0xFFFFFF90]  }
0x176: {  	v3 =	vld [tilespmem:s19+$0xFFFFFF90];
	_ =	sdelay $0x3  }
0x177: {  	v1 =	vmul.f32 $5.000000000e-01, v1;
	v2 =	vmul.f32 $5.000000000e-01, v2  }
0x178: {  	v3 =	vmul.f32 $5.000000000e-01, v3  }
0x179: {  	v1 =	vadd.f32 $5.000000000e-01, v1;
	v2 =	vadd.f32 $5.000000000e-01, v2  }
0x17a: {  	v4 =	vld [tilespmem:s20+$0xFFFFFF90];
	v3 =	vadd.f32 $5.000000000e-01, v3  }
0x17b: {  	v1 =	vmul.f32 $1.280000000e+02, v1;
	v2 =	vmul.f32 $1.280000000e+02, v2  }
0x17c: {  	v3 =	vmul.f32 $1.280000000e+02, v3  }
0x17d: {  	v1 =	vtrunc.f32 v1;
	v2 =	vtrunc.f32 v2  }
0x17e: {  	v1 =	vcvt.f32.s32 v1;
	v2 =	vcvt.f32.s32 v2  }
0x17f: {  	v4 =	vadd.s32 $0x10, v4;
	v3 =	vtrunc.f32 v3  }
0x180: {  	v3 =	vcvt.f32.s32 v3;
	vm0 =	vgt.s32 v1, $0x0;
	vm7 =	vgt.s32 v2, $0x0  }
0x181: {  	v4 =	vperm.xlane v0, v4;
	v1 =	vnsel vm0, $0x0, v1;
	v2 =	vnsel vm7, $0x0, v2  }
0x182: {  	vm8 =	vgt.s32 v3, $0x0;
	v1 =	vmin.u32 v1, $0x7F;
	v2 =	vmin.u32 v2, $0x7F  }
0x183: {  	v3 =	vnsel vm8, $0x0, v3;
	v1 =	vshll.u32 v1, $0xE;
	v2 =	vshll.u32 v2, $0x7  }
0x184: {  	v1 =	vor.u32 v1, v2;
	v2 =	vmin.u32 v3, $0x7F  }
0x185: {  	v1 =	vor.u32 v2, v1;
	v2 =	vshll.u32 v4, $0x15  }
0x186: {  	v1 =	vor.u32 v2, v1  }
0x187: {  	[tilespmem:s15+$0xFFFFFFC0] =	vst v1  }
0x188: {  	v1 =	vld [tilespmem:s17+$0xFFFFFFA0]  }
0x189: {  	v2 =	vld [tilespmem:s8+$0xFFFFFFA0]  }
0x18a: {  	v3 =	vld [tilespmem:s19+$0xFFFFFFA0];
	_ =	sdelay $0x3  }
0x18b: {  	v1 =	vmul.f32 $5.000000000e-01, v1;
	v2 =	vmul.f32 $5.000000000e-01, v2  }
0x18c: {  	v3 =	vmul.f32 $5.000000000e-01, v3  }
0x18d: {  	v1 =	vadd.f32 $5.000000000e-01, v1;
	v2 =	vadd.f32 $5.000000000e-01, v2  }
0x18e: {  	v57 =	vld [tilespmem:s20+$0xFFFFFFA0];
	v3 =	vadd.f32 $5.000000000e-01, v3  }
0x18f: {  	v1 =	vmul.f32 $1.280000000e+02, v1;
	v2 =	vmul.f32 $1.280000000e+02, v2  }
0x190: {  	v3 =	vmul.f32 $1.280000000e+02, v3  }
0x191: {  	v1 =	vtrunc.f32 v1;
	v2 =	vtrunc.f32 v2  }
0x192: {  	v1 =	vcvt.f32.s32 v1;
	v2 =	vcvt.f32.s32 v2  }
0x193: {  	v4 =	vadd.s32 $0x10, v57;
	v3 =	vtrunc.f32 v3  }
0x194: {  	v3 =	vcvt.f32.s32 v3;
	vm9 =	vgt.s32 v1, $0x0;
	vm10 =	vgt.s32 v2, $0x0  }
0x195: {  	v4 =	vperm.xlane v0, v4;
	v1 =	vnsel vm9, $0x0, v1;
	v2 =	vnsel vm10, $0x0, v2  }
0x196: {  	vm11 =	vgt.s32 v3, $0x0;
	v1 =	vmin.u32 v1, $0x7F;
	v2 =	vmin.u32 v2, $0x7F  }
0x197: {  	v3 =	vnsel vm11, $0x0, v3;
	v1 =	vshll.u32 v1, $0xE;
	v2 =	vshll.u32 v2, $0x7  }
0x198: {  	v1 =	vor.u32 v1, v2;
	v2 =	vmin.u32 v3, $0x7F  }
0x199: {  	v1 =	vor.u32 v2, v1;
	v2 =	vshll.u32 v4, $0x15  }
0x19a: {  	v1 =	vor.u32 v2, v1  }
0x19b: {  	[tilespmem:s15+$0xFFFFFFD0] =	vst v1  }
0x19c: {  	v1 =	vld [tilespmem:s17+$0xFFFFFFB0]  }
0x19d: {  	v2 =	vld [tilespmem:s8+$0xFFFFFFB0]  }
0x19e: {  	v3 =	vld [tilespmem:s19+$0xFFFFFFB0];
	_ =	sdelay $0x3  }
0x19f: {  	v1 =	vmul.f32 $5.000000000e-01, v1;
	v2 =	vmul.f32 $5.000000000e-01, v2  }
0x1a0: {  	v3 =	vmul.f32 $5.000000000e-01, v3  }
0x1a1: {  	v1 =	vadd.f32 $5.000000000e-01, v1;
	v2 =	vadd.f32 $5.000000000e-01, v2  }
0x1a2: {  	v58 =	vld [tilespmem:s20+$0xFFFFFFB0];
	v3 =	vadd.f32 $5.000000000e-01, v3  }
0x1a3: {  	v1 =	vmul.f32 $1.280000000e+02, v1;
	v2 =	vmul.f32 $1.280000000e+02, v2  }
0x1a4: {  	v3 =	vmul.f32 $1.280000000e+02, v3  }
0x1a5: {  	v1 =	vtrunc.f32 v1;
	v2 =	vtrunc.f32 v2  }
0x1a6: {  	v1 =	vcvt.f32.s32 v1;
	v2 =	vcvt.f32.s32 v2  }
0x1a7: {  	v4 =	vadd.s32 $0x10, v58;
	v3 =	vtrunc.f32 v3  }
0x1a8: {  	v3 =	vcvt.f32.s32 v3;
	vm12 =	vgt.s32 v1, $0x0;
	vm13 =	vgt.s32 v2, $0x0  }
0x1a9: {  	v4 =	vperm.xlane v0, v4;
	v1 =	vnsel vm12, $0x0, v1;
	v2 =	vnsel vm13, $0x0, v2  }
0x1aa: {  	vm14 =	vgt.s32 v3, $0x0;
	v1 =	vmin.u32 v1, $0x7F;
	v2 =	vmin.u32 v2, $0x7F  }
0x1ab: {  	v3 =	vnsel vm14, $0x0, v3;
	v1 =	vshll.u32 v1, $0xE;
	v2 =	vshll.u32 v2, $0x7  }
0x1ac: {  	v1 =	vor.u32 v1, v2;
	v2 =	vmin.u32 v3, $0x7F  }
0x1ad: {  	v1 =	vor.u32 v2, v1;
	v2 =	vshll.u32 v4, $0x15  }
0x1ae: {  	v1 =	vor.u32 v2, v1  }
0x1af: {  	[tilespmem:s15+$0xFFFFFFE0] =	vst v1  }
0x1b0: {  	v1 =	vld [tilespmem:s17+$0xFFFFFFC0]  }
0x1b1: {  	v2 =	vld [tilespmem:s8+$0xFFFFFFC0]  }
0x1b2: {  	v3 =	vld [tilespmem:s19+$0xFFFFFFC0];
	_ =	sdelay $0x3  }
0x1b3: {  	v1 =	vmul.f32 $5.000000000e-01, v1;
	v2 =	vmul.f32 $5.000000000e-01, v2  }
0x1b4: {  	v3 =	vmul.f32 $5.000000000e-01, v3  }
0x1b5: {  	v1 =	vadd.f32 $5.000000000e-01, v1;
	v2 =	vadd.f32 $5.000000000e-01, v2  }
0x1b6: {  	v59 =	vld [tilespmem:s20+$0xFFFFFFC0];
	v3 =	vadd.f32 $5.000000000e-01, v3  }
0x1b7: {  	v1 =	vmul.f32 $1.280000000e+02, v1;
	v2 =	vmul.f32 $1.280000000e+02, v2  }
0x1b8: {  	v3 =	vmul.f32 $1.280000000e+02, v3  }
0x1b9: {  	v1 =	vtrunc.f32 v1;
	v2 =	vtrunc.f32 v2  }
0x1ba: {  	v1 =	vcvt.f32.s32 v1;
	v2 =	vcvt.f32.s32 v2  }
0x1bb: {  	v4 =	vadd.s32 $0x10, v59;
	v3 =	vtrunc.f32 v3  }
0x1bc: {  	v3 =	vcvt.f32.s32 v3;
	vm15 =	vgt.s32 v1, $0x0;
	vm4 =	vgt.s32 v2, $0x0  }
0x1bd: {  	v4 =	vperm.xlane v0, v4;
	v1 =	vnsel vm15, $0x0, v1;
	v2 =	vnsel vm4, $0x0, v2  }
0x1be: {  	vm5 =	vgt.s32 v3, $0x0;
	v1 =	vmin.u32 v1, $0x7F;
	v2 =	vmin.u32 v2, $0x7F  }
0x1bf: {  	v3 =	vnsel vm5, $0x0, v3;
	v1 =	vshll.u32 v1, $0xE;
	v2 =	vshll.u32 v2, $0x7  }
0x1c0: {  	v1 =	vor.u32 v1, v2;
	v2 =	vmin.u32 v3, $0x7F  }
0x1c1: {  	v1 =	vor.u32 v2, v1;
	v2 =	vshll.u32 v4, $0x15  }
0x1c2: {  	v1 =	vor.u32 v2, v1  }
0x1c3: {  	[tilespmem:s15+$0xFFFFFFF0] =	vst v1  }
0x1c4: {  	v1 =	vld [tilespmem:s17+$0xFFFFFFD0]  }
0x1c5: {  	v2 =	vld [tilespmem:s8+$0xFFFFFFD0]  }
0x1c6: {  	v3 =	vld [tilespmem:s19+$0xFFFFFFD0];
	_ =	sdelay $0x3  }
0x1c7: {  	v1 =	vmul.f32 $5.000000000e-01, v1;
	v2 =	vmul.f32 $5.000000000e-01, v2  }
0x1c8: {  	v3 =	vmul.f32 $5.000000000e-01, v3  }
0x1c9: {  	v1 =	vadd.f32 $5.000000000e-01, v1;
	v2 =	vadd.f32 $5.000000000e-01, v2  }
0x1ca: {  	v60 =	vld [tilespmem:s20+$0xFFFFFFD0];
	v3 =	vadd.f32 $5.000000000e-01, v3  }
0x1cb: {  	v1 =	vmul.f32 $1.280000000e+02, v1;
	v2 =	vmul.f32 $1.280000000e+02, v2  }
0x1cc: {  	v3 =	vmul.f32 $1.280000000e+02, v3  }
0x1cd: {  	v1 =	vtrunc.f32 v1;
	v2 =	vtrunc.f32 v2  }
0x1ce: {  	v1 =	vcvt.f32.s32 v1;
	v2 =	vcvt.f32.s32 v2  }
0x1cf: {  	v4 =	vadd.s32 $0x10, v60;
	v3 =	vtrunc.f32 v3  }
0x1d0: {  	v3 =	vcvt.f32.s32 v3;
	vm6 =	vgt.s32 v1, $0x0;
	vm7 =	vgt.s32 v2, $0x0  }
0x1d1: {  	v4 =	vperm.xlane v0, v4;
	v1 =	vnsel vm6, $0x0, v1;
	v2 =	vnsel vm7, $0x0, v2  }
0x1d2: {  	vm8 =	vgt.s32 v3, $0x0;
	v1 =	vmin.u32 v1, $0x7F;
	v2 =	vmin.u32 v2, $0x7F  }
0x1d3: {  	v3 =	vnsel vm8, $0x0, v3;
	v1 =	vshll.u32 v1, $0xE;
	v2 =	vshll.u32 v2, $0x7  }
0x1d4: {  	v1 =	vor.u32 v1, v2;
	v2 =	vmin.u32 v3, $0x7F  }
0x1d5: {  	v1 =	vor.u32 v2, v1;
	v2 =	vshll.u32 v4, $0x15  }
0x1d6: {  	v1 =	vor.u32 v2, v1  }
0x1d7: {  	[tilespmem:s15+$0x0] =	vst v1  }
0x1d8: {  	v1 =	vld [tilespmem:s17+$0xFFFFFFE0]  }
0x1d9: {  	v2 =	vld [tilespmem:s8+$0xFFFFFFE0]  }
0x1da: {  	v3 =	vld [tilespmem:s19+$0xFFFFFFE0];
	_ =	sdelay $0x3  }
0x1db: {  	v1 =	vmul.f32 $5.000000000e-01, v1;
	v2 =	vmul.f32 $5.000000000e-01, v2  }
0x1dc: {  	v3 =	vmul.f32 $5.000000000e-01, v3  }
0x1dd: {  	v1 =	vadd.f32 $5.000000000e-01, v1;
	v2 =	vadd.f32 $5.000000000e-01, v2  }
0x1de: {  	v61 =	vld [tilespmem:s20+$0xFFFFFFE0];
	v3 =	vadd.f32 $5.000000000e-01, v3  }
0x1df: {  	v1 =	vmul.f32 $1.280000000e+02, v1;
	v2 =	vmul.f32 $1.280000000e+02, v2  }
0x1e0: {  	v3 =	vmul.f32 $1.280000000e+02, v3  }
0x1e1: {  	v1 =	vtrunc.f32 v1;
	v2 =	vtrunc.f32 v2  }
0x1e2: {  	v1 =	vcvt.f32.s32 v1;
	v2 =	vcvt.f32.s32 v2  }
0x1e3: {  	v4 =	vadd.s32 $0x10, v61;
	v3 =	vtrunc.f32 v3  }
0x1e4: {  	v3 =	vcvt.f32.s32 v3;
	vm9 =	vgt.s32 v1, $0x0;
	vm10 =	vgt.s32 v2, $0x0  }
0x1e5: {  	v4 =	vperm.xlane v0, v4;
	v1 =	vnsel vm9, $0x0, v1;
	v2 =	vnsel vm10, $0x0, v2  }
0x1e6: {  	vm11 =	vgt.s32 v3, $0x0;
	v1 =	vmin.u32 v1, $0x7F;
	v2 =	vmin.u32 v2, $0x7F  }
0x1e7: {  	v3 =	vnsel vm11, $0x0, v3;
	v1 =	vshll.u32 v1, $0xE;
	v2 =	vshll.u32 v2, $0x7  }
0x1e8: {  	v1 =	vor.u32 v1, v2;
	v2 =	vmin.u32 v3, $0x7F  }
0x1e9: {  	v1 =	vor.u32 v2, v1;
	v2 =	vshll.u32 v4, $0x15  }
0x1ea: {  	v1 =	vor.u32 v2, v1  }
0x1eb: {  	[tilespmem:s15+$0x10] =	vst v1  }
0x1ec: {  	v1 =	vld [tilespmem:s17+$0xFFFFFFF0]  }
0x1ed: {  	v2 =	vld [tilespmem:s8+$0xFFFFFFF0]  }
0x1ee: {  	v3 =	vld [tilespmem:s19+$0xFFFFFFF0];
	_ =	sdelay $0x3  }
0x1ef: {  	v1 =	vmul.f32 $5.000000000e-01, v1;
	v2 =	vmul.f32 $5.000000000e-01, v2  }
0x1f0: {  	v3 =	vmul.f32 $5.000000000e-01, v3  }
0x1f1: {  	v1 =	vadd.f32 $5.000000000e-01, v1;
	v2 =	vadd.f32 $5.000000000e-01, v2  }
0x1f2: {  	v62 =	vld [tilespmem:s20+$0xFFFFFFF0];
	v3 =	vadd.f32 $5.000000000e-01, v3  }
0x1f3: {  	v1 =	vmul.f32 $1.280000000e+02, v1;
	v2 =	vmul.f32 $1.280000000e+02, v2  }
0x1f4: {  	v3 =	vmul.f32 $1.280000000e+02, v3  }
0x1f5: {  	v1 =	vtrunc.f32 v1;
	v2 =	vtrunc.f32 v2  }
0x1f6: {  	v1 =	vcvt.f32.s32 v1;
	v2 =	vcvt.f32.s32 v2  }
0x1f7: {  	v4 =	vadd.s32 $0x10, v62;
	v3 =	vtrunc.f32 v3  }
0x1f8: {  	v3 =	vcvt.f32.s32 v3;
	vm12 =	vgt.s32 v1, $0x0;
	vm13 =	vgt.s32 v2, $0x0  }
0x1f9: {  	v4 =	vperm.xlane v0, v4;
	v1 =	vnsel vm12, $0x0, v1;
	v2 =	vnsel vm13, $0x0, v2  }
0x1fa: {  	vm14 =	vgt.s32 v3, $0x0;
	v1 =	vmin.u32 v1, $0x7F;
	v2 =	vmin.u32 v2, $0x7F  }
0x1fb: {  	v3 =	vnsel vm14, $0x0, v3;
	v1 =	vshll.u32 v1, $0xE;
	v2 =	vshll.u32 v2, $0x7  }
0x1fc: {  	v1 =	vor.u32 v1, v2;
	v2 =	vmin.u32 v3, $0x7F  }
0x1fd: {  	v1 =	vor.u32 v2, v1;
	v2 =	vshll.u32 v4, $0x15  }
0x1fe: {  	v1 =	vor.u32 v2, v1  }
0x1ff: {  	[tilespmem:s15+$0x20] =	vst v1  }
0x200: {  	v1 =	vld [tilespmem:s17+$0x0]  }
0x201: {  	v2 =	vld [tilespmem:s8+$0x0]  }
0x202: {  	v3 =	vld [tilespmem:s19+$0x0];
	_ =	sdelay $0x3  }
0x203: {  	v1 =	vmul.f32 $5.000000000e-01, v1;
	v2 =	vmul.f32 $5.000000000e-01, v2  }
0x204: {  	v3 =	vmul.f32 $5.000000000e-01, v3  }
0x205: {  	v1 =	vadd.f32 $5.000000000e-01, v1;
	v2 =	vadd.f32 $5.000000000e-01, v2  }
0x206: {  	v63 =	vld [tilespmem:s20+$0x0];
	v3 =	vadd.f32 $5.000000000e-01, v3  }
0x207: {  	v1 =	vmul.f32 $1.280000000e+02, v1;
	v2 =	vmul.f32 $1.280000000e+02, v2  }
0x208: {  	v3 =	vmul.f32 $1.280000000e+02, v3  }
0x209: {  	v1 =	vtrunc.f32 v1;
	v2 =	vtrunc.f32 v2  }
0x20a: {  	v1 =	vcvt.f32.s32 v1;
	v2 =	vcvt.f32.s32 v2  }
0x20b: {  	v4 =	vadd.s32 $0x10, v63;
	v3 =	vtrunc.f32 v3  }
0x20c: {  	v3 =	vcvt.f32.s32 v3;
	vm15 =	vgt.s32 v1, $0x0;
	vm1 =	vgt.s32 v2, $0x0  }
0x20d: {  	s6 =	sadd.s32 $0x8, s6;
	v4 =	vperm.xlane v0, v4;
	v1 =	vnsel vm15, $0x0, v1;
	v2 =	vnsel vm1, $0x0, v2  }
0x20e: {  	p0 =	slt.u32 s6, $0x18;
	vm2 =	vgt.s32 v3, $0x0;
	v1 =	vmin.u32 v1, $0x7F;
	v2 =	vmin.u32 v2, $0x7F  }
.Ltmp2:
0x20f: {  	v3 =	vnsel vm2, $0x0, v3;
	v1 =	vshll.u32 v1, $0xE;
	v2 =	vshll.u32 v2, $0x7;
	(pc) =	sbr.rel @p0 .LBB2_5-.Ltmp2, $4  }
0x210: {  	s2 =	simm.s32 $0x2E40;
	v1 =	vor.u32 v1, v2;
	v2 =	vmin.u32 v3, $0x7F  }
0x211: {  	s3 =	simm.s32 $0x670;
	s14 =	simm.s32 $0xE70;
	s10 =	simm.s32 $0x1670;
	v1 =	vor.u32 v2, v1;
	v2 =	vshll.u32 v4, $0x15  }
0x212: {  	s7 =	simm.s32 $0x1E70;
	s17 =	sadd.s32 $0x80, s17;
	s8 =	sadd.s32 $0x80, s8;
	v1 =	vor.u32 v2, v1  }
0x213: {  	s19 =	sadd.s32 $0x80, s19;
	s20 =	sadd.s32 $0x80, s20;
	[tilespmem:s15+$0x30] =	vst v1;
	s15 =	sadd.s32 $0x80, s15  }
0x214: {  	v1 =	vld [tilespmem:s14+$0xFFFFFF90]  }
0x215: {  	v2 =	vld [tilespmem:s3+$0xFFFFFF90]  }
0x216: {  	v3 =	vld [tilespmem:s10+$0xFFFFFF90];
	_ =	sdelay $0x3  }
0x217: {  	v1 =	vmul.f32 $5.000000000e-01, v1;
	v2 =	vmul.f32 $5.000000000e-01, v2  }
0x218: {  	v3 =	vmul.f32 $5.000000000e-01, v3  }
0x219: {  	v1 =	vadd.f32 $5.000000000e-01, v1;
	v2 =	vadd.f32 $5.000000000e-01, v2  }
0x21a: {  	v4 =	vld [tilespmem:s7+$0xFFFFFF90];
	v3 =	vadd.f32 $5.000000000e-01, v3  }
0x21b: {  	v1 =	vmul.f32 $1.280000000e+02, v1;
	v2 =	vmul.f32 $1.280000000e+02, v2  }
0x21c: {  	v3 =	vmul.f32 $1.280000000e+02, v3  }
0x21d: {  	v1 =	vtrunc.f32 v1;
	v2 =	vtrunc.f32 v2  }
0x21e: {  	v1 =	vcvt.f32.s32 v1;
	v2 =	vcvt.f32.s32 v2  }
0x21f: {  	v4 =	vadd.s32 $0x10, v4;
	v3 =	vtrunc.f32 v3  }
0x220: {  	v3 =	vcvt.f32.s32 v3;
	vm0 =	vgt.s32 v1, $0x0;
	vm1 =	vgt.s32 v2, $0x0  }
0x221: {  	v4 =	vperm.xlane v0, v4;
	v1 =	vnsel vm0, $0x0, v1;
	v2 =	vnsel vm1, $0x0, v2  }
0x222: {  	vm10 =	vgt.s32 v3, $0x0;
	v1 =	vmin.u32 v1, $0x7F;
	v2 =	vmin.u32 v2, $0x7F  }
0x223: {  	v3 =	vnsel vm10, $0x0, v3;
	v2 =	vshll.u32 v2, $0xE;
	v1 =	vshll.u32 v1, $0x7  }
0x224: {  	v1 =	vor.u32 v2, v1;
	v2 =	vmin.u32 v3, $0x7F  }
0x225: {  	v1 =	vor.u32 v2, v1;
	v2 =	vshll.u32 v4, $0x15  }
0x226: {  	v1 =	vor.u32 v2, v1  }
0x227: {  	[tilespmem:s2+$0xFFFFFFC0] =	vst v1  }
0x228: {  	v1 =	vld [tilespmem:s14+$0xFFFFFFA0]  }
0x229: {  	v2 =	vld [tilespmem:s3+$0xFFFFFFA0]  }
0x22a: {  	v3 =	vld [tilespmem:s10+$0xFFFFFFA0];
	_ =	sdelay $0x3  }
0x22b: {  	v1 =	vmul.f32 $5.000000000e-01, v1;
	v2 =	vmul.f32 $5.000000000e-01, v2  }
0x22c: {  	v3 =	vmul.f32 $5.000000000e-01, v3  }
0x22d: {  	v1 =	vadd.f32 $5.000000000e-01, v1;
	v2 =	vadd.f32 $5.000000000e-01, v2  }
0x22e: {  	v4 =	vld [tilespmem:s7+$0xFFFFFFA0];
	v3 =	vadd.f32 $5.000000000e-01, v3  }
0x22f: {  	v1 =	vmul.f32 $1.280000000e+02, v1;
	v2 =	vmul.f32 $1.280000000e+02, v2  }
0x230: {  	v3 =	vmul.f32 $1.280000000e+02, v3  }
0x231: {  	v1 =	vtrunc.f32 v1;
	v2 =	vtrunc.f32 v2  }
0x232: {  	v1 =	vcvt.f32.s32 v1;
	v2 =	vcvt.f32.s32 v2  }
0x233: {  	v4 =	vadd.s32 $0x10, v4;
	v3 =	vtrunc.f32 v3  }
0x234: {  	v3 =	vcvt.f32.s32 v3;
	vm11 =	vgt.s32 v1, $0x0;
	vm12 =	vgt.s32 v2, $0x0  }
0x235: {  	v4 =	vperm.xlane v0, v4;
	v1 =	vnsel vm11, $0x0, v1;
	v2 =	vnsel vm12, $0x0, v2  }
0x236: {  	vm13 =	vgt.s32 v3, $0x0;
	v1 =	vmin.u32 v1, $0x7F;
	v2 =	vmin.u32 v2, $0x7F  }
0x237: {  	v3 =	vnsel vm13, $0x0, v3;
	v2 =	vshll.u32 v2, $0xE;
	v1 =	vshll.u32 v1, $0x7  }
0x238: {  	v1 =	vor.u32 v2, v1;
	v2 =	vmin.u32 v3, $0x7F  }
0x239: {  	v1 =	vor.u32 v2, v1;
	v2 =	vshll.u32 v4, $0x15  }
0x23a: {  	v1 =	vor.u32 v2, v1  }
0x23b: {  	[tilespmem:s2+$0xFFFFFFD0] =	vst v1  }
0x23c: {  	v1 =	vld [tilespmem:s3+$0xFFFFFFB0]  }
0x23d: {  	v2 =	vld [tilespmem:s14+$0xFFFFFFB0]  }
0x23e: {  	v3 =	vld [tilespmem:s10+$0xFFFFFFB0];
	_ =	sdelay $0x3  }
0x23f: {  	v1 =	vmul.f32 $5.000000000e-01, v1;
	v2 =	vmul.f32 $5.000000000e-01, v2  }
0x240: {  	v3 =	vmul.f32 $5.000000000e-01, v3  }
0x241: {  	v1 =	vadd.f32 $5.000000000e-01, v1;
	v2 =	vadd.f32 $5.000000000e-01, v2  }
0x242: {  	v4 =	vld [tilespmem:s7+$0xFFFFFFB0];
	v3 =	vadd.f32 $5.000000000e-01, v3  }
0x243: {  	v1 =	vmul.f32 $1.280000000e+02, v1;
	v2 =	vmul.f32 $1.280000000e+02, v2  }
0x244: {  	v3 =	vmul.f32 $1.280000000e+02, v3  }
0x245: {  	v1 =	vtrunc.f32 v1;
	v2 =	vtrunc.f32 v2  }
0x246: {  	v1 =	vcvt.f32.s32 v1;
	v2 =	vcvt.f32.s32 v2  }
0x247: {  	v4 =	vadd.s32 $0x10, v4;
	v3 =	vtrunc.f32 v3  }
0x248: {  	v3 =	vcvt.f32.s32 v3;
	vm14 =	vgt.s32 v1, $0x0;
	vm15 =	vgt.s32 v2, $0x0  }
0x249: {  	v4 =	vperm.xlane v0, v4;
	v1 =	vnsel vm14, $0x0, v1;
	v2 =	vnsel vm15, $0x0, v2  }
0x24a: {  	vm4 =	vgt.s32 v3, $0x0;
	v1 =	vmin.u32 v1, $0x7F;
	v2 =	vmin.u32 v2, $0x7F  }
0x24b: {  	v3 =	vnsel vm4, $0x0, v3;
	v1 =	vshll.u32 v1, $0xE;
	v2 =	vshll.u32 v2, $0x7  }
0x24c: {  	v1 =	vor.u32 v1, v2;
	v2 =	vmin.u32 v3, $0x7F  }
0x24d: {  	v1 =	vor.u32 v2, v1;
	v2 =	vshll.u32 v4, $0x15  }
0x24e: {  	v1 =	vor.u32 v2, v1  }
0x24f: {  	[tilespmem:s2+$0xFFFFFFE0] =	vst v1  }
0x250: {  	v2 =	vld [tilespmem:s3+$0xFFFFFFC0]  }
0x251: {  	v3 =	vld [tilespmem:s14+$0xFFFFFFC0]  }
0x252: {  	v1 =	vld [tilespmem:s10+$0xFFFFFFC0];
	_ =	sdelay $0x3  }
0x253: {  	v2 =	vmul.f32 $5.000000000e-01, v2;
	v3 =	vmul.f32 $5.000000000e-01, v3  }
0x254: {  	v1 =	vmul.f32 $5.000000000e-01, v1  }
0x255: {  	v2 =	vadd.f32 $5.000000000e-01, v2;
	v3 =	vadd.f32 $5.000000000e-01, v3  }
0x256: {  	v4 =	vld [tilespmem:s7+$0xFFFFFFC0];
	v1 =	vadd.f32 $5.000000000e-01, v1  }
0x257: {  	v2 =	vmul.f32 $1.280000000e+02, v2;
	v3 =	vmul.f32 $1.280000000e+02, v3  }
0x258: {  	v1 =	vmul.f32 $1.280000000e+02, v1  }
0x259: {  	v2 =	vtrunc.f32 v2;
	v3 =	vtrunc.f32 v3  }
0x25a: {  	v2 =	vcvt.f32.s32 v2;
	v3 =	vcvt.f32.s32 v3  }
0x25b: {  	v4 =	vadd.s32 $0x10, v4;
	v1 =	vtrunc.f32 v1  }
0x25c: {  	v1 =	vcvt.f32.s32 v1;
	vm6 =	vgt.s32 v2, $0x0;
	vm2 =	vgt.s32 v3, $0x0  }
0x25d: {  	v4 =	vperm.xlane v0, v4;
	v2 =	vnsel vm6, $0x0, v2;
	v3 =	vnsel vm2, $0x0, v3  }
0x25e: {  	vm5 =	vgt.s32 v1, $0x0;
	v2 =	vmin.u32 v2, $0x7F;
	v3 =	vmin.u32 v3, $0x7F  }
0x25f: {  	v1 =	vnsel vm5, $0x0, v1;
	v2 =	vshll.u32 v2, $0xE;
	v3 =	vshll.u32 v3, $0x7  }
0x260: {  	v1 =	vmin.u32 v1, $0x7F;
	v2 =	vor.u32 v2, v3  }
0x261: {  	v1 =	vor.u32 v1, v2;
	v2 =	vshll.u32 v4, $0x15  }
0x262: {  	v1 =	vor.u32 v2, v1  }
0x263: {  	[tilespmem:s2+$0xFFFFFFF0] =	vst v1  }
0x264: {  	v1 =	vld [tilespmem:s3+$0xFFFFFFD0]  }
0x265: {  	v2 =	vld [tilespmem:s14+$0xFFFFFFD0]  }
0x266: {  	v3 =	vld [tilespmem:s10+$0xFFFFFFD0];
	_ =	sdelay $0x3  }
0x267: {  	v1 =	vmul.f32 $5.000000000e-01, v1;
	v2 =	vmul.f32 $5.000000000e-01, v2  }
0x268: {  	v3 =	vmul.f32 $5.000000000e-01, v3  }
0x269: {  	v1 =	vadd.f32 $5.000000000e-01, v1;
	v2 =	vadd.f32 $5.000000000e-01, v2  }
0x26a: {  	v4 =	vld [tilespmem:s7+$0xFFFFFFD0];
	v3 =	vadd.f32 $5.000000000e-01, v3  }
0x26b: {  	v1 =	vmul.f32 $1.280000000e+02, v1;
	v2 =	vmul.f32 $1.280000000e+02, v2  }
0x26c: {  	v3 =	vmul.f32 $1.280000000e+02, v3  }
0x26d: {  	v1 =	vtrunc.f32 v1;
	v2 =	vtrunc.f32 v2  }
0x26e: {  	v1 =	vcvt.f32.s32 v1;
	v2 =	vcvt.f32.s32 v2  }
0x26f: {  	v4 =	vadd.s32 $0x10, v4;
	v3 =	vtrunc.f32 v3  }
0x270: {  	v3 =	vcvt.f32.s32 v3;
	vm7 =	vgt.s32 v1, $0x0;
	vm8 =	vgt.s32 v2, $0x0  }
0x271: {  	v4 =	vperm.xlane v0, v4;
	v1 =	vnsel vm7, $0x0, v1;
	v2 =	vnsel vm8, $0x0, v2  }
0x272: {  	vm9 =	vgt.s32 v3, $0x0;
	v1 =	vmin.u32 v1, $0x7F;
	v2 =	vmin.u32 v2, $0x7F  }
0x273: {  	v3 =	vnsel vm9, $0x0, v3;
	v1 =	vshll.u32 v1, $0xE;
	v2 =	vshll.u32 v2, $0x7  }
0x274: {  	v1 =	vor.u32 v1, v2;
	v2 =	vmin.u32 v3, $0x7F  }
0x275: {  	v1 =	vor.u32 v2, v1;
	v2 =	vshll.u32 v4, $0x15  }
0x276: {  	v1 =	vor.u32 v2, v1  }
0x277: {  	[tilespmem:s2+$0x0] =	vst v1  }
0x278: {  	v1 =	vld [tilespmem:s14+$0xFFFFFFE0]  }
0x279: {  	v2 =	vld [tilespmem:s3+$0xFFFFFFE0]  }
0x27a: {  	v3 =	vld [tilespmem:s10+$0xFFFFFFE0];
	_ =	sdelay $0x3  }
0x27b: {  	v1 =	vmul.f32 $5.000000000e-01, v1;
	v2 =	vmul.f32 $5.000000000e-01, v2  }
0x27c: {  	v3 =	vmul.f32 $5.000000000e-01, v3  }
0x27d: {  	v1 =	vadd.f32 $5.000000000e-01, v1;
	v2 =	vadd.f32 $5.000000000e-01, v2  }
0x27e: {  	v4 =	vld [tilespmem:s7+$0xFFFFFFE0];
	v3 =	vadd.f32 $5.000000000e-01, v3  }
0x27f: {  	v1 =	vmul.f32 $1.280000000e+02, v1;
	v2 =	vmul.f32 $1.280000000e+02, v2  }
0x280: {  	v3 =	vmul.f32 $1.280000000e+02, v3  }
0x281: {  	v1 =	vtrunc.f32 v1;
	v2 =	vtrunc.f32 v2  }
0x282: {  	v1 =	vcvt.f32.s32 v1;
	v2 =	vcvt.f32.s32 v2  }
0x283: {  	v4 =	vadd.s32 $0x10, v4;
	v3 =	vtrunc.f32 v3  }
0x284: {  	v3 =	vcvt.f32.s32 v3;
	vm10 =	vgt.s32 v1, $0x0;
	vm11 =	vgt.s32 v2, $0x0  }
0x285: {  	v4 =	vperm.xlane v0, v4;
	v1 =	vnsel vm10, $0x0, v1;
	v2 =	vnsel vm11, $0x0, v2  }
0x286: {  	vm12 =	vgt.s32 v3, $0x0;
	v1 =	vmin.u32 v1, $0x7F;
	v2 =	vmin.u32 v2, $0x7F  }
0x287: {  	v3 =	vnsel vm12, $0x0, v3;
	v1 =	vshll.u32 v1, $0x7;
	v2 =	vshll.u32 v2, $0xE  }
0x288: {  	v1 =	vor.u32 v2, v1;
	v2 =	vmin.u32 v3, $0x7F  }
0x289: {  	v1 =	vor.u32 v2, v1;
	v2 =	vshll.u32 v4, $0x15  }
0x28a: {  	v1 =	vor.u32 v2, v1  }
0x28b: {  	[tilespmem:s2+$0x10] =	vst v1  }
0x28c: {  	v1 =	vld [tilespmem:s3+$0xFFFFFFF0]  }
0x28d: {  	v2 =	vld [tilespmem:s14+$0xFFFFFFF0]  }
0x28e: {  	v3 =	vld [tilespmem:s10+$0xFFFFFFF0];
	_ =	sdelay $0x3  }
0x28f: {  	v1 =	vmul.f32 $5.000000000e-01, v1;
	v2 =	vmul.f32 $5.000000000e-01, v2  }
0x290: {  	v3 =	vmul.f32 $5.000000000e-01, v3  }
0x291: {  	v1 =	vadd.f32 $5.000000000e-01, v1;
	v2 =	vadd.f32 $5.000000000e-01, v2  }
0x292: {  	v4 =	vld [tilespmem:s7+$0xFFFFFFF0];
	v3 =	vadd.f32 $5.000000000e-01, v3  }
0x293: {  	v1 =	vmul.f32 $1.280000000e+02, v1;
	v2 =	vmul.f32 $1.280000000e+02, v2  }
0x294: {  	v3 =	vmul.f32 $1.280000000e+02, v3  }
0x295: {  	v1 =	vtrunc.f32 v1;
	v2 =	vtrunc.f32 v2  }
0x296: {  	v1 =	vcvt.f32.s32 v1;
	v2 =	vcvt.f32.s32 v2  }
0x297: {  	v4 =	vadd.s32 $0x10, v4;
	v3 =	vtrunc.f32 v3  }
0x298: {  	v3 =	vcvt.f32.s32 v3;
	vm13 =	vgt.s32 v1, $0x0;
	vm14 =	vgt.s32 v2, $0x0  }
0x299: {  	v4 =	vperm.xlane v0, v4;
	v1 =	vnsel vm13, $0x0, v1;
	v2 =	vnsel vm14, $0x0, v2  }
0x29a: {  	vm15 =	vgt.s32 v3, $0x0;
	v1 =	vmin.u32 v1, $0x7F;
	v2 =	vmin.u32 v2, $0x7F  }
0x29b: {  	v3 =	vnsel vm15, $0x0, v3;
	v1 =	vshll.u32 v1, $0xE;
	v2 =	vshll.u32 v2, $0x7  }
0x29c: {  	v1 =	vor.u32 v1, v2;
	v2 =	vmin.u32 v3, $0x7F  }
0x29d: {  	v1 =	vor.u32 v2, v1;
	v2 =	vshll.u32 v4, $0x15  }
0x29e: {  	v1 =	vor.u32 v2, v1  }
0x29f: {  	[tilespmem:s2+$0x20] =	vst v1  }
0x2a0: {  	v1 =	vld [tilespmem:s3+$0x0]  }
0x2a1: {  	v2 =	vld [tilespmem:s14+$0x0]  }
0x2a2: {  	v3 =	vld [tilespmem:s10+$0x0];
	_ =	sdelay $0x2  }
0x2a3: {  	v5 =	vmul.f32 $5.000000000e-01, v1  }
0x2a4: {  	s15 =	simm.s32 $0x0;
	s16 =	simm.s32 $0xEF0;
	v4 =	vmul.f32 $5.000000000e-01, v2  }
0x2a5: {  	s17 =	simm.s32 $0x16F0;
	s6 =	simm.s32 $0x1EF0;
	s14 =	simm.s32 $0x2E40;
	v1 =	vld [tilespmem:s7+$0x0];
	v3 =	vmul.f32 $5.000000000e-01, v3;
	v2 =	vadd.f32 $5.000000000e-01, v5  }
.LBB2_7:
0x2a6: {  	s15 =	sadd.s32 $0x8, s15;
	v4 =	vadd.f32 $5.000000000e-01, v4;
	s2 =	sadd.s32 $0x80, s2;
	s3 =	sadd.s32 $0x80, s3  }
0x2a7: {  	p0 =	slt.u32 s15, $0x18;
	v2 =	vmul.f32 $1.280000000e+02, v2;
	v3 =	vadd.f32 $5.000000000e-01, v3  }
0x2a8: {  	v4 =	vmul.f32 $1.280000000e+02, v4  }
0x2a9: {  	v2 =	vtrunc.f32 v2;
	v3 =	vmul.f32 $1.280000000e+02, v3  }
0x2aa: {  	v2 =	vcvt.f32.s32 v2;
	v4 =	vtrunc.f32 v4  }
0x2ab: {  	v4 =	vcvt.f32.s32 v4;
	v3 =	vtrunc.f32 v3  }
0x2ac: {  	vm0 =	vgt.s32 v2, $0x0;
	v3 =	vcvt.f32.s32 v3  }
0x2ad: {  	v2 =	vnsel vm0, $0x0, v2;
	vm0 =	vgt.s32 v4, $0x0  }
0x2ae: {  	v2 =	vmin.u32 v2, $0x7F;
	v4 =	vnsel vm0, $0x0, v4;
	vm0 =	vgt.s32 v3, $0x0  }
0x2af: {  	v1 =	vadd.s32 $0x10, v1;
	v4 =	vmin.u32 v4, $0x7F;
	v3 =	vnsel vm0, $0x0, v3  }
0x2b0: {  	v1 =	vperm.xlane v0, v1;
	v2 =	vshll.u32 v2, $0xE;
	v4 =	vshll.u32 v4, $0x7  }
0x2b1: {  	v3 =	vmin.u32 v3, $0x7F;
	v2 =	vor.u32 v2, v4  }
0x2b2: {  	v1 =	vshll.u32 v1, $0x15;
	v2 =	vor.u32 v3, v2  }
0x2b3: {  	v1 =	vor.u32 v1, v2  }
0x2b4: {  	[tilespmem:s14+$0x30] =	vst v1;
	s14 =	smov.u32 s2  }
0x2b5: {  	v1 =	vld [tilespmem:s17+$0xFFFFFF90]  }
0x2b6: {  	v2 =	vld [tilespmem:s16+$0xFFFFFF90]  }
0x2b7: {  	v3 =	vld [tilespmem:s3+$0xFFFFFF90];
	_ =	sdelay $0x3  }
0x2b8: {  	v2 =	vmul.f32 $5.000000000e-01, v2  }
0x2b9: {  	v1 =	vmul.f32 $5.000000000e-01, v1;
	v3 =	vmul.f32 $5.000000000e-01, v3  }
0x2ba: {  	v2 =	vadd.f32 $5.000000000e-01, v2  }
0x2bb: {  	v1 =	vadd.f32 $5.000000000e-01, v1;
	v3 =	vadd.f32 $5.000000000e-01, v3  }
0x2bc: {  	v2 =	vmul.f32 $1.280000000e+02, v2  }
0x2bd: {  	v3 =	vmul.f32 $1.280000000e+02, v3  }
0x2be: {  	v1 =	vmul.f32 $1.280000000e+02, v1;
	v2 =	vtrunc.f32 v2;
	v4 =	vld [tilespmem:s6+$0xFFFFFF90]  }
0x2bf: {  	v3 =	vtrunc.f32 v3;
	v2 =	vcvt.f32.s32 v2  }
0x2c0: {  	v1 =	vtrunc.f32 v1;
	v3 =	vcvt.f32.s32 v3  }
0x2c1: {  	v1 =	vcvt.f32.s32 v1;
	vm0 =	vgt.s32 v2, $0x0  }
0x2c2: {  	vm1 =	vgt.s32 v3, $0x0;
	v2 =	vnsel vm0, $0x0, v2  }
0x2c3: {  	vm0 =	vgt.s32 v1, $0x0;
	v3 =	vnsel vm1, $0x0, v3;
	v2 =	vmin.u32 v2, $0x7F  }
0x2c4: {  	v1 =	vnsel vm0, $0x0, v1;
	v3 =	vmin.u32 v3, $0x7F  }
0x2c5: {  	v4 =	vadd.s32 $0x10, v4;
	v2 =	vshll.u32 v2, $0x7;
	v3 =	vshll.u32 v3, $0xE  }
0x2c6: {  	v2 =	vor.u32 v3, v2;
	v3 =	vperm.xlane v0, v4  }
0x2c7: {  	v1 =	vmin.u32 v1, $0x7F  }
0x2c8: {  	v1 =	vor.u32 v1, v2;
	v2 =	vshll.u32 v3, $0x15  }
0x2c9: {  	v1 =	vor.u32 v2, v1  }
0x2ca: {  	[tilespmem:s2+$0xFFFFFFC0] =	vst v1  }
0x2cb: {  	v1 =	vld [tilespmem:s16+$0xFFFFFFA0]  }
0x2cc: {  	v2 =	vld [tilespmem:s3+$0xFFFFFFA0];
	_ =	sdelay $0x1  }
0x2cd: {  	v3 =	vld [tilespmem:s17+$0xFFFFFFA0];
	_ =	sdelay $0x1  }
0x2ce: {  	v1 =	vmul.f32 $5.000000000e-01, v1  }
0x2cf: {  	v2 =	vmul.f32 $5.000000000e-01, v2  }
0x2d0: {  	v1 =	vadd.f32 $5.000000000e-01, v1  }
0x2d1: {  	v2 =	vadd.f32 $5.000000000e-01, v2;
	v3 =	vmul.f32 $5.000000000e-01, v3  }
0x2d2: {  	v1 =	vmul.f32 $1.280000000e+02, v1  }
0x2d3: {  	v2 =	vmul.f32 $1.280000000e+02, v2;
	v3 =	vadd.f32 $5.000000000e-01, v3  }
0x2d4: {  	v1 =	vtrunc.f32 v1  }
0x2d5: {  	v2 =	vtrunc.f32 v2;
	v1 =	vcvt.f32.s32 v1  }
0x2d6: {  	v3 =	vmul.f32 $1.280000000e+02, v3;
	v2 =	vcvt.f32.s32 v2;
	v4 =	vld [tilespmem:s6+$0xFFFFFFA0]  }
0x2d7: {  	vm0 =	vgt.s32 v1, $0x0  }
0x2d8: {  	v3 =	vtrunc.f32 v3;
	vm1 =	vgt.s32 v2, $0x0;
	v1 =	vnsel vm0, $0x0, v1  }
0x2d9: {  	v3 =	vcvt.f32.s32 v3;
	v2 =	vnsel vm1, $0x0, v2;
	v1 =	vmin.u32 v1, $0x7F  }
0x2da: {  	v2 =	vmin.u32 v2, $0x7F  }
0x2db: {  	v1 =	vshll.u32 v1, $0x7;
	vm0 =	vgt.s32 v3, $0x0;
	v2 =	vshll.u32 v2, $0xE  }
0x2dc: {  	v1 =	vor.u32 v2, v1;
	v2 =	vnsel vm0, $0x0, v3;
	v3 =	vadd.s32 $0x10, v4  }
0x2dd: {  	v2 =	vmin.u32 v2, $0x7F;
	v3 =	vperm.xlane v0, v3  }
0x2de: {  	v1 =	vor.u32 v2, v1  }
0x2df: {  	v2 =	vshll.u32 v3, $0x15  }
0x2e0: {  	v1 =	vor.u32 v2, v1  }
0x2e1: {  	[tilespmem:s2+$0xFFFFFFD0] =	vst v1  }
0x2e2: {  	v1 =	vld [tilespmem:s3+$0xFFFFFFB0]  }
0x2e3: {  	v2 =	vld [tilespmem:s16+$0xFFFFFFB0]  }
0x2e4: {  	v3 =	vld [tilespmem:s17+$0xFFFFFFB0];
	_ =	sdelay $0x2  }
0x2e5: {  	v1 =	vmul.f32 $5.000000000e-01, v1  }
0x2e6: {  	v2 =	vmul.f32 $5.000000000e-01, v2  }
0x2e7: {  	v1 =	vadd.f32 $5.000000000e-01, v1;
	v3 =	vmul.f32 $5.000000000e-01, v3  }
0x2e8: {  	v2 =	vadd.f32 $5.000000000e-01, v2  }
0x2e9: {  	v1 =	vmul.f32 $1.280000000e+02, v1;
	v3 =	vadd.f32 $5.000000000e-01, v3  }
0x2ea: {  	v2 =	vmul.f32 $1.280000000e+02, v2  }
0x2eb: {  	v1 =	vtrunc.f32 v1;
	v3 =	vmul.f32 $1.280000000e+02, v3  }
0x2ec: {  	v1 =	vcvt.f32.s32 v1;
	v2 =	vtrunc.f32 v2;
	v4 =	vld [tilespmem:s6+$0xFFFFFFB0]  }
0x2ed: {  	v2 =	vcvt.f32.s32 v2;
	v3 =	vtrunc.f32 v3  }
0x2ee: {  	vm0 =	vgt.s32 v1, $0x0;
	v3 =	vcvt.f32.s32 v3  }
0x2ef: {  	v1 =	vnsel vm0, $0x0, v1;
	vm0 =	vgt.s32 v2, $0x0  }
0x2f0: {  	v1 =	vmin.u32 v1, $0x7F;
	v2 =	vnsel vm0, $0x0, v2;
	vm0 =	vgt.s32 v3, $0x0  }
0x2f1: {  	v2 =	vmin.u32 v2, $0x7F;
	v3 =	vnsel vm0, $0x0, v3;
	v4 =	vadd.s32 $0x10, v4  }
0x2f2: {  	v1 =	vshll.u32 v1, $0xE;
	v2 =	vshll.u32 v2, $0x7;
	v4 =	vperm.xlane v0, v4  }
0x2f3: {  	v1 =	vor.u32 v1, v2;
	v2 =	vmin.u32 v3, $0x7F  }
0x2f4: {  	v1 =	vor.u32 v2, v1;
	v2 =	vshll.u32 v4, $0x15  }
0x2f5: {  	v1 =	vor.u32 v2, v1  }
0x2f6: {  	[tilespmem:s2+$0xFFFFFFE0] =	vst v1  }
0x2f7: {  	v1 =	vld [tilespmem:s17+$0xFFFFFFC0]  }
0x2f8: {  	v2 =	vld [tilespmem:s3+$0xFFFFFFC0]  }
0x2f9: {  	v3 =	vld [tilespmem:s16+$0xFFFFFFC0];
	_ =	sdelay $0x2  }
0x2fa: {  	v1 =	vmul.f32 $5.000000000e-01, v1  }
0x2fb: {  	v2 =	vmul.f32 $5.000000000e-01, v2  }
0x2fc: {  	v3 =	vmul.f32 $5.000000000e-01, v3;
	v1 =	vadd.f32 $5.000000000e-01, v1  }
0x2fd: {  	v2 =	vadd.f32 $5.000000000e-01, v2  }
0x2fe: {  	v3 =	vadd.f32 $5.000000000e-01, v3;
	v1 =	vmul.f32 $1.280000000e+02, v1  }
0x2ff: {  	v2 =	vmul.f32 $1.280000000e+02, v2  }
0x300: {  	v3 =	vmul.f32 $1.280000000e+02, v3;
	v1 =	vtrunc.f32 v1  }
0x301: {  	v2 =	vtrunc.f32 v2;
	v1 =	vcvt.f32.s32 v1  }
0x302: {  	v2 =	vcvt.f32.s32 v2;
	v3 =	vtrunc.f32 v3;
	v4 =	vld [tilespmem:s6+$0xFFFFFFC0]  }
0x303: {  	v3 =	vcvt.f32.s32 v3;
	vm0 =	vgt.s32 v1, $0x0  }
0x304: {  	vm1 =	vgt.s32 v2, $0x0;
	v1 =	vnsel vm0, $0x0, v1  }
0x305: {  	v2 =	vnsel vm1, $0x0, v2;
	vm0 =	vgt.s32 v3, $0x0  }
0x306: {  	v3 =	vnsel vm0, $0x0, v3  }
0x307: {  	v2 =	vmin.u32 v2, $0x7F;
	v3 =	vmin.u32 v3, $0x7F;
	v4 =	vadd.s32 $0x10, v4  }
0x308: {  	v2 =	vshll.u32 v2, $0xE;
	v3 =	vshll.u32 v3, $0x7;
	v4 =	vperm.xlane v0, v4  }
0x309: {  	v1 =	vmin.u32 v1, $0x7F;
	v2 =	vor.u32 v2, v3  }
0x30a: {  	v1 =	vor.u32 v1, v2;
	v2 =	vshll.u32 v4, $0x15  }
0x30b: {  	v1 =	vor.u32 v2, v1  }
0x30c: {  	[tilespmem:s2+$0xFFFFFFF0] =	vst v1  }
0x30d: {  	v1 =	vld [tilespmem:s3+$0xFFFFFFD0]  }
0x30e: {  	v2 =	vld [tilespmem:s16+$0xFFFFFFD0]  }
0x30f: {  	v3 =	vld [tilespmem:s17+$0xFFFFFFD0];
	_ =	sdelay $0x2  }
0x310: {  	v1 =	vmul.f32 $5.000000000e-01, v1  }
0x311: {  	v2 =	vmul.f32 $5.000000000e-01, v2  }
0x312: {  	v1 =	vadd.f32 $5.000000000e-01, v1;
	v3 =	vmul.f32 $5.000000000e-01, v3  }
0x313: {  	v2 =	vadd.f32 $5.000000000e-01, v2  }
0x314: {  	v1 =	vmul.f32 $1.280000000e+02, v1;
	v3 =	vadd.f32 $5.000000000e-01, v3  }
0x315: {  	v2 =	vmul.f32 $1.280000000e+02, v2  }
0x316: {  	v1 =	vtrunc.f32 v1;
	v3 =	vmul.f32 $1.280000000e+02, v3  }
0x317: {  	v1 =	vcvt.f32.s32 v1;
	v2 =	vtrunc.f32 v2;
	v4 =	vld [tilespmem:s6+$0xFFFFFFD0]  }
0x318: {  	v2 =	vcvt.f32.s32 v2;
	v3 =	vtrunc.f32 v3  }
0x319: {  	vm0 =	vgt.s32 v1, $0x0;
	v3 =	vcvt.f32.s32 v3  }
0x31a: {  	v1 =	vnsel vm0, $0x0, v1;
	vm0 =	vgt.s32 v2, $0x0  }
0x31b: {  	v1 =	vmin.u32 v1, $0x7F;
	v2 =	vnsel vm0, $0x0, v2;
	vm0 =	vgt.s32 v3, $0x0  }
0x31c: {  	v2 =	vmin.u32 v2, $0x7F;
	v3 =	vnsel vm0, $0x0, v3;
	v4 =	vadd.s32 $0x10, v4  }
0x31d: {  	v1 =	vshll.u32 v1, $0xE;
	v2 =	vshll.u32 v2, $0x7;
	v4 =	vperm.xlane v0, v4  }
0x31e: {  	v1 =	vor.u32 v1, v2;
	v2 =	vmin.u32 v3, $0x7F  }
0x31f: {  	v1 =	vor.u32 v2, v1;
	v2 =	vshll.u32 v4, $0x15  }
0x320: {  	v1 =	vor.u32 v2, v1  }
0x321: {  	[tilespmem:s2+$0x0] =	vst v1  }
0x322: {  	v1 =	vld [tilespmem:s16+$0xFFFFFFE0]  }
0x323: {  	v2 =	vld [tilespmem:s3+$0xFFFFFFE0]  }
0x324: {  	v3 =	vld [tilespmem:s17+$0xFFFFFFE0]  }
0x325: {  	v4 =	vld [tilespmem:s6+$0xFFFFFFE0];
	_ =	sdelay $0x1  }
0x326: {  	v1 =	vmul.f32 $5.000000000e-01, v1  }
0x327: {  	v2 =	vmul.f32 $5.000000000e-01, v2  }
0x328: {  	v1 =	vadd.f32 $5.000000000e-01, v1;
	v3 =	vmul.f32 $5.000000000e-01, v3  }
0x329: {  	v2 =	vadd.f32 $5.000000000e-01, v2;
	v4 =	vadd.s32 $0x10, v4  }
0x32a: {  	v1 =	vmul.f32 $1.280000000e+02, v1;
	v3 =	vadd.f32 $5.000000000e-01, v3;
	v4 =	vperm.xlane v0, v4  }
0x32b: {  	v2 =	vmul.f32 $1.280000000e+02, v2  }
0x32c: {  	v1 =	vtrunc.f32 v1;
	v3 =	vmul.f32 $1.280000000e+02, v3  }
0x32d: {  	v2 =	vtrunc.f32 v2;
	v1 =	vcvt.f32.s32 v1  }
0x32e: {  	v2 =	vcvt.f32.s32 v2;
	v3 =	vtrunc.f32 v3  }
0x32f: {  	vm0 =	vgt.s32 v1, $0x0;
	v3 =	vcvt.f32.s32 v3  }
0x330: {  	vm1 =	vgt.s32 v2, $0x0;
	v1 =	vnsel vm0, $0x0, v1  }
0x331: {  	v2 =	vnsel vm1, $0x0, v2;
	v1 =	vmin.u32 v1, $0x7F;
	vm0 =	vgt.s32 v3, $0x0  }
0x332: {  	v2 =	vmin.u32 v2, $0x7F;
	v1 =	vshll.u32 v1, $0x7;
	v3 =	vnsel vm0, $0x0, v3  }
0x333: {  	v2 =	vshll.u32 v2, $0xE  }
0x334: {  	v1 =	vor.u32 v2, v1;
	v2 =	vmin.u32 v3, $0x7F  }
0x335: {  	v1 =	vor.u32 v2, v1;
	v2 =	vshll.u32 v4, $0x15  }
0x336: {  	v1 =	vor.u32 v2, v1  }
0x337: {  	[tilespmem:s2+$0x10] =	vst v1  }
0x338: {  	v1 =	vld [tilespmem:s3+$0xFFFFFFF0]  }
0x339: {  	v2 =	vld [tilespmem:s16+$0xFFFFFFF0]  }
0x33a: {  	v3 =	vld [tilespmem:s17+$0xFFFFFFF0]  }
0x33b: {  	v4 =	vld [tilespmem:s6+$0xFFFFFFF0];
	_ =	sdelay $0x1  }
0x33c: {  	v1 =	vmul.f32 $5.000000000e-01, v1  }
0x33d: {  	v2 =	vmul.f32 $5.000000000e-01, v2  }
0x33e: {  	v1 =	vadd.f32 $5.000000000e-01, v1;
	v3 =	vmul.f32 $5.000000000e-01, v3  }
0x33f: {  	v2 =	vadd.f32 $5.000000000e-01, v2;
	v4 =	vadd.s32 $0x10, v4  }
0x340: {  	v1 =	vmul.f32 $1.280000000e+02, v1;
	v3 =	vadd.f32 $5.000000000e-01, v3;
	v4 =	vperm.xlane v0, v4  }
0x341: {  	v2 =	vmul.f32 $1.280000000e+02, v2  }
0x342: {  	v1 =	vtrunc.f32 v1;
	v3 =	vmul.f32 $1.280000000e+02, v3  }
0x343: {  	v1 =	vcvt.f32.s32 v1;
	v2 =	vtrunc.f32 v2  }
0x344: {  	v2 =	vcvt.f32.s32 v2;
	v3 =	vtrunc.f32 v3  }
0x345: {  	vm0 =	vgt.s32 v1, $0x0;
	v3 =	vcvt.f32.s32 v3  }
0x346: {  	v1 =	vnsel vm0, $0x0, v1;
	vm0 =	vgt.s32 v2, $0x0  }
0x347: {  	v1 =	vmin.u32 v1, $0x7F;
	v2 =	vnsel vm0, $0x0, v2;
	vm0 =	vgt.s32 v3, $0x0  }
0x348: {  	v2 =	vmin.u32 v2, $0x7F;
	v3 =	vnsel vm0, $0x0, v3  }
0x349: {  	v1 =	vshll.u32 v1, $0xE;
	v2 =	vshll.u32 v2, $0x7  }
0x34a: {  	v1 =	vor.u32 v1, v2;
	v2 =	vmin.u32 v3, $0x7F  }
0x34b: {  	v1 =	vor.u32 v2, v1;
	v2 =	vshll.u32 v4, $0x15  }
0x34c: {  	v1 =	vor.u32 v2, v1  }
0x34d: {  	[tilespmem:s2+$0x20] =	vst v1  }
0x34e: {  	v2 =	vld [tilespmem:s3+$0x0]  }
0x34f: {  	v3 =	vld [tilespmem:s16+$0x0]  }
0x350: {  	v5 =	vld [tilespmem:s17+$0x0]  }
.Ltmp3:
0x351: {  	v1 =	vld [tilespmem:s6+$0x0];
	(pc) =	sbr.rel @p0 .LBB2_7-.Ltmp3, $4  }
0x352: {  	_ = 	snop  }
0x353: {  	v2 =	vmul.f32 $5.000000000e-01, v2  }
0x354: {  	v4 =	vmul.f32 $5.000000000e-01, v3  }
0x355: {  	s16 =	sadd.s32 $0x80, s16;
	s17 =	sadd.s32 $0x80, s17;
	s6 =	sadd.s32 $0x80, s6;
	v2 =	vadd.f32 $5.000000000e-01, v2;
	v3 =	vmul.f32 $5.000000000e-01, v5  }
0x356: {  	v4 =	vadd.f32 $5.000000000e-01, v4  }
0x357: {  	v2 =	vmul.f32 $1.280000000e+02, v2  }
0x358: {  	v3 =	vadd.f32 $5.000000000e-01, v3;
	v4 =	vmul.f32 $1.280000000e+02, v4  }
0x359: {  	v2 =	vtrunc.f32 v2  }
0x35a: {  	v3 =	vmul.f32 $1.280000000e+02, v3;
	v4 =	vtrunc.f32 v4  }
0x35b: {  	v2 =	vcvt.f32.s32 v2;
	v4 =	vcvt.f32.s32 v4  }
0x35c: {  	v1 =	vadd.s32 $0x10, v1;
	v3 =	vtrunc.f32 v3  }
0x35d: {  	vm0 =	vgt.s32 v2, $0x0;
	v3 =	vcvt.f32.s32 v3;
	vm14 =	vgt.s32 v4, $0x0  }
0x35e: {  	v1 =	vperm.xlane v0, v1;
	v2 =	vnsel vm0, $0x0, v2;
	v4 =	vnsel vm14, $0x0, v4  }
0x35f: {  	v2 =	vmin.u32 v2, $0x7F;
	vm15 =	vgt.s32 v3, $0x0;
	v4 =	vmin.u32 v4, $0x7F  }
0x360: {  	v3 =	vnsel vm15, $0x0, v3;
	v2 =	vshll.u32 v2, $0xE;
	v4 =	vshll.u32 v4, $0x7  }
0x361: {  	v3 =	vmin.u32 v3, $0x7F;
	v2 =	vor.u32 v2, v4  }
0x362: {  	v1 =	vshll.u32 v1, $0x15;
	v2 =	vor.u32 v3, v2  }
0x363: {  	v1 =	vor.u32 v1, v2  }
0x364: {  	[tilespmem:s14+$0x30] =	vst v1  }
0x365: {  	_ =	strace $0x90000049  }
0x366: {  	s2 =	simm.s32 $0x2800;
	s3 =	simm.s32 $0x3000;
	_ =	strace $0x8000004A  }
0x367: {  	[tilespmem:s3], [sflag:$0x1] =	stream.indirect.gather [hbm4b:s1+s18], $0x1, s2, s18, $0x2000b8;
	[tilespmem:$0x3880] =	vst v63  }
0x368: {  	_ = 	snop  }
0x369: {  	[tilespmem:s22], [sflag:$0x2] =	stream.indirect.gather [hbm4b:s1+s18], $0x1, s21, s18, $0x2000b8;
	[tilespmem:$0x3880] =	vst v63  }
0x36a: {  	_ = 	snop  }
0x36b: {  	[tilespmem:s24], [sflag:$0x3] =	stream.indirect.gather [hbm4b:s1+s18], $0x1, s23, s18, $0x2000b8;
	[tilespmem:$0x3880] =	vst v63  }
0x36c: {  	_ = 	snop  }
0x36d: {  	[tilespmem:s26], [sflag:$0x4] =	stream.indirect.gather [hbm4b:s1+s18], $0x1, s25, s18, $0x2000b8;
	[tilespmem:$0x3880] =	vst v63  }
0x36e: {  	_ =	swait.ge [sflag:s28], $0x200  }
0x36f: {  	[sflag:s28] =	ssyncset.done $0x0  }
0x370: {  	[sflag:s28] =	ssyncadd.s32 $0xFFFFFE00  }
0x371: {  	v1 =	vld [tilespmem:$0x3000]  }
0x372: {  	v2 =	vld [tilespmem:$0x2000]  }
0x373: {  	v3 =	vld [tilespmem:$0x3010]  }
0x374: {  	v61 =	vld [tilespmem:$0x2010]  }
0x375: {  	v5 =	vld [tilespmem:$0x3020]  }
0x376: {  	v6 =	vld [tilespmem:$0x2020]  }
0x377: {  	v7 =	vld [tilespmem:$0x3030]  }
0x378: {  	v8 =	vld [tilespmem:$0x2030]  }
0x379: {  	v9 =	vld [tilespmem:$0x3040]  }
0x37a: {  	v10 =	vld [tilespmem:$0x2040]  }
0x37b: {  	v11 =	vld [tilespmem:$0x3050]  }
0x37c: {  	v12 =	vld [tilespmem:$0x2050]  }
0x37d: {  	v13 =	vld [tilespmem:$0x3060]  }
0x37e: {  	v14 =	vld [tilespmem:$0x2060]  }
0x37f: {  	v15 =	vld [tilespmem:$0x3070]  }
0x380: {  	v16 =	vld [tilespmem:$0x2070]  }
0x381: {  	v17 =	vld [tilespmem:$0x3080]  }
0x382: {  	v18 =	vld [tilespmem:$0x2080]  }
0x383: {  	v19 =	vld [tilespmem:$0x3090]  }
0x384: {  	v20 =	vld [tilespmem:$0x2090]  }
0x385: {  	v21 =	vld [tilespmem:$0x30A0]  }
0x386: {  	v22 =	vld [tilespmem:$0x20A0]  }
0x387: {  	v23 =	vld [tilespmem:$0x30B0]  }
0x388: {  	v24 =	vld [tilespmem:$0x20B0]  }
0x389: {  	v25 =	vld [tilespmem:$0x30C0]  }
0x38a: {  	v26 =	vld [tilespmem:$0x20C0]  }
0x38b: {  	v27 =	vld [tilespmem:$0x30D0]  }
0x38c: {  	v28 =	vld [tilespmem:$0x20D0]  }
0x38d: {  	v29 =	vld [tilespmem:$0x30E0]  }
0x38e: {  	v30 =	vld [tilespmem:$0x20E0]  }
0x38f: {  	v31 =	vld [tilespmem:$0x30F0]  }
0x390: {  	v32 =	vld [tilespmem:$0x20F0]  }
0x391: {  	v33 =	vld [tilespmem:$0x3100]  }
0x392: {  	v34 =	vld [tilespmem:$0x2100]  }
0x393: {  	v35 =	vld [tilespmem:$0x3110]  }
0x394: {  	v36 =	vld [tilespmem:$0x2110]  }
0x395: {  	v37 =	vld [tilespmem:$0x3120]  }
0x396: {  	v62 =	vld [tilespmem:$0x2130];
	v1 =	vmax.f32 v1, v2  }
0x397: {  	v63 =	vld [tilespmem:$0x3140];
	[tilespmem:$0x3000] =	vst v1;
	v1 =	vmax.f32 v3, v61  }
0x398: {  	v38 =	vld [tilespmem:$0x2140];
	[tilespmem:$0x3010] =	vst v1;
	v1 =	vmax.f32 v5, v6  }
0x399: {  	v39 =	vld [tilespmem:$0x3150];
	[tilespmem:$0x3020] =	vst v1;
	v1 =	vmax.f32 v7, v8  }
0x39a: {  	v40 =	vld [tilespmem:$0x2150];
	[tilespmem:$0x3030] =	vst v1;
	v1 =	vmax.f32 v9, v10  }
0x39b: {  	v41 =	vld [tilespmem:$0x3160];
	[tilespmem:$0x3040] =	vst v1;
	v1 =	vmax.f32 v11, v12  }
0x39c: {  	v42 =	vld [tilespmem:$0x2160];
	[tilespmem:$0x3050] =	vst v1;
	v1 =	vmax.f32 v13, v14  }
0x39d: {  	v43 =	vld [tilespmem:$0x3170];
	[tilespmem:$0x3060] =	vst v1;
	v1 =	vmax.f32 v15, v16  }
0x39e: {  	v44 =	vld [tilespmem:$0x2170];
	[tilespmem:$0x3070] =	vst v1;
	v1 =	vmax.f32 v17, v18  }
0x39f: {  	v45 =	vld [tilespmem:$0x3180];
	[tilespmem:$0x3080] =	vst v1;
	v1 =	vmax.f32 v19, v20  }
0x3a0: {  	v46 =	vld [tilespmem:$0x2180];
	[tilespmem:$0x3090] =	vst v1;
	v1 =	vmax.f32 v21, v22  }
0x3a1: {  	v47 =	vld [tilespmem:$0x3190];
	[tilespmem:$0x30A0] =	vst v1;
	v1 =	vmax.f32 v23, v24  }
0x3a2: {  	v48 =	vld [tilespmem:$0x2190];
	[tilespmem:$0x30B0] =	vst v1;
	v1 =	vmax.f32 v25, v26  }
0x3a3: {  	v2 =	vld [tilespmem:$0x2120];
	[tilespmem:$0x30C0] =	vst v1;
	v1 =	vmax.f32 v27, v28  }
0x3a4: {  	v3 =	vld [tilespmem:$0x3130];
	[tilespmem:$0x30D0] =	vst v1;
	v1 =	vmax.f32 v29, v30  }
0x3a5: {  	v49 =	vld [tilespmem:$0x31A0];
	[tilespmem:$0x30E0] =	vst v1;
	v1 =	vmax.f32 v31, v32  }
0x3a6: {  	v50 =	vld [tilespmem:$0x21A0];
	[tilespmem:$0x30F0] =	vst v1;
	v1 =	vmax.f32 v33, v34  }
0x3a7: {  	v51 =	vld [tilespmem:$0x31B0];
	[tilespmem:$0x3100] =	vst v1;
	v1 =	vmax.f32 v35, v36  }
0x3a8: {  	v52 =	vld [tilespmem:$0x21C0];
	[tilespmem:$0x3110] =	vst v1;
	v1 =	vmax.f32 v37, v2  }
0x3a9: {  	v53 =	vld [tilespmem:$0x31D0];
	[tilespmem:$0x3120] =	vst v1;
	v1 =	vmax.f32 v3, v62  }
0x3aa: {  	v54 =	vld [tilespmem:$0x21D0];
	[tilespmem:$0x3130] =	vst v1;
	v1 =	vmax.f32 v63, v38  }
0x3ab: {  	v55 =	vld [tilespmem:$0x31E0];
	[tilespmem:$0x3140] =	vst v1;
	v1 =	vmax.f32 v39, v40  }
0x3ac: {  	v2 =	vld [tilespmem:$0x21B0];
	[tilespmem:$0x3150] =	vst v1;
	v1 =	vmax.f32 v41, v42  }
0x3ad: {  	v3 =	vld [tilespmem:$0x31C0];
	[tilespmem:$0x3160] =	vst v1;
	v1 =	vmax.f32 v43, v44  }
0x3ae: {  	v56 =	vld [tilespmem:$0x21E0];
	[tilespmem:$0x3170] =	vst v1;
	v1 =	vmax.f32 v45, v46  }
0x3af: {  	v57 =	vld [tilespmem:$0x31F0];
	[tilespmem:$0x3180] =	vst v1;
	v1 =	vmax.f32 v47, v48  }
0x3b0: {  	v58 =	vld [tilespmem:$0x21F0];
	[tilespmem:$0x3190] =	vst v1;
	v1 =	vmax.f32 v49, v50  }
0x3b1: {  	[tilespmem:$0x31A0] =	vst v1;
	v1 =	vmax.f32 v51, v2  }
0x3b2: {  	[tilespmem:$0x31B0] =	vst v1;
	v1 =	vmax.f32 v3, v52  }
0x3b3: {  	[tilespmem:$0x31C0] =	vst v1;
	v1 =	vmax.f32 v53, v54  }
0x3b4: {  	[tilespmem:$0x31D0] =	vst v1;
	v1 =	vmax.f32 v55, v56  }
0x3b5: {  	[tilespmem:$0x31E0] =	vst v1;
	v1 =	vmax.f32 v57, v58  }
0x3b6: {  	[tilespmem:$0x31F0] =	vst v1  }
0x3b7: {  	[hbm4b:s1+s18] =	stream.indirect.scatter [tilespmem:s3], [sflag:$0x5], $0x1, s2, s18, $0x2000b8;
	[tilespmem:$0x3880] =	vst v63  }
0x3b8: {  	_ =	swait.ge [sflag:s29], $0x200  }
0x3b9: {  	[sflag:s29] =	ssyncset.done $0x0  }
0x3ba: {  	[sflag:s29] =	ssyncadd.s32 $0xFFFFFE00  }
0x3bb: {  	v1 =	vld [tilespmem:$0x3200]  }
0x3bc: {  	v2 =	vld [tilespmem:$0x2200]  }
0x3bd: {  	v3 =	vld [tilespmem:$0x3210]  }
0x3be: {  	v4 =	vld [tilespmem:$0x2210]  }
0x3bf: {  	v5 =	vld [tilespmem:$0x3220]  }
0x3c0: {  	v59 =	vld [tilespmem:$0x2220]  }
0x3c1: {  	v7 =	vld [tilespmem:$0x3230]  }
0x3c2: {  	v60 =	vld [tilespmem:$0x2230]  }
0x3c3: {  	v9 =	vld [tilespmem:$0x3240]  }
0x3c4: {  	v61 =	vld [tilespmem:$0x2240]  }
0x3c5: {  	v11 =	vld [tilespmem:$0x3250]  }
0x3c6: {  	v62 =	vld [tilespmem:$0x2250]  }
0x3c7: {  	v13 =	vld [tilespmem:$0x3260]  }
0x3c8: {  	v63 =	vld [tilespmem:$0x2260]  }
0x3c9: {  	v15 =	vld [tilespmem:$0x3270]  }
0x3ca: {  	v16 =	vld [tilespmem:$0x2270]  }
0x3cb: {  	v17 =	vld [tilespmem:$0x3280]  }
0x3cc: {  	v18 =	vld [tilespmem:$0x2280]  }
0x3cd: {  	v40 =	vld [tilespmem:$0x3290]  }
0x3ce: {  	v41 =	vld [tilespmem:$0x2290]  }
0x3cf: {  	v42 =	vld [tilespmem:$0x32A0]  }
0x3d0: {  	v43 =	vld [tilespmem:$0x22A0]  }
0x3d1: {  	v44 =	vld [tilespmem:$0x32B0]  }
0x3d2: {  	v45 =	vld [tilespmem:$0x22B0]  }
0x3d3: {  	v46 =	vld [tilespmem:$0x32C0]  }
0x3d4: {  	v47 =	vld [tilespmem:$0x22C0]  }
0x3d5: {  	v48 =	vld [tilespmem:$0x32D0]  }
0x3d6: {  	v49 =	vld [tilespmem:$0x22D0]  }
0x3d7: {  	v50 =	vld [tilespmem:$0x32E0]  }
0x3d8: {  	v51 =	vld [tilespmem:$0x22E0]  }
0x3d9: {  	v52 =	vld [tilespmem:$0x32F0]  }
0x3da: {  	v53 =	vld [tilespmem:$0x22F0]  }
0x3db: {  	v54 =	vld [tilespmem:$0x3300]  }
0x3dc: {  	v55 =	vld [tilespmem:$0x2300]  }
0x3dd: {  	v56 =	vld [tilespmem:$0x3310]  }
0x3de: {  	v57 =	vld [tilespmem:$0x2310]  }
0x3df: {  	v58 =	vld [tilespmem:$0x3320]  }
0x3e0: {  	v38 =	vld [tilespmem:$0x3360];
	v1 =	vmax.f32 v1, v2  }
0x3e1: {  	v39 =	vld [tilespmem:$0x2360];
	[tilespmem:$0x3200] =	vst v1;
	v1 =	vmax.f32 v3, v4  }
0x3e2: {  	v2 =	vld [tilespmem:$0x2320];
	[tilespmem:$0x3210] =	vst v1;
	v1 =	vmax.f32 v5, v59  }
0x3e3: {  	v3 =	vld [tilespmem:$0x3330];
	[tilespmem:$0x3220] =	vst v1;
	v1 =	vmax.f32 v7, v60  }
0x3e4: {  	v59 =	vld [tilespmem:$0x2330];
	[tilespmem:$0x3230] =	vst v1;
	v1 =	vmax.f32 v9, v61  }
0x3e5: {  	v60 =	vld [tilespmem:$0x3340];
	[tilespmem:$0x3240] =	vst v1;
	v1 =	vmax.f32 v11, v62  }
0x3e6: {  	v61 =	vld [tilespmem:$0x2340];
	[tilespmem:$0x3250] =	vst v1;
	v1 =	vmax.f32 v13, v63  }
0x3e7: {  	v62 =	vld [tilespmem:$0x3350];
	[tilespmem:$0x3260] =	vst v1;
	v1 =	vmax.f32 v15, v16  }
0x3e8: {  	v63 =	vld [tilespmem:$0x2350];
	[tilespmem:$0x3270] =	vst v1;
	v1 =	vmax.f32 v17, v18  }
0x3e9: {  	[tilespmem:$0x3280] =	vst v1;
	v1 =	vmax.f32 v40, v41;
	v40 =	vld [tilespmem:$0x3370]  }
0x3ea: {  	v41 =	vld [tilespmem:$0x2370];
	[tilespmem:$0x3290] =	vst v1;
	v1 =	vmax.f32 v42, v43  }
0x3eb: {  	v42 =	vld [tilespmem:$0x3380];
	[tilespmem:$0x32A0] =	vst v1;
	v1 =	vmax.f32 v44, v45  }
0x3ec: {  	v43 =	vld [tilespmem:$0x2380];
	[tilespmem:$0x32B0] =	vst v1;
	v1 =	vmax.f32 v46, v47  }
0x3ed: {  	v44 =	vld [tilespmem:$0x3390];
	[tilespmem:$0x32C0] =	vst v1;
	v1 =	vmax.f32 v48, v49  }
0x3ee: {  	v45 =	vld [tilespmem:$0x2390];
	[tilespmem:$0x32D0] =	vst v1;
	v1 =	vmax.f32 v50, v51  }
0x3ef: {  	v46 =	vld [tilespmem:$0x33A0];
	[tilespmem:$0x32E0] =	vst v1;
	v1 =	vmax.f32 v52, v53  }
0x3f0: {  	v47 =	vld [tilespmem:$0x23A0];
	[tilespmem:$0x32F0] =	vst v1;
	v1 =	vmax.f32 v54, v55  }
0x3f1: {  	v48 =	vld [tilespmem:$0x33B0];
	[tilespmem:$0x3300] =	vst v1;
	v1 =	vmax.f32 v56, v57  }
0x3f2: {  	v49 =	vld [tilespmem:$0x23C0];
	[tilespmem:$0x3310] =	vst v1;
	v1 =	vmax.f32 v58, v2  }
0x3f3: {  	v50 =	vld [tilespmem:$0x33D0];
	[tilespmem:$0x3320] =	vst v1;
	v1 =	vmax.f32 v3, v59  }
0x3f4: {  	v51 =	vld [tilespmem:$0x23D0];
	[tilespmem:$0x3330] =	vst v1;
	v1 =	vmax.f32 v60, v61  }
0x3f5: {  	v52 =	vld [tilespmem:$0x33E0];
	[tilespmem:$0x3340] =	vst v1;
	v1 =	vmax.f32 v62, v63  }
0x3f6: {  	v2 =	vld [tilespmem:$0x23B0];
	[tilespmem:$0x3350] =	vst v1;
	v1 =	vmax.f32 v38, v39  }
0x3f7: {  	v3 =	vld [tilespmem:$0x33C0];
	[tilespmem:$0x3360] =	vst v1;
	v1 =	vmax.f32 v40, v41  }
0x3f8: {  	v53 =	vld [tilespmem:$0x23E0];
	[tilespmem:$0x3370] =	vst v1;
	v1 =	vmax.f32 v42, v43  }
0x3f9: {  	v54 =	vld [tilespmem:$0x33F0];
	[tilespmem:$0x3380] =	vst v1;
	v1 =	vmax.f32 v44, v45  }
0x3fa: {  	v55 =	vld [tilespmem:$0x23F0];
	[tilespmem:$0x3390] =	vst v1;
	v1 =	vmax.f32 v46, v47  }
0x3fb: {  	[tilespmem:$0x33A0] =	vst v1;
	v1 =	vmax.f32 v48, v2  }
0x3fc: {  	[tilespmem:$0x33B0] =	vst v1;
	v1 =	vmax.f32 v3, v49  }
0x3fd: {  	[tilespmem:$0x33C0] =	vst v1;
	v1 =	vmax.f32 v50, v51  }
0x3fe: {  	[tilespmem:$0x33D0] =	vst v1;
	v1 =	vmax.f32 v52, v53  }
0x3ff: {  	[tilespmem:$0x33E0] =	vst v1;
	v1 =	vmax.f32 v54, v55  }
0x400: {  	[tilespmem:$0x33F0] =	vst v1  }
0x401: {  	[hbm4b:s1+s18] =	stream.indirect.scatter [tilespmem:s22], [sflag:$0x6], $0x1, s21, s18, $0x2000b8;
	[tilespmem:$0x3880] =	vst v63  }
0x402: {  	_ =	swait.ge [sflag:s30], $0x200  }
0x403: {  	[sflag:s30] =	ssyncset.done $0x0  }
0x404: {  	[sflag:s30] =	ssyncadd.s32 $0xFFFFFE00  }
0x405: {  	v1 =	vld [tilespmem:$0x3400]  }
0x406: {  	v2 =	vld [tilespmem:$0x2400]  }
0x407: {  	v3 =	vld [tilespmem:$0x3410]  }
0x408: {  	v4 =	vld [tilespmem:$0x2410]  }
0x409: {  	v5 =	vld [tilespmem:$0x3420]  }
0x40a: {  	v56 =	vld [tilespmem:$0x2420]  }
0x40b: {  	v7 =	vld [tilespmem:$0x3430]  }
0x40c: {  	v57 =	vld [tilespmem:$0x2430]  }
0x40d: {  	v9 =	vld [tilespmem:$0x3440]  }
0x40e: {  	v58 =	vld [tilespmem:$0x2440]  }
0x40f: {  	v11 =	vld [tilespmem:$0x3450]  }
0x410: {  	v59 =	vld [tilespmem:$0x2450]  }
0x411: {  	v13 =	vld [tilespmem:$0x3460]  }
0x412: {  	v60 =	vld [tilespmem:$0x2460]  }
0x413: {  	v15 =	vld [tilespmem:$0x3470]  }
0x414: {  	v61 =	vld [tilespmem:$0x2470]  }
0x415: {  	v17 =	vld [tilespmem:$0x3480]  }
0x416: {  	v62 =	vld [tilespmem:$0x2480]  }
0x417: {  	v19 =	vld [tilespmem:$0x3490]  }
0x418: {  	v63 =	vld [tilespmem:$0x2490]  }
0x419: {  	v21 =	vld [tilespmem:$0x34A0]  }
0x41a: {  	v40 =	vld [tilespmem:$0x24A0]  }
0x41b: {  	v41 =	vld [tilespmem:$0x34B0]  }
0x41c: {  	v42 =	vld [tilespmem:$0x24B0]  }
0x41d: {  	v43 =	vld [tilespmem:$0x34C0]  }
0x41e: {  	v44 =	vld [tilespmem:$0x24C0]  }
0x41f: {  	v45 =	vld [tilespmem:$0x34D0]  }
0x420: {  	v46 =	vld [tilespmem:$0x24D0]  }
0x421: {  	v47 =	vld [tilespmem:$0x34E0]  }
0x422: {  	v48 =	vld [tilespmem:$0x24E0]  }
0x423: {  	v49 =	vld [tilespmem:$0x34F0]  }
0x424: {  	v50 =	vld [tilespmem:$0x24F0]  }
0x425: {  	v51 =	vld [tilespmem:$0x3500]  }
0x426: {  	v52 =	vld [tilespmem:$0x2500]  }
0x427: {  	v53 =	vld [tilespmem:$0x3510]  }
0x428: {  	v54 =	vld [tilespmem:$0x2510]  }
0x429: {  	v55 =	vld [tilespmem:$0x3520]  }
0x42a: {  	v22 =	vld [tilespmem:$0x2570];
	v1 =	vmax.f32 v1, v2  }
0x42b: {  	v24 =	vld [tilespmem:$0x3580];
	[tilespmem:$0x3400] =	vst v1;
	v1 =	vmax.f32 v3, v4  }
0x42c: {  	v26 =	vld [tilespmem:$0x2580];
	[tilespmem:$0x3410] =	vst v1;
	v1 =	vmax.f32 v5, v56  }
0x42d: {  	v28 =	vld [tilespmem:$0x3590];
	[tilespmem:$0x3420] =	vst v1;
	v1 =	vmax.f32 v7, v57  }
0x42e: {  	v30 =	vld [tilespmem:$0x2590];
	[tilespmem:$0x3430] =	vst v1;
	v1 =	vmax.f32 v9, v58  }
0x42f: {  	v31 =	vld [tilespmem:$0x35A0];
	[tilespmem:$0x3440] =	vst v1;
	v1 =	vmax.f32 v11, v59  }
0x430: {  	v32 =	vld [tilespmem:$0x25A0];
	[tilespmem:$0x3450] =	vst v1;
	v1 =	vmax.f32 v13, v60  }
0x431: {  	v33 =	vld [tilespmem:$0x35B0];
	[tilespmem:$0x3460] =	vst v1;
	v1 =	vmax.f32 v15, v61  }
0x432: {  	v34 =	vld [tilespmem:$0x25C0];
	[tilespmem:$0x3470] =	vst v1;
	v1 =	vmax.f32 v17, v62  }
0x433: {  	v2 =	vld [tilespmem:$0x2520];
	[tilespmem:$0x3480] =	vst v1;
	v1 =	vmax.f32 v19, v63  }
0x434: {  	v3 =	vld [tilespmem:$0x3530];
	[tilespmem:$0x3490] =	vst v1;
	v1 =	vmax.f32 v21, v40  }
0x435: {  	v56 =	vld [tilespmem:$0x2530];
	[tilespmem:$0x34A0] =	vst v1;
	v1 =	vmax.f32 v41, v42  }
0x436: {  	v57 =	vld [tilespmem:$0x3540];
	[tilespmem:$0x34B0] =	vst v1;
	v1 =	vmax.f32 v43, v44  }
0x437: {  	v58 =	vld [tilespmem:$0x2540];
	[tilespmem:$0x34C0] =	vst v1;
	v1 =	vmax.f32 v45, v46  }
0x438: {  	v59 =	vld [tilespmem:$0x3550];
	[tilespmem:$0x34D0] =	vst v1;
	v1 =	vmax.f32 v47, v48  }
0x439: {  	v60 =	vld [tilespmem:$0x2550];
	[tilespmem:$0x34E0] =	vst v1;
	v1 =	vmax.f32 v49, v50  }
0x43a: {  	v61 =	vld [tilespmem:$0x3560];
	[tilespmem:$0x34F0] =	vst v1;
	v1 =	vmax.f32 v51, v52  }
0x43b: {  	v62 =	vld [tilespmem:$0x2560];
	[tilespmem:$0x3500] =	vst v1;
	v1 =	vmax.f32 v53, v54  }
0x43c: {  	v63 =	vld [tilespmem:$0x3570];
	[tilespmem:$0x3510] =	vst v1;
	v1 =	vmax.f32 v55, v2  }
0x43d: {  	v35 =	vld [tilespmem:$0x35D0];
	[tilespmem:$0x3520] =	vst v1;
	v1 =	vmax.f32 v3, v56  }
0x43e: {  	v36 =	vld [tilespmem:$0x25D0];
	[tilespmem:$0x3530] =	vst v1;
	v1 =	vmax.f32 v57, v58  }
0x43f: {  	v37 =	vld [tilespmem:$0x35E0];
	[tilespmem:$0x3540] =	vst v1;
	v1 =	vmax.f32 v59, v60  }
0x440: {  	v2 =	vld [tilespmem:$0x25B0];
	[tilespmem:$0x3550] =	vst v1;
	v1 =	vmax.f32 v61, v62  }
0x441: {  	v3 =	vld [tilespmem:$0x35C0];
	[tilespmem:$0x3560] =	vst v1;
	v1 =	vmax.f32 v63, v22  }
0x442: {  	v38 =	vld [tilespmem:$0x25E0];
	[tilespmem:$0x3570] =	vst v1;
	v1 =	vmax.f32 v24, v26  }
0x443: {  	v39 =	vld [tilespmem:$0x35F0];
	[tilespmem:$0x3580] =	vst v1;
	v1 =	vmax.f32 v28, v30  }
0x444: {  	v40 =	vld [tilespmem:$0x25F0];
	[tilespmem:$0x3590] =	vst v1;
	v1 =	vmax.f32 v31, v32  }
0x445: {  	[tilespmem:$0x35A0] =	vst v1;
	v1 =	vmax.f32 v33, v2  }
0x446: {  	[tilespmem:$0x35B0] =	vst v1;
	v1 =	vmax.f32 v3, v34  }
0x447: {  	[tilespmem:$0x35C0] =	vst v1;
	v1 =	vmax.f32 v35, v36  }
0x448: {  	[tilespmem:$0x35D0] =	vst v1;
	v1 =	vmax.f32 v37, v38  }
0x449: {  	[tilespmem:$0x35E0] =	vst v1;
	v1 =	vmax.f32 v39, v40  }
0x44a: {  	[tilespmem:$0x35F0] =	vst v1  }
0x44b: {  	[hbm4b:s1+s18] =	stream.indirect.scatter [tilespmem:s24], [sflag:$0x7], $0x1, s23, s18, $0x2000b8;
	[tilespmem:$0x3880] =	vst v63  }
0x44c: {  	_ =	swait.ge [sflag:s31], $0x200  }
0x44d: {  	[sflag:s31] =	ssyncset.done $0x0  }
0x44e: {  	[sflag:s31] =	ssyncadd.s32 $0xFFFFFE00  }
0x44f: {  	v1 =	vld [tilespmem:$0x3600]  }
0x450: {  	v2 =	vld [tilespmem:$0x2600]  }
0x451: {  	v3 =	vld [tilespmem:$0x3610]  }
0x452: {  	v4 =	vld [tilespmem:$0x2610]  }
0x453: {  	v5 =	vld [tilespmem:$0x3620]  }
0x454: {  	v41 =	vld [tilespmem:$0x2620]  }
0x455: {  	v7 =	vld [tilespmem:$0x3630]  }
0x456: {  	v42 =	vld [tilespmem:$0x2630]  }
0x457: {  	v9 =	vld [tilespmem:$0x3640]  }
0x458: {  	v43 =	vld [tilespmem:$0x2640]  }
0x459: {  	v11 =	vld [tilespmem:$0x3650]  }
0x45a: {  	v44 =	vld [tilespmem:$0x2650]  }
0x45b: {  	v13 =	vld [tilespmem:$0x3660]  }
0x45c: {  	v45 =	vld [tilespmem:$0x2660]  }
0x45d: {  	v15 =	vld [tilespmem:$0x3670]  }
0x45e: {  	v46 =	vld [tilespmem:$0x2670]  }
0x45f: {  	v17 =	vld [tilespmem:$0x3680]  }
0x460: {  	v47 =	vld [tilespmem:$0x2680]  }
0x461: {  	v19 =	vld [tilespmem:$0x3690]  }
0x462: {  	v48 =	vld [tilespmem:$0x2690]  }
0x463: {  	v21 =	vld [tilespmem:$0x36A0]  }
0x464: {  	v49 =	vld [tilespmem:$0x26A0]  }
0x465: {  	v50 =	vld [tilespmem:$0x36B0]  }
0x466: {  	v51 =	vld [tilespmem:$0x26B0]  }
0x467: {  	v52 =	vld [tilespmem:$0x36C0]  }
0x468: {  	v53 =	vld [tilespmem:$0x26C0]  }
0x469: {  	v54 =	vld [tilespmem:$0x36D0]  }
0x46a: {  	v55 =	vld [tilespmem:$0x26D0]  }
0x46b: {  	v56 =	vld [tilespmem:$0x36E0]  }
0x46c: {  	v57 =	vld [tilespmem:$0x26E0]  }
0x46d: {  	v58 =	vld [tilespmem:$0x36F0]  }
0x46e: {  	v59 =	vld [tilespmem:$0x26F0]  }
0x46f: {  	v60 =	vld [tilespmem:$0x3700]  }
0x470: {  	v61 =	vld [tilespmem:$0x2700]  }
0x471: {  	v62 =	vld [tilespmem:$0x3710]  }
0x472: {  	v63 =	vld [tilespmem:$0x2710]  }
0x473: {  	v40 =	vld [tilespmem:$0x3720]  }
0x474: {  	v1 =	vmax.f32 v1, v2;
	v2 =	vld [tilespmem:$0x2720]  }
0x475: {  	[tilespmem:$0x3600] =	vst v1;
	v1 =	vmax.f32 v3, v4;
	v3 =	vld [tilespmem:$0x3730]  }
0x476: {  	[tilespmem:$0x3610] =	vst v1;
	v1 =	vmax.f32 v5, v41;
	v41 =	vld [tilespmem:$0x2730]  }
0x477: {  	[tilespmem:$0x3620] =	vst v1;
	v1 =	vmax.f32 v7, v42;
	v42 =	vld [tilespmem:$0x3740]  }
0x478: {  	[tilespmem:$0x3630] =	vst v1;
	v1 =	vmax.f32 v9, v43;
	v43 =	vld [tilespmem:$0x2740]  }
0x479: {  	[tilespmem:$0x3640] =	vst v1;
	v1 =	vmax.f32 v11, v44;
	v44 =	vld [tilespmem:$0x3750]  }
0x47a: {  	[tilespmem:$0x3650] =	vst v1;
	v1 =	vmax.f32 v13, v45;
	v45 =	vld [tilespmem:$0x2750]  }
0x47b: {  	[tilespmem:$0x3660] =	vst v1;
	v1 =	vmax.f32 v15, v46;
	v46 =	vld [tilespmem:$0x3760]  }
0x47c: {  	[tilespmem:$0x3670] =	vst v1;
	v1 =	vmax.f32 v17, v47;
	v47 =	vld [tilespmem:$0x2760]  }
0x47d: {  	[tilespmem:$0x3680] =	vst v1;
	v1 =	vmax.f32 v19, v48;
	v48 =	vld [tilespmem:$0x3770]  }
0x47e: {  	[tilespmem:$0x3690] =	vst v1;
	v1 =	vmax.f32 v21, v49;
	v49 =	vld [tilespmem:$0x2770]  }
0x47f: {  	[tilespmem:$0x36A0] =	vst v1;
	v1 =	vmax.f32 v50, v51;
	v50 =	vld [tilespmem:$0x3780]  }
0x480: {  	v51 =	vld [tilespmem:$0x2780];
	[tilespmem:$0x36B0] =	vst v1;
	v1 =	vmax.f32 v52, v53  }
0x481: {  	v52 =	vld [tilespmem:$0x3790];
	[tilespmem:$0x36C0] =	vst v1;
	v1 =	vmax.f32 v54, v55  }
0x482: {  	v53 =	vld [tilespmem:$0x2790];
	[tilespmem:$0x36D0] =	vst v1;
	v1 =	vmax.f32 v56, v57  }
0x483: {  	v54 =	vld [tilespmem:$0x37A0];
	[tilespmem:$0x36E0] =	vst v1;
	v1 =	vmax.f32 v58, v59  }
0x484: {  	v55 =	vld [tilespmem:$0x27A0];
	[tilespmem:$0x36F0] =	vst v1;
	v1 =	vmax.f32 v60, v61  }
0x485: {  	v56 =	vld [tilespmem:$0x37B0];
	[tilespmem:$0x3700] =	vst v1;
	v1 =	vmax.f32 v62, v63  }
0x486: {  	v57 =	vld [tilespmem:$0x27C0];
	[tilespmem:$0x3710] =	vst v1;
	v1 =	vmax.f32 v40, v2  }
0x487: {  	v58 =	vld [tilespmem:$0x37D0];
	[tilespmem:$0x3720] =	vst v1;
	v1 =	vmax.f32 v3, v41  }
0x488: {  	v59 =	vld [tilespmem:$0x27D0];
	[tilespmem:$0x3730] =	vst v1;
	v1 =	vmax.f32 v42, v43  }
0x489: {  	v60 =	vld [tilespmem:$0x37E0];
	[tilespmem:$0x3740] =	vst v1;
	v1 =	vmax.f32 v44, v45  }
0x48a: {  	v2 =	vld [tilespmem:$0x27B0];
	[tilespmem:$0x3750] =	vst v1;
	v1 =	vmax.f32 v46, v47  }
0x48b: {  	v3 =	vld [tilespmem:$0x37C0];
	[tilespmem:$0x3760] =	vst v1;
	v1 =	vmax.f32 v48, v49  }
0x48c: {  	v61 =	vld [tilespmem:$0x27E0];
	[tilespmem:$0x3770] =	vst v1;
	v1 =	vmax.f32 v50, v51  }
0x48d: {  	v62 =	vld [tilespmem:$0x37F0];
	[tilespmem:$0x3780] =	vst v1;
	v1 =	vmax.f32 v52, v53  }
0x48e: {  	v63 =	vld [tilespmem:$0x27F0];
	[tilespmem:$0x3790] =	vst v1;
	v1 =	vmax.f32 v54, v55  }
0x48f: {  	[tilespmem:$0x37A0] =	vst v1;
	v1 =	vmax.f32 v56, v2  }
0x490: {  	[tilespmem:$0x37B0] =	vst v1;
	v1 =	vmax.f32 v3, v57  }
0x491: {  	[tilespmem:$0x37C0] =	vst v1;
	v1 =	vmax.f32 v58, v59  }
0x492: {  	[tilespmem:$0x37D0] =	vst v1;
	v1 =	vmax.f32 v60, v61  }
0x493: {  	[tilespmem:$0x37E0] =	vst v1;
	v1 =	vmax.f32 v62, v63  }
0x494: {  	[tilespmem:$0x37F0] =	vst v1  }
0x495: {  	[hbm4b:s1+s18] =	stream.indirect.scatter [tilespmem:s26], [sflag:$0x8], $0x1, s25, s18, $0x2000b8;
	[tilespmem:$0x3880] =	vst v63  }
0x496: {  	_ =	swait.ge [sflag:s0], $0x200  }
0x497: {  	[sflag:s0] =	ssyncset.done $0x0  }
0x498: {  	[sflag:s0] =	ssyncadd.s32 $0xFFFFFE00  }
0x499: {  	_ =	swait.ge [sflag:s5], $0x200  }
0x49a: {  	[sflag:s5] =	ssyncset.done $0x0  }
0x49b: {  	[sflag:s5] =	ssyncadd.s32 $0xFFFFFE00  }
0x49c: {  	s11 =	sadd.s32 $0x1, s11;
	_ =	swait.ge [sflag:s12], $0x200  }
0x49d: {  	p0 =	sne.s32 s11, $0x10;
	[sflag:s12] =	ssyncset.done $0x0  }
.Ltmp4:
0x49e: {  	[sflag:s12] =	ssyncadd.s32 $0xFFFFFE00;
	(pc) =	sbr.rel @p0 .LBB2_2-.Ltmp4, $4  }
0x49f: {  	_ =	swait.ge [sflag:s9], $0x200  }
0x4a0: {  	[sflag:s9] =	ssyncset.done $0x0  }
0x4a1: {  	[sflag:s9] =	ssyncadd.s32 $0xFFFFFE00  }
0x4a2: {  	_ =	strace $0x9000004A  }
0x4a3: {  	s3 =	rddreg [dreg:$0xb]  }
0x4a4: {  	s2 =	rddreg [dreg:$0xa];
	s3 =	sadd.s32 $0x1, s3  }
0x4a5: {  	p0 =	sne.s32 s3, s2  }
.Ltmp5:
0x4a6: {  	_ = 	snop;
	(pc) =	sbr.rel @p0 .LBB2_1-.Ltmp5, $1  }
0x4a7: {  	_ =	sdelay $0x3  }
0x4a8: {  	_ =	sfence.sel $0x180000  }
0x4a9: {  	[bflag:$0x0] =	sbarrier.arrive $0xFFFF  }
0x4aa: {  	_ =	strace $0x90000047  }
0x4ab: {  	s0 =	stileid.u32;
	[bflag:$0x2] =	sbarrier.arrive $0xFFFF  }
0x4ac: {  	p0 =	sne.s32 s0, $0x0;
	s0 =	rddreg [dreg:$0x4]  }
0x4ad: {  	s0 =	sadd.s32 @!p0 $0x100000, s0  }
0x4ae: {  	[sflag:s0] =	ssyncadd.tile.s32 @!p0 $0x1;
	_ =	shalt  }
.Lfunc_end2:
_tile_overlayer_lowered:
.L_overlay_start_2:
0x4af: {  	(tag) =	ssettag $0x2  }
0x4b0: {  	s0 =	rddreg [dreg:$0x0];
	s2 =	stileid.u32  }
0x4b1: {  	s1 =	rddreg [dreg:$0x1];
	p0 =	sne.s32 s2, $0x0  }
0x4b2: {  	s3 =	rddreg [dreg:$0x2];
	[bflag:$0x3] =	sbarrier.arrive $0xFFFF;
	s2 =	simm.s32 @!p0 $0x1C09  }
0x4b3: {  	[timem:s3], [sflag:s2] =	dma.local @!p0 [hbm:s0], s1  }
0x4b4: {  	s0 =	simm.s32 @!p0 $0x9  }
0x4b5: {  	_ =	swait.ge @!p0 [sflag:s0], s1  }
0x4b6: {  	s1 =	ssub.s32 @!p0 $0x0, s1;
	[sflag:s0] =	ssyncset.done @!p0 $0x0  }
0x4b7: {  	[sflag:s0] =	ssyncadd.s32 @!p0 s1  }
0x4b8: {  	[bflag:$0x3] =	sbarrier.arrive $0xFFFF  }
0x4b9: {  	_ =	shalt  }

</sc_bundles>
